<compile_context>
chip_gen: v7x
topology: tpu7x:2x2x1
jax: 0.10.2.dev20260603
libtpu: 0.0.44.dev20260713+nightly
codegen_flags: <defaults>
</compile_context>

<pallas_src>
import functools
import math

import jax
import jax.numpy as jnp
from jax import lax
from jax.experimental import pallas as pl
from jax.experimental.pallas import tpu as pltpu
from jax.experimental.pallas import tpu_sc as plsc

N_ROWS = 262144
B_OBS = 16384
IN_SZ = 16
HID = 64
PREP = 8

NC, NS, L = 2, 16, 16
NW = NC * NS
BPW = B_OBS // NW
RPW = N_ROWS // NW

_LOGC = math.log(math.sqrt(2.0 * math.pi))



def _sc_gather_body(h_hbm, p_hbm, idx_hbm, hob_hbm, pob_hbm,
                    idx_v, hbuf, pbuf, sem_h, sem_p):
    wid = lax.axis_index("s") * NC + lax.axis_index("c")
    base = wid * BPW
    pltpu.sync_copy(idx_hbm.at[pl.ds(wid * 4, 4)], idx_v)
    cps = []
    for j in range(4):
        cps.append(pltpu.async_copy(h_hbm.at[idx_v.at[j]],
                                    hbuf.at[pl.ds(j * 128, 128)], sem_h))
        cps.append(pltpu.async_copy(p_hbm.at[idx_v.at[j]],
                                    pbuf.at[pl.ds(j * 128, 128)], sem_p))
    for c in cps:
        c.wait()
    pltpu.sync_copy(hbuf, hob_hbm.at[pl.ds(base, BPW)])
    pltpu.sync_copy(pbuf, pob_hbm.at[pl.ds(base, BPW)])


_sc_gather = functools.partial(
    pl.kernel,
    _sc_gather_body,
    out_type=(jax.ShapeDtypeStruct((B_OBS, HID), jnp.float32),
              jax.ShapeDtypeStruct((B_OBS, 2 * IN_SZ), jnp.float32)),
    mesh=plsc.VectorSubcoreMesh(core_axis_name="c", subcore_axis_name="s"),
    compiler_params=pltpu.CompilerParams(use_tc_tiling_on_sc=False),
    scratch_types=[pltpu.VMEM((4, 128), jnp.int32),
                   pltpu.VMEM((BPW, HID), jnp.float32),
                   pltpu.VMEM((BPW, 2 * IN_SZ), jnp.float32),
                   pltpu.SemaphoreType.DMA,
                   pltpu.SemaphoreType.DMA],
)



KBUF = 4
CHR = 256
NCH = RPW // CHR


def _sc_scatter_body(h_hbm, hnew_hbm, idx_hbm, out_hbm,
                     idx_all, winner, s16, bsrc3, dst3, patch, cbuf,
                     sem_g, sem_s, *ring_sems):
    wid = lax.axis_index("s") * NC + lax.axis_index("c")
    base = wid * RPW
    sin = ring_sems[:KBUF]
    sout = ring_sems[KBUF:]

    din, dout = {}, {}
    for b in range(KBUF // 2):
        din[b] = pltpu.async_copy(
            h_hbm.at[pl.ds(base + b * CHR, CHR)], cbuf.at[b], sin[b])
    for ch in range(NCH):
        b = ch % KBUF
        chp = ch + KBUF // 2
        if chp < NCH:
            bp = chp % KBUF
            if chp >= KBUF:
                dout[chp - KBUF].wait()
            din[chp] = pltpu.async_copy(
                h_hbm.at[pl.ds(base + chp * CHR, CHR)], cbuf.at[bp], sin[bp])
        din[ch].wait()
        dout[ch] = pltpu.async_copy(
            cbuf.at[b], out_hbm.at[pl.ds(base + ch * CHR, CHR)], sout[b])
    for ch in range(NCH - KBUF, NCH):
        dout[ch].wait()

    pltpu.sync_copy(idx_hbm, idx_all)
    iota = lax.iota(jnp.int32, 16)
    neg1 = jnp.full((16,), -1, jnp.int32)

    def init_body(t, _):
        winner[pl.ds(t * 16, 16)] = neg1
        return 0
    lax.fori_loop(0, RPW // 16, init_body, 0)


    def scan_body(t, _):
        v = idx_all[pl.ds(t * 16, 16)]
        inr = (v >= base) & (v < base + RPW)
        local = v - base
        b = t * 16 + iota
        key = jnp.where(inr, (local << 14) | b, -1)
        ks = lax.sort(key)
        s16[...] = ks
        nxt = plsc.load_gather(s16, [jnp.minimum(iota + 1, 15)])
        keep = (ks >= 0) & (((ks >> 14) != (nxt >> 14)) | (iota == 15))
        kl = jnp.maximum(ks >> 14, 0)
        cur = plsc.load_gather(winner, [kl], mask=keep)
        plsc.store_scatter(winner, [kl], jnp.maximum(cur, ks), mask=keep)
        return 0
    lax.fori_loop(0, B_OBS // 16, scan_body, 0)

    def pre_body(t, carry):
        g, mk = carry
        wv = winner[pl.ds(t * 16, 16)]
        g = g + jnp.sum(jnp.where(wv >= 0, 1, 0))
        mk = jnp.maximum(mk, jnp.max(wv))
        return (g, mk)
    g_tot, maxk = lax.fori_loop(0, RPW // 16, pre_body,
                                (jnp.int32(0), jnp.int32(-1)))

    @pl.when(g_tot > 0)
    def _():
        fill_b = jnp.full((16,), maxk & (B_OBS - 1), jnp.int32)
        fill_d = jnp.full((16,), base + (maxk >> 14), jnp.int32)

        def fill_body(t, _):
            r = t // 8
            o = (t % 8) * 16
            bsrc3[r, 0, pl.ds(o, 16)] = fill_b
            dst3[r, 0, pl.ds(o, 16)] = fill_d
            return 0
        lax.fori_loop(0, (RPW // 128) * 8, fill_body, 0)

        zero16 = jnp.zeros((16,), jnp.int32)

        def rank_body(t, run):
            wv = winner[pl.ds(t * 16, 16)]
            valid = wv >= 0
            vi = jnp.where(valid, 1, 0)
            cum = plsc.cumsum(vi)
            pos = run + cum - 1
            bval = wv & (B_OBS - 1)
            dval = base + (wv >> 14)
            plsc.store_scatter(bsrc3, [pos >> 7, zero16, pos & 127],
                               bval, mask=valid)
            plsc.store_scatter(dst3, [pos >> 7, zero16, pos & 127],
                               dval, mask=valid)
            return run + jnp.sum(vi)
        lax.fori_loop(0, RPW // 16, rank_body, jnp.int32(0))

        nstr = (g_tot + 127) // 128

        def str_body(j, _):
            gcp = pltpu.async_copy(hnew_hbm.at[bsrc3.at[j, 0]], patch, sem_g)
            gcp.wait()
            scp = pltpu.async_copy(patch, out_hbm.at[dst3.at[j, 0]], sem_s)
            scp.wait()
            return 0
        lax.fori_loop(0, nstr, str_body, 0)


_sc_scatter = functools.partial(
    pl.kernel,
    _sc_scatter_body,
    out_type=jax.ShapeDtypeStruct((N_ROWS, HID), jnp.float32),
    mesh=plsc.VectorSubcoreMesh(core_axis_name="c", subcore_axis_name="s"),
    compiler_params=pltpu.CompilerParams(use_tc_tiling_on_sc=False,
                                         needs_layout_passes=False),
    scratch_types=([pltpu.VMEM((B_OBS,), jnp.int32),
                    pltpu.VMEM((RPW,), jnp.int32),
                    pltpu.VMEM((16,), jnp.int32),
                    pltpu.VMEM((RPW // 128, 1, 128), jnp.int32),
                    pltpu.VMEM((RPW // 128, 1, 128), jnp.int32),
                    pltpu.VMEM((128, HID), jnp.float32),
                    pltpu.VMEM((KBUF, CHR, HID), jnp.float32),
                    pltpu.SemaphoreType.DMA,
                    pltpu.SemaphoreType.DMA]
                   + [pltpu.SemaphoreType.DMA] * (2 * KBUF)),
)



def _prep_body(x_ref, m_ref, p_ref, wbig_ref, bbig_ref, losses_ref, c_ref):
    x = x_ref[...]
    m = m_ref[...]
    pob = p_ref[...]
    mean = pob[:, :IN_SZ]
    logvar = pob[:, IN_SZ:]
    err = (x - mean) * jnp.exp(-0.5 * logvar)
    losses_ref[...] = 0.5 * ((err * err + logvar + 2.0 * _LOGC) * m)
    stack = jnp.concatenate([x, mean, logvar, err], axis=1)
    c = jnp.dot(stack, wbig_ref[...], preferred_element_type=jnp.float32)
    c = jnp.maximum(c + bbig_ref[...], 0.0)
    r = m.shape[0]
    m_rep = jnp.broadcast_to(m[:, :, None], (r, IN_SZ, PREP)).reshape(r, IN_SZ * PREP)
    c_ref[...] = c * m_rep



def _gru_body(xin_ref, hob_ref, gk_ref, grk_ref, gib_ref, grb_ref, hnew_ref):
    x = xin_ref[...]
    h0 = hob_ref[...]
    mx = jnp.dot(x, gk_ref[...], preferred_element_type=jnp.float32) + gib_ref[...]
    mi = jnp.dot(h0, grk_ref[...], preferred_element_type=jnp.float32) + grb_ref[...]
    z = jax.nn.sigmoid(mx[:, :HID] + mi[:, :HID])
    r = jax.nn.sigmoid(mx[:, HID:2 * HID] + mi[:, HID:2 * HID])
    hh = jnp.tanh(mx[:, 2 * HID:] + r * mi[:, 2 * HID:])
    hnew_ref[...] = z * h0 + (1.0 - z) * hh


def kernel(h, p, X_obs, M_obs, i_obs, w_prep, bias_prep, gru_kernel,
           gru_rec_kernel, gru_input_bias, gru_rec_bias):
    eye = jnp.eye(IN_SZ, dtype=jnp.float32)
    W_big = (jnp.transpose(w_prep, (1, 0, 2))[:, :, None, :]
             * eye[None, :, :, None]).reshape(4 * IN_SZ, IN_SZ * PREP)
    bias_big = bias_prep.reshape(1, IN_SZ * PREP)

    idx2d = i_obs.reshape(B_OBS // 128, 128)
    h_obs, p_obs = _sc_gather()(h, p, idx2d)

    R = 2048
    grid = (B_OBS // R,)
    losses, c = pl.pallas_call(
        _prep_body,
        grid=grid,
        in_specs=[pl.BlockSpec((R, IN_SZ), lambda i: (i, 0)),
                  pl.BlockSpec((R, IN_SZ), lambda i: (i, 0)),
                  pl.BlockSpec((R, 2 * IN_SZ), lambda i: (i, 0)),
                  pl.BlockSpec((4 * IN_SZ, IN_SZ * PREP), lambda i: (0, 0)),
                  pl.BlockSpec((1, IN_SZ * PREP), lambda i: (0, 0))],
        out_specs=[pl.BlockSpec((R, IN_SZ), lambda i: (i, 0)),
                   pl.BlockSpec((R, IN_SZ * PREP), lambda i: (i, 0))],
        out_shape=[jax.ShapeDtypeStruct((B_OBS, IN_SZ), jnp.float32),
                   jax.ShapeDtypeStruct((B_OBS, IN_SZ * PREP), jnp.float32)],
    )(X_obs, M_obs, p_obs, W_big, bias_big)

    gru_in = (c.reshape(B_OBS, IN_SZ, PREP)
                .transpose(2, 0, 1)
                .reshape(B_OBS, IN_SZ * PREP))

    h_new = pl.pallas_call(
        _gru_body,
        grid=grid,
        in_specs=[pl.BlockSpec((R, IN_SZ * PREP), lambda i: (i, 0)),
                  pl.BlockSpec((R, HID), lambda i: (i, 0)),
                  pl.BlockSpec((IN_SZ * PREP, 3 * HID), lambda i: (0, 0)),
                  pl.BlockSpec((HID, 3 * HID), lambda i: (0, 0)),
                  pl.BlockSpec((1, 3 * HID), lambda i: (0, 0)),
                  pl.BlockSpec((1, 3 * HID), lambda i: (0, 0))],
        out_specs=pl.BlockSpec((R, HID), lambda i: (i, 0)),
        out_shape=jax.ShapeDtypeStruct((B_OBS, HID), jnp.float32),
    )(gru_in, h_obs, gru_kernel, gru_rec_kernel,
      gru_input_bias.reshape(1, 3 * HID), gru_rec_bias.reshape(1, 3 * HID))

    h_out = _sc_scatter()(h, h_new, i_obs)
    return (h_out, losses)

# --- scband reference (transcript-rebuilt; emitter-appended) ---
"""Pipeline reference for scband-gruobservation-cell-logvar-46901042872631 (READ-ONLY COPY).

The authoritative reference and input builder live on the scoring server;
editing this copy changes nothing except your own understanding.
"""

import jax, jax.numpy as jnp
import numpy as np

N = 262144
B = 16384
INPUT_SIZE = 16
HIDDEN_SIZE = 64
PREP_HIDDEN = 8


def setup_inputs(seed: int = 0) -> dict:
    key = jax.random.key(seed)
    ks = jax.random.split(key, 12)
    h = jax.random.normal(ks[0], (N, HIDDEN_SIZE), dtype=jnp.float32)
    p = jax.random.normal(ks[1], (N, 2 * INPUT_SIZE), dtype=jnp.float32)
    X_obs = jax.random.normal(ks[2], (B, INPUT_SIZE), dtype=jnp.float32)
    M_obs = jax.random.uniform(ks[3], (B, INPUT_SIZE), dtype=jnp.float32)
    i_obs = jax.random.randint(ks[4], (B,), 0, N, dtype=jnp.int32)
    std = float(np.sqrt(2.0 / (4 + PREP_HIDDEN)))
    w_prep = std * jax.random.normal(ks[5], (INPUT_SIZE, 4, PREP_HIDDEN), dtype=jnp.float32)
    bias_prep = 0.1 + jnp.zeros((INPUT_SIZE, PREP_HIDDEN), dtype=jnp.float32)
    gin = PREP_HIDDEN * INPUT_SIZE
    gru_kernel = jax.random.normal(ks[6], (gin, 3 * HIDDEN_SIZE), dtype=jnp.float32) / np.sqrt(gin)
    gru_rec_kernel = jax.random.normal(ks[7], (HIDDEN_SIZE, 3 * HIDDEN_SIZE), dtype=jnp.float32) / np.sqrt(HIDDEN_SIZE)
    gru_input_bias = jnp.zeros((3 * HIDDEN_SIZE,), dtype=jnp.float32)
    gru_rec_bias = jnp.zeros((3 * HIDDEN_SIZE,), dtype=jnp.float32)
    return {"h": h, "p": p, "X_obs": X_obs, "M_obs": M_obs, "i_obs": i_obs,
            "w_prep": w_prep, "bias_prep": bias_prep,
            "gru_kernel": gru_kernel, "gru_rec_kernel": gru_rec_kernel,
            "gru_input_bias": gru_input_bias, "gru_rec_bias": gru_rec_bias}


def _gru_cell(x, h_prev, kernel, rec_kernel, input_bias, rec_bias):
    # Keras GRUCell, reset_after=True (default)
    mx = x @ kernel + input_bias
    mi = h_prev @ rec_kernel + rec_bias
    x_z, x_r, x_h = jnp.split(mx, 3, axis=1)
    r_z, r_r, r_h = jnp.split(mi, 3, axis=1)
    z = jax.nn.sigmoid(x_z + r_z)
    r = jax.nn.sigmoid(x_r + r_r)
    hh = jnp.tanh(x_h + r * r_h)
    return z * h_prev + (1.0 - z) * hh


def reference(h, p, X_obs, M_obs, i_obs, w_prep, bias_prep, gru_kernel, gru_rec_kernel, gru_input_bias, gru_rec_bias):
    p_obs = jnp.take(p, i_obs, axis=0)
    mean, logvar = jnp.split(p_obs, 2, axis=1)
    sigma = jnp.exp(0.5 * logvar)
    error = (X_obs - mean) / sigma
    log_lik_c = np.log(np.sqrt(2.0 * np.pi))
    losses = 0.5 * ((jnp.power(error, 2) + logvar + 2.0 * log_lik_c) * M_obs)
    gru_input = jnp.stack([X_obs, mean, logvar, error], axis=2)  # [B, I, 4]
    gru_input = jnp.einsum('bif,ifp->bip', gru_input, w_prep) + bias_prep
    gru_input = jax.nn.relu(gru_input)
    gru_input = jnp.transpose(gru_input, (2, 0, 1))  # [P, B, I]
    gru_input = (gru_input * M_obs).reshape(-1, PREP_HIDDEN * INPUT_SIZE)  # [B, P*I]
    h_obs = jnp.take(h, i_obs, axis=0)
    h_new = _gru_cell(gru_input, h_obs, gru_kernel, gru_rec_kernel, gru_input_bias, gru_rec_bias)
    h_out = h.at[i_obs].set(h_new)
    return (h_out, losses)

if __name__ == "__main__":
    import jax
    _d = setup_inputs()
    print(jax.jit(kernel)(*tuple(_d.values())))

</pallas_src>

<mosaic_0001>
#map = affine_map<(d0, d1) -> (0, 0)>
module attributes {stable_mosaic.version = 14 : i64} {
  func.func @_sc_gather_body(%arg0: i32, %arg1: i32, %arg2: memref<262144x64xf32, #tpu.memory_space<hbm>>, %arg3: memref<262144x32xf32, #tpu.memory_space<hbm>>, %arg4: memref<128x128xi32, #tpu.memory_space<hbm>>, %arg5: memref<16384x64xf32, #tpu.memory_space<hbm>>, %arg6: memref<16384x32xf32, #tpu.memory_space<hbm>>, %arg7: memref<4x128xi32, #tpu.memory_space<vmem>>, %arg8: memref<512x64xf32, #tpu.memory_space<vmem>>, %arg9: memref<512x32xf32, #tpu.memory_space<vmem>>, %arg10: memref<!tpu.dma_semaphore, #tpu.memory_space<semaphore_mem>>, %arg11: memref<!tpu.dma_semaphore, #tpu.memory_space<semaphore_mem>>) attributes {dimension_semantics = [#tpu.dimension_semantics<core_parallel>, #tpu.dimension_semantics<subcore_parallel>], iteration_bounds = array<i64: 2, 16>, scalar_prefetch = 0 : i64, scratch_operands = 5 : i64, tpu.core_type = #tpu.core_type<sc_vector_subcore>, window_params = [{transform_indices = #map}, {transform_indices = #map}, {transform_indices = #map}, {transform_indices = #map}, {transform_indices = #map}]} {
    %mul3A = arith.constant 2 : i32
    %mul3A_0 = arith.muli %arg1, %mul3A : i32
    %add3A = arith.addi %mul3A_0, %arg0 : i32
    %mul3A_1 = arith.constant 512 : i32
    %mul3A_2 = arith.muli %add3A, %mul3A_1 : i32
    %mul3A_3 = arith.constant 4 : i32
    %mul3A_4 = arith.muli %add3A, %mul3A_3 : i32
    "tpu.region"() ({
      %run_scoped3A = tpu.sem_alloc : memref<!tpu.dma_semaphore, #tpu.memory_space<semaphore_mem>>
      %dma_start3A_163 = arith.constant 0 : i32
      %dma_start3A_164 = tpu.memref_slice %arg4[%mul3A_4, %dma_start3A_163] : memref<128x128xi32, #tpu.memory_space<hbm>> -> memref<4x128xi32, #tpu.memory_space<hbm>>
      %dma_start3A_165 = arith.constant 0 : i32
      %dma_start3A_166 = tpu.memref_slice %arg4[%mul3A_4, %dma_start3A_165] : memref<128x128xi32, #tpu.memory_space<hbm>> -> memref<4x128xi32, #tpu.memory_space<hbm>>
      tpu.enqueue_dma source(%dma_start3A_166 : memref<4x128xi32, #tpu.memory_space<hbm>>) target(%arg7 : memref<4x128xi32, #tpu.memory_space<vmem>>) target_semaphore(%run_scoped3A : memref<!tpu.dma_semaphore, #tpu.memory_space<semaphore_mem>>)
      %dma_wait3A_167 = arith.constant 0 : i32
      %dma_wait3A_168 = tpu.memref_slice %arg4[%mul3A_4, %dma_wait3A_167] : memref<128x128xi32, #tpu.memory_space<hbm>> -> memref<4x128xi32, #tpu.memory_space<hbm>>
      %dma_wait3A_169 = arith.constant 0 : i32
      %dma_wait3A_170 = tpu.memref_slice %arg4[%mul3A_4, %dma_wait3A_169] : memref<128x128xi32, #tpu.memory_space<hbm>> -> memref<4x128xi32, #tpu.memory_space<hbm>>
      tpu.wait_dma2 semaphore(%run_scoped3A : memref<!tpu.dma_semaphore, #tpu.memory_space<semaphore_mem>>) src(%dma_wait3A_170 : memref<4x128xi32, #tpu.memory_space<hbm>>) dst(%arg7 : memref<4x128xi32, #tpu.memory_space<vmem>>)
      tpu.yield
    }) : () -> ()
    %dma_start3A = arith.constant 0 : i32
    %dma_start3A_5 = arith.constant 0 : i32
    %dma_start3A_6 = arith.constant 0 : i32
    %dma_start3A_7 = tpu.memref_slice %arg8[%dma_start3A_5, %dma_start3A_6] : memref<512x64xf32, #tpu.memory_space<vmem>> -> memref<128x64xf32, #tpu.memory_space<vmem>>
    %dma_start3A_8 = arith.constant 0 : i32
    %dma_start3A_9 = tpu.memref_slice %arg7[%dma_start3A, %dma_start3A_8] : memref<4x128xi32, #tpu.memory_space<vmem>> -> memref<1x128xi32, #tpu.memory_space<vmem>>
    %dma_start3A_10 = tpu.memref_squeeze %dma_start3A_9 : memref<1x128xi32, #tpu.memory_space<vmem>> -> memref<128xi32, #tpu.memory_space<vmem>>
    %dma_start3A_11 = arith.constant 0 : i32
    %dma_start3A_12 = arith.constant 0 : i32
    %dma_start3A_13 = tpu.memref_slice %arg2[%dma_start3A_11, %dma_start3A_12] : memref<262144x64xf32, #tpu.memory_space<hbm>> -> memref<262144x64xf32, #tpu.memory_space<hbm>>
    tpu.enqueue_indirect_dma source(%dma_start3A_13 : memref<262144x64xf32, #tpu.memory_space<hbm>>) target(%dma_start3A_7 : memref<128x64xf32, #tpu.memory_space<vmem>>) offsets(%dma_start3A_10 : memref<128xi32, #tpu.memory_space<vmem>>) semaphore(%arg10 : memref<!tpu.dma_semaphore, #tpu.memory_space<semaphore_mem>>)
    %dma_start3A_14 = arith.constant 0 : i32
    %dma_start3A_15 = arith.constant 0 : i32
    %dma_start3A_16 = arith.constant 0 : i32
    %dma_start3A_17 = tpu.memref_slice %arg9[%dma_start3A_15, %dma_start3A_16] : memref<512x32xf32, #tpu.memory_space<vmem>> -> memref<128x32xf32, #tpu.memory_space<vmem>>
    %dma_start3A_18 = arith.constant 0 : i32
    %dma_start3A_19 = tpu.memref_slice %arg7[%dma_start3A_14, %dma_start3A_18] : memref<4x128xi32, #tpu.memory_space<vmem>> -> memref<1x128xi32, #tpu.memory_space<vmem>>
    %dma_start3A_20 = tpu.memref_squeeze %dma_start3A_19 : memref<1x128xi32, #tpu.memory_space<vmem>> -> memref<128xi32, #tpu.memory_space<vmem>>
    %dma_start3A_21 = arith.constant 0 : i32
    %dma_start3A_22 = arith.constant 0 : i32
    %dma_start3A_23 = tpu.memref_slice %arg3[%dma_start3A_21, %dma_start3A_22] : memref<262144x32xf32, #tpu.memory_space<hbm>> -> memref<262144x32xf32, #tpu.memory_space<hbm>>
    tpu.enqueue_indirect_dma source(%dma_start3A_23 : memref<262144x32xf32, #tpu.memory_space<hbm>>) target(%dma_start3A_17 : memref<128x32xf32, #tpu.memory_space<vmem>>) offsets(%dma_start3A_20 : memref<128xi32, #tpu.memory_space<vmem>>) semaphore(%arg11 : memref<!tpu.dma_semaphore, #tpu.memory_space<semaphore_mem>>)
    %dma_start3A_24 = arith.constant 1 : i32
    %dma_start3A_25 = arith.constant 128 : i32
    %dma_start3A_26 = arith.constant 0 : i32
    %dma_start3A_27 = tpu.memref_slice %arg8[%dma_start3A_25, %dma_start3A_26] : memref<512x64xf32, #tpu.memory_space<vmem>> -> memref<128x64xf32, #tpu.memory_space<vmem>>
    %dma_start3A_28 = arith.constant 0 : i32
    %dma_start3A_29 = tpu.memref_slice %arg7[%dma_start3A_24, %dma_start3A_28] : memref<4x128xi32, #tpu.memory_space<vmem>> -> memref<1x128xi32, #tpu.memory_space<vmem>>
    %dma_start3A_30 = tpu.memref_squeeze %dma_start3A_29 : memref<1x128xi32, #tpu.memory_space<vmem>> -> memref<128xi32, #tpu.memory_space<vmem>>
    %dma_start3A_31 = arith.constant 0 : i32
    %dma_start3A_32 = arith.constant 0 : i32
    %dma_start3A_33 = tpu.memref_slice %arg2[%dma_start3A_31, %dma_start3A_32] : memref<262144x64xf32, #tpu.memory_space<hbm>> -> memref<262144x64xf32, #tpu.memory_space<hbm>>
    tpu.enqueue_indirect_dma source(%dma_start3A_33 : memref<262144x64xf32, #tpu.memory_space<hbm>>) target(%dma_start3A_27 : memref<128x64xf32, #tpu.memory_space<vmem>>) offsets(%dma_start3A_30 : memref<128xi32, #tpu.memory_space<vmem>>) semaphore(%arg10 : memref<!tpu.dma_semaphore, #tpu.memory_space<semaphore_mem>>)
    %dma_start3A_34 = arith.constant 1 : i32
    %dma_start3A_35 = arith.constant 128 : i32
    %dma_start3A_36 = arith.constant 0 : i32
    %dma_start3A_37 = tpu.memref_slice %arg9[%dma_start3A_35, %dma_start3A_36] : memref<512x32xf32, #tpu.memory_space<vmem>> -> memref<128x32xf32, #tpu.memory_space<vmem>>
    %dma_start3A_38 = arith.constant 0 : i32
    %dma_start3A_39 = tpu.memref_slice %arg7[%dma_start3A_34, %dma_start3A_38] : memref<4x128xi32, #tpu.memory_space<vmem>> -> memref<1x128xi32, #tpu.memory_space<vmem>>
    %dma_start3A_40 = tpu.memref_squeeze %dma_start3A_39 : memref<1x128xi32, #tpu.memory_space<vmem>> -> memref<128xi32, #tpu.memory_space<vmem>>
    %dma_start3A_41 = arith.constant 0 : i32
    %dma_start3A_42 = arith.constant 0 : i32
    %dma_start3A_43 = tpu.memref_slice %arg3[%dma_start3A_41, %dma_start3A_42] : memref<262144x32xf32, #tpu.memory_space<hbm>> -> memref<262144x32xf32, #tpu.memory_space<hbm>>
    tpu.enqueue_indirect_dma source(%dma_start3A_43 : memref<262144x32xf32, #tpu.memory_space<hbm>>) target(%dma_start3A_37 : memref<128x32xf32, #tpu.memory_space<vmem>>) offsets(%dma_start3A_40 : memref<128xi32, #tpu.memory_space<vmem>>) semaphore(%arg11 : memref<!tpu.dma_semaphore, #tpu.memory_space<semaphore_mem>>)
    %dma_start3A_44 = arith.constant 2 : i32
    %dma_start3A_45 = arith.constant 256 : i32
    %dma_start3A_46 = arith.constant 0 : i32
    %dma_start3A_47 = tpu.memref_slice %arg8[%dma_start3A_45, %dma_start3A_46] : memref<512x64xf32, #tpu.memory_space<vmem>> -> memref<128x64xf32, #tpu.memory_space<vmem>>
    %dma_start3A_48 = arith.constant 0 : i32
    %dma_start3A_49 = tpu.memref_slice %arg7[%dma_start3A_44, %dma_start3A_48] : memref<4x128xi32, #tpu.memory_space<vmem>> -> memref<1x128xi32, #tpu.memory_space<vmem>>
    %dma_start3A_50 = tpu.memref_squeeze %dma_start3A_49 : memref<1x128xi32, #tpu.memory_space<vmem>> -> memref<128xi32, #tpu.memory_space<vmem>>
    %dma_start3A_51 = arith.constant 0 : i32
    %dma_start3A_52 = arith.constant 0 : i32
    %dma_start3A_53 = tpu.memref_slice %arg2[%dma_start3A_51, %dma_start3A_52] : memref<262144x64xf32, #tpu.memory_space<hbm>> -> memref<262144x64xf32, #tpu.memory_space<hbm>>
    tpu.enqueue_indirect_dma source(%dma_start3A_53 : memref<262144x64xf32, #tpu.memory_space<hbm>>) target(%dma_start3A_47 : memref<128x64xf32, #tpu.memory_space<vmem>>) offsets(%dma_start3A_50 : memref<128xi32, #tpu.memory_space<vmem>>) semaphore(%arg10 : memref<!tpu.dma_semaphore, #tpu.memory_space<semaphore_mem>>)
    %dma_start3A_54 = arith.constant 2 : i32
    %dma_start3A_55 = arith.constant 256 : i32
    %dma_start3A_56 = arith.constant 0 : i32
    %dma_start3A_57 = tpu.memref_slice %arg9[%dma_start3A_55, %dma_start3A_56] : memref<512x32xf32, #tpu.memory_space<vmem>> -> memref<128x32xf32, #tpu.memory_space<vmem>>
    %dma_start3A_58 = arith.constant 0 : i32
    %dma_start3A_59 = tpu.memref_slice %arg7[%dma_start3A_54, %dma_start3A_58] : memref<4x128xi32, #tpu.memory_space<vmem>> -> memref<1x128xi32, #tpu.memory_space<vmem>>
    %dma_start3A_60 = tpu.memref_squeeze %dma_start3A_59 : memref<1x128xi32, #tpu.memory_space<vmem>> -> memref<128xi32, #tpu.memory_space<vmem>>
    %dma_start3A_61 = arith.constant 0 : i32
    %dma_start3A_62 = arith.constant 0 : i32
    %dma_start3A_63 = tpu.memref_slice %arg3[%dma_start3A_61, %dma_start3A_62] : memref<262144x32xf32, #tpu.memory_space<hbm>> -> memref<262144x32xf32, #tpu.memory_space<hbm>>
    tpu.enqueue_indirect_dma source(%dma_start3A_63 : memref<262144x32xf32, #tpu.memory_space<hbm>>) target(%dma_start3A_57 : memref<128x32xf32, #tpu.memory_space<vmem>>) offsets(%dma_start3A_60 : memref<128xi32, #tpu.memory_space<vmem>>) semaphore(%arg11 : memref<!tpu.dma_semaphore, #tpu.memory_space<semaphore_mem>>)
    %dma_start3A_64 = arith.constant 3 : i32
    %dma_start3A_65 = arith.constant 384 : i32
    %dma_start3A_66 = arith.constant 0 : i32
    %dma_start3A_67 = tpu.memref_slice %arg8[%dma_start3A_65, %dma_start3A_66] : memref<512x64xf32, #tpu.memory_space<vmem>> -> memref<128x64xf32, #tpu.memory_space<vmem>>
    %dma_start3A_68 = arith.constant 0 : i32
    %dma_start3A_69 = tpu.memref_slice %arg7[%dma_start3A_64, %dma_start3A_68] : memref<4x128xi32, #tpu.memory_space<vmem>> -> memref<1x128xi32, #tpu.memory_space<vmem>>
    %dma_start3A_70 = tpu.memref_squeeze %dma_start3A_69 : memref<1x128xi32, #tpu.memory_space<vmem>> -> memref<128xi32, #tpu.memory_space<vmem>>
    %dma_start3A_71 = arith.constant 0 : i32
    %dma_start3A_72 = arith.constant 0 : i32
    %dma_start3A_73 = tpu.memref_slice %arg2[%dma_start3A_71, %dma_start3A_72] : memref<262144x64xf32, #tpu.memory_space<hbm>> -> memref<262144x64xf32, #tpu.memory_space<hbm>>
    tpu.enqueue_indirect_dma source(%dma_start3A_73 : memref<262144x64xf32, #tpu.memory_space<hbm>>) target(%dma_start3A_67 : memref<128x64xf32, #tpu.memory_space<vmem>>) offsets(%dma_start3A_70 : memref<128xi32, #tpu.memory_space<vmem>>) semaphore(%arg10 : memref<!tpu.dma_semaphore, #tpu.memory_space<semaphore_mem>>)
    %dma_start3A_74 = arith.constant 3 : i32
    %dma_start3A_75 = arith.constant 384 : i32
    %dma_start3A_76 = arith.constant 0 : i32
    %dma_start3A_77 = tpu.memref_slice %arg9[%dma_start3A_75, %dma_start3A_76] : memref<512x32xf32, #tpu.memory_space<vmem>> -> memref<128x32xf32, #tpu.memory_space<vmem>>
    %dma_start3A_78 = arith.constant 0 : i32
    %dma_start3A_79 = tpu.memref_slice %arg7[%dma_start3A_74, %dma_start3A_78] : memref<4x128xi32, #tpu.memory_space<vmem>> -> memref<1x128xi32, #tpu.memory_space<vmem>>
    %dma_start3A_80 = tpu.memref_squeeze %dma_start3A_79 : memref<1x128xi32, #tpu.memory_space<vmem>> -> memref<128xi32, #tpu.memory_space<vmem>>
    %dma_start3A_81 = arith.constant 0 : i32
    %dma_start3A_82 = arith.constant 0 : i32
    %dma_start3A_83 = tpu.memref_slice %arg3[%dma_start3A_81, %dma_start3A_82] : memref<262144x32xf32, #tpu.memory_space<hbm>> -> memref<262144x32xf32, #tpu.memory_space<hbm>>
    tpu.enqueue_indirect_dma source(%dma_start3A_83 : memref<262144x32xf32, #tpu.memory_space<hbm>>) target(%dma_start3A_77 : memref<128x32xf32, #tpu.memory_space<vmem>>) offsets(%dma_start3A_80 : memref<128xi32, #tpu.memory_space<vmem>>) semaphore(%arg11 : memref<!tpu.dma_semaphore, #tpu.memory_space<semaphore_mem>>)
    %dma_wait3A = arith.constant 0 : i32
    %dma_wait3A_84 = arith.constant 0 : i32
    %dma_wait3A_85 = arith.constant 0 : i32
    %dma_wait3A_86 = tpu.memref_slice %arg8[%dma_wait3A_84, %dma_wait3A_85] : memref<512x64xf32, #tpu.memory_space<vmem>> -> memref<128x64xf32, #tpu.memory_space<vmem>>
    %dma_wait3A_87 = arith.constant 0 : i32
    %dma_wait3A_88 = tpu.memref_slice %arg7[%dma_wait3A, %dma_wait3A_87] : memref<4x128xi32, #tpu.memory_space<vmem>> -> memref<1x128xi32, #tpu.memory_space<vmem>>
    %dma_wait3A_89 = tpu.memref_squeeze %dma_wait3A_88 : memref<1x128xi32, #tpu.memory_space<vmem>> -> memref<128xi32, #tpu.memory_space<vmem>>
    %dma_wait3A_90 = arith.constant 0 : i32
    %dma_wait3A_91 = arith.constant 0 : i32
    %dma_wait3A_92 = tpu.memref_slice %arg2[%dma_wait3A_90, %dma_wait3A_91] : memref<262144x64xf32, #tpu.memory_space<hbm>> -> memref<262144x64xf32, #tpu.memory_space<hbm>>
    tpu.wait_indirect_dma semaphore(%arg10 : memref<!tpu.dma_semaphore, #tpu.memory_space<semaphore_mem>>) src(%dma_wait3A_92 : memref<262144x64xf32, #tpu.memory_space<hbm>>) dst(%dma_wait3A_86 : memref<128x64xf32, #tpu.memory_space<vmem>>)
    %dma_wait3A_93 = arith.constant 0 : i32
    %dma_wait3A_94 = arith.constant 0 : i32
    %dma_wait3A_95 = arith.constant 0 : i32
    %dma_wait3A_96 = tpu.memref_slice %arg9[%dma_wait3A_94, %dma_wait3A_95] : memref<512x32xf32, #tpu.memory_space<vmem>> -> memref<128x32xf32, #tpu.memory_space<vmem>>
    %dma_wait3A_97 = arith.constant 0 : i32
    %dma_wait3A_98 = tpu.memref_slice %arg7[%dma_wait3A_93, %dma_wait3A_97] : memref<4x128xi32, #tpu.memory_space<vmem>> -> memref<1x128xi32, #tpu.memory_space<vmem>>
    %dma_wait3A_99 = tpu.memref_squeeze %dma_wait3A_98 : memref<1x128xi32, #tpu.memory_space<vmem>> -> memref<128xi32, #tpu.memory_space<vmem>>
    %dma_wait3A_100 = arith.constant 0 : i32
    %dma_wait3A_101 = arith.constant 0 : i32
    %dma_wait3A_102 = tpu.memref_slice %arg3[%dma_wait3A_100, %dma_wait3A_101] : memref<262144x32xf32, #tpu.memory_space<hbm>> -> memref<262144x32xf32, #tpu.memory_space<hbm>>
    tpu.wait_indirect_dma semaphore(%arg11 : memref<!tpu.dma_semaphore, #tpu.memory_space<semaphore_mem>>) src(%dma_wait3A_102 : memref<262144x32xf32, #tpu.memory_space<hbm>>) dst(%dma_wait3A_96 : memref<128x32xf32, #tpu.memory_space<vmem>>)
    %dma_wait3A_103 = arith.constant 1 : i32
    %dma_wait3A_104 = arith.constant 128 : i32
    %dma_wait3A_105 = arith.constant 0 : i32
    %dma_wait3A_106 = tpu.memref_slice %arg8[%dma_wait3A_104, %dma_wait3A_105] : memref<512x64xf32, #tpu.memory_space<vmem>> -> memref<128x64xf32, #tpu.memory_space<vmem>>
    %dma_wait3A_107 = arith.constant 0 : i32
    %dma_wait3A_108 = tpu.memref_slice %arg7[%dma_wait3A_103, %dma_wait3A_107] : memref<4x128xi32, #tpu.memory_space<vmem>> -> memref<1x128xi32, #tpu.memory_space<vmem>>
    %dma_wait3A_109 = tpu.memref_squeeze %dma_wait3A_108 : memref<1x128xi32, #tpu.memory_space<vmem>> -> memref<128xi32, #tpu.memory_space<vmem>>
    %dma_wait3A_110 = arith.constant 0 : i32
    %dma_wait3A_111 = arith.constant 0 : i32
    %dma_wait3A_112 = tpu.memref_slice %arg2[%dma_wait3A_110, %dma_wait3A_111] : memref<262144x64xf32, #tpu.memory_space<hbm>> -> memref<262144x64xf32, #tpu.memory_space<hbm>>
    tpu.wait_indirect_dma semaphore(%arg10 : memref<!tpu.dma_semaphore, #tpu.memory_space<semaphore_mem>>) src(%dma_wait3A_112 : memref<262144x64xf32, #tpu.memory_space<hbm>>) dst(%dma_wait3A_106 : memref<128x64xf32, #tpu.memory_space<vmem>>)
    %dma_wait3A_113 = arith.constant 1 : i32
    %dma_wait3A_114 = arith.constant 128 : i32
    %dma_wait3A_115 = arith.constant 0 : i32
    %dma_wait3A_116 = tpu.memref_slice %arg9[%dma_wait3A_114, %dma_wait3A_115] : memref<512x32xf32, #tpu.memory_space<vmem>> -> memref<128x32xf32, #tpu.memory_space<vmem>>
    %dma_wait3A_117 = arith.constant 0 : i32
    %dma_wait3A_118 = tpu.memref_slice %arg7[%dma_wait3A_113, %dma_wait3A_117] : memref<4x128xi32, #tpu.memory_space<vmem>> -> memref<1x128xi32, #tpu.memory_space<vmem>>
    %dma_wait3A_119 = tpu.memref_squeeze %dma_wait3A_118 : memref<1x128xi32, #tpu.memory_space<vmem>> -> memref<128xi32, #tpu.memory_space<vmem>>
    %dma_wait3A_120 = arith.constant 0 : i32
    %dma_wait3A_121 = arith.constant 0 : i32
    %dma_wait3A_122 = tpu.memref_slice %arg3[%dma_wait3A_120, %dma_wait3A_121] : memref<262144x32xf32, #tpu.memory_space<hbm>> -> memref<262144x32xf32, #tpu.memory_space<hbm>>
    tpu.wait_indirect_dma semaphore(%arg11 : memref<!tpu.dma_semaphore, #tpu.memory_space<semaphore_mem>>) src(%dma_wait3A_122 : memref<262144x32xf32, #tpu.memory_space<hbm>>) dst(%dma_wait3A_116 : memref<128x32xf32, #tpu.memory_space<vmem>>)
    %dma_wait3A_123 = arith.constant 2 : i32
    %dma_wait3A_124 = arith.constant 256 : i32
    %dma_wait3A_125 = arith.constant 0 : i32
    %dma_wait3A_126 = tpu.memref_slice %arg8[%dma_wait3A_124, %dma_wait3A_125] : memref<512x64xf32, #tpu.memory_space<vmem>> -> memref<128x64xf32, #tpu.memory_space<vmem>>
    %dma_wait3A_127 = arith.constant 0 : i32
    %dma_wait3A_128 = tpu.memref_slice %arg7[%dma_wait3A_123, %dma_wait3A_127] : memref<4x128xi32, #tpu.memory_space<vmem>> -> memref<1x128xi32, #tpu.memory_space<vmem>>
    %dma_wait3A_129 = tpu.memref_squeeze %dma_wait3A_128 : memref<1x128xi32, #tpu.memory_space<vmem>> -> memref<128xi32, #tpu.memory_space<vmem>>
    %dma_wait3A_130 = arith.constant 0 : i32
    %dma_wait3A_131 = arith.constant 0 : i32
    %dma_wait3A_132 = tpu.memref_slice %arg2[%dma_wait3A_130, %dma_wait3A_131] : memref<262144x64xf32, #tpu.memory_space<hbm>> -> memref<262144x64xf32, #tpu.memory_space<hbm>>
    tpu.wait_indirect_dma semaphore(%arg10 : memref<!tpu.dma_semaphore, #tpu.memory_space<semaphore_mem>>) src(%dma_wait3A_132 : memref<262144x64xf32, #tpu.memory_space<hbm>>) dst(%dma_wait3A_126 : memref<128x64xf32, #tpu.memory_space<vmem>>)
    %dma_wait3A_133 = arith.constant 2 : i32
    %dma_wait3A_134 = arith.constant 256 : i32
    %dma_wait3A_135 = arith.constant 0 : i32
    %dma_wait3A_136 = tpu.memref_slice %arg9[%dma_wait3A_134, %dma_wait3A_135] : memref<512x32xf32, #tpu.memory_space<vmem>> -> memref<128x32xf32, #tpu.memory_space<vmem>>
    %dma_wait3A_137 = arith.constant 0 : i32
    %dma_wait3A_138 = tpu.memref_slice %arg7[%dma_wait3A_133, %dma_wait3A_137] : memref<4x128xi32, #tpu.memory_space<vmem>> -> memref<1x128xi32, #tpu.memory_space<vmem>>
    %dma_wait3A_139 = tpu.memref_squeeze %dma_wait3A_138 : memref<1x128xi32, #tpu.memory_space<vmem>> -> memref<128xi32, #tpu.memory_space<vmem>>
    %dma_wait3A_140 = arith.constant 0 : i32
    %dma_wait3A_141 = arith.constant 0 : i32
    %dma_wait3A_142 = tpu.memref_slice %arg3[%dma_wait3A_140, %dma_wait3A_141] : memref<262144x32xf32, #tpu.memory_space<hbm>> -> memref<262144x32xf32, #tpu.memory_space<hbm>>
    tpu.wait_indirect_dma semaphore(%arg11 : memref<!tpu.dma_semaphore, #tpu.memory_space<semaphore_mem>>) src(%dma_wait3A_142 : memref<262144x32xf32, #tpu.memory_space<hbm>>) dst(%dma_wait3A_136 : memref<128x32xf32, #tpu.memory_space<vmem>>)
    %dma_wait3A_143 = arith.constant 3 : i32
    %dma_wait3A_144 = arith.constant 384 : i32
    %dma_wait3A_145 = arith.constant 0 : i32
    %dma_wait3A_146 = tpu.memref_slice %arg8[%dma_wait3A_144, %dma_wait3A_145] : memref<512x64xf32, #tpu.memory_space<vmem>> -> memref<128x64xf32, #tpu.memory_space<vmem>>
    %dma_wait3A_147 = arith.constant 0 : i32
    %dma_wait3A_148 = tpu.memref_slice %arg7[%dma_wait3A_143, %dma_wait3A_147] : memref<4x128xi32, #tpu.memory_space<vmem>> -> memref<1x128xi32, #tpu.memory_space<vmem>>
    %dma_wait3A_149 = tpu.memref_squeeze %dma_wait3A_148 : memref<1x128xi32, #tpu.memory_space<vmem>> -> memref<128xi32, #tpu.memory_space<vmem>>
    %dma_wait3A_150 = arith.constant 0 : i32
    %dma_wait3A_151 = arith.constant 0 : i32
    %dma_wait3A_152 = tpu.memref_slice %arg2[%dma_wait3A_150, %dma_wait3A_151] : memref<262144x64xf32, #tpu.memory_space<hbm>> -> memref<262144x64xf32, #tpu.memory_space<hbm>>
    tpu.wait_indirect_dma semaphore(%arg10 : memref<!tpu.dma_semaphore, #tpu.memory_space<semaphore_mem>>) src(%dma_wait3A_152 : memref<262144x64xf32, #tpu.memory_space<hbm>>) dst(%dma_wait3A_146 : memref<128x64xf32, #tpu.memory_space<vmem>>)
    %dma_wait3A_153 = arith.constant 3 : i32
    %dma_wait3A_154 = arith.constant 384 : i32
    %dma_wait3A_155 = arith.constant 0 : i32
    %dma_wait3A_156 = tpu.memref_slice %arg9[%dma_wait3A_154, %dma_wait3A_155] : memref<512x32xf32, #tpu.memory_space<vmem>> -> memref<128x32xf32, #tpu.memory_space<vmem>>
    %dma_wait3A_157 = arith.constant 0 : i32
    %dma_wait3A_158 = tpu.memref_slice %arg7[%dma_wait3A_153, %dma_wait3A_157] : memref<4x128xi32, #tpu.memory_space<vmem>> -> memref<1x128xi32, #tpu.memory_space<vmem>>
    %dma_wait3A_159 = tpu.memref_squeeze %dma_wait3A_158 : memref<1x128xi32, #tpu.memory_space<vmem>> -> memref<128xi32, #tpu.memory_space<vmem>>
    %dma_wait3A_160 = arith.constant 0 : i32
    %dma_wait3A_161 = arith.constant 0 : i32
    %dma_wait3A_162 = tpu.memref_slice %arg3[%dma_wait3A_160, %dma_wait3A_161] : memref<262144x32xf32, #tpu.memory_space<hbm>> -> memref<262144x32xf32, #tpu.memory_space<hbm>>
    tpu.wait_indirect_dma semaphore(%arg11 : memref<!tpu.dma_semaphore, #tpu.memory_space<semaphore_mem>>) src(%dma_wait3A_162 : memref<262144x32xf32, #tpu.memory_space<hbm>>) dst(%dma_wait3A_156 : memref<128x32xf32, #tpu.memory_space<vmem>>)
    "tpu.region"() ({
      %run_scoped3A = tpu.sem_alloc : memref<!tpu.dma_semaphore, #tpu.memory_space<semaphore_mem>>
      %dma_start3A_163 = arith.constant 0 : i32
      %dma_start3A_164 = tpu.memref_slice %arg5[%mul3A_2, %dma_start3A_163] : memref<16384x64xf32, #tpu.memory_space<hbm>> -> memref<512x64xf32, #tpu.memory_space<hbm>>
      %dma_start3A_165 = arith.constant 0 : i32
      %dma_start3A_166 = tpu.memref_slice %arg5[%mul3A_2, %dma_start3A_165] : memref<16384x64xf32, #tpu.memory_space<hbm>> -> memref<512x64xf32, #tpu.memory_space<hbm>>
      tpu.enqueue_dma source(%arg8 : memref<512x64xf32, #tpu.memory_space<vmem>>) target(%dma_start3A_166 : memref<512x64xf32, #tpu.memory_space<hbm>>) target_semaphore(%run_scoped3A : memref<!tpu.dma_semaphore, #tpu.memory_space<semaphore_mem>>)
      %dma_wait3A_167 = arith.constant 0 : i32
      %dma_wait3A_168 = tpu.memref_slice %arg5[%mul3A_2, %dma_wait3A_167] : memref<16384x64xf32, #tpu.memory_space<hbm>> -> memref<512x64xf32, #tpu.memory_space<hbm>>
      %dma_wait3A_169 = arith.constant 0 : i32
      %dma_wait3A_170 = tpu.memref_slice %arg5[%mul3A_2, %dma_wait3A_169] : memref<16384x64xf32, #tpu.memory_space<hbm>> -> memref<512x64xf32, #tpu.memory_space<hbm>>
      tpu.wait_dma2 semaphore(%run_scoped3A : memref<!tpu.dma_semaphore, #tpu.memory_space<semaphore_mem>>) src(%arg8 : memref<512x64xf32, #tpu.memory_space<vmem>>) dst(%dma_wait3A_170 : memref<512x64xf32, #tpu.memory_space<hbm>>)
      tpu.yield
    }) : () -> ()
    "tpu.region"() ({
      %run_scoped3A = tpu.sem_alloc : memref<!tpu.dma_semaphore, #tpu.memory_space<semaphore_mem>>
      %dma_start3A_163 = arith.constant 0 : i32
      %dma_start3A_164 = tpu.memref_slice %arg6[%mul3A_2, %dma_start3A_163] : memref<16384x32xf32, #tpu.memory_space<hbm>> -> memref<512x32xf32, #tpu.memory_space<hbm>>
      %dma_start3A_165 = arith.constant 0 : i32
      %dma_start3A_166 = tpu.memref_slice %arg6[%mul3A_2, %dma_start3A_165] : memref<16384x32xf32, #tpu.memory_space<hbm>> -> memref<512x32xf32, #tpu.memory_space<hbm>>
      tpu.enqueue_dma source(%arg9 : memref<512x32xf32, #tpu.memory_space<vmem>>) target(%dma_start3A_166 : memref<512x32xf32, #tpu.memory_space<hbm>>) target_semaphore(%run_scoped3A : memref<!tpu.dma_semaphore, #tpu.memory_space<semaphore_mem>>)
      %dma_wait3A_167 = arith.constant 0 : i32
      %dma_wait3A_168 = tpu.memref_slice %arg6[%mul3A_2, %dma_wait3A_167] : memref<16384x32xf32, #tpu.memory_space<hbm>> -> memref<512x32xf32, #tpu.memory_space<hbm>>
      %dma_wait3A_169 = arith.constant 0 : i32
      %dma_wait3A_170 = tpu.memref_slice %arg6[%mul3A_2, %dma_wait3A_169] : memref<16384x32xf32, #tpu.memory_space<hbm>> -> memref<512x32xf32, #tpu.memory_space<hbm>>
      tpu.wait_dma2 semaphore(%run_scoped3A : memref<!tpu.dma_semaphore, #tpu.memory_space<semaphore_mem>>) src(%arg9 : memref<512x32xf32, #tpu.memory_space<vmem>>) dst(%dma_wait3A_170 : memref<512x32xf32, #tpu.memory_space<hbm>>)
      tpu.yield
    }) : () -> ()
    return
  }
}

#map = affine_map<(d0, d1) -> (0, 0)>
#map1 = affine_map<(d0, d1) -> (0)>
module attributes {stable_mosaic.version = 14 : i64} {
  func.func @_sc_scatter_body(%arg0: i32, %arg1: i32, %arg2: memref<262144x64xf32, #tpu.memory_space<hbm>>, %arg3: memref<16384x64xf32, #tpu.memory_space<hbm>>, %arg4: memref<16384xi32, #tpu.memory_space<hbm>>, %arg5: memref<262144x64xf32, #tpu.memory_space<hbm>>, %arg6: memref<16384xi32, #tpu.memory_space<vmem>>, %arg7: memref<8192xi32, #tpu.memory_space<vmem>>, %arg8: memref<16xi32, #tpu.memory_space<vmem>>, %arg9: memref<64x1x128xi32, #tpu.memory_space<vmem>>, %arg10: memref<64x1x128xi32, #tpu.memory_space<vmem>>, %arg11: memref<128x64xf32, #tpu.memory_space<vmem>>, %arg12: memref<4x256x64xf32, #tpu.memory_space<vmem>>, %arg13: memref<!tpu.dma_semaphore, #tpu.memory_space<semaphore_mem>>, %arg14: memref<!tpu.dma_semaphore, #tpu.memory_space<semaphore_mem>>, %arg15: memref<!tpu.dma_semaphore, #tpu.memory_space<semaphore_mem>>, %arg16: memref<!tpu.dma_semaphore, #tpu.memory_space<semaphore_mem>>, %arg17: memref<!tpu.dma_semaphore, #tpu.memory_space<semaphore_mem>>, %arg18: memref<!tpu.dma_semaphore, #tpu.memory_space<semaphore_mem>>, %arg19: memref<!tpu.dma_semaphore, #tpu.memory_space<semaphore_mem>>, %arg20: memref<!tpu.dma_semaphore, #tpu.memory_space<semaphore_mem>>, %arg21: memref<!tpu.dma_semaphore, #tpu.memory_space<semaphore_mem>>, %arg22: memref<!tpu.dma_semaphore, #tpu.memory_space<semaphore_mem>>) attributes {dimension_semantics = [#tpu.dimension_semantics<core_parallel>, #tpu.dimension_semantics<subcore_parallel>], iteration_bounds = array<i64: 2, 16>, scalar_prefetch = 0 : i64, scratch_operands = 17 : i64, tpu.core_type = #tpu.core_type<sc_vector_subcore>, window_params = [{transform_indices = #map}, {transform_indices = #map}, {transform_indices = #map1}, {transform_indices = #map}]} {
    %mul3A = arith.constant 2 : i32
    %mul3A_0 = arith.muli %arg1, %mul3A : i32
    %add3A = arith.addi %mul3A_0, %arg0 : i32
    %mul3A_1 = arith.constant 8192 : i32
    %mul3A_2 = arith.muli %add3A, %mul3A_1 : i32
    %add3A_3 = arith.constant 0 : i32
    %add3A_4 = arith.addi %mul3A_2, %add3A_3 : i32
    %dma_start3A = arith.constant 0 : i32
    %dma_start3A_5 = arith.constant 0 : i32
    %dma_start3A_6 = arith.constant 0 : i32
    %dma_start3A_7 = tpu.memref_slice %arg12[%dma_start3A, %dma_start3A_5, %dma_start3A_6] : memref<4x256x64xf32, #tpu.memory_space<vmem>> -> memref<1x256x64xf32, #tpu.memory_space<vmem>>
    %dma_start3A_8 = tpu.memref_squeeze %dma_start3A_7 : memref<1x256x64xf32, #tpu.memory_space<vmem>> -> memref<256x64xf32, #tpu.memory_space<vmem>>
    %dma_start3A_9 = arith.constant 0 : i32
    %dma_start3A_10 = tpu.memref_slice %arg2[%add3A_4, %dma_start3A_9] : memref<262144x64xf32, #tpu.memory_space<hbm>> -> memref<256x64xf32, #tpu.memory_space<hbm>>
    %dma_start3A_11 = arith.constant 0 : i32
    %dma_start3A_12 = arith.constant 0 : i32
    %dma_start3A_13 = tpu.memref_slice %arg12[%dma_start3A, %dma_start3A_11, %dma_start3A_12] : memref<4x256x64xf32, #tpu.memory_space<vmem>> -> memref<1x256x64xf32, #tpu.memory_space<vmem>>
    %dma_start3A_14 = tpu.memref_squeeze %dma_start3A_13 : memref<1x256x64xf32, #tpu.memory_space<vmem>> -> memref<256x64xf32, #tpu.memory_space<vmem>>
    %dma_start3A_15 = arith.constant 0 : i32
    %dma_start3A_16 = tpu.memref_slice %arg2[%add3A_4, %dma_start3A_15] : memref<262144x64xf32, #tpu.memory_space<hbm>> -> memref<256x64xf32, #tpu.memory_space<hbm>>
    tpu.enqueue_dma source(%dma_start3A_16 : memref<256x64xf32, #tpu.memory_space<hbm>>) target(%dma_start3A_14 : memref<256x64xf32, #tpu.memory_space<vmem>>) target_semaphore(%arg15 : memref<!tpu.dma_semaphore, #tpu.memory_space<semaphore_mem>>)
    %add3A_17 = arith.constant 256 : i32
    %add3A_18 = arith.addi %mul3A_2, %add3A_17 : i32
    %dma_start3A_19 = arith.constant 1 : i32
    %dma_start3A_20 = arith.constant 0 : i32
    %dma_start3A_21 = arith.constant 0 : i32
    %dma_start3A_22 = tpu.memref_slice %arg12[%dma_start3A_19, %dma_start3A_20, %dma_start3A_21] : memref<4x256x64xf32, #tpu.memory_space<vmem>> -> memref<1x256x64xf32, #tpu.memory_space<vmem>>
    %dma_start3A_23 = tpu.memref_squeeze %dma_start3A_22 : memref<1x256x64xf32, #tpu.memory_space<vmem>> -> memref<256x64xf32, #tpu.memory_space<vmem>>
    %dma_start3A_24 = arith.constant 0 : i32
    %dma_start3A_25 = tpu.memref_slice %arg2[%add3A_18, %dma_start3A_24] : memref<262144x64xf32, #tpu.memory_space<hbm>> -> memref<256x64xf32, #tpu.memory_space<hbm>>
    %dma_start3A_26 = arith.constant 0 : i32
    %dma_start3A_27 = arith.constant 0 : i32
    %dma_start3A_28 = tpu.memref_slice %arg12[%dma_start3A_19, %dma_start3A_26, %dma_start3A_27] : memref<4x256x64xf32, #tpu.memory_space<vmem>> -> memref<1x256x64xf32, #tpu.memory_space<vmem>>
    %dma_start3A_29 = tpu.memref_squeeze %dma_start3A_28 : memref<1x256x64xf32, #tpu.memory_space<vmem>> -> memref<256x64xf32, #tpu.memory_space<vmem>>
    %dma_start3A_30 = arith.constant 0 : i32
    %dma_start3A_31 = tpu.memref_slice %arg2[%add3A_18, %dma_start3A_30] : memref<262144x64xf32, #tpu.memory_space<hbm>> -> memref<256x64xf32, #tpu.memory_space<hbm>>
    tpu.enqueue_dma source(%dma_start3A_31 : memref<256x64xf32, #tpu.memory_space<hbm>>) target(%dma_start3A_29 : memref<256x64xf32, #tpu.memory_space<vmem>>) target_semaphore(%arg16 : memref<!tpu.dma_semaphore, #tpu.memory_space<semaphore_mem>>)
    %add3A_32 = arith.constant 512 : i32
    %add3A_33 = arith.addi %mul3A_2, %add3A_32 : i32
    %dma_start3A_34 = arith.constant 2 : i32
    %dma_start3A_35 = arith.constant 0 : i32
    %dma_start3A_36 = arith.constant 0 : i32
    %dma_start3A_37 = tpu.memref_slice %arg12[%dma_start3A_34, %dma_start3A_35, %dma_start3A_36] : memref<4x256x64xf32, #tpu.memory_space<vmem>> -> memref<1x256x64xf32, #tpu.memory_space<vmem>>
    %dma_start3A_38 = tpu.memref_squeeze %dma_start3A_37 : memref<1x256x64xf32, #tpu.memory_space<vmem>> -> memref<256x64xf32, #tpu.memory_space<vmem>>
    %dma_start3A_39 = arith.constant 0 : i32
    %dma_start3A_40 = tpu.memref_slice %arg2[%add3A_33, %dma_start3A_39] : memref<262144x64xf32, #tpu.memory_space<hbm>> -> memref<256x64xf32, #tpu.memory_space<hbm>>
    %dma_start3A_41 = arith.constant 0 : i32
    %dma_start3A_42 = arith.constant 0 : i32
    %dma_start3A_43 = tpu.memref_slice %arg12[%dma_start3A_34, %dma_start3A_41, %dma_start3A_42] : memref<4x256x64xf32, #tpu.memory_space<vmem>> -> memref<1x256x64xf32, #tpu.memory_space<vmem>>
    %dma_start3A_44 = tpu.memref_squeeze %dma_start3A_43 : memref<1x256x64xf32, #tpu.memory_space<vmem>> -> memref<256x64xf32, #tpu.memory_space<vmem>>
    %dma_start3A_45 = arith.constant 0 : i32
    %dma_start3A_46 = tpu.memref_slice %arg2[%add3A_33, %dma_start3A_45] : memref<262144x64xf32, #tpu.memory_space<hbm>> -> memref<256x64xf32, #tpu.memory_space<hbm>>
    tpu.enqueue_dma source(%dma_start3A_46 : memref<256x64xf32, #tpu.memory_space<hbm>>) target(%dma_start3A_44 : memref<256x64xf32, #tpu.memory_space<vmem>>) target_semaphore(%arg17 : memref<!tpu.dma_semaphore, #tpu.memory_space<semaphore_mem>>)
    %dma_wait3A = arith.constant 0 : i32
    %dma_wait3A_47 = arith.constant 0 : i32
    %dma_wait3A_48 = arith.constant 0 : i32
    %dma_wait3A_49 = tpu.memref_slice %arg12[%dma_wait3A, %dma_wait3A_47, %dma_wait3A_48] : memref<4x256x64xf32, #tpu.memory_space<vmem>> -> memref<1x256x64xf32, #tpu.memory_space<vmem>>
    %dma_wait3A_50 = tpu.memref_squeeze %dma_wait3A_49 : memref<1x256x64xf32, #tpu.memory_space<vmem>> -> memref<256x64xf32, #tpu.memory_space<vmem>>
    %dma_wait3A_51 = arith.constant 0 : i32
    %dma_wait3A_52 = tpu.memref_slice %arg2[%add3A_4, %dma_wait3A_51] : memref<262144x64xf32, #tpu.memory_space<hbm>> -> memref<256x64xf32, #tpu.memory_space<hbm>>
    %dma_wait3A_53 = arith.constant 0 : i32
    %dma_wait3A_54 = arith.constant 0 : i32
    %dma_wait3A_55 = tpu.memref_slice %arg12[%dma_wait3A, %dma_wait3A_53, %dma_wait3A_54] : memref<4x256x64xf32, #tpu.memory_space<vmem>> -> memref<1x256x64xf32, #tpu.memory_space<vmem>>
    %dma_wait3A_56 = tpu.memref_squeeze %dma_wait3A_55 : memref<1x256x64xf32, #tpu.memory_space<vmem>> -> memref<256x64xf32, #tpu.memory_space<vmem>>
    %dma_wait3A_57 = arith.constant 0 : i32
    %dma_wait3A_58 = tpu.memref_slice %arg2[%add3A_4, %dma_wait3A_57] : memref<262144x64xf32, #tpu.memory_space<hbm>> -> memref<256x64xf32, #tpu.memory_space<hbm>>
    tpu.wait_dma2 semaphore(%arg15 : memref<!tpu.dma_semaphore, #tpu.memory_space<semaphore_mem>>) src(%dma_wait3A_58 : memref<256x64xf32, #tpu.memory_space<hbm>>) dst(%dma_wait3A_56 : memref<256x64xf32, #tpu.memory_space<vmem>>)
    %add3A_59 = arith.constant 0 : i32
    %add3A_60 = arith.addi %mul3A_2, %add3A_59 : i32
    %dma_start3A_61 = arith.constant 0 : i32
    %dma_start3A_62 = arith.constant 0 : i32
    %dma_start3A_63 = arith.constant 0 : i32
    %dma_start3A_64 = tpu.memref_slice %arg12[%dma_start3A_61, %dma_start3A_62, %dma_start3A_63] : memref<4x256x64xf32, #tpu.memory_space<vmem>> -> memref<1x256x64xf32, #tpu.memory_space<vmem>>
    %dma_start3A_65 = tpu.memref_squeeze %dma_start3A_64 : memref<1x256x64xf32, #tpu.memory_space<vmem>> -> memref<256x64xf32, #tpu.memory_space<vmem>>
    %dma_start3A_66 = arith.constant 0 : i32
    %dma_start3A_67 = tpu.memref_slice %arg5[%add3A_60, %dma_start3A_66] : memref<262144x64xf32, #tpu.memory_space<hbm>> -> memref<256x64xf32, #tpu.memory_space<hbm>>
    %dma_start3A_68 = arith.constant 0 : i32
    %dma_start3A_69 = tpu.memref_slice %arg5[%add3A_60, %dma_start3A_68] : memref<262144x64xf32, #tpu.memory_space<hbm>> -> memref<256x64xf32, #tpu.memory_space<hbm>>
    %dma_start3A_70 = arith.constant 0 : i32
    %dma_start3A_71 = arith.constant 0 : i32
    %dma_start3A_72 = tpu.memref_slice %arg12[%dma_start3A_61, %dma_start3A_70, %dma_start3A_71] : memref<4x256x64xf32, #tpu.memory_space<vmem>> -> memref<1x256x64xf32, #tpu.memory_space<vmem>>
    %dma_start3A_73 = tpu.memref_squeeze %dma_start3A_72 : memref<1x256x64xf32, #tpu.memory_space<vmem>> -> memref<256x64xf32, #tpu.memory_space<vmem>>
    tpu.enqueue_dma source(%dma_start3A_73 : memref<256x64xf32, #tpu.memory_space<vmem>>) target(%dma_start3A_69 : memref<256x64xf32, #tpu.memory_space<hbm>>) target_semaphore(%arg19 : memref<!tpu.dma_semaphore, #tpu.memory_space<semaphore_mem>>)
    %add3A_74 = arith.constant 768 : i32
    %add3A_75 = arith.addi %mul3A_2, %add3A_74 : i32
    %dma_start3A_76 = arith.constant 3 : i32
    %dma_start3A_77 = arith.constant 0 : i32
    %dma_start3A_78 = arith.constant 0 : i32
    %dma_start3A_79 = tpu.memref_slice %arg12[%dma_start3A_76, %dma_start3A_77, %dma_start3A_78] : memref<4x256x64xf32, #tpu.memory_space<vmem>> -> memref<1x256x64xf32, #tpu.memory_space<vmem>>
    %dma_start3A_80 = tpu.memref_squeeze %dma_start3A_79 : memref<1x256x64xf32, #tpu.memory_space<vmem>> -> memref<256x64xf32, #tpu.memory_space<vmem>>
    %dma_start3A_81 = arith.constant 0 : i32
    %dma_start3A_82 = tpu.memref_slice %arg2[%add3A_75, %dma_start3A_81] : memref<262144x64xf32, #tpu.memory_space<hbm>> -> memref<256x64xf32, #tpu.memory_space<hbm>>
    %dma_start3A_83 = arith.constant 0 : i32
    %dma_start3A_84 = arith.constant 0 : i32
    %dma_start3A_85 = tpu.memref_slice %arg12[%dma_start3A_76, %dma_start3A_83, %dma_start3A_84] : memref<4x256x64xf32, #tpu.memory_space<vmem>> -> memref<1x256x64xf32, #tpu.memory_space<vmem>>
    %dma_start3A_86 = tpu.memref_squeeze %dma_start3A_85 : memref<1x256x64xf32, #tpu.memory_space<vmem>> -> memref<256x64xf32, #tpu.memory_space<vmem>>
    %dma_start3A_87 = arith.constant 0 : i32
    %dma_start3A_88 = tpu.memref_slice %arg2[%add3A_75, %dma_start3A_87] : memref<262144x64xf32, #tpu.memory_space<hbm>> -> memref<256x64xf32, #tpu.memory_space<hbm>>
    tpu.enqueue_dma source(%dma_start3A_88 : memref<256x64xf32, #tpu.memory_space<hbm>>) target(%dma_start3A_86 : memref<256x64xf32, #tpu.memory_space<vmem>>) target_semaphore(%arg18 : memref<!tpu.dma_semaphore, #tpu.memory_space<semaphore_mem>>)
    %dma_wait3A_89 = arith.constant 1 : i32
    %dma_wait3A_90 = arith.constant 0 : i32
    %dma_wait3A_91 = arith.constant 0 : i32
    %dma_wait3A_92 = tpu.memref_slice %arg12[%dma_wait3A_89, %dma_wait3A_90, %dma_wait3A_91] : memref<4x256x64xf32, #tpu.memory_space<vmem>> -> memref<1x256x64xf32, #tpu.memory_space<vmem>>
    %dma_wait3A_93 = tpu.memref_squeeze %dma_wait3A_92 : memref<1x256x64xf32, #tpu.memory_space<vmem>> -> memref<256x64xf32, #tpu.memory_space<vmem>>
    %dma_wait3A_94 = arith.constant 0 : i32
    %dma_wait3A_95 = tpu.memref_slice %arg2[%add3A_18, %dma_wait3A_94] : memref<262144x64xf32, #tpu.memory_space<hbm>> -> memref<256x64xf32, #tpu.memory_space<hbm>>
    %dma_wait3A_96 = arith.constant 0 : i32
    %dma_wait3A_97 = arith.constant 0 : i32
    %dma_wait3A_98 = tpu.memref_slice %arg12[%dma_wait3A_89, %dma_wait3A_96, %dma_wait3A_97] : memref<4x256x64xf32, #tpu.memory_space<vmem>> -> memref<1x256x64xf32, #tpu.memory_space<vmem>>
    %dma_wait3A_99 = tpu.memref_squeeze %dma_wait3A_98 : memref<1x256x64xf32, #tpu.memory_space<vmem>> -> memref<256x64xf32, #tpu.memory_space<vmem>>
    %dma_wait3A_100 = arith.constant 0 : i32
    %dma_wait3A_101 = tpu.memref_slice %arg2[%add3A_18, %dma_wait3A_100] : memref<262144x64xf32, #tpu.memory_space<hbm>> -> memref<256x64xf32, #tpu.memory_space<hbm>>
    tpu.wait_dma2 semaphore(%arg16 : memref<!tpu.dma_semaphore, #tpu.memory_space<semaphore_mem>>) src(%dma_wait3A_101 : memref<256x64xf32, #tpu.memory_space<hbm>>) dst(%dma_wait3A_99 : memref<256x64xf32, #tpu.memory_space<vmem>>)
    %add3A_102 = arith.constant 256 : i32
    %add3A_103 = arith.addi %mul3A_2, %add3A_102 : i32
    %dma_start3A_104 = arith.constant 1 : i32
    %dma_start3A_105 = arith.constant 0 : i32
    %dma_start3A_106 = arith.constant 0 : i32
    %dma_start3A_107 = tpu.memref_slice %arg12[%dma_start3A_104, %dma_start3A_105, %dma_start3A_106] : memref<4x256x64xf32, #tpu.memory_space<vmem>> -> memref<1x256x64xf32, #tpu.memory_space<vmem>>
    %dma_start3A_108 = tpu.memref_squeeze %dma_start3A_107 : memref<1x256x64xf32, #tpu.memory_space<vmem>> -> memref<256x64xf32, #tpu.memory_space<vmem>>
    %dma_start3A_109 = arith.constant 0 : i32
    %dma_start3A_110 = tpu.memref_slice %arg5[%add3A_103, %dma_start3A_109] : memref<262144x64xf32, #tpu.memory_space<hbm>> -> memref<256x64xf32, #tpu.memory_space<hbm>>
    %dma_start3A_111 = arith.constant 0 : i32
    %dma_start3A_112 = tpu.memref_slice %arg5[%add3A_103, %dma_start3A_111] : memref<262144x64xf32, #tpu.memory_space<hbm>> -> memref<256x64xf32, #tpu.memory_space<hbm>>
    %dma_start3A_113 = arith.constant 0 : i32
    %dma_start3A_114 = arith.constant 0 : i32
    %dma_start3A_115 = tpu.memref_slice %arg12[%dma_start3A_104, %dma_start3A_113, %dma_start3A_114] : memref<4x256x64xf32, #tpu.memory_space<vmem>> -> memref<1x256x64xf32, #tpu.memory_space<vmem>>
    %dma_start3A_116 = tpu.memref_squeeze %dma_start3A_115 : memref<1x256x64xf32, #tpu.memory_space<vmem>> -> memref<256x64xf32, #tpu.memory_space<vmem>>
    tpu.enqueue_dma source(%dma_start3A_116 : memref<256x64xf32, #tpu.memory_space<vmem>>) target(%dma_start3A_112 : memref<256x64xf32, #tpu.memory_space<hbm>>) target_semaphore(%arg20 : memref<!tpu.dma_semaphore, #tpu.memory_space<semaphore_mem>>)
    %dma_wait3A_117 = arith.constant 0 : i32
    %dma_wait3A_118 = arith.constant 0 : i32
    %dma_wait3A_119 = arith.constant 0 : i32
    %dma_wait3A_120 = tpu.memref_slice %arg12[%dma_wait3A_117, %dma_wait3A_118, %dma_wait3A_119] : memref<4x256x64xf32, #tpu.memory_space<vmem>> -> memref<1x256x64xf32, #tpu.memory_space<vmem>>
    %dma_wait3A_121 = tpu.memref_squeeze %dma_wait3A_120 : memref<1x256x64xf32, #tpu.memory_space<vmem>> -> memref<256x64xf32, #tpu.memory_space<vmem>>
    %dma_wait3A_122 = arith.constant 0 : i32
    %dma_wait3A_123 = tpu.memref_slice %arg5[%add3A_60, %dma_wait3A_122] : memref<262144x64xf32, #tpu.memory_space<hbm>> -> memref<256x64xf32, #tpu.memory_space<hbm>>
    %dma_wait3A_124 = arith.constant 0 : i32
    %dma_wait3A_125 = tpu.memref_slice %arg5[%add3A_60, %dma_wait3A_124] : memref<262144x64xf32, #tpu.memory_space<hbm>> -> memref<256x64xf32, #tpu.memory_space<hbm>>
    %dma_wait3A_126 = arith.constant 0 : i32
    %dma_wait3A_127 = arith.constant 0 : i32
    %dma_wait3A_128 = tpu.memref_slice %arg12[%dma_wait3A_117, %dma_wait3A_126, %dma_wait3A_127] : memref<4x256x64xf32, #tpu.memory_space<vmem>> -> memref<1x256x64xf32, #tpu.memory_space<vmem>>
    %dma_wait3A_129 = tpu.memref_squeeze %dma_wait3A_128 : memref<1x256x64xf32, #tpu.memory_space<vmem>> -> memref<256x64xf32, #tpu.memory_space<vmem>>
    tpu.wait_dma2 semaphore(%arg19 : memref<!tpu.dma_semaphore, #tpu.memory_space<semaphore_mem>>) src(%dma_wait3A_129 : memref<256x64xf32, #tpu.memory_space<vmem>>) dst(%dma_wait3A_125 : memref<256x64xf32, #tpu.memory_space<hbm>>)
    %add3A_130 = arith.constant 1024 : i32
    %add3A_131 = arith.addi %mul3A_2, %add3A_130 : i32
    %dma_start3A_132 = arith.constant 0 : i32
    %dma_start3A_133 = arith.constant 0 : i32
    %dma_start3A_134 = arith.constant 0 : i32
    %dma_start3A_135 = tpu.memref_slice %arg12[%dma_start3A_132, %dma_start3A_133, %dma_start3A_134] : memref<4x256x64xf32, #tpu.memory_space<vmem>> -> memref<1x256x64xf32, #tpu.memory_space<vmem>>
    %dma_start3A_136 = tpu.memref_squeeze %dma_start3A_135 : memref<1x256x64xf32, #tpu.memory_space<vmem>> -> memref<256x64xf32, #tpu.memory_space<vmem>>
    %dma_start3A_137 = arith.constant 0 : i32
    %dma_start3A_138 = tpu.memref_slice %arg2[%add3A_131, %dma_start3A_137] : memref<262144x64xf32, #tpu.memory_space<hbm>> -> memref<256x64xf32, #tpu.memory_space<hbm>>
    %dma_start3A_139 = arith.constant 0 : i32
    %dma_start3A_140 = arith.constant 0 : i32
    %dma_start3A_141 = tpu.memref_slice %arg12[%dma_start3A_132, %dma_start3A_139, %dma_start3A_140] : memref<4x256x64xf32, #tpu.memory_space<vmem>> -> memref<1x256x64xf32, #tpu.memory_space<vmem>>
    %dma_start3A_142 = tpu.memref_squeeze %dma_start3A_141 : memref<1x256x64xf32, #tpu.memory_space<vmem>> -> memref<256x64xf32, #tpu.memory_space<vmem>>
    %dma_start3A_143 = arith.constant 0 : i32
    %dma_start3A_144 = tpu.memref_slice %arg2[%add3A_131, %dma_start3A_143] : memref<262144x64xf32, #tpu.memory_space<hbm>> -> memref<256x64xf32, #tpu.memory_space<hbm>>
    tpu.enqueue_dma source(%dma_start3A_144 : memref<256x64xf32, #tpu.memory_space<hbm>>) target(%dma_start3A_142 : memref<256x64xf32, #tpu.memory_space<vmem>>) target_semaphore(%arg15 : memref<!tpu.dma_semaphore, #tpu.memory_space<semaphore_mem>>)
    %dma_wait3A_145 = arith.constant 2 : i32
    %dma_wait3A_146 = arith.constant 0 : i32
    %dma_wait3A_147 = arith.constant 0 : i32
    %dma_wait3A_148 = tpu.memref_slice %arg12[%dma_wait3A_145, %dma_wait3A_146, %dma_wait3A_147] : memref<4x256x64xf32, #tpu.memory_space<vmem>> -> memref<1x256x64xf32, #tpu.memory_space<vmem>>
    %dma_wait3A_149 = tpu.memref_squeeze %dma_wait3A_148 : memref<1x256x64xf32, #tpu.memory_space<vmem>> -> memref<256x64xf32, #tpu.memory_space<vmem>>
    %dma_wait3A_150 = arith.constant 0 : i32
    %dma_wait3A_151 = tpu.memref_slice %arg2[%add3A_33, %dma_wait3A_150] : memref<262144x64xf32, #tpu.memory_space<hbm>> -> memref<256x64xf32, #tpu.memory_space<hbm>>
    %dma_wait3A_152 = arith.constant 0 : i32
    %dma_wait3A_153 = arith.constant 0 : i32
    %dma_wait3A_154 = tpu.memref_slice %arg12[%dma_wait3A_145, %dma_wait3A_152, %dma_wait3A_153] : memref<4x256x64xf32, #tpu.memory_space<vmem>> -> memref<1x256x64xf32, #tpu.memory_space<vmem>>
    %dma_wait3A_155 = tpu.memref_squeeze %dma_wait3A_154 : memref<1x256x64xf32, #tpu.memory_space<vmem>> -> memref<256x64xf32, #tpu.memory_space<vmem>>
    %dma_wait3A_156 = arith.constant 0 : i32
    %dma_wait3A_157 = tpu.memref_slice %arg2[%add3A_33, %dma_wait3A_156] : memref<262144x64xf32, #tpu.memory_space<hbm>> -> memref<256x64xf32, #tpu.memory_space<hbm>>
    tpu.wait_dma2 semaphore(%arg17 : memref<!tpu.dma_semaphore, #tpu.memory_space<semaphore_mem>>) src(%dma_wait3A_157 : memref<256x64xf32, #tpu.memory_space<hbm>>) dst(%dma_wait3A_155 : memref<256x64xf32, #tpu.memory_space<vmem>>)
    %add3A_158 = arith.constant 512 : i32
    %add3A_159 = arith.addi %mul3A_2, %add3A_158 : i32
    %dma_start3A_160 = arith.constant 2 : i32
    %dma_start3A_161 = arith.constant 0 : i32
    %dma_start3A_162 = arith.constant 0 : i32
    %dma_start3A_163 = tpu.memref_slice %arg12[%dma_start3A_160, %dma_start3A_161, %dma_start3A_162] : memref<4x256x64xf32, #tpu.memory_space<vmem>> -> memref<1x256x64xf32, #tpu.memory_space<vmem>>
    %dma_start3A_164 = tpu.memref_squeeze %dma_start3A_163 : memref<1x256x64xf32, #tpu.memory_space<vmem>> -> memref<256x64xf32, #tpu.memory_space<vmem>>
    %dma_start3A_165 = arith.constant 0 : i32
    %dma_start3A_166 = tpu.memref_slice %arg5[%add3A_159, %dma_start3A_165] : memref<262144x64xf32, #tpu.memory_space<hbm>> -> memref<256x64xf32, #tpu.memory_space<hbm>>
    %dma_start3A_167 = arith.constant 0 : i32
    %dma_start3A_168 = tpu.memref_slice %arg5[%add3A_159, %dma_start3A_167] : memref<262144x64xf32, #tpu.memory_space<hbm>> -> memref<256x64xf32, #tpu.memory_space<hbm>>
    %dma_start3A_169 = arith.constant 0 : i32
    %dma_start3A_170 = arith.constant 0 : i32
    %dma_start3A_171 = tpu.memref_slice %arg12[%dma_start3A_160, %dma_start3A_169, %dma_start3A_170] : memref<4x256x64xf32, #tpu.memory_space<vmem>> -> memref<1x256x64xf32, #tpu.memory_space<vmem>>
    %dma_start3A_172 = tpu.memref_squeeze %dma_start3A_171 : memref<1x256x64xf32, #tpu.memory_space<vmem>> -> memref<256x64xf32, #tpu.memory_space<vmem>>
    tpu.enqueue_dma source(%dma_start3A_172 : memref<256x64xf32, #tpu.memory_space<vmem>>) target(%dma_start3A_168 : memref<256x64xf32, #tpu.memory_space<hbm>>) target_semaphore(%arg21 : memref<!tpu.dma_semaphore, #tpu.memory_space<semaphore_mem>>)
    %dma_wait3A_173 = arith.constant 1 : i32
    %dma_wait3A_174 = arith.constant 0 : i32
    %dma_wait3A_175 = arith.constant 0 : i32
    %dma_wait3A_176 = tpu.memref_slice %arg12[%dma_wait3A_173, %dma_wait3A_174, %dma_wait3A_175] : memref<4x256x64xf32, #tpu.memory_space<vmem>> -> memref<1x256x64xf32, #tpu.memory_space<vmem>>
    %dma_wait3A_177 = tpu.memref_squeeze %dma_wait3A_176 : memref<1x256x64xf32, #tpu.memory_space<vmem>> -> memref<256x64xf32, #tpu.memory_space<vmem>>
    %dma_wait3A_178 = arith.constant 0 : i32
    %dma_wait3A_179 = tpu.memref_slice %arg5[%add3A_103, %dma_wait3A_178] : memref<262144x64xf32, #tpu.memory_space<hbm>> -> memref<256x64xf32, #tpu.memory_space<hbm>>
    %dma_wait3A_180 = arith.constant 0 : i32
    %dma_wait3A_181 = tpu.memref_slice %arg5[%add3A_103, %dma_wait3A_180] : memref<262144x64xf32, #tpu.memory_space<hbm>> -> memref<256x64xf32, #tpu.memory_space<hbm>>
    %dma_wait3A_182 = arith.constant 0 : i32
    %dma_wait3A_183 = arith.constant 0 : i32
    %dma_wait3A_184 = tpu.memref_slice %arg12[%dma_wait3A_173, %dma_wait3A_182, %dma_wait3A_183] : memref<4x256x64xf32, #tpu.memory_space<vmem>> -> memref<1x256x64xf32, #tpu.memory_space<vmem>>
    %dma_wait3A_185 = tpu.memref_squeeze %dma_wait3A_184 : memref<1x256x64xf32, #tpu.memory_space<vmem>> -> memref<256x64xf32, #tpu.memory_space<vmem>>
    tpu.wait_dma2 semaphore(%arg20 : memref<!tpu.dma_semaphore, #tpu.memory_space<semaphore_mem>>) src(%dma_wait3A_185 : memref<256x64xf32, #tpu.memory_space<vmem>>) dst(%dma_wait3A_181 : memref<256x64xf32, #tpu.memory_space<hbm>>)
    %add3A_186 = arith.constant 1280 : i32
    %add3A_187 = arith.addi %mul3A_2, %add3A_186 : i32
    %dma_start3A_188 = arith.constant 1 : i32
    %dma_start3A_189 = arith.constant 0 : i32
    %dma_start3A_190 = arith.constant 0 : i32
    %dma_start3A_191 = tpu.memref_slice %arg12[%dma_start3A_188, %dma_start3A_189, %dma_start3A_190] : memref<4x256x64xf32, #tpu.memory_space<vmem>> -> memref<1x256x64xf32, #tpu.memory_space<vmem>>
    %dma_start3A_192 = tpu.memref_squeeze %dma_start3A_191 : memref<1x256x64xf32, #tpu.memory_space<vmem>> -> memref<256x64xf32, #tpu.memory_space<vmem>>
    %dma_start3A_193 = arith.constant 0 : i32
    %dma_start3A_194 = tpu.memref_slice %arg2[%add3A_187, %dma_start3A_193] : memref<262144x64xf32, #tpu.memory_space<hbm>> -> memref<256x64xf32, #tpu.memory_space<hbm>>
    %dma_start3A_195 = arith.constant 0 : i32
    %dma_start3A_196 = arith.constant 0 : i32
    %dma_start3A_197 = tpu.memref_slice %arg12[%dma_start3A_188, %dma_start3A_195, %dma_start3A_196] : memref<4x256x64xf32, #tpu.memory_space<vmem>> -> memref<1x256x64xf32, #tpu.memory_space<vmem>>
    %dma_start3A_198 = tpu.memref_squeeze %dma_start3A_197 : memref<1x256x64xf32, #tpu.memory_space<vmem>> -> memref<256x64xf32, #tpu.memory_space<vmem>>
    %dma_start3A_199 = arith.constant 0 : i32
    %dma_start3A_200 = tpu.memref_slice %arg2[%add3A_187, %dma_start3A_199] : memref<262144x64xf32, #tpu.memory_space<hbm>> -> memref<256x64xf32, #tpu.memory_space<hbm>>
    tpu.enqueue_dma source(%dma_start3A_200 : memref<256x64xf32, #tpu.memory_space<hbm>>) target(%dma_start3A_198 : memref<256x64xf32, #tpu.memory_space<vmem>>) target_semaphore(%arg16 : memref<!tpu.dma_semaphore, #tpu.memory_space<semaphore_mem>>)
    %dma_wait3A_201 = arith.constant 3 : i32
    %dma_wait3A_202 = arith.constant 0 : i32
    %dma_wait3A_203 = arith.constant 0 : i32
    %dma_wait3A_204 = tpu.memref_slice %arg12[%dma_wait3A_201, %dma_wait3A_202, %dma_wait3A_203] : memref<4x256x64xf32, #tpu.memory_space<vmem>> -> memref<1x256x64xf32, #tpu.memory_space<vmem>>
    %dma_wait3A_205 = tpu.memref_squeeze %dma_wait3A_204 : memref<1x256x64xf32, #tpu.memory_space<vmem>> -> memref<256x64xf32, #tpu.memory_space<vmem>>
    %dma_wait3A_206 = arith.constant 0 : i32
    %dma_wait3A_207 = tpu.memref_slice %arg2[%add3A_75, %dma_wait3A_206] : memref<262144x64xf32, #tpu.memory_space<hbm>> -> memref<256x64xf32, #tpu.memory_space<hbm>>
    %dma_wait3A_208 = arith.constant 0 : i32
    %dma_wait3A_209 = arith.constant 0 : i32
    %dma_wait3A_210 = tpu.memref_slice %arg12[%dma_wait3A_201, %dma_wait3A_208, %dma_wait3A_209] : memref<4x256x64xf32, #tpu.memory_space<vmem>> -> memref<1x256x64xf32, #tpu.memory_space<vmem>>
    %dma_wait3A_211 = tpu.memref_squeeze %dma_wait3A_210 : memref<1x256x64xf32, #tpu.memory_space<vmem>> -> memref<256x64xf32, #tpu.memory_space<vmem>>
    %dma_wait3A_212 = arith.constant 0 : i32
    %dma_wait3A_213 = tpu.memref_slice %arg2[%add3A_75, %dma_wait3A_212] : memref<262144x64xf32, #tpu.memory_space<hbm>> -> memref<256x64xf32, #tpu.memory_space<hbm>>
    tpu.wait_dma2 semaphore(%arg18 : memref<!tpu.dma_semaphore, #tpu.memory_space<semaphore_mem>>) src(%dma_wait3A_213 : memref<256x64xf32, #tpu.memory_space<hbm>>) dst(%dma_wait3A_211 : memref<256x64xf32, #tpu.memory_space<vmem>>)
    %add3A_214 = arith.constant 768 : i32
    %add3A_215 = arith.addi %mul3A_2, %add3A_214 : i32
    %dma_start3A_216 = arith.constant 3 : i32
    %dma_start3A_217 = arith.constant 0 : i32
    %dma_start3A_218 = arith.constant 0 : i32
    %dma_start3A_219 = tpu.memref_slice %arg12[%dma_start3A_216, %dma_start3A_217, %dma_start3A_218] : memref<4x256x64xf32, #tpu.memory_space<vmem>> -> memref<1x256x64xf32, #tpu.memory_space<vmem>>
    %dma_start3A_220 = tpu.memref_squeeze %dma_start3A_219 : memref<1x256x64xf32, #tpu.memory_space<vmem>> -> memref<256x64xf32, #tpu.memory_space<vmem>>
    %dma_start3A_221 = arith.constant 0 : i32
    %dma_start3A_222 = tpu.memref_slice %arg5[%add3A_215, %dma_start3A_221] : memref<262144x64xf32, #tpu.memory_space<hbm>> -> memref<256x64xf32, #tpu.memory_space<hbm>>
    %dma_start3A_223 = arith.constant 0 : i32
    %dma_start3A_224 = tpu.memref_slice %arg5[%add3A_215, %dma_start3A_223] : memref<262144x64xf32, #tpu.memory_space<hbm>> -> memref<256x64xf32, #tpu.memory_space<hbm>>
    %dma_start3A_225 = arith.constant 0 : i32
    %dma_start3A_226 = arith.constant 0 : i32
    %dma_start3A_227 = tpu.memref_slice %arg12[%dma_start3A_216, %dma_start3A_225, %dma_start3A_226] : memref<4x256x64xf32, #tpu.memory_space<vmem>> -> memref<1x256x64xf32, #tpu.memory_space<vmem>>
    %dma_start3A_228 = tpu.memref_squeeze %dma_start3A_227 : memref<1x256x64xf32, #tpu.memory_space<vmem>> -> memref<256x64xf32, #tpu.memory_space<vmem>>
    tpu.enqueue_dma source(%dma_start3A_228 : memref<256x64xf32, #tpu.memory_space<vmem>>) target(%dma_start3A_224 : memref<256x64xf32, #tpu.memory_space<hbm>>) target_semaphore(%arg22 : memref<!tpu.dma_semaphore, #tpu.memory_space<semaphore_mem>>)
    %dma_wait3A_229 = arith.constant 2 : i32
    %dma_wait3A_230 = arith.constant 0 : i32
    %dma_wait3A_231 = arith.constant 0 : i32
    %dma_wait3A_232 = tpu.memref_slice %arg12[%dma_wait3A_229, %dma_wait3A_230, %dma_wait3A_231] : memref<4x256x64xf32, #tpu.memory_space<vmem>> -> memref<1x256x64xf32, #tpu.memory_space<vmem>>
    %dma_wait3A_233 = tpu.memref_squeeze %dma_wait3A_232 : memref<1x256x64xf32, #tpu.memory_space<vmem>> -> memref<256x64xf32, #tpu.memory_space<vmem>>
    %dma_wait3A_234 = arith.constant 0 : i32
    %dma_wait3A_235 = tpu.memref_slice %arg5[%add3A_159, %dma_wait3A_234] : memref<262144x64xf32, #tpu.memory_space<hbm>> -> memref<256x64xf32, #tpu.memory_space<hbm>>
    %dma_wait3A_236 = arith.constant 0 : i32
    %dma_wait3A_237 = tpu.memref_slice %arg5[%add3A_159, %dma_wait3A_236] : memref<262144x64xf32, #tpu.memory_space<hbm>> -> memref<256x64xf32, #tpu.memory_space<hbm>>
    %dma_wait3A_238 = arith.constant 0 : i32
    %dma_wait3A_239 = arith.constant 0 : i32
    %dma_wait3A_240 = tpu.memref_slice %arg12[%dma_wait3A_229, %dma_wait3A_238, %dma_wait3A_239] : memref<4x256x64xf32, #tpu.memory_space<vmem>> -> memref<1x256x64xf32, #tpu.memory_space<vmem>>
    %dma_wait3A_241 = tpu.memref_squeeze %dma_wait3A_240 : memref<1x256x64xf32, #tpu.memory_space<vmem>> -> memref<256x64xf32, #tpu.memory_space<vmem>>
    tpu.wait_dma2 semaphore(%arg21 : memref<!tpu.dma_semaphore, #tpu.memory_space<semaphore_mem>>) src(%dma_wait3A_241 : memref<256x64xf32, #tpu.memory_space<vmem>>) dst(%dma_wait3A_237 : memref<256x64xf32, #tpu.memory_space<hbm>>)
    %add3A_242 = arith.constant 1536 : i32
    %add3A_243 = arith.addi %mul3A_2, %add3A_242 : i32
    %dma_start3A_244 = arith.constant 2 : i32
    %dma_start3A_245 = arith.constant 0 : i32
    %dma_start3A_246 = arith.constant 0 : i32
    %dma_start3A_247 = tpu.memref_slice %arg12[%dma_start3A_244, %dma_start3A_245, %dma_start3A_246] : memref<4x256x64xf32, #tpu.memory_space<vmem>> -> memref<1x256x64xf32, #tpu.memory_space<vmem>>
    %dma_start3A_248 = tpu.memref_squeeze %dma_start3A_247 : memref<1x256x64xf32, #tpu.memory_space<vmem>> -> memref<256x64xf32, #tpu.memory_space<vmem>>
    %dma_start3A_249 = arith.constant 0 : i32
    %dma_start3A_250 = tpu.memref_slice %arg2[%add3A_243, %dma_start3A_249] : memref<262144x64xf32, #tpu.memory_space<hbm>> -> memref<256x64xf32, #tpu.memory_space<hbm>>
    %dma_start3A_251 = arith.constant 0 : i32
    %dma_start3A_252 = arith.constant 0 : i32
    %dma_start3A_253 = tpu.memref_slice %arg12[%dma_start3A_244, %dma_start3A_251, %dma_start3A_252] : memref<4x256x64xf32, #tpu.memory_space<vmem>> -> memref<1x256x64xf32, #tpu.memory_space<vmem>>
    %dma_start3A_254 = tpu.memref_squeeze %dma_start3A_253 : memref<1x256x64xf32, #tpu.memory_space<vmem>> -> memref<256x64xf32, #tpu.memory_space<vmem>>
    %dma_start3A_255 = arith.constant 0 : i32
    %dma_start3A_256 = tpu.memref_slice %arg2[%add3A_243, %dma_start3A_255] : memref<262144x64xf32, #tpu.memory_space<hbm>> -> memref<256x64xf32, #tpu.memory_space<hbm>>
    tpu.enqueue_dma source(%dma_start3A_256 : memref<256x64xf32, #tpu.memory_space<hbm>>) target(%dma_start3A_254 : memref<256x64xf32, #tpu.memory_space<vmem>>) target_semaphore(%arg17 : memref<!tpu.dma_semaphore, #tpu.memory_space<semaphore_mem>>)
    %dma_wait3A_257 = arith.constant 0 : i32
    %dma_wait3A_258 = arith.constant 0 : i32
    %dma_wait3A_259 = arith.constant 0 : i32
    %dma_wait3A_260 = tpu.memref_slice %arg12[%dma_wait3A_257, %dma_wait3A_258, %dma_wait3A_259] : memref<4x256x64xf32, #tpu.memory_space<vmem>> -> memref<1x256x64xf32, #tpu.memory_space<vmem>>
    %dma_wait3A_261 = tpu.memref_squeeze %dma_wait3A_260 : memref<1x256x64xf32, #tpu.memory_space<vmem>> -> memref<256x64xf32, #tpu.memory_space<vmem>>
    %dma_wait3A_262 = arith.constant 0 : i32
    %dma_wait3A_263 = tpu.memref_slice %arg2[%add3A_131, %dma_wait3A_262] : memref<262144x64xf32, #tpu.memory_space<hbm>> -> memref<256x64xf32, #tpu.memory_space<hbm>>
    %dma_wait3A_264 = arith.constant 0 : i32
    %dma_wait3A_265 = arith.constant 0 : i32
    %dma_wait3A_266 = tpu.memref_slice %arg12[%dma_wait3A_257, %dma_wait3A_264, %dma_wait3A_265] : memref<4x256x64xf32, #tpu.memory_space<vmem>> -> memref<1x256x64xf32, #tpu.memory_space<vmem>>
    %dma_wait3A_267 = tpu.memref_squeeze %dma_wait3A_266 : memref<1x256x64xf32, #tpu.memory_space<vmem>> -> memref<256x64xf32, #tpu.memory_space<vmem>>
    %dma_wait3A_268 = arith.constant 0 : i32
    %dma_wait3A_269 = tpu.memref_slice %arg2[%add3A_131, %dma_wait3A_268] : memref<262144x64xf32, #tpu.memory_space<hbm>> -> memref<256x64xf32, #tpu.memory_space<hbm>>
    tpu.wait_dma2 semaphore(%arg15 : memref<!tpu.dma_semaphore, #tpu.memory_space<semaphore_mem>>) src(%dma_wait3A_269 : memref<256x64xf32, #tpu.memory_space<hbm>>) dst(%dma_wait3A_267 : memref<256x64xf32, #tpu.memory_space<vmem>>)
    %add3A_270 = arith.constant 1024 : i32
    %add3A_271 = arith.addi %mul3A_2, %add3A_270 : i32
    %dma_start3A_272 = arith.constant 0 : i32
    %dma_start3A_273 = arith.constant 0 : i32
    %dma_start3A_274 = arith.constant 0 : i32
    %dma_start3A_275 = tpu.memref_slice %arg12[%dma_start3A_272, %dma_start3A_273, %dma_start3A_274] : memref<4x256x64xf32, #tpu.memory_space<vmem>> -> memref<1x256x64xf32, #tpu.memory_space<vmem>>
    %dma_start3A_276 = tpu.memref_squeeze %dma_start3A_275 : memref<1x256x64xf32, #tpu.memory_space<vmem>> -> memref<256x64xf32, #tpu.memory_space<vmem>>
    %dma_start3A_277 = arith.constant 0 : i32
    %dma_start3A_278 = tpu.memref_slice %arg5[%add3A_271, %dma_start3A_277] : memref<262144x64xf32, #tpu.memory_space<hbm>> -> memref<256x64xf32, #tpu.memory_space<hbm>>
    %dma_start3A_279 = arith.constant 0 : i32
    %dma_start3A_280 = tpu.memref_slice %arg5[%add3A_271, %dma_start3A_279] : memref<262144x64xf32, #tpu.memory_space<hbm>> -> memref<256x64xf32, #tpu.memory_space<hbm>>
    %dma_start3A_281 = arith.constant 0 : i32
    %dma_start3A_282 = arith.constant 0 : i32
    %dma_start3A_283 = tpu.memref_slice %arg12[%dma_start3A_272, %dma_start3A_281, %dma_start3A_282] : memref<4x256x64xf32, #tpu.memory_space<vmem>> -> memref<1x256x64xf32, #tpu.memory_space<vmem>>
    %dma_start3A_284 = tpu.memref_squeeze %dma_start3A_283 : memref<1x256x64xf32, #tpu.memory_space<vmem>> -> memref<256x64xf32, #tpu.memory_space<vmem>>
    tpu.enqueue_dma source(%dma_start3A_284 : memref<256x64xf32, #tpu.memory_space<vmem>>) target(%dma_start3A_280 : memref<256x64xf32, #tpu.memory_space<hbm>>) target_semaphore(%arg19 : memref<!tpu.dma_semaphore, #tpu.memory_space<semaphore_mem>>)
    %dma_wait3A_285 = arith.constant 3 : i32
    %dma_wait3A_286 = arith.constant 0 : i32
    %dma_wait3A_287 = arith.constant 0 : i32
    %dma_wait3A_288 = tpu.memref_slice %arg12[%dma_wait3A_285, %dma_wait3A_286, %dma_wait3A_287] : memref<4x256x64xf32, #tpu.memory_space<vmem>> -> memref<1x256x64xf32, #tpu.memory_space<vmem>>
    %dma_wait3A_289 = tpu.memref_squeeze %dma_wait3A_288 : memref<1x256x64xf32, #tpu.memory_space<vmem>> -> memref<256x64xf32, #tpu.memory_space<vmem>>
    %dma_wait3A_290 = arith.constant 0 : i32
    %dma_wait3A_291 = tpu.memref_slice %arg5[%add3A_215, %dma_wait3A_290] : memref<262144x64xf32, #tpu.memory_space<hbm>> -> memref<256x64xf32, #tpu.memory_space<hbm>>
    %dma_wait3A_292 = arith.constant 0 : i32
    %dma_wait3A_293 = tpu.memref_slice %arg5[%add3A_215, %dma_wait3A_292] : memref<262144x64xf32, #tpu.memory_space<hbm>> -> memref<256x64xf32, #tpu.memory_space<hbm>>
    %dma_wait3A_294 = arith.constant 0 : i32
    %dma_wait3A_295 = arith.constant 0 : i32
    %dma_wait3A_296 = tpu.memref_slice %arg12[%dma_wait3A_285, %dma_wait3A_294, %dma_wait3A_295] : memref<4x256x64xf32, #tpu.memory_space<vmem>> -> memref<1x256x64xf32, #tpu.memory_space<vmem>>
    %dma_wait3A_297 = tpu.memref_squeeze %dma_wait3A_296 : memref<1x256x64xf32, #tpu.memory_space<vmem>> -> memref<256x64xf32, #tpu.memory_space<vmem>>
    tpu.wait_dma2 semaphore(%arg22 : memref<!tpu.dma_semaphore, #tpu.memory_space<semaphore_mem>>) src(%dma_wait3A_297 : memref<256x64xf32, #tpu.memory_space<vmem>>) dst(%dma_wait3A_293 : memref<256x64xf32, #tpu.memory_space<hbm>>)
    %add3A_298 = arith.constant 1792 : i32
    %add3A_299 = arith.addi %mul3A_2, %add3A_298 : i32
    %dma_start3A_300 = arith.constant 3 : i32
    %dma_start3A_301 = arith.constant 0 : i32
    %dma_start3A_302 = arith.constant 0 : i32
    %dma_start3A_303 = tpu.memref_slice %arg12[%dma_start3A_300, %dma_start3A_301, %dma_start3A_302] : memref<4x256x64xf32, #tpu.memory_space<vmem>> -> memref<1x256x64xf32, #tpu.memory_space<vmem>>
    %dma_start3A_304 = tpu.memref_squeeze %dma_start3A_303 : memref<1x256x64xf32, #tpu.memory_space<vmem>> -> memref<256x64xf32, #tpu.memory_space<vmem>>
    %dma_start3A_305 = arith.constant 0 : i32
    %dma_start3A_306 = tpu.memref_slice %arg2[%add3A_299, %dma_start3A_305] : memref<262144x64xf32, #tpu.memory_space<hbm>> -> memref<256x64xf32, #tpu.memory_space<hbm>>
    %dma_start3A_307 = arith.constant 0 : i32
    %dma_start3A_308 = arith.constant 0 : i32
    %dma_start3A_309 = tpu.memref_slice %arg12[%dma_start3A_300, %dma_start3A_307, %dma_start3A_308] : memref<4x256x64xf32, #tpu.memory_space<vmem>> -> memref<1x256x64xf32, #tpu.memory_space<vmem>>
    %dma_start3A_310 = tpu.memref_squeeze %dma_start3A_309 : memref<1x256x64xf32, #tpu.memory_space<vmem>> -> memref<256x64xf32, #tpu.memory_space<vmem>>
    %dma_start3A_311 = arith.constant 0 : i32
    %dma_start3A_312 = tpu.memref_slice %arg2[%add3A_299, %dma_start3A_311] : memref<262144x64xf32, #tpu.memory_space<hbm>> -> memref<256x64xf32, #tpu.memory_space<hbm>>
    tpu.enqueue_dma source(%dma_start3A_312 : memref<256x64xf32, #tpu.memory_space<hbm>>) target(%dma_start3A_310 : memref<256x64xf32, #tpu.memory_space<vmem>>) target_semaphore(%arg18 : memref<!tpu.dma_semaphore, #tpu.memory_space<semaphore_mem>>)
    %dma_wait3A_313 = arith.constant 1 : i32
    %dma_wait3A_314 = arith.constant 0 : i32
    %dma_wait3A_315 = arith.constant 0 : i32
    %dma_wait3A_316 = tpu.memref_slice %arg12[%dma_wait3A_313, %dma_wait3A_314, %dma_wait3A_315] : memref<4x256x64xf32, #tpu.memory_space<vmem>> -> memref<1x256x64xf32, #tpu.memory_space<vmem>>
    %dma_wait3A_317 = tpu.memref_squeeze %dma_wait3A_316 : memref<1x256x64xf32, #tpu.memory_space<vmem>> -> memref<256x64xf32, #tpu.memory_space<vmem>>
    %dma_wait3A_318 = arith.constant 0 : i32
    %dma_wait3A_319 = tpu.memref_slice %arg2[%add3A_187, %dma_wait3A_318] : memref<262144x64xf32, #tpu.memory_space<hbm>> -> memref<256x64xf32, #tpu.memory_space<hbm>>
    %dma_wait3A_320 = arith.constant 0 : i32
    %dma_wait3A_321 = arith.constant 0 : i32
    %dma_wait3A_322 = tpu.memref_slice %arg12[%dma_wait3A_313, %dma_wait3A_320, %dma_wait3A_321] : memref<4x256x64xf32, #tpu.memory_space<vmem>> -> memref<1x256x64xf32, #tpu.memory_space<vmem>>
    %dma_wait3A_323 = tpu.memref_squeeze %dma_wait3A_322 : memref<1x256x64xf32, #tpu.memory_space<vmem>> -> memref<256x64xf32, #tpu.memory_space<vmem>>
    %dma_wait3A_324 = arith.constant 0 : i32
    %dma_wait3A_325 = tpu.memref_slice %arg2[%add3A_187, %dma_wait3A_324] : memref<262144x64xf32, #tpu.memory_space<hbm>> -> memref<256x64xf32, #tpu.memory_space<hbm>>
    tpu.wait_dma2 semaphore(%arg16 : memref<!tpu.dma_semaphore, #tpu.memory_space<semaphore_mem>>) src(%dma_wait3A_325 : memref<256x64xf32, #tpu.memory_space<hbm>>) dst(%dma_wait3A_323 : memref<256x64xf32, #tpu.memory_space<vmem>>)
    %add3A_326 = arith.constant 1280 : i32
    %add3A_327 = arith.addi %mul3A_2, %add3A_326 : i32
    %dma_start3A_328 = arith.constant 1 : i32
    %dma_start3A_329 = arith.constant 0 : i32
    %dma_start3A_330 = arith.constant 0 : i32
    %dma_start3A_331 = tpu.memref_slice %arg12[%dma_start3A_328, %dma_start3A_329, %dma_start3A_330] : memref<4x256x64xf32, #tpu.memory_space<vmem>> -> memref<1x256x64xf32, #tpu.memory_space<vmem>>
    %dma_start3A_332 = tpu.memref_squeeze %dma_start3A_331 : memref<1x256x64xf32, #tpu.memory_space<vmem>> -> memref<256x64xf32, #tpu.memory_space<vmem>>
    %dma_start3A_333 = arith.constant 0 : i32
    %dma_start3A_334 = tpu.memref_slice %arg5[%add3A_327, %dma_start3A_333] : memref<262144x64xf32, #tpu.memory_space<hbm>> -> memref<256x64xf32, #tpu.memory_space<hbm>>
    %dma_start3A_335 = arith.constant 0 : i32
    %dma_start3A_336 = tpu.memref_slice %arg5[%add3A_327, %dma_start3A_335] : memref<262144x64xf32, #tpu.memory_space<hbm>> -> memref<256x64xf32, #tpu.memory_space<hbm>>
    %dma_start3A_337 = arith.constant 0 : i32
    %dma_start3A_338 = arith.constant 0 : i32
    %dma_start3A_339 = tpu.memref_slice %arg12[%dma_start3A_328, %dma_start3A_337, %dma_start3A_338] : memref<4x256x64xf32, #tpu.memory_space<vmem>> -> memref<1x256x64xf32, #tpu.memory_space<vmem>>
    %dma_start3A_340 = tpu.memref_squeeze %dma_start3A_339 : memref<1x256x64xf32, #tpu.memory_space<vmem>> -> memref<256x64xf32, #tpu.memory_space<vmem>>
    tpu.enqueue_dma source(%dma_start3A_340 : memref<256x64xf32, #tpu.memory_space<vmem>>) target(%dma_start3A_336 : memref<256x64xf32, #tpu.memory_space<hbm>>) target_semaphore(%arg20 : memref<!tpu.dma_semaphore, #tpu.memory_space<semaphore_mem>>)
    %dma_wait3A_341 = arith.constant 0 : i32
    %dma_wait3A_342 = arith.constant 0 : i32
    %dma_wait3A_343 = arith.constant 0 : i32
    %dma_wait3A_344 = tpu.memref_slice %arg12[%dma_wait3A_341, %dma_wait3A_342, %dma_wait3A_343] : memref<4x256x64xf32, #tpu.memory_space<vmem>> -> memref<1x256x64xf32, #tpu.memory_space<vmem>>
    %dma_wait3A_345 = tpu.memref_squeeze %dma_wait3A_344 : memref<1x256x64xf32, #tpu.memory_space<vmem>> -> memref<256x64xf32, #tpu.memory_space<vmem>>
    %dma_wait3A_346 = arith.constant 0 : i32
    %dma_wait3A_347 = tpu.memref_slice %arg5[%add3A_271, %dma_wait3A_346] : memref<262144x64xf32, #tpu.memory_space<hbm>> -> memref<256x64xf32, #tpu.memory_space<hbm>>
    %dma_wait3A_348 = arith.constant 0 : i32
    %dma_wait3A_349 = tpu.memref_slice %arg5[%add3A_271, %dma_wait3A_348] : memref<262144x64xf32, #tpu.memory_space<hbm>> -> memref<256x64xf32, #tpu.memory_space<hbm>>
    %dma_wait3A_350 = arith.constant 0 : i32
    %dma_wait3A_351 = arith.constant 0 : i32
    %dma_wait3A_352 = tpu.memref_slice %arg12[%dma_wait3A_341, %dma_wait3A_350, %dma_wait3A_351] : memref<4x256x64xf32, #tpu.memory_space<vmem>> -> memref<1x256x64xf32, #tpu.memory_space<vmem>>
    %dma_wait3A_353 = tpu.memref_squeeze %dma_wait3A_352 : memref<1x256x64xf32, #tpu.memory_space<vmem>> -> memref<256x64xf32, #tpu.memory_space<vmem>>
    tpu.wait_dma2 semaphore(%arg19 : memref<!tpu.dma_semaphore, #tpu.memory_space<semaphore_mem>>) src(%dma_wait3A_353 : memref<256x64xf32, #tpu.memory_space<vmem>>) dst(%dma_wait3A_349 : memref<256x64xf32, #tpu.memory_space<hbm>>)
    %add3A_354 = arith.constant 2048 : i32
    %add3A_355 = arith.addi %mul3A_2, %add3A_354 : i32
    %dma_start3A_356 = arith.constant 0 : i32
    %dma_start3A_357 = arith.constant 0 : i32
    %dma_start3A_358 = arith.constant 0 : i32
    %dma_start3A_359 = tpu.memref_slice %arg12[%dma_start3A_356, %dma_start3A_357, %dma_start3A_358] : memref<4x256x64xf32, #tpu.memory_space<vmem>> -> memref<1x256x64xf32, #tpu.memory_space<vmem>>
    %dma_start3A_360 = tpu.memref_squeeze %dma_start3A_359 : memref<1x256x64xf32, #tpu.memory_space<vmem>> -> memref<256x64xf32, #tpu.memory_space<vmem>>
    %dma_start3A_361 = arith.constant 0 : i32
    %dma_start3A_362 = tpu.memref_slice %arg2[%add3A_355, %dma_start3A_361] : memref<262144x64xf32, #tpu.memory_space<hbm>> -> memref<256x64xf32, #tpu.memory_space<hbm>>
    %dma_start3A_363 = arith.constant 0 : i32
    %dma_start3A_364 = arith.constant 0 : i32
    %dma_start3A_365 = tpu.memref_slice %arg12[%dma_start3A_356, %dma_start3A_363, %dma_start3A_364] : memref<4x256x64xf32, #tpu.memory_space<vmem>> -> memref<1x256x64xf32, #tpu.memory_space<vmem>>
    %dma_start3A_366 = tpu.memref_squeeze %dma_start3A_365 : memref<1x256x64xf32, #tpu.memory_space<vmem>> -> memref<256x64xf32, #tpu.memory_space<vmem>>
    %dma_start3A_367 = arith.constant 0 : i32
    %dma_start3A_368 = tpu.memref_slice %arg2[%add3A_355, %dma_start3A_367] : memref<262144x64xf32, #tpu.memory_space<hbm>> -> memref<256x64xf32, #tpu.memory_space<hbm>>
    tpu.enqueue_dma source(%dma_start3A_368 : memref<256x64xf32, #tpu.memory_space<hbm>>) target(%dma_start3A_366 : memref<256x64xf32, #tpu.memory_space<vmem>>) target_semaphore(%arg15 : memref<!tpu.dma_semaphore, #tpu.memory_space<semaphore_mem>>)
    %dma_wait3A_369 = arith.constant 2 : i32
    %dma_wait3A_370 = arith.constant 0 : i32
    %dma_wait3A_371 = arith.constant 0 : i32
    %dma_wait3A_372 = tpu.memref_slice %arg12[%dma_wait3A_369, %dma_wait3A_370, %dma_wait3A_371] : memref<4x256x64xf32, #tpu.memory_space<vmem>> -> memref<1x256x64xf32, #tpu.memory_space<vmem>>
    %dma_wait3A_373 = tpu.memref_squeeze %dma_wait3A_372 : memref<1x256x64xf32, #tpu.memory_space<vmem>> -> memref<256x64xf32, #tpu.memory_space<vmem>>
    %dma_wait3A_374 = arith.constant 0 : i32
    %dma_wait3A_375 = tpu.memref_slice %arg2[%add3A_243, %dma_wait3A_374] : memref<262144x64xf32, #tpu.memory_space<hbm>> -> memref<256x64xf32, #tpu.memory_space<hbm>>
    %dma_wait3A_376 = arith.constant 0 : i32
    %dma_wait3A_377 = arith.constant 0 : i32
    %dma_wait3A_378 = tpu.memref_slice %arg12[%dma_wait3A_369, %dma_wait3A_376, %dma_wait3A_377] : memref<4x256x64xf32, #tpu.memory_space<vmem>> -> memref<1x256x64xf32, #tpu.memory_space<vmem>>
    %dma_wait3A_379 = tpu.memref_squeeze %dma_wait3A_378 : memref<1x256x64xf32, #tpu.memory_space<vmem>> -> memref<256x64xf32, #tpu.memory_space<vmem>>
    %dma_wait3A_380 = arith.constant 0 : i32
    %dma_wait3A_381 = tpu.memref_slice %arg2[%add3A_243, %dma_wait3A_380] : memref<262144x64xf32, #tpu.memory_space<hbm>> -> memref<256x64xf32, #tpu.memory_space<hbm>>
    tpu.wait_dma2 semaphore(%arg17 : memref<!tpu.dma_semaphore, #tpu.memory_space<semaphore_mem>>) src(%dma_wait3A_381 : memref<256x64xf32, #tpu.memory_space<hbm>>) dst(%dma_wait3A_379 : memref<256x64xf32, #tpu.memory_space<vmem>>)
    %add3A_382 = arith.constant 1536 : i32
    %add3A_383 = arith.addi %mul3A_2, %add3A_382 : i32
    %dma_start3A_384 = arith.constant 2 : i32
    %dma_start3A_385 = arith.constant 0 : i32
    %dma_start3A_386 = arith.constant 0 : i32
    %dma_start3A_387 = tpu.memref_slice %arg12[%dma_start3A_384, %dma_start3A_385, %dma_start3A_386] : memref<4x256x64xf32, #tpu.memory_space<vmem>> -> memref<1x256x64xf32, #tpu.memory_space<vmem>>
    %dma_start3A_388 = tpu.memref_squeeze %dma_start3A_387 : memref<1x256x64xf32, #tpu.memory_space<vmem>> -> memref<256x64xf32, #tpu.memory_space<vmem>>
    %dma_start3A_389 = arith.constant 0 : i32
    %dma_start3A_390 = tpu.memref_slice %arg5[%add3A_383, %dma_start3A_389] : memref<262144x64xf32, #tpu.memory_space<hbm>> -> memref<256x64xf32, #tpu.memory_space<hbm>>
    %dma_start3A_391 = arith.constant 0 : i32
    %dma_start3A_392 = tpu.memref_slice %arg5[%add3A_383, %dma_start3A_391] : memref<262144x64xf32, #tpu.memory_space<hbm>> -> memref<256x64xf32, #tpu.memory_space<hbm>>
    %dma_start3A_393 = arith.constant 0 : i32
    %dma_start3A_394 = arith.constant 0 : i32
    %dma_start3A_395 = tpu.memref_slice %arg12[%dma_start3A_384, %dma_start3A_393, %dma_start3A_394] : memref<4x256x64xf32, #tpu.memory_space<vmem>> -> memref<1x256x64xf32, #tpu.memory_space<vmem>>
    %dma_start3A_396 = tpu.memref_squeeze %dma_start3A_395 : memref<1x256x64xf32, #tpu.memory_space<vmem>> -> memref<256x64xf32, #tpu.memory_space<vmem>>
    tpu.enqueue_dma source(%dma_start3A_396 : memref<256x64xf32, #tpu.memory_space<vmem>>) target(%dma_start3A_392 : memref<256x64xf32, #tpu.memory_space<hbm>>) target_semaphore(%arg21 : memref<!tpu.dma_semaphore, #tpu.memory_space<semaphore_mem>>)
    %dma_wait3A_397 = arith.constant 1 : i32
    %dma_wait3A_398 = arith.constant 0 : i32
    %dma_wait3A_399 = arith.constant 0 : i32
    %dma_wait3A_400 = tpu.memref_slice %arg12[%dma_wait3A_397, %dma_wait3A_398, %dma_wait3A_399] : memref<4x256x64xf32, #tpu.memory_space<vmem>> -> memref<1x256x64xf32, #tpu.memory_space<vmem>>
    %dma_wait3A_401 = tpu.memref_squeeze %dma_wait3A_400 : memref<1x256x64xf32, #tpu.memory_space<vmem>> -> memref<256x64xf32, #tpu.memory_space<vmem>>
    %dma_wait3A_402 = arith.constant 0 : i32
    %dma_wait3A_403 = tpu.memref_slice %arg5[%add3A_327, %dma_wait3A_402] : memref<262144x64xf32, #tpu.memory_space<hbm>> -> memref<256x64xf32, #tpu.memory_space<hbm>>
    %dma_wait3A_404 = arith.constant 0 : i32
    %dma_wait3A_405 = tpu.memref_slice %arg5[%add3A_327, %dma_wait3A_404] : memref<262144x64xf32, #tpu.memory_space<hbm>> -> memref<256x64xf32, #tpu.memory_space<hbm>>
    %dma_wait3A_406 = arith.constant 0 : i32
    %dma_wait3A_407 = arith.constant 0 : i32
    %dma_wait3A_408 = tpu.memref_slice %arg12[%dma_wait3A_397, %dma_wait3A_406, %dma_wait3A_407] : memref<4x256x64xf32, #tpu.memory_space<vmem>> -> memref<1x256x64xf32, #tpu.memory_space<vmem>>
    %dma_wait3A_409 = tpu.memref_squeeze %dma_wait3A_408 : memref<1x256x64xf32, #tpu.memory_space<vmem>> -> memref<256x64xf32, #tpu.memory_space<vmem>>
    tpu.wait_dma2 semaphore(%arg20 : memref<!tpu.dma_semaphore, #tpu.memory_space<semaphore_mem>>) src(%dma_wait3A_409 : memref<256x64xf32, #tpu.memory_space<vmem>>) dst(%dma_wait3A_405 : memref<256x64xf32, #tpu.memory_space<hbm>>)
    %add3A_410 = arith.constant 2304 : i32
    %add3A_411 = arith.addi %mul3A_2, %add3A_410 : i32
    %dma_start3A_412 = arith.constant 1 : i32
    %dma_start3A_413 = arith.constant 0 : i32
    %dma_start3A_414 = arith.constant 0 : i32
    %dma_start3A_415 = tpu.memref_slice %arg12[%dma_start3A_412, %dma_start3A_413, %dma_start3A_414] : memref<4x256x64xf32, #tpu.memory_space<vmem>> -> memref<1x256x64xf32, #tpu.memory_space<vmem>>
    %dma_start3A_416 = tpu.memref_squeeze %dma_start3A_415 : memref<1x256x64xf32, #tpu.memory_space<vmem>> -> memref<256x64xf32, #tpu.memory_space<vmem>>
    %dma_start3A_417 = arith.constant 0 : i32
    %dma_start3A_418 = tpu.memref_slice %arg2[%add3A_411, %dma_start3A_417] : memref<262144x64xf32, #tpu.memory_space<hbm>> -> memref<256x64xf32, #tpu.memory_space<hbm>>
    %dma_start3A_419 = arith.constant 0 : i32
    %dma_start3A_420 = arith.constant 0 : i32
    %dma_start3A_421 = tpu.memref_slice %arg12[%dma_start3A_412, %dma_start3A_419, %dma_start3A_420] : memref<4x256x64xf32, #tpu.memory_space<vmem>> -> memref<1x256x64xf32, #tpu.memory_space<vmem>>
    %dma_start3A_422 = tpu.memref_squeeze %dma_start3A_421 : memref<1x256x64xf32, #tpu.memory_space<vmem>> -> memref<256x64xf32, #tpu.memory_space<vmem>>
    %dma_start3A_423 = arith.constant 0 : i32
    %dma_start3A_424 = tpu.memref_slice %arg2[%add3A_411, %dma_start3A_423] : memref<262144x64xf32, #tpu.memory_space<hbm>> -> memref<256x64xf32, #tpu.memory_space<hbm>>
    tpu.enqueue_dma source(%dma_start3A_424 : memref<256x64xf32, #tpu.memory_space<hbm>>) target(%dma_start3A_422 : memref<256x64xf32, #tpu.memory_space<vmem>>) target_semaphore(%arg16 : memref<!tpu.dma_semaphore, #tpu.memory_space<semaphore_mem>>)
    %dma_wait3A_425 = arith.constant 3 : i32
    %dma_wait3A_426 = arith.constant 0 : i32
    %dma_wait3A_427 = arith.constant 0 : i32
    %dma_wait3A_428 = tpu.memref_slice %arg12[%dma_wait3A_425, %dma_wait3A_426, %dma_wait3A_427] : memref<4x256x64xf32, #tpu.memory_space<vmem>> -> memref<1x256x64xf32, #tpu.memory_space<vmem>>
    %dma_wait3A_429 = tpu.memref_squeeze %dma_wait3A_428 : memref<1x256x64xf32, #tpu.memory_space<vmem>> -> memref<256x64xf32, #tpu.memory_space<vmem>>
    %dma_wait3A_430 = arith.constant 0 : i32
    %dma_wait3A_431 = tpu.memref_slice %arg2[%add3A_299, %dma_wait3A_430] : memref<262144x64xf32, #tpu.memory_space<hbm>> -> memref<256x64xf32, #tpu.memory_space<hbm>>
    %dma_wait3A_432 = arith.constant 0 : i32
    %dma_wait3A_433 = arith.constant 0 : i32
    %dma_wait3A_434 = tpu.memref_slice %arg12[%dma_wait3A_425, %dma_wait3A_432, %dma_wait3A_433] : memref<4x256x64xf32, #tpu.memory_space<vmem>> -> memref<1x256x64xf32, #tpu.memory_space<vmem>>
    %dma_wait3A_435 = tpu.memref_squeeze %dma_wait3A_434 : memref<1x256x64xf32, #tpu.memory_space<vmem>> -> memref<256x64xf32, #tpu.memory_space<vmem>>
    %dma_wait3A_436 = arith.constant 0 : i32
    %dma_wait3A_437 = tpu.memref_slice %arg2[%add3A_299, %dma_wait3A_436] : memref<262144x64xf32, #tpu.memory_space<hbm>> -> memref<256x64xf32, #tpu.memory_space<hbm>>
    tpu.wait_dma2 semaphore(%arg18 : memref<!tpu.dma_semaphore, #tpu.memory_space<semaphore_mem>>) src(%dma_wait3A_437 : memref<256x64xf32, #tpu.memory_space<hbm>>) dst(%dma_wait3A_435 : memref<256x64xf32, #tpu.memory_space<vmem>>)
    %add3A_438 = arith.constant 1792 : i32
    %add3A_439 = arith.addi %mul3A_2, %add3A_438 : i32
    %dma_start3A_440 = arith.constant 3 : i32
    %dma_start3A_441 = arith.constant 0 : i32
    %dma_start3A_442 = arith.constant 0 : i32
    %dma_start3A_443 = tpu.memref_slice %arg12[%dma_start3A_440, %dma_start3A_441, %dma_start3A_442] : memref<4x256x64xf32, #tpu.memory_space<vmem>> -> memref<1x256x64xf32, #tpu.memory_space<vmem>>
    %dma_start3A_444 = tpu.memref_squeeze %dma_start3A_443 : memref<1x256x64xf32, #tpu.memory_space<vmem>> -> memref<256x64xf32, #tpu.memory_space<vmem>>
    %dma_start3A_445 = arith.constant 0 : i32
    %dma_start3A_446 = tpu.memref_slice %arg5[%add3A_439, %dma_start3A_445] : memref<262144x64xf32, #tpu.memory_space<hbm>> -> memref<256x64xf32, #tpu.memory_space<hbm>>
    %dma_start3A_447 = arith.constant 0 : i32
    %dma_start3A_448 = tpu.memref_slice %arg5[%add3A_439, %dma_start3A_447] : memref<262144x64xf32, #tpu.memory_space<hbm>> -> memref<256x64xf32, #tpu.memory_space<hbm>>
    %dma_start3A_449 = arith.constant 0 : i32
    %dma_start3A_450 = arith.constant 0 : i32
    %dma_start3A_451 = tpu.memref_slice %arg12[%dma_start3A_440, %dma_start3A_449, %dma_start3A_450] : memref<4x256x64xf32, #tpu.memory_space<vmem>> -> memref<1x256x64xf32, #tpu.memory_space<vmem>>
    %dma_start3A_452 = tpu.memref_squeeze %dma_start3A_451 : memref<1x256x64xf32, #tpu.memory_space<vmem>> -> memref<256x64xf32, #tpu.memory_space<vmem>>
    tpu.enqueue_dma source(%dma_start3A_452 : memref<256x64xf32, #tpu.memory_space<vmem>>) target(%dma_start3A_448 : memref<256x64xf32, #tpu.memory_space<hbm>>) target_semaphore(%arg22 : memref<!tpu.dma_semaphore, #tpu.memory_space<semaphore_mem>>)
    %dma_wait3A_453 = arith.constant 2 : i32
    %dma_wait3A_454 = arith.constant 0 : i32
    %dma_wait3A_455 = arith.constant 0 : i32
    %dma_wait3A_456 = tpu.memref_slice %arg12[%dma_wait3A_453, %dma_wait3A_454, %dma_wait3A_455] : memref<4x256x64xf32, #tpu.memory_space<vmem>> -> memref<1x256x64xf32, #tpu.memory_space<vmem>>
    %dma_wait3A_457 = tpu.memref_squeeze %dma_wait3A_456 : memref<1x256x64xf32, #tpu.memory_space<vmem>> -> memref<256x64xf32, #tpu.memory_space<vmem>>
    %dma_wait3A_458 = arith.constant 0 : i32
    %dma_wait3A_459 = tpu.memref_slice %arg5[%add3A_383, %dma_wait3A_458] : memref<262144x64xf32, #tpu.memory_space<hbm>> -> memref<256x64xf32, #tpu.memory_space<hbm>>
    %dma_wait3A_460 = arith.constant 0 : i32
    %dma_wait3A_461 = tpu.memref_slice %arg5[%add3A_383, %dma_wait3A_460] : memref<262144x64xf32, #tpu.memory_space<hbm>> -> memref<256x64xf32, #tpu.memory_space<hbm>>
    %dma_wait3A_462 = arith.constant 0 : i32
    %dma_wait3A_463 = arith.constant 0 : i32
    %dma_wait3A_464 = tpu.memref_slice %arg12[%dma_wait3A_453, %dma_wait3A_462, %dma_wait3A_463] : memref<4x256x64xf32, #tpu.memory_space<vmem>> -> memref<1x256x64xf32, #tpu.memory_space<vmem>>
    %dma_wait3A_465 = tpu.memref_squeeze %dma_wait3A_464 : memref<1x256x64xf32, #tpu.memory_space<vmem>> -> memref<256x64xf32, #tpu.memory_space<vmem>>
    tpu.wait_dma2 semaphore(%arg21 : memref<!tpu.dma_semaphore, #tpu.memory_space<semaphore_mem>>) src(%dma_wait3A_465 : memref<256x64xf32, #tpu.memory_space<vmem>>) dst(%dma_wait3A_461 : memref<256x64xf32, #tpu.memory_space<hbm>>)
    %add3A_466 = arith.constant 2560 : i32
    %add3A_467 = arith.addi %mul3A_2, %add3A_466 : i32
    %dma_start3A_468 = arith.constant 2 : i32
    %dma_start3A_469 = arith.constant 0 : i32
    %dma_start3A_470 = arith.constant 0 : i32
    %dma_start3A_471 = tpu.memref_slice %arg12[%dma_start3A_468, %dma_start3A_469, %dma_start3A_470] : memref<4x256x64xf32, #tpu.memory_space<vmem>> -> memref<1x256x64xf32, #tpu.memory_space<vmem>>
    %dma_start3A_472 = tpu.memref_squeeze %dma_start3A_471 : memref<1x256x64xf32, #tpu.memory_space<vmem>> -> memref<256x64xf32, #tpu.memory_space<vmem>>
    %dma_start3A_473 = arith.constant 0 : i32
    %dma_start3A_474 = tpu.memref_slice %arg2[%add3A_467, %dma_start3A_473] : memref<262144x64xf32, #tpu.memory_space<hbm>> -> memref<256x64xf32, #tpu.memory_space<hbm>>
    %dma_start3A_475 = arith.constant 0 : i32
    %dma_start3A_476 = arith.constant 0 : i32
    %dma_start3A_477 = tpu.memref_slice %arg12[%dma_start3A_468, %dma_start3A_475, %dma_start3A_476] : memref<4x256x64xf32, #tpu.memory_space<vmem>> -> memref<1x256x64xf32, #tpu.memory_space<vmem>>
    %dma_start3A_478 = tpu.memref_squeeze %dma_start3A_477 : memref<1x256x64xf32, #tpu.memory_space<vmem>> -> memref<256x64xf32, #tpu.memory_space<vmem>>
    %dma_start3A_479 = arith.constant 0 : i32
    %dma_start3A_480 = tpu.memref_slice %arg2[%add3A_467, %dma_start3A_479] : memref<262144x64xf32, #tpu.memory_space<hbm>> -> memref<256x64xf32, #tpu.memory_space<hbm>>
    tpu.enqueue_dma source(%dma_start3A_480 : memref<256x64xf32, #tpu.memory_space<hbm>>) target(%dma_start3A_478 : memref<256x64xf32, #tpu.memory_space<vmem>>) target_semaphore(%arg17 : memref<!tpu.dma_semaphore, #tpu.memory_space<semaphore_mem>>)
    %dma_wait3A_481 = arith.constant 0 : i32
    %dma_wait3A_482 = arith.constant 0 : i32
    %dma_wait3A_483 = arith.constant 0 : i32
    %dma_wait3A_484 = tpu.memref_slice %arg12[%dma_wait3A_481, %dma_wait3A_482, %dma_wait3A_483] : memref<4x256x64xf32, #tpu.memory_space<vmem>> -> memref<1x256x64xf32, #tpu.memory_space<vmem>>
    %dma_wait3A_485 = tpu.memref_squeeze %dma_wait3A_484 : memref<1x256x64xf32, #tpu.memory_space<vmem>> -> memref<256x64xf32, #tpu.memory_space<vmem>>
    %dma_wait3A_486 = arith.constant 0 : i32
    %dma_wait3A_487 = tpu.memref_slice %arg2[%add3A_355, %dma_wait3A_486] : memref<262144x64xf32, #tpu.memory_space<hbm>> -> memref<256x64xf32, #tpu.memory_space<hbm>>
    %dma_wait3A_488 = arith.constant 0 : i32
    %dma_wait3A_489 = arith.constant 0 : i32
    %dma_wait3A_490 = tpu.memref_slice %arg12[%dma_wait3A_481, %dma_wait3A_488, %dma_wait3A_489] : memref<4x256x64xf32, #tpu.memory_space<vmem>> -> memref<1x256x64xf32, #tpu.memory_space<vmem>>
    %dma_wait3A_491 = tpu.memref_squeeze %dma_wait3A_490 : memref<1x256x64xf32, #tpu.memory_space<vmem>> -> memref<256x64xf32, #tpu.memory_space<vmem>>
    %dma_wait3A_492 = arith.constant 0 : i32
    %dma_wait3A_493 = tpu.memref_slice %arg2[%add3A_355, %dma_wait3A_492] : memref<262144x64xf32, #tpu.memory_space<hbm>> -> memref<256x64xf32, #tpu.memory_space<hbm>>
    tpu.wait_dma2 semaphore(%arg15 : memref<!tpu.dma_semaphore, #tpu.memory_space<semaphore_mem>>) src(%dma_wait3A_493 : memref<256x64xf32, #tpu.memory_space<hbm>>) dst(%dma_wait3A_491 : memref<256x64xf32, #tpu.memory_space<vmem>>)
    %add3A_494 = arith.constant 2048 : i32
    %add3A_495 = arith.addi %mul3A_2, %add3A_494 : i32
    %dma_start3A_496 = arith.constant 0 : i32
    %dma_start3A_497 = arith.constant 0 : i32
    %dma_start3A_498 = arith.constant 0 : i32
    %dma_start3A_499 = tpu.memref_slice %arg12[%dma_start3A_496, %dma_start3A_497, %dma_start3A_498] : memref<4x256x64xf32, #tpu.memory_space<vmem>> -> memref<1x256x64xf32, #tpu.memory_space<vmem>>
    %dma_start3A_500 = tpu.memref_squeeze %dma_start3A_499 : memref<1x256x64xf32, #tpu.memory_space<vmem>> -> memref<256x64xf32, #tpu.memory_space<vmem>>
    %dma_start3A_501 = arith.constant 0 : i32
    %dma_start3A_502 = tpu.memref_slice %arg5[%add3A_495, %dma_start3A_501] : memref<262144x64xf32, #tpu.memory_space<hbm>> -> memref<256x64xf32, #tpu.memory_space<hbm>>
    %dma_start3A_503 = arith.constant 0 : i32
    %dma_start3A_504 = tpu.memref_slice %arg5[%add3A_495, %dma_start3A_503] : memref<262144x64xf32, #tpu.memory_space<hbm>> -> memref<256x64xf32, #tpu.memory_space<hbm>>
    %dma_start3A_505 = arith.constant 0 : i32
    %dma_start3A_506 = arith.constant 0 : i32
    %dma_start3A_507 = tpu.memref_slice %arg12[%dma_start3A_496, %dma_start3A_505, %dma_start3A_506] : memref<4x256x64xf32, #tpu.memory_space<vmem>> -> memref<1x256x64xf32, #tpu.memory_space<vmem>>
    %dma_start3A_508 = tpu.memref_squeeze %dma_start3A_507 : memref<1x256x64xf32, #tpu.memory_space<vmem>> -> memref<256x64xf32, #tpu.memory_space<vmem>>
    tpu.enqueue_dma source(%dma_start3A_508 : memref<256x64xf32, #tpu.memory_space<vmem>>) target(%dma_start3A_504 : memref<256x64xf32, #tpu.memory_space<hbm>>) target_semaphore(%arg19 : memref<!tpu.dma_semaphore, #tpu.memory_space<semaphore_mem>>)
    %dma_wait3A_509 = arith.constant 3 : i32
    %dma_wait3A_510 = arith.constant 0 : i32
    %dma_wait3A_511 = arith.constant 0 : i32
    %dma_wait3A_512 = tpu.memref_slice %arg12[%dma_wait3A_509, %dma_wait3A_510, %dma_wait3A_511] : memref<4x256x64xf32, #tpu.memory_space<vmem>> -> memref<1x256x64xf32, #tpu.memory_space<vmem>>
    %dma_wait3A_513 = tpu.memref_squeeze %dma_wait3A_512 : memref<1x256x64xf32, #tpu.memory_space<vmem>> -> memref<256x64xf32, #tpu.memory_space<vmem>>
    %dma_wait3A_514 = arith.constant 0 : i32
    %dma_wait3A_515 = tpu.memref_slice %arg5[%add3A_439, %dma_wait3A_514] : memref<262144x64xf32, #tpu.memory_space<hbm>> -> memref<256x64xf32, #tpu.memory_space<hbm>>
    %dma_wait3A_516 = arith.constant 0 : i32
    %dma_wait3A_517 = tpu.memref_slice %arg5[%add3A_439, %dma_wait3A_516] : memref<262144x64xf32, #tpu.memory_space<hbm>> -> memref<256x64xf32, #tpu.memory_space<hbm>>
    %dma_wait3A_518 = arith.constant 0 : i32
    %dma_wait3A_519 = arith.constant 0 : i32
    %dma_wait3A_520 = tpu.memref_slice %arg12[%dma_wait3A_509, %dma_wait3A_518, %dma_wait3A_519] : memref<4x256x64xf32, #tpu.memory_space<vmem>> -> memref<1x256x64xf32, #tpu.memory_space<vmem>>
    %dma_wait3A_521 = tpu.memref_squeeze %dma_wait3A_520 : memref<1x256x64xf32, #tpu.memory_space<vmem>> -> memref<256x64xf32, #tpu.memory_space<vmem>>
    tpu.wait_dma2 semaphore(%arg22 : memref<!tpu.dma_semaphore, #tpu.memory_space<semaphore_mem>>) src(%dma_wait3A_521 : memref<256x64xf32, #tpu.memory_space<vmem>>) dst(%dma_wait3A_517 : memref<256x64xf32, #tpu.memory_space<hbm>>)
    %add3A_522 = arith.constant 2816 : i32
    %add3A_523 = arith.addi %mul3A_2, %add3A_522 : i32
    %dma_start3A_524 = arith.constant 3 : i32
    %dma_start3A_525 = arith.constant 0 : i32
    %dma_start3A_526 = arith.constant 0 : i32
    %dma_start3A_527 = tpu.memref_slice %arg12[%dma_start3A_524, %dma_start3A_525, %dma_start3A_526] : memref<4x256x64xf32, #tpu.memory_space<vmem>> -> memref<1x256x64xf32, #tpu.memory_space<vmem>>
    %dma_start3A_528 = tpu.memref_squeeze %dma_start3A_527 : memref<1x256x64xf32, #tpu.memory_space<vmem>> -> memref<256x64xf32, #tpu.memory_space<vmem>>
    %dma_start3A_529 = arith.constant 0 : i32
    %dma_start3A_530 = tpu.memref_slice %arg2[%add3A_523, %dma_start3A_529] : memref<262144x64xf32, #tpu.memory_space<hbm>> -> memref<256x64xf32, #tpu.memory_space<hbm>>
    %dma_start3A_531 = arith.constant 0 : i32
    %dma_start3A_532 = arith.constant 0 : i32
    %dma_start3A_533 = tpu.memref_slice %arg12[%dma_start3A_524, %dma_start3A_531, %dma_start3A_532] : memref<4x256x64xf32, #tpu.memory_space<vmem>> -> memref<1x256x64xf32, #tpu.memory_space<vmem>>
    %dma_start3A_534 = tpu.memref_squeeze %dma_start3A_533 : memref<1x256x64xf32, #tpu.memory_space<vmem>> -> memref<256x64xf32, #tpu.memory_space<vmem>>
    %dma_start3A_535 = arith.constant 0 : i32
    %dma_start3A_536 = tpu.memref_slice %arg2[%add3A_523, %dma_start3A_535] : memref<262144x64xf32, #tpu.memory_space<hbm>> -> memref<256x64xf32, #tpu.memory_space<hbm>>
    tpu.enqueue_dma source(%dma_start3A_536 : memref<256x64xf32, #tpu.memory_space<hbm>>) target(%dma_start3A_534 : memref<256x64xf32, #tpu.memory_space<vmem>>) target_semaphore(%arg18 : memref<!tpu.dma_semaphore, #tpu.memory_space<semaphore_mem>>)
    %dma_wait3A_537 = arith.constant 1 : i32
    %dma_wait3A_538 = arith.constant 0 : i32
    %dma_wait3A_539 = arith.constant 0 : i32
    %dma_wait3A_540 = tpu.memref_slice %arg12[%dma_wait3A_537, %dma_wait3A_538, %dma_wait3A_539] : memref<4x256x64xf32, #tpu.memory_space<vmem>> -> memref<1x256x64xf32, #tpu.memory_space<vmem>>
    %dma_wait3A_541 = tpu.memref_squeeze %dma_wait3A_540 : memref<1x256x64xf32, #tpu.memory_space<vmem>> -> memref<256x64xf32, #tpu.memory_space<vmem>>
    %dma_wait3A_542 = arith.constant 0 : i32
    %dma_wait3A_543 = tpu.memref_slice %arg2[%add3A_411, %dma_wait3A_542] : memref<262144x64xf32, #tpu.memory_space<hbm>> -> memref<256x64xf32, #tpu.memory_space<hbm>>
    %dma_wait3A_544 = arith.constant 0 : i32
    %dma_wait3A_545 = arith.constant 0 : i32
    %dma_wait3A_546 = tpu.memref_slice %arg12[%dma_wait3A_537, %dma_wait3A_544, %dma_wait3A_545] : memref<4x256x64xf32, #tpu.memory_space<vmem>> -> memref<1x256x64xf32, #tpu.memory_space<vmem>>
    %dma_wait3A_547 = tpu.memref_squeeze %dma_wait3A_546 : memref<1x256x64xf32, #tpu.memory_space<vmem>> -> memref<256x64xf32, #tpu.memory_space<vmem>>
    %dma_wait3A_548 = arith.constant 0 : i32
    %dma_wait3A_549 = tpu.memref_slice %arg2[%add3A_411, %dma_wait3A_548] : memref<262144x64xf32, #tpu.memory_space<hbm>> -> memref<256x64xf32, #tpu.memory_space<hbm>>
    tpu.wait_dma2 semaphore(%arg16 : memref<!tpu.dma_semaphore, #tpu.memory_space<semaphore_mem>>) src(%dma_wait3A_549 : memref<256x64xf32, #tpu.memory_space<hbm>>) dst(%dma_wait3A_547 : memref<256x64xf32, #tpu.memory_space<vmem>>)
    %add3A_550 = arith.constant 2304 : i32
    %add3A_551 = arith.addi %mul3A_2, %add3A_550 : i32
    %dma_start3A_552 = arith.constant 1 : i32
    %dma_start3A_553 = arith.constant 0 : i32
    %dma_start3A_554 = arith.constant 0 : i32
    %dma_start3A_555 = tpu.memref_slice %arg12[%dma_start3A_552, %dma_start3A_553, %dma_start3A_554] : memref<4x256x64xf32, #tpu.memory_space<vmem>> -> memref<1x256x64xf32, #tpu.memory_space<vmem>>
    %dma_start3A_556 = tpu.memref_squeeze %dma_start3A_555 : memref<1x256x64xf32, #tpu.memory_space<vmem>> -> memref<256x64xf32, #tpu.memory_space<vmem>>
    %dma_start3A_557 = arith.constant 0 : i32
    %dma_start3A_558 = tpu.memref_slice %arg5[%add3A_551, %dma_start3A_557] : memref<262144x64xf32, #tpu.memory_space<hbm>> -> memref<256x64xf32, #tpu.memory_space<hbm>>
    %dma_start3A_559 = arith.constant 0 : i32
    %dma_start3A_560 = tpu.memref_slice %arg5[%add3A_551, %dma_start3A_559] : memref<262144x64xf32, #tpu.memory_space<hbm>> -> memref<256x64xf32, #tpu.memory_space<hbm>>
    %dma_start3A_561 = arith.constant 0 : i32
    %dma_start3A_562 = arith.constant 0 : i32
    %dma_start3A_563 = tpu.memref_slice %arg12[%dma_start3A_552, %dma_start3A_561, %dma_start3A_562] : memref<4x256x64xf32, #tpu.memory_space<vmem>> -> memref<1x256x64xf32, #tpu.memory_space<vmem>>
    %dma_start3A_564 = tpu.memref_squeeze %dma_start3A_563 : memref<1x256x64xf32, #tpu.memory_space<vmem>> -> memref<256x64xf32, #tpu.memory_space<vmem>>
    tpu.enqueue_dma source(%dma_start3A_564 : memref<256x64xf32, #tpu.memory_space<vmem>>) target(%dma_start3A_560 : memref<256x64xf32, #tpu.memory_space<hbm>>) target_semaphore(%arg20 : memref<!tpu.dma_semaphore, #tpu.memory_space<semaphore_mem>>)
    %dma_wait3A_565 = arith.constant 0 : i32
    %dma_wait3A_566 = arith.constant 0 : i32
    %dma_wait3A_567 = arith.constant 0 : i32
    %dma_wait3A_568 = tpu.memref_slice %arg12[%dma_wait3A_565, %dma_wait3A_566, %dma_wait3A_567] : memref<4x256x64xf32, #tpu.memory_space<vmem>> -> memref<1x256x64xf32, #tpu.memory_space<vmem>>
    %dma_wait3A_569 = tpu.memref_squeeze %dma_wait3A_568 : memref<1x256x64xf32, #tpu.memory_space<vmem>> -> memref<256x64xf32, #tpu.memory_space<vmem>>
    %dma_wait3A_570 = arith.constant 0 : i32
    %dma_wait3A_571 = tpu.memref_slice %arg5[%add3A_495, %dma_wait3A_570] : memref<262144x64xf32, #tpu.memory_space<hbm>> -> memref<256x64xf32, #tpu.memory_space<hbm>>
    %dma_wait3A_572 = arith.constant 0 : i32
    %dma_wait3A_573 = tpu.memref_slice %arg5[%add3A_495, %dma_wait3A_572] : memref<262144x64xf32, #tpu.memory_space<hbm>> -> memref<256x64xf32, #tpu.memory_space<hbm>>
    %dma_wait3A_574 = arith.constant 0 : i32
    %dma_wait3A_575 = arith.constant 0 : i32
    %dma_wait3A_576 = tpu.memref_slice %arg12[%dma_wait3A_565, %dma_wait3A_574, %dma_wait3A_575] : memref<4x256x64xf32, #tpu.memory_space<vmem>> -> memref<1x256x64xf32, #tpu.memory_space<vmem>>
    %dma_wait3A_577 = tpu.memref_squeeze %dma_wait3A_576 : memref<1x256x64xf32, #tpu.memory_space<vmem>> -> memref<256x64xf32, #tpu.memory_space<vmem>>
    tpu.wait_dma2 semaphore(%arg19 : memref<!tpu.dma_semaphore, #tpu.memory_space<semaphore_mem>>) src(%dma_wait3A_577 : memref<256x64xf32, #tpu.memory_space<vmem>>) dst(%dma_wait3A_573 : memref<256x64xf32, #tpu.memory_space<hbm>>)
    %add3A_578 = arith.constant 3072 : i32
    %add3A_579 = arith.addi %mul3A_2, %add3A_578 : i32
    %dma_start3A_580 = arith.constant 0 : i32
    %dma_start3A_581 = arith.constant 0 : i32
    %dma_start3A_582 = arith.constant 0 : i32
    %dma_start3A_583 = tpu.memref_slice %arg12[%dma_start3A_580, %dma_start3A_581, %dma_start3A_582] : memref<4x256x64xf32, #tpu.memory_space<vmem>> -> memref<1x256x64xf32, #tpu.memory_space<vmem>>
    %dma_start3A_584 = tpu.memref_squeeze %dma_start3A_583 : memref<1x256x64xf32, #tpu.memory_space<vmem>> -> memref<256x64xf32, #tpu.memory_space<vmem>>
    %dma_start3A_585 = arith.constant 0 : i32
    %dma_start3A_586 = tpu.memref_slice %arg2[%add3A_579, %dma_start3A_585] : memref<262144x64xf32, #tpu.memory_space<hbm>> -> memref<256x64xf32, #tpu.memory_space<hbm>>
    %dma_start3A_587 = arith.constant 0 : i32
    %dma_start3A_588 = arith.constant 0 : i32
    %dma_start3A_589 = tpu.memref_slice %arg12[%dma_start3A_580, %dma_start3A_587, %dma_start3A_588] : memref<4x256x64xf32, #tpu.memory_space<vmem>> -> memref<1x256x64xf32, #tpu.memory_space<vmem>>
    %dma_start3A_590 = tpu.memref_squeeze %dma_start3A_589 : memref<1x256x64xf32, #tpu.memory_space<vmem>> -> memref<256x64xf32, #tpu.memory_space<vmem>>
    %dma_start3A_591 = arith.constant 0 : i32
    %dma_start3A_592 = tpu.memref_slice %arg2[%add3A_579, %dma_start3A_591] : memref<262144x64xf32, #tpu.memory_space<hbm>> -> memref<256x64xf32, #tpu.memory_space<hbm>>
    tpu.enqueue_dma source(%dma_start3A_592 : memref<256x64xf32, #tpu.memory_space<hbm>>) target(%dma_start3A_590 : memref<256x64xf32, #tpu.memory_space<vmem>>) target_semaphore(%arg15 : memref<!tpu.dma_semaphore, #tpu.memory_space<semaphore_mem>>)
    %dma_wait3A_593 = arith.constant 2 : i32
    %dma_wait3A_594 = arith.constant 0 : i32
    %dma_wait3A_595 = arith.constant 0 : i32
    %dma_wait3A_596 = tpu.memref_slice %arg12[%dma_wait3A_593, %dma_wait3A_594, %dma_wait3A_595] : memref<4x256x64xf32, #tpu.memory_space<vmem>> -> memref<1x256x64xf32, #tpu.memory_space<vmem>>
    %dma_wait3A_597 = tpu.memref_squeeze %dma_wait3A_596 : memref<1x256x64xf32, #tpu.memory_space<vmem>> -> memref<256x64xf32, #tpu.memory_space<vmem>>
    %dma_wait3A_598 = arith.constant 0 : i32
    %dma_wait3A_599 = tpu.memref_slice %arg2[%add3A_467, %dma_wait3A_598] : memref<262144x64xf32, #tpu.memory_space<hbm>> -> memref<256x64xf32, #tpu.memory_space<hbm>>
    %dma_wait3A_600 = arith.constant 0 : i32
    %dma_wait3A_601 = arith.constant 0 : i32
    %dma_wait3A_602 = tpu.memref_slice %arg12[%dma_wait3A_593, %dma_wait3A_600, %dma_wait3A_601] : memref<4x256x64xf32, #tpu.memory_space<vmem>> -> memref<1x256x64xf32, #tpu.memory_space<vmem>>
    %dma_wait3A_603 = tpu.memref_squeeze %dma_wait3A_602 : memref<1x256x64xf32, #tpu.memory_space<vmem>> -> memref<256x64xf32, #tpu.memory_space<vmem>>
    %dma_wait3A_604 = arith.constant 0 : i32
    %dma_wait3A_605 = tpu.memref_slice %arg2[%add3A_467, %dma_wait3A_604] : memref<262144x64xf32, #tpu.memory_space<hbm>> -> memref<256x64xf32, #tpu.memory_space<hbm>>
    tpu.wait_dma2 semaphore(%arg17 : memref<!tpu.dma_semaphore, #tpu.memory_space<semaphore_mem>>) src(%dma_wait3A_605 : memref<256x64xf32, #tpu.memory_space<hbm>>) dst(%dma_wait3A_603 : memref<256x64xf32, #tpu.memory_space<vmem>>)
    %add3A_606 = arith.constant 2560 : i32
    %add3A_607 = arith.addi %mul3A_2, %add3A_606 : i32
    %dma_start3A_608 = arith.constant 2 : i32
    %dma_start3A_609 = arith.constant 0 : i32
    %dma_start3A_610 = arith.constant 0 : i32
    %dma_start3A_611 = tpu.memref_slice %arg12[%dma_start3A_608, %dma_start3A_609, %dma_start3A_610] : memref<4x256x64xf32, #tpu.memory_space<vmem>> -> memref<1x256x64xf32, #tpu.memory_space<vmem>>
    %dma_start3A_612 = tpu.memref_squeeze %dma_start3A_611 : memref<1x256x64xf32, #tpu.memory_space<vmem>> -> memref<256x64xf32, #tpu.memory_space<vmem>>
    %dma_start3A_613 = arith.constant 0 : i32
    %dma_start3A_614 = tpu.memref_slice %arg5[%add3A_607, %dma_start3A_613] : memref<262144x64xf32, #tpu.memory_space<hbm>> -> memref<256x64xf32, #tpu.memory_space<hbm>>
    %dma_start3A_615 = arith.constant 0 : i32
    %dma_start3A_616 = tpu.memref_slice %arg5[%add3A_607, %dma_start3A_615] : memref<262144x64xf32, #tpu.memory_space<hbm>> -> memref<256x64xf32, #tpu.memory_space<hbm>>
    %dma_start3A_617 = arith.constant 0 : i32
    %dma_start3A_618 = arith.constant 0 : i32
    %dma_start3A_619 = tpu.memref_slice %arg12[%dma_start3A_608, %dma_start3A_617, %dma_start3A_618] : memref<4x256x64xf32, #tpu.memory_space<vmem>> -> memref<1x256x64xf32, #tpu.memory_space<vmem>>
    %dma_start3A_620 = tpu.memref_squeeze %dma_start3A_619 : memref<1x256x64xf32, #tpu.memory_space<vmem>> -> memref<256x64xf32, #tpu.memory_space<vmem>>
    tpu.enqueue_dma source(%dma_start3A_620 : memref<256x64xf32, #tpu.memory_space<vmem>>) target(%dma_start3A_616 : memref<256x64xf32, #tpu.memory_space<hbm>>) target_semaphore(%arg21 : memref<!tpu.dma_semaphore, #tpu.memory_space<semaphore_mem>>)
    %dma_wait3A_621 = arith.constant 1 : i32
    %dma_wait3A_622 = arith.constant 0 : i32
    %dma_wait3A_623 = arith.constant 0 : i32
    %dma_wait3A_624 = tpu.memref_slice %arg12[%dma_wait3A_621, %dma_wait3A_622, %dma_wait3A_623] : memref<4x256x64xf32, #tpu.memory_space<vmem>> -> memref<1x256x64xf32, #tpu.memory_space<vmem>>
    %dma_wait3A_625 = tpu.memref_squeeze %dma_wait3A_624 : memref<1x256x64xf32, #tpu.memory_space<vmem>> -> memref<256x64xf32, #tpu.memory_space<vmem>>
    %dma_wait3A_626 = arith.constant 0 : i32
    %dma_wait3A_627 = tpu.memref_slice %arg5[%add3A_551, %dma_wait3A_626] : memref<262144x64xf32, #tpu.memory_space<hbm>> -> memref<256x64xf32, #tpu.memory_space<hbm>>
    %dma_wait3A_628 = arith.constant 0 : i32
    %dma_wait3A_629 = tpu.memref_slice %arg5[%add3A_551, %dma_wait3A_628] : memref<262144x64xf32, #tpu.memory_space<hbm>> -> memref<256x64xf32, #tpu.memory_space<hbm>>
    %dma_wait3A_630 = arith.constant 0 : i32
    %dma_wait3A_631 = arith.constant 0 : i32
    %dma_wait3A_632 = tpu.memref_slice %arg12[%dma_wait3A_621, %dma_wait3A_630, %dma_wait3A_631] : memref<4x256x64xf32, #tpu.memory_space<vmem>> -> memref<1x256x64xf32, #tpu.memory_space<vmem>>
    %dma_wait3A_633 = tpu.memref_squeeze %dma_wait3A_632 : memref<1x256x64xf32, #tpu.memory_space<vmem>> -> memref<256x64xf32, #tpu.memory_space<vmem>>
    tpu.wait_dma2 semaphore(%arg20 : memref<!tpu.dma_semaphore, #tpu.memory_space<semaphore_mem>>) src(%dma_wait3A_633 : memref<256x64xf32, #tpu.memory_space<vmem>>) dst(%dma_wait3A_629 : memref<256x64xf32, #tpu.memory_space<hbm>>)
    %add3A_634 = arith.constant 3328 : i32
    %add3A_635 = arith.addi %mul3A_2, %add3A_634 : i32
    %dma_start3A_636 = arith.constant 1 : i32
    %dma_start3A_637 = arith.constant 0 : i32
    %dma_start3A_638 = arith.constant 0 : i32
    %dma_start3A_639 = tpu.memref_slice %arg12[%dma_start3A_636, %dma_start3A_637, %dma_start3A_638] : memref<4x256x64xf32, #tpu.memory_space<vmem>> -> memref<1x256x64xf32, #tpu.memory_space<vmem>>
    %dma_start3A_640 = tpu.memref_squeeze %dma_start3A_639 : memref<1x256x64xf32, #tpu.memory_space<vmem>> -> memref<256x64xf32, #tpu.memory_space<vmem>>
    %dma_start3A_641 = arith.constant 0 : i32
    %dma_start3A_642 = tpu.memref_slice %arg2[%add3A_635, %dma_start3A_641] : memref<262144x64xf32, #tpu.memory_space<hbm>> -> memref<256x64xf32, #tpu.memory_space<hbm>>
    %dma_start3A_643 = arith.constant 0 : i32
    %dma_start3A_644 = arith.constant 0 : i32
    %dma_start3A_645 = tpu.memref_slice %arg12[%dma_start3A_636, %dma_start3A_643, %dma_start3A_644] : memref<4x256x64xf32, #tpu.memory_space<vmem>> -> memref<1x256x64xf32, #tpu.memory_space<vmem>>
    %dma_start3A_646 = tpu.memref_squeeze %dma_start3A_645 : memref<1x256x64xf32, #tpu.memory_space<vmem>> -> memref<256x64xf32, #tpu.memory_space<vmem>>
    %dma_start3A_647 = arith.constant 0 : i32
    %dma_start3A_648 = tpu.memref_slice %arg2[%add3A_635, %dma_start3A_647] : memref<262144x64xf32, #tpu.memory_space<hbm>> -> memref<256x64xf32, #tpu.memory_space<hbm>>
    tpu.enqueue_dma source(%dma_start3A_648 : memref<256x64xf32, #tpu.memory_space<hbm>>) target(%dma_start3A_646 : memref<256x64xf32, #tpu.memory_space<vmem>>) target_semaphore(%arg16 : memref<!tpu.dma_semaphore, #tpu.memory_space<semaphore_mem>>)
    %dma_wait3A_649 = arith.constant 3 : i32
    %dma_wait3A_650 = arith.constant 0 : i32
    %dma_wait3A_651 = arith.constant 0 : i32
    %dma_wait3A_652 = tpu.memref_slice %arg12[%dma_wait3A_649, %dma_wait3A_650, %dma_wait3A_651] : memref<4x256x64xf32, #tpu.memory_space<vmem>> -> memref<1x256x64xf32, #tpu.memory_space<vmem>>
    %dma_wait3A_653 = tpu.memref_squeeze %dma_wait3A_652 : memref<1x256x64xf32, #tpu.memory_space<vmem>> -> memref<256x64xf32, #tpu.memory_space<vmem>>
    %dma_wait3A_654 = arith.constant 0 : i32
    %dma_wait3A_655 = tpu.memref_slice %arg2[%add3A_523, %dma_wait3A_654] : memref<262144x64xf32, #tpu.memory_space<hbm>> -> memref<256x64xf32, #tpu.memory_space<hbm>>
    %dma_wait3A_656 = arith.constant 0 : i32
    %dma_wait3A_657 = arith.constant 0 : i32
    %dma_wait3A_658 = tpu.memref_slice %arg12[%dma_wait3A_649, %dma_wait3A_656, %dma_wait3A_657] : memref<4x256x64xf32, #tpu.memory_space<vmem>> -> memref<1x256x64xf32, #tpu.memory_space<vmem>>
    %dma_wait3A_659 = tpu.memref_squeeze %dma_wait3A_658 : memref<1x256x64xf32, #tpu.memory_space<vmem>> -> memref<256x64xf32, #tpu.memory_space<vmem>>
    %dma_wait3A_660 = arith.constant 0 : i32
    %dma_wait3A_661 = tpu.memref_slice %arg2[%add3A_523, %dma_wait3A_660] : memref<262144x64xf32, #tpu.memory_space<hbm>> -> memref<256x64xf32, #tpu.memory_space<hbm>>
    tpu.wait_dma2 semaphore(%arg18 : memref<!tpu.dma_semaphore, #tpu.memory_space<semaphore_mem>>) src(%dma_wait3A_661 : memref<256x64xf32, #tpu.memory_space<hbm>>) dst(%dma_wait3A_659 : memref<256x64xf32, #tpu.memory_space<vmem>>)
    %add3A_662 = arith.constant 2816 : i32
    %add3A_663 = arith.addi %mul3A_2, %add3A_662 : i32
    %dma_start3A_664 = arith.constant 3 : i32
    %dma_start3A_665 = arith.constant 0 : i32
    %dma_start3A_666 = arith.constant 0 : i32
    %dma_start3A_667 = tpu.memref_slice %arg12[%dma_start3A_664, %dma_start3A_665, %dma_start3A_666] : memref<4x256x64xf32, #tpu.memory_space<vmem>> -> memref<1x256x64xf32, #tpu.memory_space<vmem>>
    %dma_start3A_668 = tpu.memref_squeeze %dma_start3A_667 : memref<1x256x64xf32, #tpu.memory_space<vmem>> -> memref<256x64xf32, #tpu.memory_space<vmem>>
    %dma_start3A_669 = arith.constant 0 : i32
    %dma_start3A_670 = tpu.memref_slice %arg5[%add3A_663, %dma_start3A_669] : memref<262144x64xf32, #tpu.memory_space<hbm>> -> memref<256x64xf32, #tpu.memory_space<hbm>>
    %dma_start3A_671 = arith.constant 0 : i32
    %dma_start3A_672 = tpu.memref_slice %arg5[%add3A_663, %dma_start3A_671] : memref<262144x64xf32, #tpu.memory_space<hbm>> -> memref<256x64xf32, #tpu.memory_space<hbm>>
    %dma_start3A_673 = arith.constant 0 : i32
    %dma_start3A_674 = arith.constant 0 : i32
    %dma_start3A_675 = tpu.memref_slice %arg12[%dma_start3A_664, %dma_start3A_673, %dma_start3A_674] : memref<4x256x64xf32, #tpu.memory_space<vmem>> -> memref<1x256x64xf32, #tpu.memory_space<vmem>>
    %dma_start3A_676 = tpu.memref_squeeze %dma_start3A_675 : memref<1x256x64xf32, #tpu.memory_space<vmem>> -> memref<256x64xf32, #tpu.memory_space<vmem>>
    tpu.enqueue_dma source(%dma_start3A_676 : memref<256x64xf32, #tpu.memory_space<vmem>>) target(%dma_start3A_672 : memref<256x64xf32, #tpu.memory_space<hbm>>) target_semaphore(%arg22 : memref<!tpu.dma_semaphore, #tpu.memory_space<semaphore_mem>>)
    %dma_wait3A_677 = arith.constant 2 : i32
    %dma_wait3A_678 = arith.constant 0 : i32
    %dma_wait3A_679 = arith.constant 0 : i32
    %dma_wait3A_680 = tpu.memref_slice %arg12[%dma_wait3A_677, %dma_wait3A_678, %dma_wait3A_679] : memref<4x256x64xf32, #tpu.memory_space<vmem>> -> memref<1x256x64xf32, #tpu.memory_space<vmem>>
    %dma_wait3A_681 = tpu.memref_squeeze %dma_wait3A_680 : memref<1x256x64xf32, #tpu.memory_space<vmem>> -> memref<256x64xf32, #tpu.memory_space<vmem>>
    %dma_wait3A_682 = arith.constant 0 : i32
    %dma_wait3A_683 = tpu.memref_slice %arg5[%add3A_607, %dma_wait3A_682] : memref<262144x64xf32, #tpu.memory_space<hbm>> -> memref<256x64xf32, #tpu.memory_space<hbm>>
    %dma_wait3A_684 = arith.constant 0 : i32
    %dma_wait3A_685 = tpu.memref_slice %arg5[%add3A_607, %dma_wait3A_684] : memref<262144x64xf32, #tpu.memory_space<hbm>> -> memref<256x64xf32, #tpu.memory_space<hbm>>
    %dma_wait3A_686 = arith.constant 0 : i32
    %dma_wait3A_687 = arith.constant 0 : i32
    %dma_wait3A_688 = tpu.memref_slice %arg12[%dma_wait3A_677, %dma_wait3A_686, %dma_wait3A_687] : memref<4x256x64xf32, #tpu.memory_space<vmem>> -> memref<1x256x64xf32, #tpu.memory_space<vmem>>
    %dma_wait3A_689 = tpu.memref_squeeze %dma_wait3A_688 : memref<1x256x64xf32, #tpu.memory_space<vmem>> -> memref<256x64xf32, #tpu.memory_space<vmem>>
    tpu.wait_dma2 semaphore(%arg21 : memref<!tpu.dma_semaphore, #tpu.memory_space<semaphore_mem>>) src(%dma_wait3A_689 : memref<256x64xf32, #tpu.memory_space<vmem>>) dst(%dma_wait3A_685 : memref<256x64xf32, #tpu.memory_space<hbm>>)
    %add3A_690 = arith.constant 3584 : i32
    %add3A_691 = arith.addi %mul3A_2, %add3A_690 : i32
    %dma_start3A_692 = arith.constant 2 : i32
    %dma_start3A_693 = arith.constant 0 : i32
    %dma_start3A_694 = arith.constant 0 : i32
    %dma_start3A_695 = tpu.memref_slice %arg12[%dma_start3A_692, %dma_start3A_693, %dma_start3A_694] : memref<4x256x64xf32, #tpu.memory_space<vmem>> -> memref<1x256x64xf32, #tpu.memory_space<vmem>>
    %dma_start3A_696 = tpu.memref_squeeze %dma_start3A_695 : memref<1x256x64xf32, #tpu.memory_space<vmem>> -> memref<256x64xf32, #tpu.memory_space<vmem>>
    %dma_start3A_697 = arith.constant 0 : i32
    %dma_start3A_698 = tpu.memref_slice %arg2[%add3A_691, %dma_start3A_697] : memref<262144x64xf32, #tpu.memory_space<hbm>> -> memref<256x64xf32, #tpu.memory_space<hbm>>
    %dma_start3A_699 = arith.constant 0 : i32
    %dma_start3A_700 = arith.constant 0 : i32
    %dma_start3A_701 = tpu.memref_slice %arg12[%dma_start3A_692, %dma_start3A_699, %dma_start3A_700] : memref<4x256x64xf32, #tpu.memory_space<vmem>> -> memref<1x256x64xf32, #tpu.memory_space<vmem>>
    %dma_start3A_702 = tpu.memref_squeeze %dma_start3A_701 : memref<1x256x64xf32, #tpu.memory_space<vmem>> -> memref<256x64xf32, #tpu.memory_space<vmem>>
    %dma_start3A_703 = arith.constant 0 : i32
    %dma_start3A_704 = tpu.memref_slice %arg2[%add3A_691, %dma_start3A_703] : memref<262144x64xf32, #tpu.memory_space<hbm>> -> memref<256x64xf32, #tpu.memory_space<hbm>>
    tpu.enqueue_dma source(%dma_start3A_704 : memref<256x64xf32, #tpu.memory_space<hbm>>) target(%dma_start3A_702 : memref<256x64xf32, #tpu.memory_space<vmem>>) target_semaphore(%arg17 : memref<!tpu.dma_semaphore, #tpu.memory_space<semaphore_mem>>)
    %dma_wait3A_705 = arith.constant 0 : i32
    %dma_wait3A_706 = arith.constant 0 : i32
    %dma_wait3A_707 = arith.constant 0 : i32
    %dma_wait3A_708 = tpu.memref_slice %arg12[%dma_wait3A_705, %dma_wait3A_706, %dma_wait3A_707] : memref<4x256x64xf32, #tpu.memory_space<vmem>> -> memref<1x256x64xf32, #tpu.memory_space<vmem>>
    %dma_wait3A_709 = tpu.memref_squeeze %dma_wait3A_708 : memref<1x256x64xf32, #tpu.memory_space<vmem>> -> memref<256x64xf32, #tpu.memory_space<vmem>>
    %dma_wait3A_710 = arith.constant 0 : i32
    %dma_wait3A_711 = tpu.memref_slice %arg2[%add3A_579, %dma_wait3A_710] : memref<262144x64xf32, #tpu.memory_space<hbm>> -> memref<256x64xf32, #tpu.memory_space<hbm>>
    %dma_wait3A_712 = arith.constant 0 : i32
    %dma_wait3A_713 = arith.constant 0 : i32
    %dma_wait3A_714 = tpu.memref_slice %arg12[%dma_wait3A_705, %dma_wait3A_712, %dma_wait3A_713] : memref<4x256x64xf32, #tpu.memory_space<vmem>> -> memref<1x256x64xf32, #tpu.memory_space<vmem>>
    %dma_wait3A_715 = tpu.memref_squeeze %dma_wait3A_714 : memref<1x256x64xf32, #tpu.memory_space<vmem>> -> memref<256x64xf32, #tpu.memory_space<vmem>>
    %dma_wait3A_716 = arith.constant 0 : i32
    %dma_wait3A_717 = tpu.memref_slice %arg2[%add3A_579, %dma_wait3A_716] : memref<262144x64xf32, #tpu.memory_space<hbm>> -> memref<256x64xf32, #tpu.memory_space<hbm>>
    tpu.wait_dma2 semaphore(%arg15 : memref<!tpu.dma_semaphore, #tpu.memory_space<semaphore_mem>>) src(%dma_wait3A_717 : memref<256x64xf32, #tpu.memory_space<hbm>>) dst(%dma_wait3A_715 : memref<256x64xf32, #tpu.memory_space<vmem>>)
    %add3A_718 = arith.constant 3072 : i32
    %add3A_719 = arith.addi %mul3A_2, %add3A_718 : i32
    %dma_start3A_720 = arith.constant 0 : i32
    %dma_start3A_721 = arith.constant 0 : i32
    %dma_start3A_722 = arith.constant 0 : i32
    %dma_start3A_723 = tpu.memref_slice %arg12[%dma_start3A_720, %dma_start3A_721, %dma_start3A_722] : memref<4x256x64xf32, #tpu.memory_space<vmem>> -> memref<1x256x64xf32, #tpu.memory_space<vmem>>
    %dma_start3A_724 = tpu.memref_squeeze %dma_start3A_723 : memref<1x256x64xf32, #tpu.memory_space<vmem>> -> memref<256x64xf32, #tpu.memory_space<vmem>>
    %dma_start3A_725 = arith.constant 0 : i32
    %dma_start3A_726 = tpu.memref_slice %arg5[%add3A_719, %dma_start3A_725] : memref<262144x64xf32, #tpu.memory_space<hbm>> -> memref<256x64xf32, #tpu.memory_space<hbm>>
    %dma_start3A_727 = arith.constant 0 : i32
    %dma_start3A_728 = tpu.memref_slice %arg5[%add3A_719, %dma_start3A_727] : memref<262144x64xf32, #tpu.memory_space<hbm>> -> memref<256x64xf32, #tpu.memory_space<hbm>>
    %dma_start3A_729 = arith.constant 0 : i32
    %dma_start3A_730 = arith.constant 0 : i32
    %dma_start3A_731 = tpu.memref_slice %arg12[%dma_start3A_720, %dma_start3A_729, %dma_start3A_730] : memref<4x256x64xf32, #tpu.memory_space<vmem>> -> memref<1x256x64xf32, #tpu.memory_space<vmem>>
    %dma_start3A_732 = tpu.memref_squeeze %dma_start3A_731 : memref<1x256x64xf32, #tpu.memory_space<vmem>> -> memref<256x64xf32, #tpu.memory_space<vmem>>
    tpu.enqueue_dma source(%dma_start3A_732 : memref<256x64xf32, #tpu.memory_space<vmem>>) target(%dma_start3A_728 : memref<256x64xf32, #tpu.memory_space<hbm>>) target_semaphore(%arg19 : memref<!tpu.dma_semaphore, #tpu.memory_space<semaphore_mem>>)
    %dma_wait3A_733 = arith.constant 3 : i32
    %dma_wait3A_734 = arith.constant 0 : i32
    %dma_wait3A_735 = arith.constant 0 : i32
    %dma_wait3A_736 = tpu.memref_slice %arg12[%dma_wait3A_733, %dma_wait3A_734, %dma_wait3A_735] : memref<4x256x64xf32, #tpu.memory_space<vmem>> -> memref<1x256x64xf32, #tpu.memory_space<vmem>>
    %dma_wait3A_737 = tpu.memref_squeeze %dma_wait3A_736 : memref<1x256x64xf32, #tpu.memory_space<vmem>> -> memref<256x64xf32, #tpu.memory_space<vmem>>
    %dma_wait3A_738 = arith.constant 0 : i32
    %dma_wait3A_739 = tpu.memref_slice %arg5[%add3A_663, %dma_wait3A_738] : memref<262144x64xf32, #tpu.memory_space<hbm>> -> memref<256x64xf32, #tpu.memory_space<hbm>>
    %dma_wait3A_740 = arith.constant 0 : i32
    %dma_wait3A_741 = tpu.memref_slice %arg5[%add3A_663, %dma_wait3A_740] : memref<262144x64xf32, #tpu.memory_space<hbm>> -> memref<256x64xf32, #tpu.memory_space<hbm>>
    %dma_wait3A_742 = arith.constant 0 : i32
    %dma_wait3A_743 = arith.constant 0 : i32
    %dma_wait3A_744 = tpu.memref_slice %arg12[%dma_wait3A_733, %dma_wait3A_742, %dma_wait3A_743] : memref<4x256x64xf32, #tpu.memory_space<vmem>> -> memref<1x256x64xf32, #tpu.memory_space<vmem>>
    %dma_wait3A_745 = tpu.memref_squeeze %dma_wait3A_744 : memref<1x256x64xf32, #tpu.memory_space<vmem>> -> memref<256x64xf32, #tpu.memory_space<vmem>>
    tpu.wait_dma2 semaphore(%arg22 : memref<!tpu.dma_semaphore, #tpu.memory_space<semaphore_mem>>) src(%dma_wait3A_745 : memref<256x64xf32, #tpu.memory_space<vmem>>) dst(%dma_wait3A_741 : memref<256x64xf32, #tpu.memory_space<hbm>>)
    %add3A_746 = arith.constant 3840 : i32
    %add3A_747 = arith.addi %mul3A_2, %add3A_746 : i32
    %dma_start3A_748 = arith.constant 3 : i32
    %dma_start3A_749 = arith.constant 0 : i32
    %dma_start3A_750 = arith.constant 0 : i32
    %dma_start3A_751 = tpu.memref_slice %arg12[%dma_start3A_748, %dma_start3A_749, %dma_start3A_750] : memref<4x256x64xf32, #tpu.memory_space<vmem>> -> memref<1x256x64xf32, #tpu.memory_space<vmem>>
    %dma_start3A_752 = tpu.memref_squeeze %dma_start3A_751 : memref<1x256x64xf32, #tpu.memory_space<vmem>> -> memref<256x64xf32, #tpu.memory_space<vmem>>
    %dma_start3A_753 = arith.constant 0 : i32
    %dma_start3A_754 = tpu.memref_slice %arg2[%add3A_747, %dma_start3A_753] : memref<262144x64xf32, #tpu.memory_space<hbm>> -> memref<256x64xf32, #tpu.memory_space<hbm>>
    %dma_start3A_755 = arith.constant 0 : i32
    %dma_start3A_756 = arith.constant 0 : i32
    %dma_start3A_757 = tpu.memref_slice %arg12[%dma_start3A_748, %dma_start3A_755, %dma_start3A_756] : memref<4x256x64xf32, #tpu.memory_space<vmem>> -> memref<1x256x64xf32, #tpu.memory_space<vmem>>
    %dma_start3A_758 = tpu.memref_squeeze %dma_start3A_757 : memref<1x256x64xf32, #tpu.memory_space<vmem>> -> memref<256x64xf32, #tpu.memory_space<vmem>>
    %dma_start3A_759 = arith.constant 0 : i32
    %dma_start3A_760 = tpu.memref_slice %arg2[%add3A_747, %dma_start3A_759] : memref<262144x64xf32, #tpu.memory_space<hbm>> -> memref<256x64xf32, #tpu.memory_space<hbm>>
    tpu.enqueue_dma source(%dma_start3A_760 : memref<256x64xf32, #tpu.memory_space<hbm>>) target(%dma_start3A_758 : memref<256x64xf32, #tpu.memory_space<vmem>>) target_semaphore(%arg18 : memref<!tpu.dma_semaphore, #tpu.memory_space<semaphore_mem>>)
    %dma_wait3A_761 = arith.constant 1 : i32
    %dma_wait3A_762 = arith.constant 0 : i32
    %dma_wait3A_763 = arith.constant 0 : i32
    %dma_wait3A_764 = tpu.memref_slice %arg12[%dma_wait3A_761, %dma_wait3A_762, %dma_wait3A_763] : memref<4x256x64xf32, #tpu.memory_space<vmem>> -> memref<1x256x64xf32, #tpu.memory_space<vmem>>
    %dma_wait3A_765 = tpu.memref_squeeze %dma_wait3A_764 : memref<1x256x64xf32, #tpu.memory_space<vmem>> -> memref<256x64xf32, #tpu.memory_space<vmem>>
    %dma_wait3A_766 = arith.constant 0 : i32
    %dma_wait3A_767 = tpu.memref_slice %arg2[%add3A_635, %dma_wait3A_766] : memref<262144x64xf32, #tpu.memory_space<hbm>> -> memref<256x64xf32, #tpu.memory_space<hbm>>
    %dma_wait3A_768 = arith.constant 0 : i32
    %dma_wait3A_769 = arith.constant 0 : i32
    %dma_wait3A_770 = tpu.memref_slice %arg12[%dma_wait3A_761, %dma_wait3A_768, %dma_wait3A_769] : memref<4x256x64xf32, #tpu.memory_space<vmem>> -> memref<1x256x64xf32, #tpu.memory_space<vmem>>
    %dma_wait3A_771 = tpu.memref_squeeze %dma_wait3A_770 : memref<1x256x64xf32, #tpu.memory_space<vmem>> -> memref<256x64xf32, #tpu.memory_space<vmem>>
    %dma_wait3A_772 = arith.constant 0 : i32
    %dma_wait3A_773 = tpu.memref_slice %arg2[%add3A_635, %dma_wait3A_772] : memref<262144x64xf32, #tpu.memory_space<hbm>> -> memref<256x64xf32, #tpu.memory_space<hbm>>
    tpu.wait_dma2 semaphore(%arg16 : memref<!tpu.dma_semaphore, #tpu.memory_space<semaphore_mem>>) src(%dma_wait3A_773 : memref<256x64xf32, #tpu.memory_space<hbm>>) dst(%dma_wait3A_771 : memref<256x64xf32, #tpu.memory_space<vmem>>)
    %add3A_774 = arith.constant 3328 : i32
    %add3A_775 = arith.addi %mul3A_2, %add3A_774 : i32
    %dma_start3A_776 = arith.constant 1 : i32
    %dma_start3A_777 = arith.constant 0 : i32
    %dma_start3A_778 = arith.constant 0 : i32
    %dma_start3A_779 = tpu.memref_slice %arg12[%dma_start3A_776, %dma_start3A_777, %dma_start3A_778] : memref<4x256x64xf32, #tpu.memory_space<vmem>> -> memref<1x256x64xf32, #tpu.memory_space<vmem>>
    %dma_start3A_780 = tpu.memref_squeeze %dma_start3A_779 : memref<1x256x64xf32, #tpu.memory_space<vmem>> -> memref<256x64xf32, #tpu.memory_space<vmem>>
    %dma_start3A_781 = arith.constant 0 : i32
    %dma_start3A_782 = tpu.memref_slice %arg5[%add3A_775, %dma_start3A_781] : memref<262144x64xf32, #tpu.memory_space<hbm>> -> memref<256x64xf32, #tpu.memory_space<hbm>>
    %dma_start3A_783 = arith.constant 0 : i32
    %dma_start3A_784 = tpu.memref_slice %arg5[%add3A_775, %dma_start3A_783] : memref<262144x64xf32, #tpu.memory_space<hbm>> -> memref<256x64xf32, #tpu.memory_space<hbm>>
    %dma_start3A_785 = arith.constant 0 : i32
    %dma_start3A_786 = arith.constant 0 : i32
    %dma_start3A_787 = tpu.memref_slice %arg12[%dma_start3A_776, %dma_start3A_785, %dma_start3A_786] : memref<4x256x64xf32, #tpu.memory_space<vmem>> -> memref<1x256x64xf32, #tpu.memory_space<vmem>>
    %dma_start3A_788 = tpu.memref_squeeze %dma_start3A_787 : memref<1x256x64xf32, #tpu.memory_space<vmem>> -> memref<256x64xf32, #tpu.memory_space<vmem>>
    tpu.enqueue_dma source(%dma_start3A_788 : memref<256x64xf32, #tpu.memory_space<vmem>>) target(%dma_start3A_784 : memref<256x64xf32, #tpu.memory_space<hbm>>) target_semaphore(%arg20 : memref<!tpu.dma_semaphore, #tpu.memory_space<semaphore_mem>>)
    %dma_wait3A_789 = arith.constant 0 : i32
    %dma_wait3A_790 = arith.constant 0 : i32
    %dma_wait3A_791 = arith.constant 0 : i32
    %dma_wait3A_792 = tpu.memref_slice %arg12[%dma_wait3A_789, %dma_wait3A_790, %dma_wait3A_791] : memref<4x256x64xf32, #tpu.memory_space<vmem>> -> memref<1x256x64xf32, #tpu.memory_space<vmem>>
    %dma_wait3A_793 = tpu.memref_squeeze %dma_wait3A_792 : memref<1x256x64xf32, #tpu.memory_space<vmem>> -> memref<256x64xf32, #tpu.memory_space<vmem>>
    %dma_wait3A_794 = arith.constant 0 : i32
    %dma_wait3A_795 = tpu.memref_slice %arg5[%add3A_719, %dma_wait3A_794] : memref<262144x64xf32, #tpu.memory_space<hbm>> -> memref<256x64xf32, #tpu.memory_space<hbm>>
    %dma_wait3A_796 = arith.constant 0 : i32
    %dma_wait3A_797 = tpu.memref_slice %arg5[%add3A_719, %dma_wait3A_796] : memref<262144x64xf32, #tpu.memory_space<hbm>> -> memref<256x64xf32, #tpu.memory_space<hbm>>
    %dma_wait3A_798 = arith.constant 0 : i32
    %dma_wait3A_799 = arith.constant 0 : i32
    %dma_wait3A_800 = tpu.memref_slice %arg12[%dma_wait3A_789, %dma_wait3A_798, %dma_wait3A_799] : memref<4x256x64xf32, #tpu.memory_space<vmem>> -> memref<1x256x64xf32, #tpu.memory_space<vmem>>
    %dma_wait3A_801 = tpu.memref_squeeze %dma_wait3A_800 : memref<1x256x64xf32, #tpu.memory_space<vmem>> -> memref<256x64xf32, #tpu.memory_space<vmem>>
    tpu.wait_dma2 semaphore(%arg19 : memref<!tpu.dma_semaphore, #tpu.memory_space<semaphore_mem>>) src(%dma_wait3A_801 : memref<256x64xf32, #tpu.memory_space<vmem>>) dst(%dma_wait3A_797 : memref<256x64xf32, #tpu.memory_space<hbm>>)
    %add3A_802 = arith.constant 4096 : i32
    %add3A_803 = arith.addi %mul3A_2, %add3A_802 : i32
    %dma_start3A_804 = arith.constant 0 : i32
    %dma_start3A_805 = arith.constant 0 : i32
    %dma_start3A_806 = arith.constant 0 : i32
    %dma_start3A_807 = tpu.memref_slice %arg12[%dma_start3A_804, %dma_start3A_805, %dma_start3A_806] : memref<4x256x64xf32, #tpu.memory_space<vmem>> -> memref<1x256x64xf32, #tpu.memory_space<vmem>>
    %dma_start3A_808 = tpu.memref_squeeze %dma_start3A_807 : memref<1x256x64xf32, #tpu.memory_space<vmem>> -> memref<256x64xf32, #tpu.memory_space<vmem>>
    %dma_start3A_809 = arith.constant 0 : i32
    %dma_start3A_810 = tpu.memref_slice %arg2[%add3A_803, %dma_start3A_809] : memref<262144x64xf32, #tpu.memory_space<hbm>> -> memref<256x64xf32, #tpu.memory_space<hbm>>
    %dma_start3A_811 = arith.constant 0 : i32
    %dma_start3A_812 = arith.constant 0 : i32
    %dma_start3A_813 = tpu.memref_slice %arg12[%dma_start3A_804, %dma_start3A_811, %dma_start3A_812] : memref<4x256x64xf32, #tpu.memory_space<vmem>> -> memref<1x256x64xf32, #tpu.memory_space<vmem>>
    %dma_start3A_814 = tpu.memref_squeeze %dma_start3A_813 : memref<1x256x64xf32, #tpu.memory_space<vmem>> -> memref<256x64xf32, #tpu.memory_space<vmem>>
    %dma_start3A_815 = arith.constant 0 : i32
    %dma_start3A_816 = tpu.memref_slice %arg2[%add3A_803, %dma_start3A_815] : memref<262144x64xf32, #tpu.memory_space<hbm>> -> memref<256x64xf32, #tpu.memory_space<hbm>>
    tpu.enqueue_dma source(%dma_start3A_816 : memref<256x64xf32, #tpu.memory_space<hbm>>) target(%dma_start3A_814 : memref<256x64xf32, #tpu.memory_space<vmem>>) target_semaphore(%arg15 : memref<!tpu.dma_semaphore, #tpu.memory_space<semaphore_mem>>)
    %dma_wait3A_817 = arith.constant 2 : i32
    %dma_wait3A_818 = arith.constant 0 : i32
    %dma_wait3A_819 = arith.constant 0 : i32
    %dma_wait3A_820 = tpu.memref_slice %arg12[%dma_wait3A_817, %dma_wait3A_818, %dma_wait3A_819] : memref<4x256x64xf32, #tpu.memory_space<vmem>> -> memref<1x256x64xf32, #tpu.memory_space<vmem>>
    %dma_wait3A_821 = tpu.memref_squeeze %dma_wait3A_820 : memref<1x256x64xf32, #tpu.memory_space<vmem>> -> memref<256x64xf32, #tpu.memory_space<vmem>>
    %dma_wait3A_822 = arith.constant 0 : i32
    %dma_wait3A_823 = tpu.memref_slice %arg2[%add3A_691, %dma_wait3A_822] : memref<262144x64xf32, #tpu.memory_space<hbm>> -> memref<256x64xf32, #tpu.memory_space<hbm>>
    %dma_wait3A_824 = arith.constant 0 : i32
    %dma_wait3A_825 = arith.constant 0 : i32
    %dma_wait3A_826 = tpu.memref_slice %arg12[%dma_wait3A_817, %dma_wait3A_824, %dma_wait3A_825] : memref<4x256x64xf32, #tpu.memory_space<vmem>> -> memref<1x256x64xf32, #tpu.memory_space<vmem>>
    %dma_wait3A_827 = tpu.memref_squeeze %dma_wait3A_826 : memref<1x256x64xf32, #tpu.memory_space<vmem>> -> memref<256x64xf32, #tpu.memory_space<vmem>>
    %dma_wait3A_828 = arith.constant 0 : i32
    %dma_wait3A_829 = tpu.memref_slice %arg2[%add3A_691, %dma_wait3A_828] : memref<262144x64xf32, #tpu.memory_space<hbm>> -> memref<256x64xf32, #tpu.memory_space<hbm>>
    tpu.wait_dma2 semaphore(%arg17 : memref<!tpu.dma_semaphore, #tpu.memory_space<semaphore_mem>>) src(%dma_wait3A_829 : memref<256x64xf32, #tpu.memory_space<hbm>>) dst(%dma_wait3A_827 : memref<256x64xf32, #tpu.memory_space<vmem>>)
    %add3A_830 = arith.constant 3584 : i32
    %add3A_831 = arith.addi %mul3A_2, %add3A_830 : i32
    %dma_start3A_832 = arith.constant 2 : i32
    %dma_start3A_833 = arith.constant 0 : i32
    %dma_start3A_834 = arith.constant 0 : i32
    %dma_start3A_835 = tpu.memref_slice %arg12[%dma_start3A_832, %dma_start3A_833, %dma_start3A_834] : memref<4x256x64xf32, #tpu.memory_space<vmem>> -> memref<1x256x64xf32, #tpu.memory_space<vmem>>
    %dma_start3A_836 = tpu.memref_squeeze %dma_start3A_835 : memref<1x256x64xf32, #tpu.memory_space<vmem>> -> memref<256x64xf32, #tpu.memory_space<vmem>>
    %dma_start3A_837 = arith.constant 0 : i32
    %dma_start3A_838 = tpu.memref_slice %arg5[%add3A_831, %dma_start3A_837] : memref<262144x64xf32, #tpu.memory_space<hbm>> -> memref<256x64xf32, #tpu.memory_space<hbm>>
    %dma_start3A_839 = arith.constant 0 : i32
    %dma_start3A_840 = tpu.memref_slice %arg5[%add3A_831, %dma_start3A_839] : memref<262144x64xf32, #tpu.memory_space<hbm>> -> memref<256x64xf32, #tpu.memory_space<hbm>>
    %dma_start3A_841 = arith.constant 0 : i32
    %dma_start3A_842 = arith.constant 0 : i32
    %dma_start3A_843 = tpu.memref_slice %arg12[%dma_start3A_832, %dma_start3A_841, %dma_start3A_842] : memref<4x256x64xf32, #tpu.memory_space<vmem>> -> memref<1x256x64xf32, #tpu.memory_space<vmem>>
    %dma_start3A_844 = tpu.memref_squeeze %dma_start3A_843 : memref<1x256x64xf32, #tpu.memory_space<vmem>> -> memref<256x64xf32, #tpu.memory_space<vmem>>
    tpu.enqueue_dma source(%dma_start3A_844 : memref<256x64xf32, #tpu.memory_space<vmem>>) target(%dma_start3A_840 : memref<256x64xf32, #tpu.memory_space<hbm>>) target_semaphore(%arg21 : memref<!tpu.dma_semaphore, #tpu.memory_space<semaphore_mem>>)
    %dma_wait3A_845 = arith.constant 1 : i32
    %dma_wait3A_846 = arith.constant 0 : i32
    %dma_wait3A_847 = arith.constant 0 : i32
    %dma_wait3A_848 = tpu.memref_slice %arg12[%dma_wait3A_845, %dma_wait3A_846, %dma_wait3A_847] : memref<4x256x64xf32, #tpu.memory_space<vmem>> -> memref<1x256x64xf32, #tpu.memory_space<vmem>>
    %dma_wait3A_849 = tpu.memref_squeeze %dma_wait3A_848 : memref<1x256x64xf32, #tpu.memory_space<vmem>> -> memref<256x64xf32, #tpu.memory_space<vmem>>
    %dma_wait3A_850 = arith.constant 0 : i32
    %dma_wait3A_851 = tpu.memref_slice %arg5[%add3A_775, %dma_wait3A_850] : memref<262144x64xf32, #tpu.memory_space<hbm>> -> memref<256x64xf32, #tpu.memory_space<hbm>>
    %dma_wait3A_852 = arith.constant 0 : i32
    %dma_wait3A_853 = tpu.memref_slice %arg5[%add3A_775, %dma_wait3A_852] : memref<262144x64xf32, #tpu.memory_space<hbm>> -> memref<256x64xf32, #tpu.memory_space<hbm>>
    %dma_wait3A_854 = arith.constant 0 : i32
    %dma_wait3A_855 = arith.constant 0 : i32
    %dma_wait3A_856 = tpu.memref_slice %arg12[%dma_wait3A_845, %dma_wait3A_854, %dma_wait3A_855] : memref<4x256x64xf32, #tpu.memory_space<vmem>> -> memref<1x256x64xf32, #tpu.memory_space<vmem>>
    %dma_wait3A_857 = tpu.memref_squeeze %dma_wait3A_856 : memref<1x256x64xf32, #tpu.memory_space<vmem>> -> memref<256x64xf32, #tpu.memory_space<vmem>>
    tpu.wait_dma2 semaphore(%arg20 : memref<!tpu.dma_semaphore, #tpu.memory_space<semaphore_mem>>) src(%dma_wait3A_857 : memref<256x64xf32, #tpu.memory_space<vmem>>) dst(%dma_wait3A_853 : memref<256x64xf32, #tpu.memory_space<hbm>>)
    %add3A_858 = arith.constant 4352 : i32
    %add3A_859 = arith.addi %mul3A_2, %add3A_858 : i32
    %dma_start3A_860 = arith.constant 1 : i32
    %dma_start3A_861 = arith.constant 0 : i32
    %dma_start3A_862 = arith.constant 0 : i32
    %dma_start3A_863 = tpu.memref_slice %arg12[%dma_start3A_860, %dma_start3A_861, %dma_start3A_862] : memref<4x256x64xf32, #tpu.memory_space<vmem>> -> memref<1x256x64xf32, #tpu.memory_space<vmem>>
    %dma_start3A_864 = tpu.memref_squeeze %dma_start3A_863 : memref<1x256x64xf32, #tpu.memory_space<vmem>> -> memref<256x64xf32, #tpu.memory_space<vmem>>
    %dma_start3A_865 = arith.constant 0 : i32
    %dma_start3A_866 = tpu.memref_slice %arg2[%add3A_859, %dma_start3A_865] : memref<262144x64xf32, #tpu.memory_space<hbm>> -> memref<256x64xf32, #tpu.memory_space<hbm>>
    %dma_start3A_867 = arith.constant 0 : i32
    %dma_start3A_868 = arith.constant 0 : i32
    %dma_start3A_869 = tpu.memref_slice %arg12[%dma_start3A_860, %dma_start3A_867, %dma_start3A_868] : memref<4x256x64xf32, #tpu.memory_space<vmem>> -> memref<1x256x64xf32, #tpu.memory_space<vmem>>
    %dma_start3A_870 = tpu.memref_squeeze %dma_start3A_869 : memref<1x256x64xf32, #tpu.memory_space<vmem>> -> memref<256x64xf32, #tpu.memory_space<vmem>>
    %dma_start3A_871 = arith.constant 0 : i32
    %dma_start3A_872 = tpu.memref_slice %arg2[%add3A_859, %dma_start3A_871] : memref<262144x64xf32, #tpu.memory_space<hbm>> -> memref<256x64xf32, #tpu.memory_space<hbm>>
    tpu.enqueue_dma source(%dma_start3A_872 : memref<256x64xf32, #tpu.memory_space<hbm>>) target(%dma_start3A_870 : memref<256x64xf32, #tpu.memory_space<vmem>>) target_semaphore(%arg16 : memref<!tpu.dma_semaphore, #tpu.memory_space<semaphore_mem>>)
    %dma_wait3A_873 = arith.constant 3 : i32
    %dma_wait3A_874 = arith.constant 0 : i32
    %dma_wait3A_875 = arith.constant 0 : i32
    %dma_wait3A_876 = tpu.memref_slice %arg12[%dma_wait3A_873, %dma_wait3A_874, %dma_wait3A_875] : memref<4x256x64xf32, #tpu.memory_space<vmem>> -> memref<1x256x64xf32, #tpu.memory_space<vmem>>
    %dma_wait3A_877 = tpu.memref_squeeze %dma_wait3A_876 : memref<1x256x64xf32, #tpu.memory_space<vmem>> -> memref<256x64xf32, #tpu.memory_space<vmem>>
    %dma_wait3A_878 = arith.constant 0 : i32
    %dma_wait3A_879 = tpu.memref_slice %arg2[%add3A_747, %dma_wait3A_878] : memref<262144x64xf32, #tpu.memory_space<hbm>> -> memref<256x64xf32, #tpu.memory_space<hbm>>
    %dma_wait3A_880 = arith.constant 0 : i32
    %dma_wait3A_881 = arith.constant 0 : i32
    %dma_wait3A_882 = tpu.memref_slice %arg12[%dma_wait3A_873, %dma_wait3A_880, %dma_wait3A_881] : memref<4x256x64xf32, #tpu.memory_space<vmem>> -> memref<1x256x64xf32, #tpu.memory_space<vmem>>
    %dma_wait3A_883 = tpu.memref_squeeze %dma_wait3A_882 : memref<1x256x64xf32, #tpu.memory_space<vmem>> -> memref<256x64xf32, #tpu.memory_space<vmem>>
    %dma_wait3A_884 = arith.constant 0 : i32
    %dma_wait3A_885 = tpu.memref_slice %arg2[%add3A_747, %dma_wait3A_884] : memref<262144x64xf32, #tpu.memory_space<hbm>> -> memref<256x64xf32, #tpu.memory_space<hbm>>
    tpu.wait_dma2 semaphore(%arg18 : memref<!tpu.dma_semaphore, #tpu.memory_space<semaphore_mem>>) src(%dma_wait3A_885 : memref<256x64xf32, #tpu.memory_space<hbm>>) dst(%dma_wait3A_883 : memref<256x64xf32, #tpu.memory_space<vmem>>)
    %add3A_886 = arith.constant 3840 : i32
    %add3A_887 = arith.addi %mul3A_2, %add3A_886 : i32
    %dma_start3A_888 = arith.constant 3 : i32
    %dma_start3A_889 = arith.constant 0 : i32
    %dma_start3A_890 = arith.constant 0 : i32
    %dma_start3A_891 = tpu.memref_slice %arg12[%dma_start3A_888, %dma_start3A_889, %dma_start3A_890] : memref<4x256x64xf32, #tpu.memory_space<vmem>> -> memref<1x256x64xf32, #tpu.memory_space<vmem>>
    %dma_start3A_892 = tpu.memref_squeeze %dma_start3A_891 : memref<1x256x64xf32, #tpu.memory_space<vmem>> -> memref<256x64xf32, #tpu.memory_space<vmem>>
    %dma_start3A_893 = arith.constant 0 : i32
    %dma_start3A_894 = tpu.memref_slice %arg5[%add3A_887, %dma_start3A_893] : memref<262144x64xf32, #tpu.memory_space<hbm>> -> memref<256x64xf32, #tpu.memory_space<hbm>>
    %dma_start3A_895 = arith.constant 0 : i32
    %dma_start3A_896 = tpu.memref_slice %arg5[%add3A_887, %dma_start3A_895] : memref<262144x64xf32, #tpu.memory_space<hbm>> -> memref<256x64xf32, #tpu.memory_space<hbm>>
    %dma_start3A_897 = arith.constant 0 : i32
    %dma_start3A_898 = arith.constant 0 : i32
    %dma_start3A_899 = tpu.memref_slice %arg12[%dma_start3A_888, %dma_start3A_897, %dma_start3A_898] : memref<4x256x64xf32, #tpu.memory_space<vmem>> -> memref<1x256x64xf32, #tpu.memory_space<vmem>>
    %dma_start3A_900 = tpu.memref_squeeze %dma_start3A_899 : memref<1x256x64xf32, #tpu.memory_space<vmem>> -> memref<256x64xf32, #tpu.memory_space<vmem>>
    tpu.enqueue_dma source(%dma_start3A_900 : memref<256x64xf32, #tpu.memory_space<vmem>>) target(%dma_start3A_896 : memref<256x64xf32, #tpu.memory_space<hbm>>) target_semaphore(%arg22 : memref<!tpu.dma_semaphore, #tpu.memory_space<semaphore_mem>>)
    %dma_wait3A_901 = arith.constant 2 : i32
    %dma_wait3A_902 = arith.constant 0 : i32
    %dma_wait3A_903 = arith.constant 0 : i32
    %dma_wait3A_904 = tpu.memref_slice %arg12[%dma_wait3A_901, %dma_wait3A_902, %dma_wait3A_903] : memref<4x256x64xf32, #tpu.memory_space<vmem>> -> memref<1x256x64xf32, #tpu.memory_space<vmem>>
    %dma_wait3A_905 = tpu.memref_squeeze %dma_wait3A_904 : memref<1x256x64xf32, #tpu.memory_space<vmem>> -> memref<256x64xf32, #tpu.memory_space<vmem>>
    %dma_wait3A_906 = arith.constant 0 : i32
    %dma_wait3A_907 = tpu.memref_slice %arg5[%add3A_831, %dma_wait3A_906] : memref<262144x64xf32, #tpu.memory_space<hbm>> -> memref<256x64xf32, #tpu.memory_space<hbm>>
    %dma_wait3A_908 = arith.constant 0 : i32
    %dma_wait3A_909 = tpu.memref_slice %arg5[%add3A_831, %dma_wait3A_908] : memref<262144x64xf32, #tpu.memory_space<hbm>> -> memref<256x64xf32, #tpu.memory_space<hbm>>
    %dma_wait3A_910 = arith.constant 0 : i32
    %dma_wait3A_911 = arith.constant 0 : i32
    %dma_wait3A_912 = tpu.memref_slice %arg12[%dma_wait3A_901, %dma_wait3A_910, %dma_wait3A_911] : memref<4x256x64xf32, #tpu.memory_space<vmem>> -> memref<1x256x64xf32, #tpu.memory_space<vmem>>
    %dma_wait3A_913 = tpu.memref_squeeze %dma_wait3A_912 : memref<1x256x64xf32, #tpu.memory_space<vmem>> -> memref<256x64xf32, #tpu.memory_space<vmem>>
    tpu.wait_dma2 semaphore(%arg21 : memref<!tpu.dma_semaphore, #tpu.memory_space<semaphore_mem>>) src(%dma_wait3A_913 : memref<256x64xf32, #tpu.memory_space<vmem>>) dst(%dma_wait3A_909 : memref<256x64xf32, #tpu.memory_space<hbm>>)
    %add3A_914 = arith.constant 4608 : i32
    %add3A_915 = arith.addi %mul3A_2, %add3A_914 : i32
    %dma_start3A_916 = arith.constant 2 : i32
    %dma_start3A_917 = arith.constant 0 : i32
    %dma_start3A_918 = arith.constant 0 : i32
    %dma_start3A_919 = tpu.memref_slice %arg12[%dma_start3A_916, %dma_start3A_917, %dma_start3A_918] : memref<4x256x64xf32, #tpu.memory_space<vmem>> -> memref<1x256x64xf32, #tpu.memory_space<vmem>>
    %dma_start3A_920 = tpu.memref_squeeze %dma_start3A_919 : memref<1x256x64xf32, #tpu.memory_space<vmem>> -> memref<256x64xf32, #tpu.memory_space<vmem>>
    %dma_start3A_921 = arith.constant 0 : i32
    %dma_start3A_922 = tpu.memref_slice %arg2[%add3A_915, %dma_start3A_921] : memref<262144x64xf32, #tpu.memory_space<hbm>> -> memref<256x64xf32, #tpu.memory_space<hbm>>
    %dma_start3A_923 = arith.constant 0 : i32
    %dma_start3A_924 = arith.constant 0 : i32
    %dma_start3A_925 = tpu.memref_slice %arg12[%dma_start3A_916, %dma_start3A_923, %dma_start3A_924] : memref<4x256x64xf32, #tpu.memory_space<vmem>> -> memref<1x256x64xf32, #tpu.memory_space<vmem>>
    %dma_start3A_926 = tpu.memref_squeeze %dma_start3A_925 : memref<1x256x64xf32, #tpu.memory_space<vmem>> -> memref<256x64xf32, #tpu.memory_space<vmem>>
    %dma_start3A_927 = arith.constant 0 : i32
    %dma_start3A_928 = tpu.memref_slice %arg2[%add3A_915, %dma_start3A_927] : memref<262144x64xf32, #tpu.memory_space<hbm>> -> memref<256x64xf32, #tpu.memory_space<hbm>>
    tpu.enqueue_dma source(%dma_start3A_928 : memref<256x64xf32, #tpu.memory_space<hbm>>) target(%dma_start3A_926 : memref<256x64xf32, #tpu.memory_space<vmem>>) target_semaphore(%arg17 : memref<!tpu.dma_semaphore, #tpu.memory_space<semaphore_mem>>)
    %dma_wait3A_929 = arith.constant 0 : i32
    %dma_wait3A_930 = arith.constant 0 : i32
    %dma_wait3A_931 = arith.constant 0 : i32
    %dma_wait3A_932 = tpu.memref_slice %arg12[%dma_wait3A_929, %dma_wait3A_930, %dma_wait3A_931] : memref<4x256x64xf32, #tpu.memory_space<vmem>> -> memref<1x256x64xf32, #tpu.memory_space<vmem>>
    %dma_wait3A_933 = tpu.memref_squeeze %dma_wait3A_932 : memref<1x256x64xf32, #tpu.memory_space<vmem>> -> memref<256x64xf32, #tpu.memory_space<vmem>>
    %dma_wait3A_934 = arith.constant 0 : i32
    %dma_wait3A_935 = tpu.memref_slice %arg2[%add3A_803, %dma_wait3A_934] : memref<262144x64xf32, #tpu.memory_space<hbm>> -> memref<256x64xf32, #tpu.memory_space<hbm>>
    %dma_wait3A_936 = arith.constant 0 : i32
    %dma_wait3A_937 = arith.constant 0 : i32
    %dma_wait3A_938 = tpu.memref_slice %arg12[%dma_wait3A_929, %dma_wait3A_936, %dma_wait3A_937] : memref<4x256x64xf32, #tpu.memory_space<vmem>> -> memref<1x256x64xf32, #tpu.memory_space<vmem>>
    %dma_wait3A_939 = tpu.memref_squeeze %dma_wait3A_938 : memref<1x256x64xf32, #tpu.memory_space<vmem>> -> memref<256x64xf32, #tpu.memory_space<vmem>>
    %dma_wait3A_940 = arith.constant 0 : i32
    %dma_wait3A_941 = tpu.memref_slice %arg2[%add3A_803, %dma_wait3A_940] : memref<262144x64xf32, #tpu.memory_space<hbm>> -> memref<256x64xf32, #tpu.memory_space<hbm>>
    tpu.wait_dma2 semaphore(%arg15 : memref<!tpu.dma_semaphore, #tpu.memory_space<semaphore_mem>>) src(%dma_wait3A_941 : memref<256x64xf32, #tpu.memory_space<hbm>>) dst(%dma_wait3A_939 : memref<256x64xf32, #tpu.memory_space<vmem>>)
    %add3A_942 = arith.constant 4096 : i32
    %add3A_943 = arith.addi %mul3A_2, %add3A_942 : i32
    %dma_start3A_944 = arith.constant 0 : i32
    %dma_start3A_945 = arith.constant 0 : i32
    %dma_start3A_946 = arith.constant 0 : i32
    %dma_start3A_947 = tpu.memref_slice %arg12[%dma_start3A_944, %dma_start3A_945, %dma_start3A_946] : memref<4x256x64xf32, #tpu.memory_space<vmem>> -> memref<1x256x64xf32, #tpu.memory_space<vmem>>
    %dma_start3A_948 = tpu.memref_squeeze %dma_start3A_947 : memref<1x256x64xf32, #tpu.memory_space<vmem>> -> memref<256x64xf32, #tpu.memory_space<vmem>>
    %dma_start3A_949 = arith.constant 0 : i32
    %dma_start3A_950 = tpu.memref_slice %arg5[%add3A_943, %dma_start3A_949] : memref<262144x64xf32, #tpu.memory_space<hbm>> -> memref<256x64xf32, #tpu.memory_space<hbm>>
    %dma_start3A_951 = arith.constant 0 : i32
    %dma_start3A_952 = tpu.memref_slice %arg5[%add3A_943, %dma_start3A_951] : memref<262144x64xf32, #tpu.memory_space<hbm>> -> memref<256x64xf32, #tpu.memory_space<hbm>>
    %dma_start3A_953 = arith.constant 0 : i32
    %dma_start3A_954 = arith.constant 0 : i32
    %dma_start3A_955 = tpu.memref_slice %arg12[%dma_start3A_944, %dma_start3A_953, %dma_start3A_954] : memref<4x256x64xf32, #tpu.memory_space<vmem>> -> memref<1x256x64xf32, #tpu.memory_space<vmem>>
    %dma_start3A_956 = tpu.memref_squeeze %dma_start3A_955 : memref<1x256x64xf32, #tpu.memory_space<vmem>> -> memref<256x64xf32, #tpu.memory_space<vmem>>
    tpu.enqueue_dma source(%dma_start3A_956 : memref<256x64xf32, #tpu.memory_space<vmem>>) target(%dma_start3A_952 : memref<256x64xf32, #tpu.memory_space<hbm>>) target_semaphore(%arg19 : memref<!tpu.dma_semaphore, #tpu.memory_space<semaphore_mem>>)
    %dma_wait3A_957 = arith.constant 3 : i32
    %dma_wait3A_958 = arith.constant 0 : i32
    %dma_wait3A_959 = arith.constant 0 : i32
    %dma_wait3A_960 = tpu.memref_slice %arg12[%dma_wait3A_957, %dma_wait3A_958, %dma_wait3A_959] : memref<4x256x64xf32, #tpu.memory_space<vmem>> -> memref<1x256x64xf32, #tpu.memory_space<vmem>>
    %dma_wait3A_961 = tpu.memref_squeeze %dma_wait3A_960 : memref<1x256x64xf32, #tpu.memory_space<vmem>> -> memref<256x64xf32, #tpu.memory_space<vmem>>
    %dma_wait3A_962 = arith.constant 0 : i32
    %dma_wait3A_963 = tpu.memref_slice %arg5[%add3A_887, %dma_wait3A_962] : memref<262144x64xf32, #tpu.memory_space<hbm>> -> memref<256x64xf32, #tpu.memory_space<hbm>>
    %dma_wait3A_964 = arith.constant 0 : i32
    %dma_wait3A_965 = tpu.memref_slice %arg5[%add3A_887, %dma_wait3A_964] : memref<262144x64xf32, #tpu.memory_space<hbm>> -> memref<256x64xf32, #tpu.memory_space<hbm>>
    %dma_wait3A_966 = arith.constant 0 : i32
    %dma_wait3A_967 = arith.constant 0 : i32
    %dma_wait3A_968 = tpu.memref_slice %arg12[%dma_wait3A_957, %dma_wait3A_966, %dma_wait3A_967] : memref<4x256x64xf32, #tpu.memory_space<vmem>> -> memref<1x256x64xf32, #tpu.memory_space<vmem>>
    %dma_wait3A_969 = tpu.memref_squeeze %dma_wait3A_968 : memref<1x256x64xf32, #tpu.memory_space<vmem>> -> memref<256x64xf32, #tpu.memory_space<vmem>>
    tpu.wait_dma2 semaphore(%arg22 : memref<!tpu.dma_semaphore, #tpu.memory_space<semaphore_mem>>) src(%dma_wait3A_969 : memref<256x64xf32, #tpu.memory_space<vmem>>) dst(%dma_wait3A_965 : memref<256x64xf32, #tpu.memory_space<hbm>>)
    %add3A_970 = arith.constant 4864 : i32
    %add3A_971 = arith.addi %mul3A_2, %add3A_970 : i32
    %dma_start3A_972 = arith.constant 3 : i32
    %dma_start3A_973 = arith.constant 0 : i32
    %dma_start3A_974 = arith.constant 0 : i32
    %dma_start3A_975 = tpu.memref_slice %arg12[%dma_start3A_972, %dma_start3A_973, %dma_start3A_974] : memref<4x256x64xf32, #tpu.memory_space<vmem>> -> memref<1x256x64xf32, #tpu.memory_space<vmem>>
    %dma_start3A_976 = tpu.memref_squeeze %dma_start3A_975 : memref<1x256x64xf32, #tpu.memory_space<vmem>> -> memref<256x64xf32, #tpu.memory_space<vmem>>
    %dma_start3A_977 = arith.constant 0 : i32
    %dma_start3A_978 = tpu.memref_slice %arg2[%add3A_971, %dma_start3A_977] : memref<262144x64xf32, #tpu.memory_space<hbm>> -> memref<256x64xf32, #tpu.memory_space<hbm>>
    %dma_start3A_979 = arith.constant 0 : i32
    %dma_start3A_980 = arith.constant 0 : i32
    %dma_start3A_981 = tpu.memref_slice %arg12[%dma_start3A_972, %dma_start3A_979, %dma_start3A_980] : memref<4x256x64xf32, #tpu.memory_space<vmem>> -> memref<1x256x64xf32, #tpu.memory_space<vmem>>
    %dma_start3A_982 = tpu.memref_squeeze %dma_start3A_981 : memref<1x256x64xf32, #tpu.memory_space<vmem>> -> memref<256x64xf32, #tpu.memory_space<vmem>>
    %dma_start3A_983 = arith.constant 0 : i32
    %dma_start3A_984 = tpu.memref_slice %arg2[%add3A_971, %dma_start3A_983] : memref<262144x64xf32, #tpu.memory_space<hbm>> -> memref<256x64xf32, #tpu.memory_space<hbm>>
    tpu.enqueue_dma source(%dma_start3A_984 : memref<256x64xf32, #tpu.memory_space<hbm>>) target(%dma_start3A_982 : memref<256x64xf32, #tpu.memory_space<vmem>>) target_semaphore(%arg18 : memref<!tpu.dma_semaphore, #tpu.memory_space<semaphore_mem>>)
    %dma_wait3A_985 = arith.constant 1 : i32
    %dma_wait3A_986 = arith.constant 0 : i32
    %dma_wait3A_987 = arith.constant 0 : i32
    %dma_wait3A_988 = tpu.memref_slice %arg12[%dma_wait3A_985, %dma_wait3A_986, %dma_wait3A_987] : memref<4x256x64xf32, #tpu.memory_space<vmem>> -> memref<1x256x64xf32, #tpu.memory_space<vmem>>
    %dma_wait3A_989 = tpu.memref_squeeze %dma_wait3A_988 : memref<1x256x64xf32, #tpu.memory_space<vmem>> -> memref<256x64xf32, #tpu.memory_space<vmem>>
    %dma_wait3A_990 = arith.constant 0 : i32
    %dma_wait3A_991 = tpu.memref_slice %arg2[%add3A_859, %dma_wait3A_990] : memref<262144x64xf32, #tpu.memory_space<hbm>> -> memref<256x64xf32, #tpu.memory_space<hbm>>
    %dma_wait3A_992 = arith.constant 0 : i32
    %dma_wait3A_993 = arith.constant 0 : i32
    %dma_wait3A_994 = tpu.memref_slice %arg12[%dma_wait3A_985, %dma_wait3A_992, %dma_wait3A_993] : memref<4x256x64xf32, #tpu.memory_space<vmem>> -> memref<1x256x64xf32, #tpu.memory_space<vmem>>
    %dma_wait3A_995 = tpu.memref_squeeze %dma_wait3A_994 : memref<1x256x64xf32, #tpu.memory_space<vmem>> -> memref<256x64xf32, #tpu.memory_space<vmem>>
    %dma_wait3A_996 = arith.constant 0 : i32
    %dma_wait3A_997 = tpu.memref_slice %arg2[%add3A_859, %dma_wait3A_996] : memref<262144x64xf32, #tpu.memory_space<hbm>> -> memref<256x64xf32, #tpu.memory_space<hbm>>
    tpu.wait_dma2 semaphore(%arg16 : memref<!tpu.dma_semaphore, #tpu.memory_space<semaphore_mem>>) src(%dma_wait3A_997 : memref<256x64xf32, #tpu.memory_space<hbm>>) dst(%dma_wait3A_995 : memref<256x64xf32, #tpu.memory_space<vmem>>)
    %add3A_998 = arith.constant 4352 : i32
    %add3A_999 = arith.addi %mul3A_2, %add3A_998 : i32
    %dma_start3A_1000 = arith.constant 1 : i32
    %dma_start3A_1001 = arith.constant 0 : i32
    %dma_start3A_1002 = arith.constant 0 : i32
    %dma_start3A_1003 = tpu.memref_slice %arg12[%dma_start3A_1000, %dma_start3A_1001, %dma_start3A_1002] : memref<4x256x64xf32, #tpu.memory_space<vmem>> -> memref<1x256x64xf32, #tpu.memory_space<vmem>>
    %dma_start3A_1004 = tpu.memref_squeeze %dma_start3A_1003 : memref<1x256x64xf32, #tpu.memory_space<vmem>> -> memref<256x64xf32, #tpu.memory_space<vmem>>
    %dma_start3A_1005 = arith.constant 0 : i32
    %dma_start3A_1006 = tpu.memref_slice %arg5[%add3A_999, %dma_start3A_1005] : memref<262144x64xf32, #tpu.memory_space<hbm>> -> memref<256x64xf32, #tpu.memory_space<hbm>>
    %dma_start3A_1007 = arith.constant 0 : i32
    %dma_start3A_1008 = tpu.memref_slice %arg5[%add3A_999, %dma_start3A_1007] : memref<262144x64xf32, #tpu.memory_space<hbm>> -> memref<256x64xf32, #tpu.memory_space<hbm>>
    %dma_start3A_1009 = arith.constant 0 : i32
    %dma_start3A_1010 = arith.constant 0 : i32
    %dma_start3A_1011 = tpu.memref_slice %arg12[%dma_start3A_1000, %dma_start3A_1009, %dma_start3A_1010] : memref<4x256x64xf32, #tpu.memory_space<vmem>> -> memref<1x256x64xf32, #tpu.memory_space<vmem>>
    %dma_start3A_1012 = tpu.memref_squeeze %dma_start3A_1011 : memref<1x256x64xf32, #tpu.memory_space<vmem>> -> memref<256x64xf32, #tpu.memory_space<vmem>>
    tpu.enqueue_dma source(%dma_start3A_1012 : memref<256x64xf32, #tpu.memory_space<vmem>>) target(%dma_start3A_1008 : memref<256x64xf32, #tpu.memory_space<hbm>>) target_semaphore(%arg20 : memref<!tpu.dma_semaphore, #tpu.memory_space<semaphore_mem>>)
    %dma_wait3A_1013 = arith.constant 0 : i32
    %dma_wait3A_1014 = arith.constant 0 : i32
    %dma_wait3A_1015 = arith.constant 0 : i32
    %dma_wait3A_1016 = tpu.memref_slice %arg12[%dma_wait3A_1013, %dma_wait3A_1014, %dma_wait3A_1015] : memref<4x256x64xf32, #tpu.memory_space<vmem>> -> memref<1x256x64xf32, #tpu.memory_space<vmem>>
    %dma_wait3A_1017 = tpu.memref_squeeze %dma_wait3A_1016 : memref<1x256x64xf32, #tpu.memory_space<vmem>> -> memref<256x64xf32, #tpu.memory_space<vmem>>
    %dma_wait3A_1018 = arith.constant 0 : i32
    %dma_wait3A_1019 = tpu.memref_slice %arg5[%add3A_943, %dma_wait3A_1018] : memref<262144x64xf32, #tpu.memory_space<hbm>> -> memref<256x64xf32, #tpu.memory_space<hbm>>
    %dma_wait3A_1020 = arith.constant 0 : i32
    %dma_wait3A_1021 = tpu.memref_slice %arg5[%add3A_943, %dma_wait3A_1020] : memref<262144x64xf32, #tpu.memory_space<hbm>> -> memref<256x64xf32, #tpu.memory_space<hbm>>
    %dma_wait3A_1022 = arith.constant 0 : i32
    %dma_wait3A_1023 = arith.constant 0 : i32
    %dma_wait3A_1024 = tpu.memref_slice %arg12[%dma_wait3A_1013, %dma_wait3A_1022, %dma_wait3A_1023] : memref<4x256x64xf32, #tpu.memory_space<vmem>> -> memref<1x256x64xf32, #tpu.memory_space<vmem>>
    %dma_wait3A_1025 = tpu.memref_squeeze %dma_wait3A_1024 : memref<1x256x64xf32, #tpu.memory_space<vmem>> -> memref<256x64xf32, #tpu.memory_space<vmem>>
    tpu.wait_dma2 semaphore(%arg19 : memref<!tpu.dma_semaphore, #tpu.memory_space<semaphore_mem>>) src(%dma_wait3A_1025 : memref<256x64xf32, #tpu.memory_space<vmem>>) dst(%dma_wait3A_1021 : memref<256x64xf32, #tpu.memory_space<hbm>>)
    %add3A_1026 = arith.constant 5120 : i32
    %add3A_1027 = arith.addi %mul3A_2, %add3A_1026 : i32
    %dma_start3A_1028 = arith.constant 0 : i32
    %dma_start3A_1029 = arith.constant 0 : i32
    %dma_start3A_1030 = arith.constant 0 : i32
    %dma_start3A_1031 = tpu.memref_slice %arg12[%dma_start3A_1028, %dma_start3A_1029, %dma_start3A_1030] : memref<4x256x64xf32, #tpu.memory_space<vmem>> -> memref<1x256x64xf32, #tpu.memory_space<vmem>>
    %dma_start3A_1032 = tpu.memref_squeeze %dma_start3A_1031 : memref<1x256x64xf32, #tpu.memory_space<vmem>> -> memref<256x64xf32, #tpu.memory_space<vmem>>
    %dma_start3A_1033 = arith.constant 0 : i32
    %dma_start3A_1034 = tpu.memref_slice %arg2[%add3A_1027, %dma_start3A_1033] : memref<262144x64xf32, #tpu.memory_space<hbm>> -> memref<256x64xf32, #tpu.memory_space<hbm>>
    %dma_start3A_1035 = arith.constant 0 : i32
    %dma_start3A_1036 = arith.constant 0 : i32
    %dma_start3A_1037 = tpu.memref_slice %arg12[%dma_start3A_1028, %dma_start3A_1035, %dma_start3A_1036] : memref<4x256x64xf32, #tpu.memory_space<vmem>> -> memref<1x256x64xf32, #tpu.memory_space<vmem>>
    %dma_start3A_1038 = tpu.memref_squeeze %dma_start3A_1037 : memref<1x256x64xf32, #tpu.memory_space<vmem>> -> memref<256x64xf32, #tpu.memory_space<vmem>>
    %dma_start3A_1039 = arith.constant 0 : i32
    %dma_start3A_1040 = tpu.memref_slice %arg2[%add3A_1027, %dma_start3A_1039] : memref<262144x64xf32, #tpu.memory_space<hbm>> -> memref<256x64xf32, #tpu.memory_space<hbm>>
    tpu.enqueue_dma source(%dma_start3A_1040 : memref<256x64xf32, #tpu.memory_space<hbm>>) target(%dma_start3A_1038 : memref<256x64xf32, #tpu.memory_space<vmem>>) target_semaphore(%arg15 : memref<!tpu.dma_semaphore, #tpu.memory_space<semaphore_mem>>)
    %dma_wait3A_1041 = arith.constant 2 : i32
    %dma_wait3A_1042 = arith.constant 0 : i32
    %dma_wait3A_1043 = arith.constant 0 : i32
    %dma_wait3A_1044 = tpu.memref_slice %arg12[%dma_wait3A_1041, %dma_wait3A_1042, %dma_wait3A_1043] : memref<4x256x64xf32, #tpu.memory_space<vmem>> -> memref<1x256x64xf32, #tpu.memory_space<vmem>>
    %dma_wait3A_1045 = tpu.memref_squeeze %dma_wait3A_1044 : memref<1x256x64xf32, #tpu.memory_space<vmem>> -> memref<256x64xf32, #tpu.memory_space<vmem>>
    %dma_wait3A_1046 = arith.constant 0 : i32
    %dma_wait3A_1047 = tpu.memref_slice %arg2[%add3A_915, %dma_wait3A_1046] : memref<262144x64xf32, #tpu.memory_space<hbm>> -> memref<256x64xf32, #tpu.memory_space<hbm>>
    %dma_wait3A_1048 = arith.constant 0 : i32
    %dma_wait3A_1049 = arith.constant 0 : i32
    %dma_wait3A_1050 = tpu.memref_slice %arg12[%dma_wait3A_1041, %dma_wait3A_1048, %dma_wait3A_1049] : memref<4x256x64xf32, #tpu.memory_space<vmem>> -> memref<1x256x64xf32, #tpu.memory_space<vmem>>
    %dma_wait3A_1051 = tpu.memref_squeeze %dma_wait3A_1050 : memref<1x256x64xf32, #tpu.memory_space<vmem>> -> memref<256x64xf32, #tpu.memory_space<vmem>>
    %dma_wait3A_1052 = arith.constant 0 : i32
    %dma_wait3A_1053 = tpu.memref_slice %arg2[%add3A_915, %dma_wait3A_1052] : memref<262144x64xf32, #tpu.memory_space<hbm>> -> memref<256x64xf32, #tpu.memory_space<hbm>>
    tpu.wait_dma2 semaphore(%arg17 : memref<!tpu.dma_semaphore, #tpu.memory_space<semaphore_mem>>) src(%dma_wait3A_1053 : memref<256x64xf32, #tpu.memory_space<hbm>>) dst(%dma_wait3A_1051 : memref<256x64xf32, #tpu.memory_space<vmem>>)
    %add3A_1054 = arith.constant 4608 : i32
    %add3A_1055 = arith.addi %mul3A_2, %add3A_1054 : i32
    %dma_start3A_1056 = arith.constant 2 : i32
    %dma_start3A_1057 = arith.constant 0 : i32
    %dma_start3A_1058 = arith.constant 0 : i32
    %dma_start3A_1059 = tpu.memref_slice %arg12[%dma_start3A_1056, %dma_start3A_1057, %dma_start3A_1058] : memref<4x256x64xf32, #tpu.memory_space<vmem>> -> memref<1x256x64xf32, #tpu.memory_space<vmem>>
    %dma_start3A_1060 = tpu.memref_squeeze %dma_start3A_1059 : memref<1x256x64xf32, #tpu.memory_space<vmem>> -> memref<256x64xf32, #tpu.memory_space<vmem>>
    %dma_start3A_1061 = arith.constant 0 : i32
    %dma_start3A_1062 = tpu.memref_slice %arg5[%add3A_1055, %dma_start3A_1061] : memref<262144x64xf32, #tpu.memory_space<hbm>> -> memref<256x64xf32, #tpu.memory_space<hbm>>
    %dma_start3A_1063 = arith.constant 0 : i32
    %dma_start3A_1064 = tpu.memref_slice %arg5[%add3A_1055, %dma_start3A_1063] : memref<262144x64xf32, #tpu.memory_space<hbm>> -> memref<256x64xf32, #tpu.memory_space<hbm>>
    %dma_start3A_1065 = arith.constant 0 : i32
    %dma_start3A_1066 = arith.constant 0 : i32
    %dma_start3A_1067 = tpu.memref_slice %arg12[%dma_start3A_1056, %dma_start3A_1065, %dma_start3A_1066] : memref<4x256x64xf32, #tpu.memory_space<vmem>> -> memref<1x256x64xf32, #tpu.memory_space<vmem>>
    %dma_start3A_1068 = tpu.memref_squeeze %dma_start3A_1067 : memref<1x256x64xf32, #tpu.memory_space<vmem>> -> memref<256x64xf32, #tpu.memory_space<vmem>>
    tpu.enqueue_dma source(%dma_start3A_1068 : memref<256x64xf32, #tpu.memory_space<vmem>>) target(%dma_start3A_1064 : memref<256x64xf32, #tpu.memory_space<hbm>>) target_semaphore(%arg21 : memref<!tpu.dma_semaphore, #tpu.memory_space<semaphore_mem>>)
    %dma_wait3A_1069 = arith.constant 1 : i32
    %dma_wait3A_1070 = arith.constant 0 : i32
    %dma_wait3A_1071 = arith.constant 0 : i32
    %dma_wait3A_1072 = tpu.memref_slice %arg12[%dma_wait3A_1069, %dma_wait3A_1070, %dma_wait3A_1071] : memref<4x256x64xf32, #tpu.memory_space<vmem>> -> memref<1x256x64xf32, #tpu.memory_space<vmem>>
    %dma_wait3A_1073 = tpu.memref_squeeze %dma_wait3A_1072 : memref<1x256x64xf32, #tpu.memory_space<vmem>> -> memref<256x64xf32, #tpu.memory_space<vmem>>
    %dma_wait3A_1074 = arith.constant 0 : i32
    %dma_wait3A_1075 = tpu.memref_slice %arg5[%add3A_999, %dma_wait3A_1074] : memref<262144x64xf32, #tpu.memory_space<hbm>> -> memref<256x64xf32, #tpu.memory_space<hbm>>
    %dma_wait3A_1076 = arith.constant 0 : i32
    %dma_wait3A_1077 = tpu.memref_slice %arg5[%add3A_999, %dma_wait3A_1076] : memref<262144x64xf32, #tpu.memory_space<hbm>> -> memref<256x64xf32, #tpu.memory_space<hbm>>
    %dma_wait3A_1078 = arith.constant 0 : i32
    %dma_wait3A_1079 = arith.constant 0 : i32
    %dma_wait3A_1080 = tpu.memref_slice %arg12[%dma_wait3A_1069, %dma_wait3A_1078, %dma_wait3A_1079] : memref<4x256x64xf32, #tpu.memory_space<vmem>> -> memref<1x256x64xf32, #tpu.memory_space<vmem>>
    %dma_wait3A_1081 = tpu.memref_squeeze %dma_wait3A_1080 : memref<1x256x64xf32, #tpu.memory_space<vmem>> -> memref<256x64xf32, #tpu.memory_space<vmem>>
    tpu.wait_dma2 semaphore(%arg20 : memref<!tpu.dma_semaphore, #tpu.memory_space<semaphore_mem>>) src(%dma_wait3A_1081 : memref<256x64xf32, #tpu.memory_space<vmem>>) dst(%dma_wait3A_1077 : memref<256x64xf32, #tpu.memory_space<hbm>>)
    %add3A_1082 = arith.constant 5376 : i32
    %add3A_1083 = arith.addi %mul3A_2, %add3A_1082 : i32
    %dma_start3A_1084 = arith.constant 1 : i32
    %dma_start3A_1085 = arith.constant 0 : i32
    %dma_start3A_1086 = arith.constant 0 : i32
    %dma_start3A_1087 = tpu.memref_slice %arg12[%dma_start3A_1084, %dma_start3A_1085, %dma_start3A_1086] : memref<4x256x64xf32, #tpu.memory_space<vmem>> -> memref<1x256x64xf32, #tpu.memory_space<vmem>>
    %dma_start3A_1088 = tpu.memref_squeeze %dma_start3A_1087 : memref<1x256x64xf32, #tpu.memory_space<vmem>> -> memref<256x64xf32, #tpu.memory_space<vmem>>
    %dma_start3A_1089 = arith.constant 0 : i32
    %dma_start3A_1090 = tpu.memref_slice %arg2[%add3A_1083, %dma_start3A_1089] : memref<262144x64xf32, #tpu.memory_space<hbm>> -> memref<256x64xf32, #tpu.memory_space<hbm>>
    %dma_start3A_1091 = arith.constant 0 : i32
    %dma_start3A_1092 = arith.constant 0 : i32
    %dma_start3A_1093 = tpu.memref_slice %arg12[%dma_start3A_1084, %dma_start3A_1091, %dma_start3A_1092] : memref<4x256x64xf32, #tpu.memory_space<vmem>> -> memref<1x256x64xf32, #tpu.memory_space<vmem>>
    %dma_start3A_1094 = tpu.memref_squeeze %dma_start3A_1093 : memref<1x256x64xf32, #tpu.memory_space<vmem>> -> memref<256x64xf32, #tpu.memory_space<vmem>>
    %dma_start3A_1095 = arith.constant 0 : i32
    %dma_start3A_1096 = tpu.memref_slice %arg2[%add3A_1083, %dma_start3A_1095] : memref<262144x64xf32, #tpu.memory_space<hbm>> -> memref<256x64xf32, #tpu.memory_space<hbm>>
    tpu.enqueue_dma source(%dma_start3A_1096 : memref<256x64xf32, #tpu.memory_space<hbm>>) target(%dma_start3A_1094 : memref<256x64xf32, #tpu.memory_space<vmem>>) target_semaphore(%arg16 : memref<!tpu.dma_semaphore, #tpu.memory_space<semaphore_mem>>)
    %dma_wait3A_1097 = arith.constant 3 : i32
    %dma_wait3A_1098 = arith.constant 0 : i32
    %dma_wait3A_1099 = arith.constant 0 : i32
    %dma_wait3A_1100 = tpu.memref_slice %arg12[%dma_wait3A_1097, %dma_wait3A_1098, %dma_wait3A_1099] : memref<4x256x64xf32, #tpu.memory_space<vmem>> -> memref<1x256x64xf32, #tpu.memory_space<vmem>>
    %dma_wait3A_1101 = tpu.memref_squeeze %dma_wait3A_1100 : memref<1x256x64xf32, #tpu.memory_space<vmem>> -> memref<256x64xf32, #tpu.memory_space<vmem>>
    %dma_wait3A_1102 = arith.constant 0 : i32
    %dma_wait3A_1103 = tpu.memref_slice %arg2[%add3A_971, %dma_wait3A_1102] : memref<262144x64xf32, #tpu.memory_space<hbm>> -> memref<256x64xf32, #tpu.memory_space<hbm>>
    %dma_wait3A_1104 = arith.constant 0 : i32
    %dma_wait3A_1105 = arith.constant 0 : i32
    %dma_wait3A_1106 = tpu.memref_slice %arg12[%dma_wait3A_1097, %dma_wait3A_1104, %dma_wait3A_1105] : memref<4x256x64xf32, #tpu.memory_space<vmem>> -> memref<1x256x64xf32, #tpu.memory_space<vmem>>
    %dma_wait3A_1107 = tpu.memref_squeeze %dma_wait3A_1106 : memref<1x256x64xf32, #tpu.memory_space<vmem>> -> memref<256x64xf32, #tpu.memory_space<vmem>>
    %dma_wait3A_1108 = arith.constant 0 : i32
    %dma_wait3A_1109 = tpu.memref_slice %arg2[%add3A_971, %dma_wait3A_1108] : memref<262144x64xf32, #tpu.memory_space<hbm>> -> memref<256x64xf32, #tpu.memory_space<hbm>>
    tpu.wait_dma2 semaphore(%arg18 : memref<!tpu.dma_semaphore, #tpu.memory_space<semaphore_mem>>) src(%dma_wait3A_1109 : memref<256x64xf32, #tpu.memory_space<hbm>>) dst(%dma_wait3A_1107 : memref<256x64xf32, #tpu.memory_space<vmem>>)
    %add3A_1110 = arith.constant 4864 : i32
    %add3A_1111 = arith.addi %mul3A_2, %add3A_1110 : i32
    %dma_start3A_1112 = arith.constant 3 : i32
    %dma_start3A_1113 = arith.constant 0 : i32
    %dma_start3A_1114 = arith.constant 0 : i32
    %dma_start3A_1115 = tpu.memref_slice %arg12[%dma_start3A_1112, %dma_start3A_1113, %dma_start3A_1114] : memref<4x256x64xf32, #tpu.memory_space<vmem>> -> memref<1x256x64xf32, #tpu.memory_space<vmem>>
    %dma_start3A_1116 = tpu.memref_squeeze %dma_start3A_1115 : memref<1x256x64xf32, #tpu.memory_space<vmem>> -> memref<256x64xf32, #tpu.memory_space<vmem>>
    %dma_start3A_1117 = arith.constant 0 : i32
    %dma_start3A_1118 = tpu.memref_slice %arg5[%add3A_1111, %dma_start3A_1117] : memref<262144x64xf32, #tpu.memory_space<hbm>> -> memref<256x64xf32, #tpu.memory_space<hbm>>
    %dma_start3A_1119 = arith.constant 0 : i32
    %dma_start3A_1120 = tpu.memref_slice %arg5[%add3A_1111, %dma_start3A_1119] : memref<262144x64xf32, #tpu.memory_space<hbm>> -> memref<256x64xf32, #tpu.memory_space<hbm>>
    %dma_start3A_1121 = arith.constant 0 : i32
    %dma_start3A_1122 = arith.constant 0 : i32
    %dma_start3A_1123 = tpu.memref_slice %arg12[%dma_start3A_1112, %dma_start3A_1121, %dma_start3A_1122] : memref<4x256x64xf32, #tpu.memory_space<vmem>> -> memref<1x256x64xf32, #tpu.memory_space<vmem>>
    %dma_start3A_1124 = tpu.memref_squeeze %dma_start3A_1123 : memref<1x256x64xf32, #tpu.memory_space<vmem>> -> memref<256x64xf32, #tpu.memory_space<vmem>>
    tpu.enqueue_dma source(%dma_start3A_1124 : memref<256x64xf32, #tpu.memory_space<vmem>>) target(%dma_start3A_1120 : memref<256x64xf32, #tpu.memory_space<hbm>>) target_semaphore(%arg22 : memref<!tpu.dma_semaphore, #tpu.memory_space<semaphore_mem>>)
    %dma_wait3A_1125 = arith.constant 2 : i32
    %dma_wait3A_1126 = arith.constant 0 : i32
    %dma_wait3A_1127 = arith.constant 0 : i32
    %dma_wait3A_1128 = tpu.memref_slice %arg12[%dma_wait3A_1125, %dma_wait3A_1126, %dma_wait3A_1127] : memref<4x256x64xf32, #tpu.memory_space<vmem>> -> memref<1x256x64xf32, #tpu.memory_space<vmem>>
    %dma_wait3A_1129 = tpu.memref_squeeze %dma_wait3A_1128 : memref<1x256x64xf32, #tpu.memory_space<vmem>> -> memref<256x64xf32, #tpu.memory_space<vmem>>
    %dma_wait3A_1130 = arith.constant 0 : i32
    %dma_wait3A_1131 = tpu.memref_slice %arg5[%add3A_1055, %dma_wait3A_1130] : memref<262144x64xf32, #tpu.memory_space<hbm>> -> memref<256x64xf32, #tpu.memory_space<hbm>>
    %dma_wait3A_1132 = arith.constant 0 : i32
    %dma_wait3A_1133 = tpu.memref_slice %arg5[%add3A_1055, %dma_wait3A_1132] : memref<262144x64xf32, #tpu.memory_space<hbm>> -> memref<256x64xf32, #tpu.memory_space<hbm>>
    %dma_wait3A_1134 = arith.constant 0 : i32
    %dma_wait3A_1135 = arith.constant 0 : i32
    %dma_wait3A_1136 = tpu.memref_slice %arg12[%dma_wait3A_1125, %dma_wait3A_1134, %dma_wait3A_1135] : memref<4x256x64xf32, #tpu.memory_space<vmem>> -> memref<1x256x64xf32, #tpu.memory_space<vmem>>
    %dma_wait3A_1137 = tpu.memref_squeeze %dma_wait3A_1136 : memref<1x256x64xf32, #tpu.memory_space<vmem>> -> memref<256x64xf32, #tpu.memory_space<vmem>>
    tpu.wait_dma2 semaphore(%arg21 : memref<!tpu.dma_semaphore, #tpu.memory_space<semaphore_mem>>) src(%dma_wait3A_1137 : memref<256x64xf32, #tpu.memory_space<vmem>>) dst(%dma_wait3A_1133 : memref<256x64xf32, #tpu.memory_space<hbm>>)
    %add3A_1138 = arith.constant 5632 : i32
    %add3A_1139 = arith.addi %mul3A_2, %add3A_1138 : i32
    %dma_start3A_1140 = arith.constant 2 : i32
    %dma_start3A_1141 = arith.constant 0 : i32
    %dma_start3A_1142 = arith.constant 0 : i32
    %dma_start3A_1143 = tpu.memref_slice %arg12[%dma_start3A_1140, %dma_start3A_1141, %dma_start3A_1142] : memref<4x256x64xf32, #tpu.memory_space<vmem>> -> memref<1x256x64xf32, #tpu.memory_space<vmem>>
    %dma_start3A_1144 = tpu.memref_squeeze %dma_start3A_1143 : memref<1x256x64xf32, #tpu.memory_space<vmem>> -> memref<256x64xf32, #tpu.memory_space<vmem>>
    %dma_start3A_1145 = arith.constant 0 : i32
    %dma_start3A_1146 = tpu.memref_slice %arg2[%add3A_1139, %dma_start3A_1145] : memref<262144x64xf32, #tpu.memory_space<hbm>> -> memref<256x64xf32, #tpu.memory_space<hbm>>
    %dma_start3A_1147 = arith.constant 0 : i32
    %dma_start3A_1148 = arith.constant 0 : i32
    %dma_start3A_1149 = tpu.memref_slice %arg12[%dma_start3A_1140, %dma_start3A_1147, %dma_start3A_1148] : memref<4x256x64xf32, #tpu.memory_space<vmem>> -> memref<1x256x64xf32, #tpu.memory_space<vmem>>
    %dma_start3A_1150 = tpu.memref_squeeze %dma_start3A_1149 : memref<1x256x64xf32, #tpu.memory_space<vmem>> -> memref<256x64xf32, #tpu.memory_space<vmem>>
    %dma_start3A_1151 = arith.constant 0 : i32
    %dma_start3A_1152 = tpu.memref_slice %arg2[%add3A_1139, %dma_start3A_1151] : memref<262144x64xf32, #tpu.memory_space<hbm>> -> memref<256x64xf32, #tpu.memory_space<hbm>>
    tpu.enqueue_dma source(%dma_start3A_1152 : memref<256x64xf32, #tpu.memory_space<hbm>>) target(%dma_start3A_1150 : memref<256x64xf32, #tpu.memory_space<vmem>>) target_semaphore(%arg17 : memref<!tpu.dma_semaphore, #tpu.memory_space<semaphore_mem>>)
    %dma_wait3A_1153 = arith.constant 0 : i32
    %dma_wait3A_1154 = arith.constant 0 : i32
    %dma_wait3A_1155 = arith.constant 0 : i32
    %dma_wait3A_1156 = tpu.memref_slice %arg12[%dma_wait3A_1153, %dma_wait3A_1154, %dma_wait3A_1155] : memref<4x256x64xf32, #tpu.memory_space<vmem>> -> memref<1x256x64xf32, #tpu.memory_space<vmem>>
    %dma_wait3A_1157 = tpu.memref_squeeze %dma_wait3A_1156 : memref<1x256x64xf32, #tpu.memory_space<vmem>> -> memref<256x64xf32, #tpu.memory_space<vmem>>
    %dma_wait3A_1158 = arith.constant 0 : i32
    %dma_wait3A_1159 = tpu.memref_slice %arg2[%add3A_1027, %dma_wait3A_1158] : memref<262144x64xf32, #tpu.memory_space<hbm>> -> memref<256x64xf32, #tpu.memory_space<hbm>>
    %dma_wait3A_1160 = arith.constant 0 : i32
    %dma_wait3A_1161 = arith.constant 0 : i32
    %dma_wait3A_1162 = tpu.memref_slice %arg12[%dma_wait3A_1153, %dma_wait3A_1160, %dma_wait3A_1161] : memref<4x256x64xf32, #tpu.memory_space<vmem>> -> memref<1x256x64xf32, #tpu.memory_space<vmem>>
    %dma_wait3A_1163 = tpu.memref_squeeze %dma_wait3A_1162 : memref<1x256x64xf32, #tpu.memory_space<vmem>> -> memref<256x64xf32, #tpu.memory_space<vmem>>
    %dma_wait3A_1164 = arith.constant 0 : i32
    %dma_wait3A_1165 = tpu.memref_slice %arg2[%add3A_1027, %dma_wait3A_1164] : memref<262144x64xf32, #tpu.memory_space<hbm>> -> memref<256x64xf32, #tpu.memory_space<hbm>>
    tpu.wait_dma2 semaphore(%arg15 : memref<!tpu.dma_semaphore, #tpu.memory_space<semaphore_mem>>) src(%dma_wait3A_1165 : memref<256x64xf32, #tpu.memory_space<hbm>>) dst(%dma_wait3A_1163 : memref<256x64xf32, #tpu.memory_space<vmem>>)
    %add3A_1166 = arith.constant 5120 : i32
    %add3A_1167 = arith.addi %mul3A_2, %add3A_1166 : i32
    %dma_start3A_1168 = arith.constant 0 : i32
    %dma_start3A_1169 = arith.constant 0 : i32
    %dma_start3A_1170 = arith.constant 0 : i32
    %dma_start3A_1171 = tpu.memref_slice %arg12[%dma_start3A_1168, %dma_start3A_1169, %dma_start3A_1170] : memref<4x256x64xf32, #tpu.memory_space<vmem>> -> memref<1x256x64xf32, #tpu.memory_space<vmem>>
    %dma_start3A_1172 = tpu.memref_squeeze %dma_start3A_1171 : memref<1x256x64xf32, #tpu.memory_space<vmem>> -> memref<256x64xf32, #tpu.memory_space<vmem>>
    %dma_start3A_1173 = arith.constant 0 : i32
    %dma_start3A_1174 = tpu.memref_slice %arg5[%add3A_1167, %dma_start3A_1173] : memref<262144x64xf32, #tpu.memory_space<hbm>> -> memref<256x64xf32, #tpu.memory_space<hbm>>
    %dma_start3A_1175 = arith.constant 0 : i32
    %dma_start3A_1176 = tpu.memref_slice %arg5[%add3A_1167, %dma_start3A_1175] : memref<262144x64xf32, #tpu.memory_space<hbm>> -> memref<256x64xf32, #tpu.memory_space<hbm>>
    %dma_start3A_1177 = arith.constant 0 : i32
    %dma_start3A_1178 = arith.constant 0 : i32
    %dma_start3A_1179 = tpu.memref_slice %arg12[%dma_start3A_1168, %dma_start3A_1177, %dma_start3A_1178] : memref<4x256x64xf32, #tpu.memory_space<vmem>> -> memref<1x256x64xf32, #tpu.memory_space<vmem>>
    %dma_start3A_1180 = tpu.memref_squeeze %dma_start3A_1179 : memref<1x256x64xf32, #tpu.memory_space<vmem>> -> memref<256x64xf32, #tpu.memory_space<vmem>>
    tpu.enqueue_dma source(%dma_start3A_1180 : memref<256x64xf32, #tpu.memory_space<vmem>>) target(%dma_start3A_1176 : memref<256x64xf32, #tpu.memory_space<hbm>>) target_semaphore(%arg19 : memref<!tpu.dma_semaphore, #tpu.memory_space<semaphore_mem>>)
    %dma_wait3A_1181 = arith.constant 3 : i32
    %dma_wait3A_1182 = arith.constant 0 : i32
    %dma_wait3A_1183 = arith.constant 0 : i32
    %dma_wait3A_1184 = tpu.memref_slice %arg12[%dma_wait3A_1181, %dma_wait3A_1182, %dma_wait3A_1183] : memref<4x256x64xf32, #tpu.memory_space<vmem>> -> memref<1x256x64xf32, #tpu.memory_space<vmem>>
    %dma_wait3A_1185 = tpu.memref_squeeze %dma_wait3A_1184 : memref<1x256x64xf32, #tpu.memory_space<vmem>> -> memref<256x64xf32, #tpu.memory_space<vmem>>
    %dma_wait3A_1186 = arith.constant 0 : i32
    %dma_wait3A_1187 = tpu.memref_slice %arg5[%add3A_1111, %dma_wait3A_1186] : memref<262144x64xf32, #tpu.memory_space<hbm>> -> memref<256x64xf32, #tpu.memory_space<hbm>>
    %dma_wait3A_1188 = arith.constant 0 : i32
    %dma_wait3A_1189 = tpu.memref_slice %arg5[%add3A_1111, %dma_wait3A_1188] : memref<262144x64xf32, #tpu.memory_space<hbm>> -> memref<256x64xf32, #tpu.memory_space<hbm>>
    %dma_wait3A_1190 = arith.constant 0 : i32
    %dma_wait3A_1191 = arith.constant 0 : i32
    %dma_wait3A_1192 = tpu.memref_slice %arg12[%dma_wait3A_1181, %dma_wait3A_1190, %dma_wait3A_1191] : memref<4x256x64xf32, #tpu.memory_space<vmem>> -> memref<1x256x64xf32, #tpu.memory_space<vmem>>
    %dma_wait3A_1193 = tpu.memref_squeeze %dma_wait3A_1192 : memref<1x256x64xf32, #tpu.memory_space<vmem>> -> memref<256x64xf32, #tpu.memory_space<vmem>>
    tpu.wait_dma2 semaphore(%arg22 : memref<!tpu.dma_semaphore, #tpu.memory_space<semaphore_mem>>) src(%dma_wait3A_1193 : memref<256x64xf32, #tpu.memory_space<vmem>>) dst(%dma_wait3A_1189 : memref<256x64xf32, #tpu.memory_space<hbm>>)
    %add3A_1194 = arith.constant 5888 : i32
    %add3A_1195 = arith.addi %mul3A_2, %add3A_1194 : i32
    %dma_start3A_1196 = arith.constant 3 : i32
    %dma_start3A_1197 = arith.constant 0 : i32
    %dma_start3A_1198 = arith.constant 0 : i32
    %dma_start3A_1199 = tpu.memref_slice %arg12[%dma_start3A_1196, %dma_start3A_1197, %dma_start3A_1198] : memref<4x256x64xf32, #tpu.memory_space<vmem>> -> memref<1x256x64xf32, #tpu.memory_space<vmem>>
    %dma_start3A_1200 = tpu.memref_squeeze %dma_start3A_1199 : memref<1x256x64xf32, #tpu.memory_space<vmem>> -> memref<256x64xf32, #tpu.memory_space<vmem>>
    %dma_start3A_1201 = arith.constant 0 : i32
    %dma_start3A_1202 = tpu.memref_slice %arg2[%add3A_1195, %dma_start3A_1201] : memref<262144x64xf32, #tpu.memory_space<hbm>> -> memref<256x64xf32, #tpu.memory_space<hbm>>
    %dma_start3A_1203 = arith.constant 0 : i32
    %dma_start3A_1204 = arith.constant 0 : i32
    %dma_start3A_1205 = tpu.memref_slice %arg12[%dma_start3A_1196, %dma_start3A_1203, %dma_start3A_1204] : memref<4x256x64xf32, #tpu.memory_space<vmem>> -> memref<1x256x64xf32, #tpu.memory_space<vmem>>
    %dma_start3A_1206 = tpu.memref_squeeze %dma_start3A_1205 : memref<1x256x64xf32, #tpu.memory_space<vmem>> -> memref<256x64xf32, #tpu.memory_space<vmem>>
    %dma_start3A_1207 = arith.constant 0 : i32
    %dma_start3A_1208 = tpu.memref_slice %arg2[%add3A_1195, %dma_start3A_1207] : memref<262144x64xf32, #tpu.memory_space<hbm>> -> memref<256x64xf32, #tpu.memory_space<hbm>>
    tpu.enqueue_dma source(%dma_start3A_1208 : memref<256x64xf32, #tpu.memory_space<hbm>>) target(%dma_start3A_1206 : memref<256x64xf32, #tpu.memory_space<vmem>>) target_semaphore(%arg18 : memref<!tpu.dma_semaphore, #tpu.memory_space<semaphore_mem>>)
    %dma_wait3A_1209 = arith.constant 1 : i32
    %dma_wait3A_1210 = arith.constant 0 : i32
    %dma_wait3A_1211 = arith.constant 0 : i32
    %dma_wait3A_1212 = tpu.memref_slice %arg12[%dma_wait3A_1209, %dma_wait3A_1210, %dma_wait3A_1211] : memref<4x256x64xf32, #tpu.memory_space<vmem>> -> memref<1x256x64xf32, #tpu.memory_space<vmem>>
    %dma_wait3A_1213 = tpu.memref_squeeze %dma_wait3A_1212 : memref<1x256x64xf32, #tpu.memory_space<vmem>> -> memref<256x64xf32, #tpu.memory_space<vmem>>
    %dma_wait3A_1214 = arith.constant 0 : i32
    %dma_wait3A_1215 = tpu.memref_slice %arg2[%add3A_1083, %dma_wait3A_1214] : memref<262144x64xf32, #tpu.memory_space<hbm>> -> memref<256x64xf32, #tpu.memory_space<hbm>>
    %dma_wait3A_1216 = arith.constant 0 : i32
    %dma_wait3A_1217 = arith.constant 0 : i32
    %dma_wait3A_1218 = tpu.memref_slice %arg12[%dma_wait3A_1209, %dma_wait3A_1216, %dma_wait3A_1217] : memref<4x256x64xf32, #tpu.memory_space<vmem>> -> memref<1x256x64xf32, #tpu.memory_space<vmem>>
    %dma_wait3A_1219 = tpu.memref_squeeze %dma_wait3A_1218 : memref<1x256x64xf32, #tpu.memory_space<vmem>> -> memref<256x64xf32, #tpu.memory_space<vmem>>
    %dma_wait3A_1220 = arith.constant 0 : i32
    %dma_wait3A_1221 = tpu.memref_slice %arg2[%add3A_1083, %dma_wait3A_1220] : memref<262144x64xf32, #tpu.memory_space<hbm>> -> memref<256x64xf32, #tpu.memory_space<hbm>>
    tpu.wait_dma2 semaphore(%arg16 : memref<!tpu.dma_semaphore, #tpu.memory_space<semaphore_mem>>) src(%dma_wait3A_1221 : memref<256x64xf32, #tpu.memory_space<hbm>>) dst(%dma_wait3A_1219 : memref<256x64xf32, #tpu.memory_space<vmem>>)
    %add3A_1222 = arith.constant 5376 : i32
    %add3A_1223 = arith.addi %mul3A_2, %add3A_1222 : i32
    %dma_start3A_1224 = arith.constant 1 : i32
    %dma_start3A_1225 = arith.constant 0 : i32
    %dma_start3A_1226 = arith.constant 0 : i32
    %dma_start3A_1227 = tpu.memref_slice %arg12[%dma_start3A_1224, %dma_start3A_1225, %dma_start3A_1226] : memref<4x256x64xf32, #tpu.memory_space<vmem>> -> memref<1x256x64xf32, #tpu.memory_space<vmem>>
    %dma_start3A_1228 = tpu.memref_squeeze %dma_start3A_1227 : memref<1x256x64xf32, #tpu.memory_space<vmem>> -> memref<256x64xf32, #tpu.memory_space<vmem>>
    %dma_start3A_1229 = arith.constant 0 : i32
    %dma_start3A_1230 = tpu.memref_slice %arg5[%add3A_1223, %dma_start3A_1229] : memref<262144x64xf32, #tpu.memory_space<hbm>> -> memref<256x64xf32, #tpu.memory_space<hbm>>
    %dma_start3A_1231 = arith.constant 0 : i32
    %dma_start3A_1232 = tpu.memref_slice %arg5[%add3A_1223, %dma_start3A_1231] : memref<262144x64xf32, #tpu.memory_space<hbm>> -> memref<256x64xf32, #tpu.memory_space<hbm>>
    %dma_start3A_1233 = arith.constant 0 : i32
    %dma_start3A_1234 = arith.constant 0 : i32
    %dma_start3A_1235 = tpu.memref_slice %arg12[%dma_start3A_1224, %dma_start3A_1233, %dma_start3A_1234] : memref<4x256x64xf32, #tpu.memory_space<vmem>> -> memref<1x256x64xf32, #tpu.memory_space<vmem>>
    %dma_start3A_1236 = tpu.memref_squeeze %dma_start3A_1235 : memref<1x256x64xf32, #tpu.memory_space<vmem>> -> memref<256x64xf32, #tpu.memory_space<vmem>>
    tpu.enqueue_dma source(%dma_start3A_1236 : memref<256x64xf32, #tpu.memory_space<vmem>>) target(%dma_start3A_1232 : memref<256x64xf32, #tpu.memory_space<hbm>>) target_semaphore(%arg20 : memref<!tpu.dma_semaphore, #tpu.memory_space<semaphore_mem>>)
    %dma_wait3A_1237 = arith.constant 0 : i32
    %dma_wait3A_1238 = arith.constant 0 : i32
    %dma_wait3A_1239 = arith.constant 0 : i32
    %dma_wait3A_1240 = tpu.memref_slice %arg12[%dma_wait3A_1237, %dma_wait3A_1238, %dma_wait3A_1239] : memref<4x256x64xf32, #tpu.memory_space<vmem>> -> memref<1x256x64xf32, #tpu.memory_space<vmem>>
    %dma_wait3A_1241 = tpu.memref_squeeze %dma_wait3A_1240 : memref<1x256x64xf32, #tpu.memory_space<vmem>> -> memref<256x64xf32, #tpu.memory_space<vmem>>
    %dma_wait3A_1242 = arith.constant 0 : i32
    %dma_wait3A_1243 = tpu.memref_slice %arg5[%add3A_1167, %dma_wait3A_1242] : memref<262144x64xf32, #tpu.memory_space<hbm>> -> memref<256x64xf32, #tpu.memory_space<hbm>>
    %dma_wait3A_1244 = arith.constant 0 : i32
    %dma_wait3A_1245 = tpu.memref_slice %arg5[%add3A_1167, %dma_wait3A_1244] : memref<262144x64xf32, #tpu.memory_space<hbm>> -> memref<256x64xf32, #tpu.memory_space<hbm>>
    %dma_wait3A_1246 = arith.constant 0 : i32
    %dma_wait3A_1247 = arith.constant 0 : i32
    %dma_wait3A_1248 = tpu.memref_slice %arg12[%dma_wait3A_1237, %dma_wait3A_1246, %dma_wait3A_1247] : memref<4x256x64xf32, #tpu.memory_space<vmem>> -> memref<1x256x64xf32, #tpu.memory_space<vmem>>
    %dma_wait3A_1249 = tpu.memref_squeeze %dma_wait3A_1248 : memref<1x256x64xf32, #tpu.memory_space<vmem>> -> memref<256x64xf32, #tpu.memory_space<vmem>>
    tpu.wait_dma2 semaphore(%arg19 : memref<!tpu.dma_semaphore, #tpu.memory_space<semaphore_mem>>) src(%dma_wait3A_1249 : memref<256x64xf32, #tpu.memory_space<vmem>>) dst(%dma_wait3A_1245 : memref<256x64xf32, #tpu.memory_space<hbm>>)
    %add3A_1250 = arith.constant 6144 : i32
    %add3A_1251 = arith.addi %mul3A_2, %add3A_1250 : i32
    %dma_start3A_1252 = arith.constant 0 : i32
    %dma_start3A_1253 = arith.constant 0 : i32
    %dma_start3A_1254 = arith.constant 0 : i32
    %dma_start3A_1255 = tpu.memref_slice %arg12[%dma_start3A_1252, %dma_start3A_1253, %dma_start3A_1254] : memref<4x256x64xf32, #tpu.memory_space<vmem>> -> memref<1x256x64xf32, #tpu.memory_space<vmem>>
    %dma_start3A_1256 = tpu.memref_squeeze %dma_start3A_1255 : memref<1x256x64xf32, #tpu.memory_space<vmem>> -> memref<256x64xf32, #tpu.memory_space<vmem>>
    %dma_start3A_1257 = arith.constant 0 : i32
    %dma_start3A_1258 = tpu.memref_slice %arg2[%add3A_1251, %dma_start3A_1257] : memref<262144x64xf32, #tpu.memory_space<hbm>> -> memref<256x64xf32, #tpu.memory_space<hbm>>
    %dma_start3A_1259 = arith.constant 0 : i32
    %dma_start3A_1260 = arith.constant 0 : i32
    %dma_start3A_1261 = tpu.memref_slice %arg12[%dma_start3A_1252, %dma_start3A_1259, %dma_start3A_1260] : memref<4x256x64xf32, #tpu.memory_space<vmem>> -> memref<1x256x64xf32, #tpu.memory_space<vmem>>
    %dma_start3A_1262 = tpu.memref_squeeze %dma_start3A_1261 : memref<1x256x64xf32, #tpu.memory_space<vmem>> -> memref<256x64xf32, #tpu.memory_space<vmem>>
    %dma_start3A_1263 = arith.constant 0 : i32
    %dma_start3A_1264 = tpu.memref_slice %arg2[%add3A_1251, %dma_start3A_1263] : memref<262144x64xf32, #tpu.memory_space<hbm>> -> memref<256x64xf32, #tpu.memory_space<hbm>>
    tpu.enqueue_dma source(%dma_start3A_1264 : memref<256x64xf32, #tpu.memory_space<hbm>>) target(%dma_start3A_1262 : memref<256x64xf32, #tpu.memory_space<vmem>>) target_semaphore(%arg15 : memref<!tpu.dma_semaphore, #tpu.memory_space<semaphore_mem>>)
    %dma_wait3A_1265 = arith.constant 2 : i32
    %dma_wait3A_1266 = arith.constant 0 : i32
    %dma_wait3A_1267 = arith.constant 0 : i32
    %dma_wait3A_1268 = tpu.memref_slice %arg12[%dma_wait3A_1265, %dma_wait3A_1266, %dma_wait3A_1267] : memref<4x256x64xf32, #tpu.memory_space<vmem>> -> memref<1x256x64xf32, #tpu.memory_space<vmem>>
    %dma_wait3A_1269 = tpu.memref_squeeze %dma_wait3A_1268 : memref<1x256x64xf32, #tpu.memory_space<vmem>> -> memref<256x64xf32, #tpu.memory_space<vmem>>
    %dma_wait3A_1270 = arith.constant 0 : i32
    %dma_wait3A_1271 = tpu.memref_slice %arg2[%add3A_1139, %dma_wait3A_1270] : memref<262144x64xf32, #tpu.memory_space<hbm>> -> memref<256x64xf32, #tpu.memory_space<hbm>>
    %dma_wait3A_1272 = arith.constant 0 : i32
    %dma_wait3A_1273 = arith.constant 0 : i32
    %dma_wait3A_1274 = tpu.memref_slice %arg12[%dma_wait3A_1265, %dma_wait3A_1272, %dma_wait3A_1273] : memref<4x256x64xf32, #tpu.memory_space<vmem>> -> memref<1x256x64xf32, #tpu.memory_space<vmem>>
    %dma_wait3A_1275 = tpu.memref_squeeze %dma_wait3A_1274 : memref<1x256x64xf32, #tpu.memory_space<vmem>> -> memref<256x64xf32, #tpu.memory_space<vmem>>
    %dma_wait3A_1276 = arith.constant 0 : i32
    %dma_wait3A_1277 = tpu.memref_slice %arg2[%add3A_1139, %dma_wait3A_1276] : memref<262144x64xf32, #tpu.memory_space<hbm>> -> memref<256x64xf32, #tpu.memory_space<hbm>>
    tpu.wait_dma2 semaphore(%arg17 : memref<!tpu.dma_semaphore, #tpu.memory_space<semaphore_mem>>) src(%dma_wait3A_1277 : memref<256x64xf32, #tpu.memory_space<hbm>>) dst(%dma_wait3A_1275 : memref<256x64xf32, #tpu.memory_space<vmem>>)
    %add3A_1278 = arith.constant 5632 : i32
    %add3A_1279 = arith.addi %mul3A_2, %add3A_1278 : i32
    %dma_start3A_1280 = arith.constant 2 : i32
    %dma_start3A_1281 = arith.constant 0 : i32
    %dma_start3A_1282 = arith.constant 0 : i32
    %dma_start3A_1283 = tpu.memref_slice %arg12[%dma_start3A_1280, %dma_start3A_1281, %dma_start3A_1282] : memref<4x256x64xf32, #tpu.memory_space<vmem>> -> memref<1x256x64xf32, #tpu.memory_space<vmem>>
    %dma_start3A_1284 = tpu.memref_squeeze %dma_start3A_1283 : memref<1x256x64xf32, #tpu.memory_space<vmem>> -> memref<256x64xf32, #tpu.memory_space<vmem>>
    %dma_start3A_1285 = arith.constant 0 : i32
    %dma_start3A_1286 = tpu.memref_slice %arg5[%add3A_1279, %dma_start3A_1285] : memref<262144x64xf32, #tpu.memory_space<hbm>> -> memref<256x64xf32, #tpu.memory_space<hbm>>
    %dma_start3A_1287 = arith.constant 0 : i32
    %dma_start3A_1288 = tpu.memref_slice %arg5[%add3A_1279, %dma_start3A_1287] : memref<262144x64xf32, #tpu.memory_space<hbm>> -> memref<256x64xf32, #tpu.memory_space<hbm>>
    %dma_start3A_1289 = arith.constant 0 : i32
    %dma_start3A_1290 = arith.constant 0 : i32
    %dma_start3A_1291 = tpu.memref_slice %arg12[%dma_start3A_1280, %dma_start3A_1289, %dma_start3A_1290] : memref<4x256x64xf32, #tpu.memory_space<vmem>> -> memref<1x256x64xf32, #tpu.memory_space<vmem>>
    %dma_start3A_1292 = tpu.memref_squeeze %dma_start3A_1291 : memref<1x256x64xf32, #tpu.memory_space<vmem>> -> memref<256x64xf32, #tpu.memory_space<vmem>>
    tpu.enqueue_dma source(%dma_start3A_1292 : memref<256x64xf32, #tpu.memory_space<vmem>>) target(%dma_start3A_1288 : memref<256x64xf32, #tpu.memory_space<hbm>>) target_semaphore(%arg21 : memref<!tpu.dma_semaphore, #tpu.memory_space<semaphore_mem>>)
    %dma_wait3A_1293 = arith.constant 1 : i32
    %dma_wait3A_1294 = arith.constant 0 : i32
    %dma_wait3A_1295 = arith.constant 0 : i32
    %dma_wait3A_1296 = tpu.memref_slice %arg12[%dma_wait3A_1293, %dma_wait3A_1294, %dma_wait3A_1295] : memref<4x256x64xf32, #tpu.memory_space<vmem>> -> memref<1x256x64xf32, #tpu.memory_space<vmem>>
    %dma_wait3A_1297 = tpu.memref_squeeze %dma_wait3A_1296 : memref<1x256x64xf32, #tpu.memory_space<vmem>> -> memref<256x64xf32, #tpu.memory_space<vmem>>
    %dma_wait3A_1298 = arith.constant 0 : i32
    %dma_wait3A_1299 = tpu.memref_slice %arg5[%add3A_1223, %dma_wait3A_1298] : memref<262144x64xf32, #tpu.memory_space<hbm>> -> memref<256x64xf32, #tpu.memory_space<hbm>>
    %dma_wait3A_1300 = arith.constant 0 : i32
    %dma_wait3A_1301 = tpu.memref_slice %arg5[%add3A_1223, %dma_wait3A_1300] : memref<262144x64xf32, #tpu.memory_space<hbm>> -> memref<256x64xf32, #tpu.memory_space<hbm>>
    %dma_wait3A_1302 = arith.constant 0 : i32
    %dma_wait3A_1303 = arith.constant 0 : i32
    %dma_wait3A_1304 = tpu.memref_slice %arg12[%dma_wait3A_1293, %dma_wait3A_1302, %dma_wait3A_1303] : memref<4x256x64xf32, #tpu.memory_space<vmem>> -> memref<1x256x64xf32, #tpu.memory_space<vmem>>
    %dma_wait3A_1305 = tpu.memref_squeeze %dma_wait3A_1304 : memref<1x256x64xf32, #tpu.memory_space<vmem>> -> memref<256x64xf32, #tpu.memory_space<vmem>>
    tpu.wait_dma2 semaphore(%arg20 : memref<!tpu.dma_semaphore, #tpu.memory_space<semaphore_mem>>) src(%dma_wait3A_1305 : memref<256x64xf32, #tpu.memory_space<vmem>>) dst(%dma_wait3A_1301 : memref<256x64xf32, #tpu.memory_space<hbm>>)
    %add3A_1306 = arith.constant 6400 : i32
    %add3A_1307 = arith.addi %mul3A_2, %add3A_1306 : i32
    %dma_start3A_1308 = arith.constant 1 : i32
    %dma_start3A_1309 = arith.constant 0 : i32
    %dma_start3A_1310 = arith.constant 0 : i32
    %dma_start3A_1311 = tpu.memref_slice %arg12[%dma_start3A_1308, %dma_start3A_1309, %dma_start3A_1310] : memref<4x256x64xf32, #tpu.memory_space<vmem>> -> memref<1x256x64xf32, #tpu.memory_space<vmem>>
    %dma_start3A_1312 = tpu.memref_squeeze %dma_start3A_1311 : memref<1x256x64xf32, #tpu.memory_space<vmem>> -> memref<256x64xf32, #tpu.memory_space<vmem>>
    %dma_start3A_1313 = arith.constant 0 : i32
    %dma_start3A_1314 = tpu.memref_slice %arg2[%add3A_1307, %dma_start3A_1313] : memref<262144x64xf32, #tpu.memory_space<hbm>> -> memref<256x64xf32, #tpu.memory_space<hbm>>
    %dma_start3A_1315 = arith.constant 0 : i32
    %dma_start3A_1316 = arith.constant 0 : i32
    %dma_start3A_1317 = tpu.memref_slice %arg12[%dma_start3A_1308, %dma_start3A_1315, %dma_start3A_1316] : memref<4x256x64xf32, #tpu.memory_space<vmem>> -> memref<1x256x64xf32, #tpu.memory_space<vmem>>
    %dma_start3A_1318 = tpu.memref_squeeze %dma_start3A_1317 : memref<1x256x64xf32, #tpu.memory_space<vmem>> -> memref<256x64xf32, #tpu.memory_space<vmem>>
    %dma_start3A_1319 = arith.constant 0 : i32
    %dma_start3A_1320 = tpu.memref_slice %arg2[%add3A_1307, %dma_start3A_1319] : memref<262144x64xf32, #tpu.memory_space<hbm>> -> memref<256x64xf32, #tpu.memory_space<hbm>>
    tpu.enqueue_dma source(%dma_start3A_1320 : memref<256x64xf32, #tpu.memory_space<hbm>>) target(%dma_start3A_1318 : memref<256x64xf32, #tpu.memory_space<vmem>>) target_semaphore(%arg16 : memref<!tpu.dma_semaphore, #tpu.memory_space<semaphore_mem>>)
    %dma_wait3A_1321 = arith.constant 3 : i32
    %dma_wait3A_1322 = arith.constant 0 : i32
    %dma_wait3A_1323 = arith.constant 0 : i32
    %dma_wait3A_1324 = tpu.memref_slice %arg12[%dma_wait3A_1321, %dma_wait3A_1322, %dma_wait3A_1323] : memref<4x256x64xf32, #tpu.memory_space<vmem>> -> memref<1x256x64xf32, #tpu.memory_space<vmem>>
    %dma_wait3A_1325 = tpu.memref_squeeze %dma_wait3A_1324 : memref<1x256x64xf32, #tpu.memory_space<vmem>> -> memref<256x64xf32, #tpu.memory_space<vmem>>
    %dma_wait3A_1326 = arith.constant 0 : i32
    %dma_wait3A_1327 = tpu.memref_slice %arg2[%add3A_1195, %dma_wait3A_1326] : memref<262144x64xf32, #tpu.memory_space<hbm>> -> memref<256x64xf32, #tpu.memory_space<hbm>>
    %dma_wait3A_1328 = arith.constant 0 : i32
    %dma_wait3A_1329 = arith.constant 0 : i32
    %dma_wait3A_1330 = tpu.memref_slice %arg12[%dma_wait3A_1321, %dma_wait3A_1328, %dma_wait3A_1329] : memref<4x256x64xf32, #tpu.memory_space<vmem>> -> memref<1x256x64xf32, #tpu.memory_space<vmem>>
    %dma_wait3A_1331 = tpu.memref_squeeze %dma_wait3A_1330 : memref<1x256x64xf32, #tpu.memory_space<vmem>> -> memref<256x64xf32, #tpu.memory_space<vmem>>
    %dma_wait3A_1332 = arith.constant 0 : i32
    %dma_wait3A_1333 = tpu.memref_slice %arg2[%add3A_1195, %dma_wait3A_1332] : memref<262144x64xf32, #tpu.memory_space<hbm>> -> memref<256x64xf32, #tpu.memory_space<hbm>>
    tpu.wait_dma2 semaphore(%arg18 : memref<!tpu.dma_semaphore, #tpu.memory_space<semaphore_mem>>) src(%dma_wait3A_1333 : memref<256x64xf32, #tpu.memory_space<hbm>>) dst(%dma_wait3A_1331 : memref<256x64xf32, #tpu.memory_space<vmem>>)
    %add3A_1334 = arith.constant 5888 : i32
    %add3A_1335 = arith.addi %mul3A_2, %add3A_1334 : i32
    %dma_start3A_1336 = arith.constant 3 : i32
    %dma_start3A_1337 = arith.constant 0 : i32
    %dma_start3A_1338 = arith.constant 0 : i32
    %dma_start3A_1339 = tpu.memref_slice %arg12[%dma_start3A_1336, %dma_start3A_1337, %dma_start3A_1338] : memref<4x256x64xf32, #tpu.memory_space<vmem>> -> memref<1x256x64xf32, #tpu.memory_space<vmem>>
    %dma_start3A_1340 = tpu.memref_squeeze %dma_start3A_1339 : memref<1x256x64xf32, #tpu.memory_space<vmem>> -> memref<256x64xf32, #tpu.memory_space<vmem>>
    %dma_start3A_1341 = arith.constant 0 : i32
    %dma_start3A_1342 = tpu.memref_slice %arg5[%add3A_1335, %dma_start3A_1341] : memref<262144x64xf32, #tpu.memory_space<hbm>> -> memref<256x64xf32, #tpu.memory_space<hbm>>
    %dma_start3A_1343 = arith.constant 0 : i32
    %dma_start3A_1344 = tpu.memref_slice %arg5[%add3A_1335, %dma_start3A_1343] : memref<262144x64xf32, #tpu.memory_space<hbm>> -> memref<256x64xf32, #tpu.memory_space<hbm>>
    %dma_start3A_1345 = arith.constant 0 : i32
    %dma_start3A_1346 = arith.constant 0 : i32
    %dma_start3A_1347 = tpu.memref_slice %arg12[%dma_start3A_1336, %dma_start3A_1345, %dma_start3A_1346] : memref<4x256x64xf32, #tpu.memory_space<vmem>> -> memref<1x256x64xf32, #tpu.memory_space<vmem>>
    %dma_start3A_1348 = tpu.memref_squeeze %dma_start3A_1347 : memref<1x256x64xf32, #tpu.memory_space<vmem>> -> memref<256x64xf32, #tpu.memory_space<vmem>>
    tpu.enqueue_dma source(%dma_start3A_1348 : memref<256x64xf32, #tpu.memory_space<vmem>>) target(%dma_start3A_1344 : memref<256x64xf32, #tpu.memory_space<hbm>>) target_semaphore(%arg22 : memref<!tpu.dma_semaphore, #tpu.memory_space<semaphore_mem>>)
    %dma_wait3A_1349 = arith.constant 2 : i32
    %dma_wait3A_1350 = arith.constant 0 : i32
    %dma_wait3A_1351 = arith.constant 0 : i32
    %dma_wait3A_1352 = tpu.memref_slice %arg12[%dma_wait3A_1349, %dma_wait3A_1350, %dma_wait3A_1351] : memref<4x256x64xf32, #tpu.memory_space<vmem>> -> memref<1x256x64xf32, #tpu.memory_space<vmem>>
    %dma_wait3A_1353 = tpu.memref_squeeze %dma_wait3A_1352 : memref<1x256x64xf32, #tpu.memory_space<vmem>> -> memref<256x64xf32, #tpu.memory_space<vmem>>
    %dma_wait3A_1354 = arith.constant 0 : i32
    %dma_wait3A_1355 = tpu.memref_slice %arg5[%add3A_1279, %dma_wait3A_1354] : memref<262144x64xf32, #tpu.memory_space<hbm>> -> memref<256x64xf32, #tpu.memory_space<hbm>>
    %dma_wait3A_1356 = arith.constant 0 : i32
    %dma_wait3A_1357 = tpu.memref_slice %arg5[%add3A_1279, %dma_wait3A_1356] : memref<262144x64xf32, #tpu.memory_space<hbm>> -> memref<256x64xf32, #tpu.memory_space<hbm>>
    %dma_wait3A_1358 = arith.constant 0 : i32
    %dma_wait3A_1359 = arith.constant 0 : i32
    %dma_wait3A_1360 = tpu.memref_slice %arg12[%dma_wait3A_1349, %dma_wait3A_1358, %dma_wait3A_1359] : memref<4x256x64xf32, #tpu.memory_space<vmem>> -> memref<1x256x64xf32, #tpu.memory_space<vmem>>
    %dma_wait3A_1361 = tpu.memref_squeeze %dma_wait3A_1360 : memref<1x256x64xf32, #tpu.memory_space<vmem>> -> memref<256x64xf32, #tpu.memory_space<vmem>>
    tpu.wait_dma2 semaphore(%arg21 : memref<!tpu.dma_semaphore, #tpu.memory_space<semaphore_mem>>) src(%dma_wait3A_1361 : memref<256x64xf32, #tpu.memory_space<vmem>>) dst(%dma_wait3A_1357 : memref<256x64xf32, #tpu.memory_space<hbm>>)
    %add3A_1362 = arith.constant 6656 : i32
    %add3A_1363 = arith.addi %mul3A_2, %add3A_1362 : i32
    %dma_start3A_1364 = arith.constant 2 : i32
    %dma_start3A_1365 = arith.constant 0 : i32
    %dma_start3A_1366 = arith.constant 0 : i32
    %dma_start3A_1367 = tpu.memref_slice %arg12[%dma_start3A_1364, %dma_start3A_1365, %dma_start3A_1366] : memref<4x256x64xf32, #tpu.memory_space<vmem>> -> memref<1x256x64xf32, #tpu.memory_space<vmem>>
    %dma_start3A_1368 = tpu.memref_squeeze %dma_start3A_1367 : memref<1x256x64xf32, #tpu.memory_space<vmem>> -> memref<256x64xf32, #tpu.memory_space<vmem>>
    %dma_start3A_1369 = arith.constant 0 : i32
    %dma_start3A_1370 = tpu.memref_slice %arg2[%add3A_1363, %dma_start3A_1369] : memref<262144x64xf32, #tpu.memory_space<hbm>> -> memref<256x64xf32, #tpu.memory_space<hbm>>
    %dma_start3A_1371 = arith.constant 0 : i32
    %dma_start3A_1372 = arith.constant 0 : i32
    %dma_start3A_1373 = tpu.memref_slice %arg12[%dma_start3A_1364, %dma_start3A_1371, %dma_start3A_1372] : memref<4x256x64xf32, #tpu.memory_space<vmem>> -> memref<1x256x64xf32, #tpu.memory_space<vmem>>
    %dma_start3A_1374 = tpu.memref_squeeze %dma_start3A_1373 : memref<1x256x64xf32, #tpu.memory_space<vmem>> -> memref<256x64xf32, #tpu.memory_space<vmem>>
    %dma_start3A_1375 = arith.constant 0 : i32
    %dma_start3A_1376 = tpu.memref_slice %arg2[%add3A_1363, %dma_start3A_1375] : memref<262144x64xf32, #tpu.memory_space<hbm>> -> memref<256x64xf32, #tpu.memory_space<hbm>>
    tpu.enqueue_dma source(%dma_start3A_1376 : memref<256x64xf32, #tpu.memory_space<hbm>>) target(%dma_start3A_1374 : memref<256x64xf32, #tpu.memory_space<vmem>>) target_semaphore(%arg17 : memref<!tpu.dma_semaphore, #tpu.memory_space<semaphore_mem>>)
    %dma_wait3A_1377 = arith.constant 0 : i32
    %dma_wait3A_1378 = arith.constant 0 : i32
    %dma_wait3A_1379 = arith.constant 0 : i32
    %dma_wait3A_1380 = tpu.memref_slice %arg12[%dma_wait3A_1377, %dma_wait3A_1378, %dma_wait3A_1379] : memref<4x256x64xf32, #tpu.memory_space<vmem>> -> memref<1x256x64xf32, #tpu.memory_space<vmem>>
    %dma_wait3A_1381 = tpu.memref_squeeze %dma_wait3A_1380 : memref<1x256x64xf32, #tpu.memory_space<vmem>> -> memref<256x64xf32, #tpu.memory_space<vmem>>
    %dma_wait3A_1382 = arith.constant 0 : i32
    %dma_wait3A_1383 = tpu.memref_slice %arg2[%add3A_1251, %dma_wait3A_1382] : memref<262144x64xf32, #tpu.memory_space<hbm>> -> memref<256x64xf32, #tpu.memory_space<hbm>>
    %dma_wait3A_1384 = arith.constant 0 : i32
    %dma_wait3A_1385 = arith.constant 0 : i32
    %dma_wait3A_1386 = tpu.memref_slice %arg12[%dma_wait3A_1377, %dma_wait3A_1384, %dma_wait3A_1385] : memref<4x256x64xf32, #tpu.memory_space<vmem>> -> memref<1x256x64xf32, #tpu.memory_space<vmem>>
    %dma_wait3A_1387 = tpu.memref_squeeze %dma_wait3A_1386 : memref<1x256x64xf32, #tpu.memory_space<vmem>> -> memref<256x64xf32, #tpu.memory_space<vmem>>
    %dma_wait3A_1388 = arith.constant 0 : i32
    %dma_wait3A_1389 = tpu.memref_slice %arg2[%add3A_1251, %dma_wait3A_1388] : memref<262144x64xf32, #tpu.memory_space<hbm>> -> memref<256x64xf32, #tpu.memory_space<hbm>>
    tpu.wait_dma2 semaphore(%arg15 : memref<!tpu.dma_semaphore, #tpu.memory_space<semaphore_mem>>) src(%dma_wait3A_1389 : memref<256x64xf32, #tpu.memory_space<hbm>>) dst(%dma_wait3A_1387 : memref<256x64xf32, #tpu.memory_space<vmem>>)
    %add3A_1390 = arith.constant 6144 : i32
    %add3A_1391 = arith.addi %mul3A_2, %add3A_1390 : i32
    %dma_start3A_1392 = arith.constant 0 : i32
    %dma_start3A_1393 = arith.constant 0 : i32
    %dma_start3A_1394 = arith.constant 0 : i32
    %dma_start3A_1395 = tpu.memref_slice %arg12[%dma_start3A_1392, %dma_start3A_1393, %dma_start3A_1394] : memref<4x256x64xf32, #tpu.memory_space<vmem>> -> memref<1x256x64xf32, #tpu.memory_space<vmem>>
    %dma_start3A_1396 = tpu.memref_squeeze %dma_start3A_1395 : memref<1x256x64xf32, #tpu.memory_space<vmem>> -> memref<256x64xf32, #tpu.memory_space<vmem>>
    %dma_start3A_1397 = arith.constant 0 : i32
    %dma_start3A_1398 = tpu.memref_slice %arg5[%add3A_1391, %dma_start3A_1397] : memref<262144x64xf32, #tpu.memory_space<hbm>> -> memref<256x64xf32, #tpu.memory_space<hbm>>
    %dma_start3A_1399 = arith.constant 0 : i32
    %dma_start3A_1400 = tpu.memref_slice %arg5[%add3A_1391, %dma_start3A_1399] : memref<262144x64xf32, #tpu.memory_space<hbm>> -> memref<256x64xf32, #tpu.memory_space<hbm>>
    %dma_start3A_1401 = arith.constant 0 : i32
    %dma_start3A_1402 = arith.constant 0 : i32
    %dma_start3A_1403 = tpu.memref_slice %arg12[%dma_start3A_1392, %dma_start3A_1401, %dma_start3A_1402] : memref<4x256x64xf32, #tpu.memory_space<vmem>> -> memref<1x256x64xf32, #tpu.memory_space<vmem>>
    %dma_start3A_1404 = tpu.memref_squeeze %dma_start3A_1403 : memref<1x256x64xf32, #tpu.memory_space<vmem>> -> memref<256x64xf32, #tpu.memory_space<vmem>>
    tpu.enqueue_dma source(%dma_start3A_1404 : memref<256x64xf32, #tpu.memory_space<vmem>>) target(%dma_start3A_1400 : memref<256x64xf32, #tpu.memory_space<hbm>>) target_semaphore(%arg19 : memref<!tpu.dma_semaphore, #tpu.memory_space<semaphore_mem>>)
    %dma_wait3A_1405 = arith.constant 3 : i32
    %dma_wait3A_1406 = arith.constant 0 : i32
    %dma_wait3A_1407 = arith.constant 0 : i32
    %dma_wait3A_1408 = tpu.memref_slice %arg12[%dma_wait3A_1405, %dma_wait3A_1406, %dma_wait3A_1407] : memref<4x256x64xf32, #tpu.memory_space<vmem>> -> memref<1x256x64xf32, #tpu.memory_space<vmem>>
    %dma_wait3A_1409 = tpu.memref_squeeze %dma_wait3A_1408 : memref<1x256x64xf32, #tpu.memory_space<vmem>> -> memref<256x64xf32, #tpu.memory_space<vmem>>
    %dma_wait3A_1410 = arith.constant 0 : i32
    %dma_wait3A_1411 = tpu.memref_slice %arg5[%add3A_1335, %dma_wait3A_1410] : memref<262144x64xf32, #tpu.memory_space<hbm>> -> memref<256x64xf32, #tpu.memory_space<hbm>>
    %dma_wait3A_1412 = arith.constant 0 : i32
    %dma_wait3A_1413 = tpu.memref_slice %arg5[%add3A_1335, %dma_wait3A_1412] : memref<262144x64xf32, #tpu.memory_space<hbm>> -> memref<256x64xf32, #tpu.memory_space<hbm>>
    %dma_wait3A_1414 = arith.constant 0 : i32
    %dma_wait3A_1415 = arith.constant 0 : i32
    %dma_wait3A_1416 = tpu.memref_slice %arg12[%dma_wait3A_1405, %dma_wait3A_1414, %dma_wait3A_1415] : memref<4x256x64xf32, #tpu.memory_space<vmem>> -> memref<1x256x64xf32, #tpu.memory_space<vmem>>
    %dma_wait3A_1417 = tpu.memref_squeeze %dma_wait3A_1416 : memref<1x256x64xf32, #tpu.memory_space<vmem>> -> memref<256x64xf32, #tpu.memory_space<vmem>>
    tpu.wait_dma2 semaphore(%arg22 : memref<!tpu.dma_semaphore, #tpu.memory_space<semaphore_mem>>) src(%dma_wait3A_1417 : memref<256x64xf32, #tpu.memory_space<vmem>>) dst(%dma_wait3A_1413 : memref<256x64xf32, #tpu.memory_space<hbm>>)
    %add3A_1418 = arith.constant 6912 : i32
    %add3A_1419 = arith.addi %mul3A_2, %add3A_1418 : i32
    %dma_start3A_1420 = arith.constant 3 : i32
    %dma_start3A_1421 = arith.constant 0 : i32
    %dma_start3A_1422 = arith.constant 0 : i32
    %dma_start3A_1423 = tpu.memref_slice %arg12[%dma_start3A_1420, %dma_start3A_1421, %dma_start3A_1422] : memref<4x256x64xf32, #tpu.memory_space<vmem>> -> memref<1x256x64xf32, #tpu.memory_space<vmem>>
    %dma_start3A_1424 = tpu.memref_squeeze %dma_start3A_1423 : memref<1x256x64xf32, #tpu.memory_space<vmem>> -> memref<256x64xf32, #tpu.memory_space<vmem>>
    %dma_start3A_1425 = arith.constant 0 : i32
    %dma_start3A_1426 = tpu.memref_slice %arg2[%add3A_1419, %dma_start3A_1425] : memref<262144x64xf32, #tpu.memory_space<hbm>> -> memref<256x64xf32, #tpu.memory_space<hbm>>
    %dma_start3A_1427 = arith.constant 0 : i32
    %dma_start3A_1428 = arith.constant 0 : i32
    %dma_start3A_1429 = tpu.memref_slice %arg12[%dma_start3A_1420, %dma_start3A_1427, %dma_start3A_1428] : memref<4x256x64xf32, #tpu.memory_space<vmem>> -> memref<1x256x64xf32, #tpu.memory_space<vmem>>
    %dma_start3A_1430 = tpu.memref_squeeze %dma_start3A_1429 : memref<1x256x64xf32, #tpu.memory_space<vmem>> -> memref<256x64xf32, #tpu.memory_space<vmem>>
    %dma_start3A_1431 = arith.constant 0 : i32
    %dma_start3A_1432 = tpu.memref_slice %arg2[%add3A_1419, %dma_start3A_1431] : memref<262144x64xf32, #tpu.memory_space<hbm>> -> memref<256x64xf32, #tpu.memory_space<hbm>>
    tpu.enqueue_dma source(%dma_start3A_1432 : memref<256x64xf32, #tpu.memory_space<hbm>>) target(%dma_start3A_1430 : memref<256x64xf32, #tpu.memory_space<vmem>>) target_semaphore(%arg18 : memref<!tpu.dma_semaphore, #tpu.memory_space<semaphore_mem>>)
    %dma_wait3A_1433 = arith.constant 1 : i32
    %dma_wait3A_1434 = arith.constant 0 : i32
    %dma_wait3A_1435 = arith.constant 0 : i32
    %dma_wait3A_1436 = tpu.memref_slice %arg12[%dma_wait3A_1433, %dma_wait3A_1434, %dma_wait3A_1435] : memref<4x256x64xf32, #tpu.memory_space<vmem>> -> memref<1x256x64xf32, #tpu.memory_space<vmem>>
    %dma_wait3A_1437 = tpu.memref_squeeze %dma_wait3A_1436 : memref<1x256x64xf32, #tpu.memory_space<vmem>> -> memref<256x64xf32, #tpu.memory_space<vmem>>
    %dma_wait3A_1438 = arith.constant 0 : i32
    %dma_wait3A_1439 = tpu.memref_slice %arg2[%add3A_1307, %dma_wait3A_1438] : memref<262144x64xf32, #tpu.memory_space<hbm>> -> memref<256x64xf32, #tpu.memory_space<hbm>>
    %dma_wait3A_1440 = arith.constant 0 : i32
    %dma_wait3A_1441 = arith.constant 0 : i32
    %dma_wait3A_1442 = tpu.memref_slice %arg12[%dma_wait3A_1433, %dma_wait3A_1440, %dma_wait3A_1441] : memref<4x256x64xf32, #tpu.memory_space<vmem>> -> memref<1x256x64xf32, #tpu.memory_space<vmem>>
    %dma_wait3A_1443 = tpu.memref_squeeze %dma_wait3A_1442 : memref<1x256x64xf32, #tpu.memory_space<vmem>> -> memref<256x64xf32, #tpu.memory_space<vmem>>
    %dma_wait3A_1444 = arith.constant 0 : i32
    %dma_wait3A_1445 = tpu.memref_slice %arg2[%add3A_1307, %dma_wait3A_1444] : memref<262144x64xf32, #tpu.memory_space<hbm>> -> memref<256x64xf32, #tpu.memory_space<hbm>>
    tpu.wait_dma2 semaphore(%arg16 : memref<!tpu.dma_semaphore, #tpu.memory_space<semaphore_mem>>) src(%dma_wait3A_1445 : memref<256x64xf32, #tpu.memory_space<hbm>>) dst(%dma_wait3A_1443 : memref<256x64xf32, #tpu.memory_space<vmem>>)
    %add3A_1446 = arith.constant 6400 : i32
    %add3A_1447 = arith.addi %mul3A_2, %add3A_1446 : i32
    %dma_start3A_1448 = arith.constant 1 : i32
    %dma_start3A_1449 = arith.constant 0 : i32
    %dma_start3A_1450 = arith.constant 0 : i32
    %dma_start3A_1451 = tpu.memref_slice %arg12[%dma_start3A_1448, %dma_start3A_1449, %dma_start3A_1450] : memref<4x256x64xf32, #tpu.memory_space<vmem>> -> memref<1x256x64xf32, #tpu.memory_space<vmem>>
    %dma_start3A_1452 = tpu.memref_squeeze %dma_start3A_1451 : memref<1x256x64xf32, #tpu.memory_space<vmem>> -> memref<256x64xf32, #tpu.memory_space<vmem>>
    %dma_start3A_1453 = arith.constant 0 : i32
    %dma_start3A_1454 = tpu.memref_slice %arg5[%add3A_1447, %dma_start3A_1453] : memref<262144x64xf32, #tpu.memory_space<hbm>> -> memref<256x64xf32, #tpu.memory_space<hbm>>
    %dma_start3A_1455 = arith.constant 0 : i32
    %dma_start3A_1456 = tpu.memref_slice %arg5[%add3A_1447, %dma_start3A_1455] : memref<262144x64xf32, #tpu.memory_space<hbm>> -> memref<256x64xf32, #tpu.memory_space<hbm>>
    %dma_start3A_1457 = arith.constant 0 : i32
    %dma_start3A_1458 = arith.constant 0 : i32
    %dma_start3A_1459 = tpu.memref_slice %arg12[%dma_start3A_1448, %dma_start3A_1457, %dma_start3A_1458] : memref<4x256x64xf32, #tpu.memory_space<vmem>> -> memref<1x256x64xf32, #tpu.memory_space<vmem>>
    %dma_start3A_1460 = tpu.memref_squeeze %dma_start3A_1459 : memref<1x256x64xf32, #tpu.memory_space<vmem>> -> memref<256x64xf32, #tpu.memory_space<vmem>>
    tpu.enqueue_dma source(%dma_start3A_1460 : memref<256x64xf32, #tpu.memory_space<vmem>>) target(%dma_start3A_1456 : memref<256x64xf32, #tpu.memory_space<hbm>>) target_semaphore(%arg20 : memref<!tpu.dma_semaphore, #tpu.memory_space<semaphore_mem>>)
    %dma_wait3A_1461 = arith.constant 0 : i32
    %dma_wait3A_1462 = arith.constant 0 : i32
    %dma_wait3A_1463 = arith.constant 0 : i32
    %dma_wait3A_1464 = tpu.memref_slice %arg12[%dma_wait3A_1461, %dma_wait3A_1462, %dma_wait3A_1463] : memref<4x256x64xf32, #tpu.memory_space<vmem>> -> memref<1x256x64xf32, #tpu.memory_space<vmem>>
    %dma_wait3A_1465 = tpu.memref_squeeze %dma_wait3A_1464 : memref<1x256x64xf32, #tpu.memory_space<vmem>> -> memref<256x64xf32, #tpu.memory_space<vmem>>
    %dma_wait3A_1466 = arith.constant 0 : i32
    %dma_wait3A_1467 = tpu.memref_slice %arg5[%add3A_1391, %dma_wait3A_1466] : memref<262144x64xf32, #tpu.memory_space<hbm>> -> memref<256x64xf32, #tpu.memory_space<hbm>>
    %dma_wait3A_1468 = arith.constant 0 : i32
    %dma_wait3A_1469 = tpu.memref_slice %arg5[%add3A_1391, %dma_wait3A_1468] : memref<262144x64xf32, #tpu.memory_space<hbm>> -> memref<256x64xf32, #tpu.memory_space<hbm>>
    %dma_wait3A_1470 = arith.constant 0 : i32
    %dma_wait3A_1471 = arith.constant 0 : i32
    %dma_wait3A_1472 = tpu.memref_slice %arg12[%dma_wait3A_1461, %dma_wait3A_1470, %dma_wait3A_1471] : memref<4x256x64xf32, #tpu.memory_space<vmem>> -> memref<1x256x64xf32, #tpu.memory_space<vmem>>
    %dma_wait3A_1473 = tpu.memref_squeeze %dma_wait3A_1472 : memref<1x256x64xf32, #tpu.memory_space<vmem>> -> memref<256x64xf32, #tpu.memory_space<vmem>>
    tpu.wait_dma2 semaphore(%arg19 : memref<!tpu.dma_semaphore, #tpu.memory_space<semaphore_mem>>) src(%dma_wait3A_1473 : memref<256x64xf32, #tpu.memory_space<vmem>>) dst(%dma_wait3A_1469 : memref<256x64xf32, #tpu.memory_space<hbm>>)
    %add3A_1474 = arith.constant 7168 : i32
    %add3A_1475 = arith.addi %mul3A_2, %add3A_1474 : i32
    %dma_start3A_1476 = arith.constant 0 : i32
    %dma_start3A_1477 = arith.constant 0 : i32
    %dma_start3A_1478 = arith.constant 0 : i32
    %dma_start3A_1479 = tpu.memref_slice %arg12[%dma_start3A_1476, %dma_start3A_1477, %dma_start3A_1478] : memref<4x256x64xf32, #tpu.memory_space<vmem>> -> memref<1x256x64xf32, #tpu.memory_space<vmem>>
    %dma_start3A_1480 = tpu.memref_squeeze %dma_start3A_1479 : memref<1x256x64xf32, #tpu.memory_space<vmem>> -> memref<256x64xf32, #tpu.memory_space<vmem>>
    %dma_start3A_1481 = arith.constant 0 : i32
    %dma_start3A_1482 = tpu.memref_slice %arg2[%add3A_1475, %dma_start3A_1481] : memref<262144x64xf32, #tpu.memory_space<hbm>> -> memref<256x64xf32, #tpu.memory_space<hbm>>
    %dma_start3A_1483 = arith.constant 0 : i32
    %dma_start3A_1484 = arith.constant 0 : i32
    %dma_start3A_1485 = tpu.memref_slice %arg12[%dma_start3A_1476, %dma_start3A_1483, %dma_start3A_1484] : memref<4x256x64xf32, #tpu.memory_space<vmem>> -> memref<1x256x64xf32, #tpu.memory_space<vmem>>
    %dma_start3A_1486 = tpu.memref_squeeze %dma_start3A_1485 : memref<1x256x64xf32, #tpu.memory_space<vmem>> -> memref<256x64xf32, #tpu.memory_space<vmem>>
    %dma_start3A_1487 = arith.constant 0 : i32
    %dma_start3A_1488 = tpu.memref_slice %arg2[%add3A_1475, %dma_start3A_1487] : memref<262144x64xf32, #tpu.memory_space<hbm>> -> memref<256x64xf32, #tpu.memory_space<hbm>>
    tpu.enqueue_dma source(%dma_start3A_1488 : memref<256x64xf32, #tpu.memory_space<hbm>>) target(%dma_start3A_1486 : memref<256x64xf32, #tpu.memory_space<vmem>>) target_semaphore(%arg15 : memref<!tpu.dma_semaphore, #tpu.memory_space<semaphore_mem>>)
    %dma_wait3A_1489 = arith.constant 2 : i32
    %dma_wait3A_1490 = arith.constant 0 : i32
    %dma_wait3A_1491 = arith.constant 0 : i32
    %dma_wait3A_1492 = tpu.memref_slice %arg12[%dma_wait3A_1489, %dma_wait3A_1490, %dma_wait3A_1491] : memref<4x256x64xf32, #tpu.memory_space<vmem>> -> memref<1x256x64xf32, #tpu.memory_space<vmem>>
    %dma_wait3A_1493 = tpu.memref_squeeze %dma_wait3A_1492 : memref<1x256x64xf32, #tpu.memory_space<vmem>> -> memref<256x64xf32, #tpu.memory_space<vmem>>
    %dma_wait3A_1494 = arith.constant 0 : i32
    %dma_wait3A_1495 = tpu.memref_slice %arg2[%add3A_1363, %dma_wait3A_1494] : memref<262144x64xf32, #tpu.memory_space<hbm>> -> memref<256x64xf32, #tpu.memory_space<hbm>>
    %dma_wait3A_1496 = arith.constant 0 : i32
    %dma_wait3A_1497 = arith.constant 0 : i32
    %dma_wait3A_1498 = tpu.memref_slice %arg12[%dma_wait3A_1489, %dma_wait3A_1496, %dma_wait3A_1497] : memref<4x256x64xf32, #tpu.memory_space<vmem>> -> memref<1x256x64xf32, #tpu.memory_space<vmem>>
    %dma_wait3A_1499 = tpu.memref_squeeze %dma_wait3A_1498 : memref<1x256x64xf32, #tpu.memory_space<vmem>> -> memref<256x64xf32, #tpu.memory_space<vmem>>
    %dma_wait3A_1500 = arith.constant 0 : i32
    %dma_wait3A_1501 = tpu.memref_slice %arg2[%add3A_1363, %dma_wait3A_1500] : memref<262144x64xf32, #tpu.memory_space<hbm>> -> memref<256x64xf32, #tpu.memory_space<hbm>>
    tpu.wait_dma2 semaphore(%arg17 : memref<!tpu.dma_semaphore, #tpu.memory_space<semaphore_mem>>) src(%dma_wait3A_1501 : memref<256x64xf32, #tpu.memory_space<hbm>>) dst(%dma_wait3A_1499 : memref<256x64xf32, #tpu.memory_space<vmem>>)
    %add3A_1502 = arith.constant 6656 : i32
    %add3A_1503 = arith.addi %mul3A_2, %add3A_1502 : i32
    %dma_start3A_1504 = arith.constant 2 : i32
    %dma_start3A_1505 = arith.constant 0 : i32
    %dma_start3A_1506 = arith.constant 0 : i32
    %dma_start3A_1507 = tpu.memref_slice %arg12[%dma_start3A_1504, %dma_start3A_1505, %dma_start3A_1506] : memref<4x256x64xf32, #tpu.memory_space<vmem>> -> memref<1x256x64xf32, #tpu.memory_space<vmem>>
    %dma_start3A_1508 = tpu.memref_squeeze %dma_start3A_1507 : memref<1x256x64xf32, #tpu.memory_space<vmem>> -> memref<256x64xf32, #tpu.memory_space<vmem>>
    %dma_start3A_1509 = arith.constant 0 : i32
    %dma_start3A_1510 = tpu.memref_slice %arg5[%add3A_1503, %dma_start3A_1509] : memref<262144x64xf32, #tpu.memory_space<hbm>> -> memref<256x64xf32, #tpu.memory_space<hbm>>
    %dma_start3A_1511 = arith.constant 0 : i32
    %dma_start3A_1512 = tpu.memref_slice %arg5[%add3A_1503, %dma_start3A_1511] : memref<262144x64xf32, #tpu.memory_space<hbm>> -> memref<256x64xf32, #tpu.memory_space<hbm>>
    %dma_start3A_1513 = arith.constant 0 : i32
    %dma_start3A_1514 = arith.constant 0 : i32
    %dma_start3A_1515 = tpu.memref_slice %arg12[%dma_start3A_1504, %dma_start3A_1513, %dma_start3A_1514] : memref<4x256x64xf32, #tpu.memory_space<vmem>> -> memref<1x256x64xf32, #tpu.memory_space<vmem>>
    %dma_start3A_1516 = tpu.memref_squeeze %dma_start3A_1515 : memref<1x256x64xf32, #tpu.memory_space<vmem>> -> memref<256x64xf32, #tpu.memory_space<vmem>>
    tpu.enqueue_dma source(%dma_start3A_1516 : memref<256x64xf32, #tpu.memory_space<vmem>>) target(%dma_start3A_1512 : memref<256x64xf32, #tpu.memory_space<hbm>>) target_semaphore(%arg21 : memref<!tpu.dma_semaphore, #tpu.memory_space<semaphore_mem>>)
    %dma_wait3A_1517 = arith.constant 1 : i32
    %dma_wait3A_1518 = arith.constant 0 : i32
    %dma_wait3A_1519 = arith.constant 0 : i32
    %dma_wait3A_1520 = tpu.memref_slice %arg12[%dma_wait3A_1517, %dma_wait3A_1518, %dma_wait3A_1519] : memref<4x256x64xf32, #tpu.memory_space<vmem>> -> memref<1x256x64xf32, #tpu.memory_space<vmem>>
    %dma_wait3A_1521 = tpu.memref_squeeze %dma_wait3A_1520 : memref<1x256x64xf32, #tpu.memory_space<vmem>> -> memref<256x64xf32, #tpu.memory_space<vmem>>
    %dma_wait3A_1522 = arith.constant 0 : i32
    %dma_wait3A_1523 = tpu.memref_slice %arg5[%add3A_1447, %dma_wait3A_1522] : memref<262144x64xf32, #tpu.memory_space<hbm>> -> memref<256x64xf32, #tpu.memory_space<hbm>>
    %dma_wait3A_1524 = arith.constant 0 : i32
    %dma_wait3A_1525 = tpu.memref_slice %arg5[%add3A_1447, %dma_wait3A_1524] : memref<262144x64xf32, #tpu.memory_space<hbm>> -> memref<256x64xf32, #tpu.memory_space<hbm>>
    %dma_wait3A_1526 = arith.constant 0 : i32
    %dma_wait3A_1527 = arith.constant 0 : i32
    %dma_wait3A_1528 = tpu.memref_slice %arg12[%dma_wait3A_1517, %dma_wait3A_1526, %dma_wait3A_1527] : memref<4x256x64xf32, #tpu.memory_space<vmem>> -> memref<1x256x64xf32, #tpu.memory_space<vmem>>
    %dma_wait3A_1529 = tpu.memref_squeeze %dma_wait3A_1528 : memref<1x256x64xf32, #tpu.memory_space<vmem>> -> memref<256x64xf32, #tpu.memory_space<vmem>>
    tpu.wait_dma2 semaphore(%arg20 : memref<!tpu.dma_semaphore, #tpu.memory_space<semaphore_mem>>) src(%dma_wait3A_1529 : memref<256x64xf32, #tpu.memory_space<vmem>>) dst(%dma_wait3A_1525 : memref<256x64xf32, #tpu.memory_space<hbm>>)
    %add3A_1530 = arith.constant 7424 : i32
    %add3A_1531 = arith.addi %mul3A_2, %add3A_1530 : i32
    %dma_start3A_1532 = arith.constant 1 : i32
    %dma_start3A_1533 = arith.constant 0 : i32
    %dma_start3A_1534 = arith.constant 0 : i32
    %dma_start3A_1535 = tpu.memref_slice %arg12[%dma_start3A_1532, %dma_start3A_1533, %dma_start3A_1534] : memref<4x256x64xf32, #tpu.memory_space<vmem>> -> memref<1x256x64xf32, #tpu.memory_space<vmem>>
    %dma_start3A_1536 = tpu.memref_squeeze %dma_start3A_1535 : memref<1x256x64xf32, #tpu.memory_space<vmem>> -> memref<256x64xf32, #tpu.memory_space<vmem>>
    %dma_start3A_1537 = arith.constant 0 : i32
    %dma_start3A_1538 = tpu.memref_slice %arg2[%add3A_1531, %dma_start3A_1537] : memref<262144x64xf32, #tpu.memory_space<hbm>> -> memref<256x64xf32, #tpu.memory_space<hbm>>
    %dma_start3A_1539 = arith.constant 0 : i32
    %dma_start3A_1540 = arith.constant 0 : i32
    %dma_start3A_1541 = tpu.memref_slice %arg12[%dma_start3A_1532, %dma_start3A_1539, %dma_start3A_1540] : memref<4x256x64xf32, #tpu.memory_space<vmem>> -> memref<1x256x64xf32, #tpu.memory_space<vmem>>
    %dma_start3A_1542 = tpu.memref_squeeze %dma_start3A_1541 : memref<1x256x64xf32, #tpu.memory_space<vmem>> -> memref<256x64xf32, #tpu.memory_space<vmem>>
    %dma_start3A_1543 = arith.constant 0 : i32
    %dma_start3A_1544 = tpu.memref_slice %arg2[%add3A_1531, %dma_start3A_1543] : memref<262144x64xf32, #tpu.memory_space<hbm>> -> memref<256x64xf32, #tpu.memory_space<hbm>>
    tpu.enqueue_dma source(%dma_start3A_1544 : memref<256x64xf32, #tpu.memory_space<hbm>>) target(%dma_start3A_1542 : memref<256x64xf32, #tpu.memory_space<vmem>>) target_semaphore(%arg16 : memref<!tpu.dma_semaphore, #tpu.memory_space<semaphore_mem>>)
    %dma_wait3A_1545 = arith.constant 3 : i32
    %dma_wait3A_1546 = arith.constant 0 : i32
    %dma_wait3A_1547 = arith.constant 0 : i32
    %dma_wait3A_1548 = tpu.memref_slice %arg12[%dma_wait3A_1545, %dma_wait3A_1546, %dma_wait3A_1547] : memref<4x256x64xf32, #tpu.memory_space<vmem>> -> memref<1x256x64xf32, #tpu.memory_space<vmem>>
    %dma_wait3A_1549 = tpu.memref_squeeze %dma_wait3A_1548 : memref<1x256x64xf32, #tpu.memory_space<vmem>> -> memref<256x64xf32, #tpu.memory_space<vmem>>
    %dma_wait3A_1550 = arith.constant 0 : i32
    %dma_wait3A_1551 = tpu.memref_slice %arg2[%add3A_1419, %dma_wait3A_1550] : memref<262144x64xf32, #tpu.memory_space<hbm>> -> memref<256x64xf32, #tpu.memory_space<hbm>>
    %dma_wait3A_1552 = arith.constant 0 : i32
    %dma_wait3A_1553 = arith.constant 0 : i32
    %dma_wait3A_1554 = tpu.memref_slice %arg12[%dma_wait3A_1545, %dma_wait3A_1552, %dma_wait3A_1553] : memref<4x256x64xf32, #tpu.memory_space<vmem>> -> memref<1x256x64xf32, #tpu.memory_space<vmem>>
    %dma_wait3A_1555 = tpu.memref_squeeze %dma_wait3A_1554 : memref<1x256x64xf32, #tpu.memory_space<vmem>> -> memref<256x64xf32, #tpu.memory_space<vmem>>
    %dma_wait3A_1556 = arith.constant 0 : i32
    %dma_wait3A_1557 = tpu.memref_slice %arg2[%add3A_1419, %dma_wait3A_1556] : memref<262144x64xf32, #tpu.memory_space<hbm>> -> memref<256x64xf32, #tpu.memory_space<hbm>>
    tpu.wait_dma2 semaphore(%arg18 : memref<!tpu.dma_semaphore, #tpu.memory_space<semaphore_mem>>) src(%dma_wait3A_1557 : memref<256x64xf32, #tpu.memory_space<hbm>>) dst(%dma_wait3A_1555 : memref<256x64xf32, #tpu.memory_space<vmem>>)
    %add3A_1558 = arith.constant 6912 : i32
    %add3A_1559 = arith.addi %mul3A_2, %add3A_1558 : i32
    %dma_start3A_1560 = arith.constant 3 : i32
    %dma_start3A_1561 = arith.constant 0 : i32
    %dma_start3A_1562 = arith.constant 0 : i32
    %dma_start3A_1563 = tpu.memref_slice %arg12[%dma_start3A_1560, %dma_start3A_1561, %dma_start3A_1562] : memref<4x256x64xf32, #tpu.memory_space<vmem>> -> memref<1x256x64xf32, #tpu.memory_space<vmem>>
    %dma_start3A_1564 = tpu.memref_squeeze %dma_start3A_1563 : memref<1x256x64xf32, #tpu.memory_space<vmem>> -> memref<256x64xf32, #tpu.memory_space<vmem>>
    %dma_start3A_1565 = arith.constant 0 : i32
    %dma_start3A_1566 = tpu.memref_slice %arg5[%add3A_1559, %dma_start3A_1565] : memref<262144x64xf32, #tpu.memory_space<hbm>> -> memref<256x64xf32, #tpu.memory_space<hbm>>
    %dma_start3A_1567 = arith.constant 0 : i32
    %dma_start3A_1568 = tpu.memref_slice %arg5[%add3A_1559, %dma_start3A_1567] : memref<262144x64xf32, #tpu.memory_space<hbm>> -> memref<256x64xf32, #tpu.memory_space<hbm>>
    %dma_start3A_1569 = arith.constant 0 : i32
    %dma_start3A_1570 = arith.constant 0 : i32
    %dma_start3A_1571 = tpu.memref_slice %arg12[%dma_start3A_1560, %dma_start3A_1569, %dma_start3A_1570] : memref<4x256x64xf32, #tpu.memory_space<vmem>> -> memref<1x256x64xf32, #tpu.memory_space<vmem>>
    %dma_start3A_1572 = tpu.memref_squeeze %dma_start3A_1571 : memref<1x256x64xf32, #tpu.memory_space<vmem>> -> memref<256x64xf32, #tpu.memory_space<vmem>>
    tpu.enqueue_dma source(%dma_start3A_1572 : memref<256x64xf32, #tpu.memory_space<vmem>>) target(%dma_start3A_1568 : memref<256x64xf32, #tpu.memory_space<hbm>>) target_semaphore(%arg22 : memref<!tpu.dma_semaphore, #tpu.memory_space<semaphore_mem>>)
    %dma_wait3A_1573 = arith.constant 2 : i32
    %dma_wait3A_1574 = arith.constant 0 : i32
    %dma_wait3A_1575 = arith.constant 0 : i32
    %dma_wait3A_1576 = tpu.memref_slice %arg12[%dma_wait3A_1573, %dma_wait3A_1574, %dma_wait3A_1575] : memref<4x256x64xf32, #tpu.memory_space<vmem>> -> memref<1x256x64xf32, #tpu.memory_space<vmem>>
    %dma_wait3A_1577 = tpu.memref_squeeze %dma_wait3A_1576 : memref<1x256x64xf32, #tpu.memory_space<vmem>> -> memref<256x64xf32, #tpu.memory_space<vmem>>
    %dma_wait3A_1578 = arith.constant 0 : i32
    %dma_wait3A_1579 = tpu.memref_slice %arg5[%add3A_1503, %dma_wait3A_1578] : memref<262144x64xf32, #tpu.memory_space<hbm>> -> memref<256x64xf32, #tpu.memory_space<hbm>>
    %dma_wait3A_1580 = arith.constant 0 : i32
    %dma_wait3A_1581 = tpu.memref_slice %arg5[%add3A_1503, %dma_wait3A_1580] : memref<262144x64xf32, #tpu.memory_space<hbm>> -> memref<256x64xf32, #tpu.memory_space<hbm>>
    %dma_wait3A_1582 = arith.constant 0 : i32
    %dma_wait3A_1583 = arith.constant 0 : i32
    %dma_wait3A_1584 = tpu.memref_slice %arg12[%dma_wait3A_1573, %dma_wait3A_1582, %dma_wait3A_1583] : memref<4x256x64xf32, #tpu.memory_space<vmem>> -> memref<1x256x64xf32, #tpu.memory_space<vmem>>
    %dma_wait3A_1585 = tpu.memref_squeeze %dma_wait3A_1584 : memref<1x256x64xf32, #tpu.memory_space<vmem>> -> memref<256x64xf32, #tpu.memory_space<vmem>>
    tpu.wait_dma2 semaphore(%arg21 : memref<!tpu.dma_semaphore, #tpu.memory_space<semaphore_mem>>) src(%dma_wait3A_1585 : memref<256x64xf32, #tpu.memory_space<vmem>>) dst(%dma_wait3A_1581 : memref<256x64xf32, #tpu.memory_space<hbm>>)
    %add3A_1586 = arith.constant 7680 : i32
    %add3A_1587 = arith.addi %mul3A_2, %add3A_1586 : i32
    %dma_start3A_1588 = arith.constant 2 : i32
    %dma_start3A_1589 = arith.constant 0 : i32
    %dma_start3A_1590 = arith.constant 0 : i32
    %dma_start3A_1591 = tpu.memref_slice %arg12[%dma_start3A_1588, %dma_start3A_1589, %dma_start3A_1590] : memref<4x256x64xf32, #tpu.memory_space<vmem>> -> memref<1x256x64xf32, #tpu.memory_space<vmem>>
    %dma_start3A_1592 = tpu.memref_squeeze %dma_start3A_1591 : memref<1x256x64xf32, #tpu.memory_space<vmem>> -> memref<256x64xf32, #tpu.memory_space<vmem>>
    %dma_start3A_1593 = arith.constant 0 : i32
    %dma_start3A_1594 = tpu.memref_slice %arg2[%add3A_1587, %dma_start3A_1593] : memref<262144x64xf32, #tpu.memory_space<hbm>> -> memref<256x64xf32, #tpu.memory_space<hbm>>
    %dma_start3A_1595 = arith.constant 0 : i32
    %dma_start3A_1596 = arith.constant 0 : i32
    %dma_start3A_1597 = tpu.memref_slice %arg12[%dma_start3A_1588, %dma_start3A_1595, %dma_start3A_1596] : memref<4x256x64xf32, #tpu.memory_space<vmem>> -> memref<1x256x64xf32, #tpu.memory_space<vmem>>
    %dma_start3A_1598 = tpu.memref_squeeze %dma_start3A_1597 : memref<1x256x64xf32, #tpu.memory_space<vmem>> -> memref<256x64xf32, #tpu.memory_space<vmem>>
    %dma_start3A_1599 = arith.constant 0 : i32
    %dma_start3A_1600 = tpu.memref_slice %arg2[%add3A_1587, %dma_start3A_1599] : memref<262144x64xf32, #tpu.memory_space<hbm>> -> memref<256x64xf32, #tpu.memory_space<hbm>>
    tpu.enqueue_dma source(%dma_start3A_1600 : memref<256x64xf32, #tpu.memory_space<hbm>>) target(%dma_start3A_1598 : memref<256x64xf32, #tpu.memory_space<vmem>>) target_semaphore(%arg17 : memref<!tpu.dma_semaphore, #tpu.memory_space<semaphore_mem>>)
    %dma_wait3A_1601 = arith.constant 0 : i32
    %dma_wait3A_1602 = arith.constant 0 : i32
    %dma_wait3A_1603 = arith.constant 0 : i32
    %dma_wait3A_1604 = tpu.memref_slice %arg12[%dma_wait3A_1601, %dma_wait3A_1602, %dma_wait3A_1603] : memref<4x256x64xf32, #tpu.memory_space<vmem>> -> memref<1x256x64xf32, #tpu.memory_space<vmem>>
    %dma_wait3A_1605 = tpu.memref_squeeze %dma_wait3A_1604 : memref<1x256x64xf32, #tpu.memory_space<vmem>> -> memref<256x64xf32, #tpu.memory_space<vmem>>
    %dma_wait3A_1606 = arith.constant 0 : i32
    %dma_wait3A_1607 = tpu.memref_slice %arg2[%add3A_1475, %dma_wait3A_1606] : memref<262144x64xf32, #tpu.memory_space<hbm>> -> memref<256x64xf32, #tpu.memory_space<hbm>>
    %dma_wait3A_1608 = arith.constant 0 : i32
    %dma_wait3A_1609 = arith.constant 0 : i32
    %dma_wait3A_1610 = tpu.memref_slice %arg12[%dma_wait3A_1601, %dma_wait3A_1608, %dma_wait3A_1609] : memref<4x256x64xf32, #tpu.memory_space<vmem>> -> memref<1x256x64xf32, #tpu.memory_space<vmem>>
    %dma_wait3A_1611 = tpu.memref_squeeze %dma_wait3A_1610 : memref<1x256x64xf32, #tpu.memory_space<vmem>> -> memref<256x64xf32, #tpu.memory_space<vmem>>
    %dma_wait3A_1612 = arith.constant 0 : i32
    %dma_wait3A_1613 = tpu.memref_slice %arg2[%add3A_1475, %dma_wait3A_1612] : memref<262144x64xf32, #tpu.memory_space<hbm>> -> memref<256x64xf32, #tpu.memory_space<hbm>>
    tpu.wait_dma2 semaphore(%arg15 : memref<!tpu.dma_semaphore, #tpu.memory_space<semaphore_mem>>) src(%dma_wait3A_1613 : memref<256x64xf32, #tpu.memory_space<hbm>>) dst(%dma_wait3A_1611 : memref<256x64xf32, #tpu.memory_space<vmem>>)
    %add3A_1614 = arith.constant 7168 : i32
    %add3A_1615 = arith.addi %mul3A_2, %add3A_1614 : i32
    %dma_start3A_1616 = arith.constant 0 : i32
    %dma_start3A_1617 = arith.constant 0 : i32
    %dma_start3A_1618 = arith.constant 0 : i32
    %dma_start3A_1619 = tpu.memref_slice %arg12[%dma_start3A_1616, %dma_start3A_1617, %dma_start3A_1618] : memref<4x256x64xf32, #tpu.memory_space<vmem>> -> memref<1x256x64xf32, #tpu.memory_space<vmem>>
    %dma_start3A_1620 = tpu.memref_squeeze %dma_start3A_1619 : memref<1x256x64xf32, #tpu.memory_space<vmem>> -> memref<256x64xf32, #tpu.memory_space<vmem>>
    %dma_start3A_1621 = arith.constant 0 : i32
    %dma_start3A_1622 = tpu.memref_slice %arg5[%add3A_1615, %dma_start3A_1621] : memref<262144x64xf32, #tpu.memory_space<hbm>> -> memref<256x64xf32, #tpu.memory_space<hbm>>
    %dma_start3A_1623 = arith.constant 0 : i32
    %dma_start3A_1624 = tpu.memref_slice %arg5[%add3A_1615, %dma_start3A_1623] : memref<262144x64xf32, #tpu.memory_space<hbm>> -> memref<256x64xf32, #tpu.memory_space<hbm>>
    %dma_start3A_1625 = arith.constant 0 : i32
    %dma_start3A_1626 = arith.constant 0 : i32
    %dma_start3A_1627 = tpu.memref_slice %arg12[%dma_start3A_1616, %dma_start3A_1625, %dma_start3A_1626] : memref<4x256x64xf32, #tpu.memory_space<vmem>> -> memref<1x256x64xf32, #tpu.memory_space<vmem>>
    %dma_start3A_1628 = tpu.memref_squeeze %dma_start3A_1627 : memref<1x256x64xf32, #tpu.memory_space<vmem>> -> memref<256x64xf32, #tpu.memory_space<vmem>>
    tpu.enqueue_dma source(%dma_start3A_1628 : memref<256x64xf32, #tpu.memory_space<vmem>>) target(%dma_start3A_1624 : memref<256x64xf32, #tpu.memory_space<hbm>>) target_semaphore(%arg19 : memref<!tpu.dma_semaphore, #tpu.memory_space<semaphore_mem>>)
    %dma_wait3A_1629 = arith.constant 3 : i32
    %dma_wait3A_1630 = arith.constant 0 : i32
    %dma_wait3A_1631 = arith.constant 0 : i32
    %dma_wait3A_1632 = tpu.memref_slice %arg12[%dma_wait3A_1629, %dma_wait3A_1630, %dma_wait3A_1631] : memref<4x256x64xf32, #tpu.memory_space<vmem>> -> memref<1x256x64xf32, #tpu.memory_space<vmem>>
    %dma_wait3A_1633 = tpu.memref_squeeze %dma_wait3A_1632 : memref<1x256x64xf32, #tpu.memory_space<vmem>> -> memref<256x64xf32, #tpu.memory_space<vmem>>
    %dma_wait3A_1634 = arith.constant 0 : i32
    %dma_wait3A_1635 = tpu.memref_slice %arg5[%add3A_1559, %dma_wait3A_1634] : memref<262144x64xf32, #tpu.memory_space<hbm>> -> memref<256x64xf32, #tpu.memory_space<hbm>>
    %dma_wait3A_1636 = arith.constant 0 : i32
    %dma_wait3A_1637 = tpu.memref_slice %arg5[%add3A_1559, %dma_wait3A_1636] : memref<262144x64xf32, #tpu.memory_space<hbm>> -> memref<256x64xf32, #tpu.memory_space<hbm>>
    %dma_wait3A_1638 = arith.constant 0 : i32
    %dma_wait3A_1639 = arith.constant 0 : i32
    %dma_wait3A_1640 = tpu.memref_slice %arg12[%dma_wait3A_1629, %dma_wait3A_1638, %dma_wait3A_1639] : memref<4x256x64xf32, #tpu.memory_space<vmem>> -> memref<1x256x64xf32, #tpu.memory_space<vmem>>
    %dma_wait3A_1641 = tpu.memref_squeeze %dma_wait3A_1640 : memref<1x256x64xf32, #tpu.memory_space<vmem>> -> memref<256x64xf32, #tpu.memory_space<vmem>>
    tpu.wait_dma2 semaphore(%arg22 : memref<!tpu.dma_semaphore, #tpu.memory_space<semaphore_mem>>) src(%dma_wait3A_1641 : memref<256x64xf32, #tpu.memory_space<vmem>>) dst(%dma_wait3A_1637 : memref<256x64xf32, #tpu.memory_space<hbm>>)
    %add3A_1642 = arith.constant 7936 : i32
    %add3A_1643 = arith.addi %mul3A_2, %add3A_1642 : i32
    %dma_start3A_1644 = arith.constant 3 : i32
    %dma_start3A_1645 = arith.constant 0 : i32
    %dma_start3A_1646 = arith.constant 0 : i32
    %dma_start3A_1647 = tpu.memref_slice %arg12[%dma_start3A_1644, %dma_start3A_1645, %dma_start3A_1646] : memref<4x256x64xf32, #tpu.memory_space<vmem>> -> memref<1x256x64xf32, #tpu.memory_space<vmem>>
    %dma_start3A_1648 = tpu.memref_squeeze %dma_start3A_1647 : memref<1x256x64xf32, #tpu.memory_space<vmem>> -> memref<256x64xf32, #tpu.memory_space<vmem>>
    %dma_start3A_1649 = arith.constant 0 : i32
    %dma_start3A_1650 = tpu.memref_slice %arg2[%add3A_1643, %dma_start3A_1649] : memref<262144x64xf32, #tpu.memory_space<hbm>> -> memref<256x64xf32, #tpu.memory_space<hbm>>
    %dma_start3A_1651 = arith.constant 0 : i32
    %dma_start3A_1652 = arith.constant 0 : i32
    %dma_start3A_1653 = tpu.memref_slice %arg12[%dma_start3A_1644, %dma_start3A_1651, %dma_start3A_1652] : memref<4x256x64xf32, #tpu.memory_space<vmem>> -> memref<1x256x64xf32, #tpu.memory_space<vmem>>
    %dma_start3A_1654 = tpu.memref_squeeze %dma_start3A_1653 : memref<1x256x64xf32, #tpu.memory_space<vmem>> -> memref<256x64xf32, #tpu.memory_space<vmem>>
    %dma_start3A_1655 = arith.constant 0 : i32
    %dma_start3A_1656 = tpu.memref_slice %arg2[%add3A_1643, %dma_start3A_1655] : memref<262144x64xf32, #tpu.memory_space<hbm>> -> memref<256x64xf32, #tpu.memory_space<hbm>>
    tpu.enqueue_dma source(%dma_start3A_1656 : memref<256x64xf32, #tpu.memory_space<hbm>>) target(%dma_start3A_1654 : memref<256x64xf32, #tpu.memory_space<vmem>>) target_semaphore(%arg18 : memref<!tpu.dma_semaphore, #tpu.memory_space<semaphore_mem>>)
    %dma_wait3A_1657 = arith.constant 1 : i32
    %dma_wait3A_1658 = arith.constant 0 : i32
    %dma_wait3A_1659 = arith.constant 0 : i32
    %dma_wait3A_1660 = tpu.memref_slice %arg12[%dma_wait3A_1657, %dma_wait3A_1658, %dma_wait3A_1659] : memref<4x256x64xf32, #tpu.memory_space<vmem>> -> memref<1x256x64xf32, #tpu.memory_space<vmem>>
    %dma_wait3A_1661 = tpu.memref_squeeze %dma_wait3A_1660 : memref<1x256x64xf32, #tpu.memory_space<vmem>> -> memref<256x64xf32, #tpu.memory_space<vmem>>
    %dma_wait3A_1662 = arith.constant 0 : i32
    %dma_wait3A_1663 = tpu.memref_slice %arg2[%add3A_1531, %dma_wait3A_1662] : memref<262144x64xf32, #tpu.memory_space<hbm>> -> memref<256x64xf32, #tpu.memory_space<hbm>>
    %dma_wait3A_1664 = arith.constant 0 : i32
    %dma_wait3A_1665 = arith.constant 0 : i32
    %dma_wait3A_1666 = tpu.memref_slice %arg12[%dma_wait3A_1657, %dma_wait3A_1664, %dma_wait3A_1665] : memref<4x256x64xf32, #tpu.memory_space<vmem>> -> memref<1x256x64xf32, #tpu.memory_space<vmem>>
    %dma_wait3A_1667 = tpu.memref_squeeze %dma_wait3A_1666 : memref<1x256x64xf32, #tpu.memory_space<vmem>> -> memref<256x64xf32, #tpu.memory_space<vmem>>
    %dma_wait3A_1668 = arith.constant 0 : i32
    %dma_wait3A_1669 = tpu.memref_slice %arg2[%add3A_1531, %dma_wait3A_1668] : memref<262144x64xf32, #tpu.memory_space<hbm>> -> memref<256x64xf32, #tpu.memory_space<hbm>>
    tpu.wait_dma2 semaphore(%arg16 : memref<!tpu.dma_semaphore, #tpu.memory_space<semaphore_mem>>) src(%dma_wait3A_1669 : memref<256x64xf32, #tpu.memory_space<hbm>>) dst(%dma_wait3A_1667 : memref<256x64xf32, #tpu.memory_space<vmem>>)
    %add3A_1670 = arith.constant 7424 : i32
    %add3A_1671 = arith.addi %mul3A_2, %add3A_1670 : i32
    %dma_start3A_1672 = arith.constant 1 : i32
    %dma_start3A_1673 = arith.constant 0 : i32
    %dma_start3A_1674 = arith.constant 0 : i32
    %dma_start3A_1675 = tpu.memref_slice %arg12[%dma_start3A_1672, %dma_start3A_1673, %dma_start3A_1674] : memref<4x256x64xf32, #tpu.memory_space<vmem>> -> memref<1x256x64xf32, #tpu.memory_space<vmem>>
    %dma_start3A_1676 = tpu.memref_squeeze %dma_start3A_1675 : memref<1x256x64xf32, #tpu.memory_space<vmem>> -> memref<256x64xf32, #tpu.memory_space<vmem>>
    %dma_start3A_1677 = arith.constant 0 : i32
    %dma_start3A_1678 = tpu.memref_slice %arg5[%add3A_1671, %dma_start3A_1677] : memref<262144x64xf32, #tpu.memory_space<hbm>> -> memref<256x64xf32, #tpu.memory_space<hbm>>
    %dma_start3A_1679 = arith.constant 0 : i32
    %dma_start3A_1680 = tpu.memref_slice %arg5[%add3A_1671, %dma_start3A_1679] : memref<262144x64xf32, #tpu.memory_space<hbm>> -> memref<256x64xf32, #tpu.memory_space<hbm>>
    %dma_start3A_1681 = arith.constant 0 : i32
    %dma_start3A_1682 = arith.constant 0 : i32
    %dma_start3A_1683 = tpu.memref_slice %arg12[%dma_start3A_1672, %dma_start3A_1681, %dma_start3A_1682] : memref<4x256x64xf32, #tpu.memory_space<vmem>> -> memref<1x256x64xf32, #tpu.memory_space<vmem>>
    %dma_start3A_1684 = tpu.memref_squeeze %dma_start3A_1683 : memref<1x256x64xf32, #tpu.memory_space<vmem>> -> memref<256x64xf32, #tpu.memory_space<vmem>>
    tpu.enqueue_dma source(%dma_start3A_1684 : memref<256x64xf32, #tpu.memory_space<vmem>>) target(%dma_start3A_1680 : memref<256x64xf32, #tpu.memory_space<hbm>>) target_semaphore(%arg20 : memref<!tpu.dma_semaphore, #tpu.memory_space<semaphore_mem>>)
    %dma_wait3A_1685 = arith.constant 2 : i32
    %dma_wait3A_1686 = arith.constant 0 : i32
    %dma_wait3A_1687 = arith.constant 0 : i32
    %dma_wait3A_1688 = tpu.memref_slice %arg12[%dma_wait3A_1685, %dma_wait3A_1686, %dma_wait3A_1687] : memref<4x256x64xf32, #tpu.memory_space<vmem>> -> memref<1x256x64xf32, #tpu.memory_space<vmem>>
    %dma_wait3A_1689 = tpu.memref_squeeze %dma_wait3A_1688 : memref<1x256x64xf32, #tpu.memory_space<vmem>> -> memref<256x64xf32, #tpu.memory_space<vmem>>
    %dma_wait3A_1690 = arith.constant 0 : i32
    %dma_wait3A_1691 = tpu.memref_slice %arg2[%add3A_1587, %dma_wait3A_1690] : memref<262144x64xf32, #tpu.memory_space<hbm>> -> memref<256x64xf32, #tpu.memory_space<hbm>>
    %dma_wait3A_1692 = arith.constant 0 : i32
    %dma_wait3A_1693 = arith.constant 0 : i32
    %dma_wait3A_1694 = tpu.memref_slice %arg12[%dma_wait3A_1685, %dma_wait3A_1692, %dma_wait3A_1693] : memref<4x256x64xf32, #tpu.memory_space<vmem>> -> memref<1x256x64xf32, #tpu.memory_space<vmem>>
    %dma_wait3A_1695 = tpu.memref_squeeze %dma_wait3A_1694 : memref<1x256x64xf32, #tpu.memory_space<vmem>> -> memref<256x64xf32, #tpu.memory_space<vmem>>
    %dma_wait3A_1696 = arith.constant 0 : i32
    %dma_wait3A_1697 = tpu.memref_slice %arg2[%add3A_1587, %dma_wait3A_1696] : memref<262144x64xf32, #tpu.memory_space<hbm>> -> memref<256x64xf32, #tpu.memory_space<hbm>>
    tpu.wait_dma2 semaphore(%arg17 : memref<!tpu.dma_semaphore, #tpu.memory_space<semaphore_mem>>) src(%dma_wait3A_1697 : memref<256x64xf32, #tpu.memory_space<hbm>>) dst(%dma_wait3A_1695 : memref<256x64xf32, #tpu.memory_space<vmem>>)
    %add3A_1698 = arith.constant 7680 : i32
    %add3A_1699 = arith.addi %mul3A_2, %add3A_1698 : i32
    %dma_start3A_1700 = arith.constant 2 : i32
    %dma_start3A_1701 = arith.constant 0 : i32
    %dma_start3A_1702 = arith.constant 0 : i32
    %dma_start3A_1703 = tpu.memref_slice %arg12[%dma_start3A_1700, %dma_start3A_1701, %dma_start3A_1702] : memref<4x256x64xf32, #tpu.memory_space<vmem>> -> memref<1x256x64xf32, #tpu.memory_space<vmem>>
    %dma_start3A_1704 = tpu.memref_squeeze %dma_start3A_1703 : memref<1x256x64xf32, #tpu.memory_space<vmem>> -> memref<256x64xf32, #tpu.memory_space<vmem>>
    %dma_start3A_1705 = arith.constant 0 : i32
    %dma_start3A_1706 = tpu.memref_slice %arg5[%add3A_1699, %dma_start3A_1705] : memref<262144x64xf32, #tpu.memory_space<hbm>> -> memref<256x64xf32, #tpu.memory_space<hbm>>
    %dma_start3A_1707 = arith.constant 0 : i32
    %dma_start3A_1708 = tpu.memref_slice %arg5[%add3A_1699, %dma_start3A_1707] : memref<262144x64xf32, #tpu.memory_space<hbm>> -> memref<256x64xf32, #tpu.memory_space<hbm>>
    %dma_start3A_1709 = arith.constant 0 : i32
    %dma_start3A_1710 = arith.constant 0 : i32
    %dma_start3A_1711 = tpu.memref_slice %arg12[%dma_start3A_1700, %dma_start3A_1709, %dma_start3A_1710] : memref<4x256x64xf32, #tpu.memory_space<vmem>> -> memref<1x256x64xf32, #tpu.memory_space<vmem>>
    %dma_start3A_1712 = tpu.memref_squeeze %dma_start3A_1711 : memref<1x256x64xf32, #tpu.memory_space<vmem>> -> memref<256x64xf32, #tpu.memory_space<vmem>>
    tpu.enqueue_dma source(%dma_start3A_1712 : memref<256x64xf32, #tpu.memory_space<vmem>>) target(%dma_start3A_1708 : memref<256x64xf32, #tpu.memory_space<hbm>>) target_semaphore(%arg21 : memref<!tpu.dma_semaphore, #tpu.memory_space<semaphore_mem>>)
    %dma_wait3A_1713 = arith.constant 3 : i32
    %dma_wait3A_1714 = arith.constant 0 : i32
    %dma_wait3A_1715 = arith.constant 0 : i32
    %dma_wait3A_1716 = tpu.memref_slice %arg12[%dma_wait3A_1713, %dma_wait3A_1714, %dma_wait3A_1715] : memref<4x256x64xf32, #tpu.memory_space<vmem>> -> memref<1x256x64xf32, #tpu.memory_space<vmem>>
    %dma_wait3A_1717 = tpu.memref_squeeze %dma_wait3A_1716 : memref<1x256x64xf32, #tpu.memory_space<vmem>> -> memref<256x64xf32, #tpu.memory_space<vmem>>
    %dma_wait3A_1718 = arith.constant 0 : i32
    %dma_wait3A_1719 = tpu.memref_slice %arg2[%add3A_1643, %dma_wait3A_1718] : memref<262144x64xf32, #tpu.memory_space<hbm>> -> memref<256x64xf32, #tpu.memory_space<hbm>>
    %dma_wait3A_1720 = arith.constant 0 : i32
    %dma_wait3A_1721 = arith.constant 0 : i32
    %dma_wait3A_1722 = tpu.memref_slice %arg12[%dma_wait3A_1713, %dma_wait3A_1720, %dma_wait3A_1721] : memref<4x256x64xf32, #tpu.memory_space<vmem>> -> memref<1x256x64xf32, #tpu.memory_space<vmem>>
    %dma_wait3A_1723 = tpu.memref_squeeze %dma_wait3A_1722 : memref<1x256x64xf32, #tpu.memory_space<vmem>> -> memref<256x64xf32, #tpu.memory_space<vmem>>
    %dma_wait3A_1724 = arith.constant 0 : i32
    %dma_wait3A_1725 = tpu.memref_slice %arg2[%add3A_1643, %dma_wait3A_1724] : memref<262144x64xf32, #tpu.memory_space<hbm>> -> memref<256x64xf32, #tpu.memory_space<hbm>>
    tpu.wait_dma2 semaphore(%arg18 : memref<!tpu.dma_semaphore, #tpu.memory_space<semaphore_mem>>) src(%dma_wait3A_1725 : memref<256x64xf32, #tpu.memory_space<hbm>>) dst(%dma_wait3A_1723 : memref<256x64xf32, #tpu.memory_space<vmem>>)
    %add3A_1726 = arith.constant 7936 : i32
    %add3A_1727 = arith.addi %mul3A_2, %add3A_1726 : i32
    %dma_start3A_1728 = arith.constant 3 : i32
    %dma_start3A_1729 = arith.constant 0 : i32
    %dma_start3A_1730 = arith.constant 0 : i32
    %dma_start3A_1731 = tpu.memref_slice %arg12[%dma_start3A_1728, %dma_start3A_1729, %dma_start3A_1730] : memref<4x256x64xf32, #tpu.memory_space<vmem>> -> memref<1x256x64xf32, #tpu.memory_space<vmem>>
    %dma_start3A_1732 = tpu.memref_squeeze %dma_start3A_1731 : memref<1x256x64xf32, #tpu.memory_space<vmem>> -> memref<256x64xf32, #tpu.memory_space<vmem>>
    %dma_start3A_1733 = arith.constant 0 : i32
    %dma_start3A_1734 = tpu.memref_slice %arg5[%add3A_1727, %dma_start3A_1733] : memref<262144x64xf32, #tpu.memory_space<hbm>> -> memref<256x64xf32, #tpu.memory_space<hbm>>
    %dma_start3A_1735 = arith.constant 0 : i32
    %dma_start3A_1736 = tpu.memref_slice %arg5[%add3A_1727, %dma_start3A_1735] : memref<262144x64xf32, #tpu.memory_space<hbm>> -> memref<256x64xf32, #tpu.memory_space<hbm>>
    %dma_start3A_1737 = arith.constant 0 : i32
    %dma_start3A_1738 = arith.constant 0 : i32
    %dma_start3A_1739 = tpu.memref_slice %arg12[%dma_start3A_1728, %dma_start3A_1737, %dma_start3A_1738] : memref<4x256x64xf32, #tpu.memory_space<vmem>> -> memref<1x256x64xf32, #tpu.memory_space<vmem>>
    %dma_start3A_1740 = tpu.memref_squeeze %dma_start3A_1739 : memref<1x256x64xf32, #tpu.memory_space<vmem>> -> memref<256x64xf32, #tpu.memory_space<vmem>>
    tpu.enqueue_dma source(%dma_start3A_1740 : memref<256x64xf32, #tpu.memory_space<vmem>>) target(%dma_start3A_1736 : memref<256x64xf32, #tpu.memory_space<hbm>>) target_semaphore(%arg22 : memref<!tpu.dma_semaphore, #tpu.memory_space<semaphore_mem>>)
    %dma_wait3A_1741 = arith.constant 0 : i32
    %dma_wait3A_1742 = arith.constant 0 : i32
    %dma_wait3A_1743 = arith.constant 0 : i32
    %dma_wait3A_1744 = tpu.memref_slice %arg12[%dma_wait3A_1741, %dma_wait3A_1742, %dma_wait3A_1743] : memref<4x256x64xf32, #tpu.memory_space<vmem>> -> memref<1x256x64xf32, #tpu.memory_space<vmem>>
    %dma_wait3A_1745 = tpu.memref_squeeze %dma_wait3A_1744 : memref<1x256x64xf32, #tpu.memory_space<vmem>> -> memref<256x64xf32, #tpu.memory_space<vmem>>
    %dma_wait3A_1746 = arith.constant 0 : i32
    %dma_wait3A_1747 = tpu.memref_slice %arg5[%add3A_1615, %dma_wait3A_1746] : memref<262144x64xf32, #tpu.memory_space<hbm>> -> memref<256x64xf32, #tpu.memory_space<hbm>>
    %dma_wait3A_1748 = arith.constant 0 : i32
    %dma_wait3A_1749 = tpu.memref_slice %arg5[%add3A_1615, %dma_wait3A_1748] : memref<262144x64xf32, #tpu.memory_space<hbm>> -> memref<256x64xf32, #tpu.memory_space<hbm>>
    %dma_wait3A_1750 = arith.constant 0 : i32
    %dma_wait3A_1751 = arith.constant 0 : i32
    %dma_wait3A_1752 = tpu.memref_slice %arg12[%dma_wait3A_1741, %dma_wait3A_1750, %dma_wait3A_1751] : memref<4x256x64xf32, #tpu.memory_space<vmem>> -> memref<1x256x64xf32, #tpu.memory_space<vmem>>
    %dma_wait3A_1753 = tpu.memref_squeeze %dma_wait3A_1752 : memref<1x256x64xf32, #tpu.memory_space<vmem>> -> memref<256x64xf32, #tpu.memory_space<vmem>>
    tpu.wait_dma2 semaphore(%arg19 : memref<!tpu.dma_semaphore, #tpu.memory_space<semaphore_mem>>) src(%dma_wait3A_1753 : memref<256x64xf32, #tpu.memory_space<vmem>>) dst(%dma_wait3A_1749 : memref<256x64xf32, #tpu.memory_space<hbm>>)
    %dma_wait3A_1754 = arith.constant 1 : i32
    %dma_wait3A_1755 = arith.constant 0 : i32
    %dma_wait3A_1756 = arith.constant 0 : i32
    %dma_wait3A_1757 = tpu.memref_slice %arg12[%dma_wait3A_1754, %dma_wait3A_1755, %dma_wait3A_1756] : memref<4x256x64xf32, #tpu.memory_space<vmem>> -> memref<1x256x64xf32, #tpu.memory_space<vmem>>
    %dma_wait3A_1758 = tpu.memref_squeeze %dma_wait3A_1757 : memref<1x256x64xf32, #tpu.memory_space<vmem>> -> memref<256x64xf32, #tpu.memory_space<vmem>>
    %dma_wait3A_1759 = arith.constant 0 : i32
    %dma_wait3A_1760 = tpu.memref_slice %arg5[%add3A_1671, %dma_wait3A_1759] : memref<262144x64xf32, #tpu.memory_space<hbm>> -> memref<256x64xf32, #tpu.memory_space<hbm>>
    %dma_wait3A_1761 = arith.constant 0 : i32
    %dma_wait3A_1762 = tpu.memref_slice %arg5[%add3A_1671, %dma_wait3A_1761] : memref<262144x64xf32, #tpu.memory_space<hbm>> -> memref<256x64xf32, #tpu.memory_space<hbm>>
    %dma_wait3A_1763 = arith.constant 0 : i32
    %dma_wait3A_1764 = arith.constant 0 : i32
    %dma_wait3A_1765 = tpu.memref_slice %arg12[%dma_wait3A_1754, %dma_wait3A_1763, %dma_wait3A_1764] : memref<4x256x64xf32, #tpu.memory_space<vmem>> -> memref<1x256x64xf32, #tpu.memory_space<vmem>>
    %dma_wait3A_1766 = tpu.memref_squeeze %dma_wait3A_1765 : memref<1x256x64xf32, #tpu.memory_space<vmem>> -> memref<256x64xf32, #tpu.memory_space<vmem>>
    tpu.wait_dma2 semaphore(%arg20 : memref<!tpu.dma_semaphore, #tpu.memory_space<semaphore_mem>>) src(%dma_wait3A_1766 : memref<256x64xf32, #tpu.memory_space<vmem>>) dst(%dma_wait3A_1762 : memref<256x64xf32, #tpu.memory_space<hbm>>)
    %dma_wait3A_1767 = arith.constant 2 : i32
    %dma_wait3A_1768 = arith.constant 0 : i32
    %dma_wait3A_1769 = arith.constant 0 : i32
    %dma_wait3A_1770 = tpu.memref_slice %arg12[%dma_wait3A_1767, %dma_wait3A_1768, %dma_wait3A_1769] : memref<4x256x64xf32, #tpu.memory_space<vmem>> -> memref<1x256x64xf32, #tpu.memory_space<vmem>>
    %dma_wait3A_1771 = tpu.memref_squeeze %dma_wait3A_1770 : memref<1x256x64xf32, #tpu.memory_space<vmem>> -> memref<256x64xf32, #tpu.memory_space<vmem>>
    %dma_wait3A_1772 = arith.constant 0 : i32
    %dma_wait3A_1773 = tpu.memref_slice %arg5[%add3A_1699, %dma_wait3A_1772] : memref<262144x64xf32, #tpu.memory_space<hbm>> -> memref<256x64xf32, #tpu.memory_space<hbm>>
    %dma_wait3A_1774 = arith.constant 0 : i32
    %dma_wait3A_1775 = tpu.memref_slice %arg5[%add3A_1699, %dma_wait3A_1774] : memref<262144x64xf32, #tpu.memory_space<hbm>> -> memref<256x64xf32, #tpu.memory_space<hbm>>
    %dma_wait3A_1776 = arith.constant 0 : i32
    %dma_wait3A_1777 = arith.constant 0 : i32
    %dma_wait3A_1778 = tpu.memref_slice %arg12[%dma_wait3A_1767, %dma_wait3A_1776, %dma_wait3A_1777] : memref<4x256x64xf32, #tpu.memory_space<vmem>> -> memref<1x256x64xf32, #tpu.memory_space<vmem>>
    %dma_wait3A_1779 = tpu.memref_squeeze %dma_wait3A_1778 : memref<1x256x64xf32, #tpu.memory_space<vmem>> -> memref<256x64xf32, #tpu.memory_space<vmem>>
    tpu.wait_dma2 semaphore(%arg21 : memref<!tpu.dma_semaphore, #tpu.memory_space<semaphore_mem>>) src(%dma_wait3A_1779 : memref<256x64xf32, #tpu.memory_space<vmem>>) dst(%dma_wait3A_1775 : memref<256x64xf32, #tpu.memory_space<hbm>>)
    %dma_wait3A_1780 = arith.constant 3 : i32
    %dma_wait3A_1781 = arith.constant 0 : i32
    %dma_wait3A_1782 = arith.constant 0 : i32
    %dma_wait3A_1783 = tpu.memref_slice %arg12[%dma_wait3A_1780, %dma_wait3A_1781, %dma_wait3A_1782] : memref<4x256x64xf32, #tpu.memory_space<vmem>> -> memref<1x256x64xf32, #tpu.memory_space<vmem>>
    %dma_wait3A_1784 = tpu.memref_squeeze %dma_wait3A_1783 : memref<1x256x64xf32, #tpu.memory_space<vmem>> -> memref<256x64xf32, #tpu.memory_space<vmem>>
    %dma_wait3A_1785 = arith.constant 0 : i32
    %dma_wait3A_1786 = tpu.memref_slice %arg5[%add3A_1727, %dma_wait3A_1785] : memref<262144x64xf32, #tpu.memory_space<hbm>> -> memref<256x64xf32, #tpu.memory_space<hbm>>
    %dma_wait3A_1787 = arith.constant 0 : i32
    %dma_wait3A_1788 = tpu.memref_slice %arg5[%add3A_1727, %dma_wait3A_1787] : memref<262144x64xf32, #tpu.memory_space<hbm>> -> memref<256x64xf32, #tpu.memory_space<hbm>>
    %dma_wait3A_1789 = arith.constant 0 : i32
    %dma_wait3A_1790 = arith.constant 0 : i32
    %dma_wait3A_1791 = tpu.memref_slice %arg12[%dma_wait3A_1780, %dma_wait3A_1789, %dma_wait3A_1790] : memref<4x256x64xf32, #tpu.memory_space<vmem>> -> memref<1x256x64xf32, #tpu.memory_space<vmem>>
    %dma_wait3A_1792 = tpu.memref_squeeze %dma_wait3A_1791 : memref<1x256x64xf32, #tpu.memory_space<vmem>> -> memref<256x64xf32, #tpu.memory_space<vmem>>
    tpu.wait_dma2 semaphore(%arg22 : memref<!tpu.dma_semaphore, #tpu.memory_space<semaphore_mem>>) src(%dma_wait3A_1792 : memref<256x64xf32, #tpu.memory_space<vmem>>) dst(%dma_wait3A_1788 : memref<256x64xf32, #tpu.memory_space<hbm>>)
    "tpu.region"() ({
      %run_scoped3A = tpu.sem_alloc : memref<!tpu.dma_semaphore, #tpu.memory_space<semaphore_mem>>
      tpu.enqueue_dma source(%arg4 : memref<16384xi32, #tpu.memory_space<hbm>>) target(%arg6 : memref<16384xi32, #tpu.memory_space<vmem>>) target_semaphore(%run_scoped3A : memref<!tpu.dma_semaphore, #tpu.memory_space<semaphore_mem>>)
      tpu.wait_dma2 semaphore(%run_scoped3A : memref<!tpu.dma_semaphore, #tpu.memory_space<semaphore_mem>>) src(%arg4 : memref<16384xi32, #tpu.memory_space<hbm>>) dst(%arg6 : memref<16384xi32, #tpu.memory_space<vmem>>)
      tpu.yield
    }) : () -> ()
    %iota3A = tpu.iota {dimensions = array<i32: 0>} : vector<16xi32>
    %broadcast_in_dim3A = arith.constant -1 : i32
    %broadcast_in_dim3A_1793 = vector.broadcast %broadcast_in_dim3A : i32 to vector<16xi32>
    %scan3A = arith.constant 0 : i32
    %scan3A_1794 = arith.constant 0 : i32
    %scan3A_1795 = arith.constant 512 : i32
    %scan3A_1796 = arith.addi %scan3A_1794, %scan3A_1795 : i32
    %scan3A_1797 = arith.constant 1 : i32
    %scan3A_1798 = scf.for %scan3A_1817 = %scan3A_1794 to %scan3A_1796 step %scan3A_1797 iter_args(%scan3A_1818 = %scan3A) -> (i32)  : i32 {
      %mul3A_1819 = arith.constant 16 : i32
      %mul3A_1820 = arith.muli %scan3A_1817, %mul3A_1819 : i32
      %swap3A = arith.index_cast %mul3A_1820 : i32 to index
      %swap3A_1821 = tpu.vector_load %arg7[%swap3A] {strides = array<i32>} : memref<8192xi32, #tpu.memory_space<vmem>>, vector<16xi32>,
      tpu.vector_store %arg7[%swap3A], %broadcast_in_dim3A_1793 {strides = array<i32>} : memref<8192xi32, #tpu.memory_space<vmem>>, vector<16xi32>,
      %scan3A_1822 = arith.constant 0 : i32
      scf.yield %scan3A_1822 : i32
    }
    %scan3A_1799 = arith.constant 512 : i32
    %scan3A_1800 = arith.constant 0 : i32
    %scan3A_1801 = arith.constant 0 : i32
    %scan3A_1802 = arith.constant 1024 : i32
    %scan3A_1803 = arith.addi %scan3A_1801, %scan3A_1802 : i32
    %scan3A_1804 = arith.constant 1 : i32
    %scan3A_1805 = scf.for %scan3A_1817 = %scan3A_1801 to %scan3A_1803 step %scan3A_1804 iter_args(%scan3A_1818 = %scan3A_1800) -> (i32)  : i32 {
      %mul3A_1819 = arith.constant 16 : i32
      %mul3A_1820 = arith.muli %scan3A_1817, %mul3A_1819 : i32
      %get3A = arith.index_cast %mul3A_1820 : i32 to index
      %get3A_1821 = tpu.vector_load %arg6[%get3A] {strides = array<i32>} : memref<16384xi32, #tpu.memory_space<vmem>>, vector<16xi32>,
      %ge3A = vector.broadcast %mul3A_2 : i32 to vector<16xi32>
      %ge3A_1822 = arith.cmpi sge, %get3A_1821, %ge3A : vector<16xi32>
      %add3A_1823 = arith.constant 8192 : i32
      %add3A_1824 = arith.addi %mul3A_2, %add3A_1823 : i32
      %lt3A = vector.broadcast %add3A_1824 : i32 to vector<16xi32>
      %lt3A_1825 = arith.cmpi slt, %get3A_1821, %lt3A : vector<16xi32>
      %and3A = arith.andi %ge3A_1822, %lt3A_1825 : vector<16xi1>
      %sub3A = vector.broadcast %mul3A_2 : i32 to vector<16xi32>
      %sub3A_1826 = arith.subi %get3A_1821, %sub3A : vector<16xi32>
      %mul3A_1827 = arith.constant 16 : i32
      %mul3A_1828 = arith.muli %scan3A_1817, %mul3A_1827 : i32
      %add3A_1829 = vector.broadcast %mul3A_1828 : i32 to vector<16xi32>
      %add3A_1830 = arith.addi %add3A_1829, %iota3A : vector<16xi32>
      %shift_left3A = arith.constant 14 : i32
      %shift_left3A_1831 = vector.broadcast %shift_left3A : i32 to vector<16xi32>
      %shift_left3A_1832 = arith.shli %sub3A_1826, %shift_left3A_1831 : vector<16xi32>
      %or3A = arith.ori %shift_left3A_1832, %add3A_1830 : vector<16xi32>
      %jit3A = arith.constant -1 : i32
      %broadcast_in_dim3A_1833 = vector.broadcast %jit3A : i32 to vector<16xi32>
      %select_n3A = arith.select %and3A, %or3A, %broadcast_in_dim3A_1833 : vector<16xi1>, vector<16xi32>
      %sort3A = arith.constant dense<true> : vector<16xi1>
      %sort3A_1834, %sort3A_1835, %sort3A_1836 = tpu.sort %select_n3A, %select_n3A masked %sort3A : (vector<16xi32>, vector<16xi32>, vector<16xi1>) -> (vector<16xi1>, vector<16xi32>, vector<16xi32>)
      %swap3A = arith.constant 0 : index
      %swap3A_1837 = tpu.vector_load %arg8[%swap3A] {strides = array<i32>} : memref<16xi32, #tpu.memory_space<vmem>>, vector<16xi32>,
      tpu.vector_store %arg8[%swap3A], %sort3A_1835 {strides = array<i32>} : memref<16xi32, #tpu.memory_space<vmem>>, vector<16xi32>,
      %add3A_1838 = arith.constant 1 : i32
      %add3A_1839 = vector.broadcast %add3A_1838 : i32 to vector<16xi32>
      %add3A_1840 = arith.addi %iota3A, %add3A_1839 : vector<16xi32>
      %min3A = arith.constant 15 : i32
      %min3A_1841 = vector.broadcast %min3A : i32 to vector<16xi32>
      %min3A_1842 = arith.minsi %add3A_1840, %min3A_1841 : vector<16xi32>
      %gather3A = tpu.vector_load_idx %arg8[%min3A_1842] : memref<16xi32, #tpu.memory_space<vmem>>[vector<16xi32>], vector<16xi32>,
      %ge3A_1843 = arith.constant 0 : i32
      %ge3A_1844 = vector.broadcast %ge3A_1843 : i32 to vector<16xi32>
      %ge3A_1845 = arith.cmpi sge, %sort3A_1835, %ge3A_1844 : vector<16xi32>
      %shift_right_arithmetic3A = arith.constant 14 : i32
      %shift_right_arithmetic3A_1846 = vector.broadcast %shift_right_arithmetic3A : i32 to vector<16xi32>
      %shift_right_arithmetic3A_1847 = arith.shrsi %sort3A_1835, %shift_right_arithmetic3A_1846 : vector<16xi32>
      %shift_right_arithmetic3A_1848 = arith.constant 14 : i32
      %shift_right_arithmetic3A_1849 = vector.broadcast %shift_right_arithmetic3A_1848 : i32 to vector<16xi32>
      %shift_right_arithmetic3A_1850 = arith.shrsi %gather3A, %shift_right_arithmetic3A_1849 : vector<16xi32>
      %ne3A = arith.cmpi ne, %shift_right_arithmetic3A_1847, %shift_right_arithmetic3A_1850 : vector<16xi32>
      %eq3A = arith.constant 15 : i32
      %eq3A_1851 = vector.broadcast %eq3A : i32 to vector<16xi32>
      %eq3A_1852 = arith.cmpi eq, %iota3A, %eq3A_1851 : vector<16xi32>
      %or3A_1853 = arith.ori %ne3A, %eq3A_1852 : vector<16xi1>
      %and3A_1854 = arith.andi %ge3A_1845, %or3A_1853 : vector<16xi1>
      %shift_right_arithmetic3A_1855 = arith.constant 14 : i32
      %shift_right_arithmetic3A_1856 = vector.broadcast %shift_right_arithmetic3A_1855 : i32 to vector<16xi32>
      %shift_right_arithmetic3A_1857 = arith.shrsi %sort3A_1835, %shift_right_arithmetic3A_1856 : vector<16xi32>
      %max3A = arith.constant 0 : i32
      %max3A_1858 = vector.broadcast %max3A : i32 to vector<16xi32>
      %max3A_1859 = arith.maxsi %shift_right_arithmetic3A_1857, %max3A_1858 : vector<16xi32>
      %gather3A_1860 = tpu.vector_load_idx %arg7[%max3A_1859] masked %and3A_1854 : memref<8192xi32, #tpu.memory_space<vmem>>[vector<16xi32>], vector<16xi32>, vector<16xi1>
      %max3A_1861 = arith.maxsi %gather3A_1860, %sort3A_1835 : vector<16xi32>
      tpu.vector_store_idx %arg7[%max3A_1859], %max3A_1861 masked %and3A_1854 : memref<8192xi32, #tpu.memory_space<vmem>>[vector<16xi32>], vector<16xi32>, vector<16xi1>
      %scan3A_1862 = arith.constant 0 : i32
      scf.yield %scan3A_1862 : i32
    }
    %scan3A_1806 = arith.constant 1024 : i32
    %scan3A_1807 = arith.constant 0 : i32
    %scan3A_1808 = arith.constant -1 : i32
    %scan3A_1809 = arith.constant 0 : i32
    %scan3A_1810 = arith.constant 512 : i32
    %scan3A_1811 = arith.addi %scan3A_1809, %scan3A_1810 : i32
    %scan3A_1812 = arith.constant 1 : i32
    %scan3A_1813:2 = scf.for %scan3A_1817 = %scan3A_1809 to %scan3A_1811 step %scan3A_1812 iter_args(%scan3A_1818 = %scan3A_1807, %scan3A_1819 = %scan3A_1808) -> (i32, i32)  : i32 {
      %mul3A_1820 = arith.constant 16 : i32
      %mul3A_1821 = arith.muli %scan3A_1817, %mul3A_1820 : i32
      %get3A = arith.index_cast %mul3A_1821 : i32 to index
      %get3A_1822 = tpu.vector_load %arg7[%get3A] {strides = array<i32>} : memref<8192xi32, #tpu.memory_space<vmem>>, vector<16xi32>,
      %ge3A = arith.constant 0 : i32
      %ge3A_1823 = vector.broadcast %ge3A : i32 to vector<16xi32>
      %ge3A_1824 = arith.cmpi sge, %get3A_1822, %ge3A_1823 : vector<16xi32>
      %jit3A = arith.constant 1 : i32
      %jit3A_1825 = arith.constant 0 : i32
      %broadcast_in_dim3A_1826 = vector.broadcast %jit3A : i32 to vector<16xi32>
      %broadcast_in_dim3A_1827 = vector.broadcast %jit3A_1825 : i32 to vector<16xi32>
      %select_n3A = arith.select %ge3A_1824, %broadcast_in_dim3A_1826, %broadcast_in_dim3A_1827 : vector<16xi1>, vector<16xi32>
      %reduce_sum3A = arith.constant true
      %reduce_sum3A_1828 = vector.broadcast %reduce_sum3A : i1 to vector<16xi1>
      %reduce_sum3A_1829 = tpu.scan <sum>, %select_n3A masked %reduce_sum3A_1828 : vector<16xi32>, vector<16xi1> -> vector<16xi32>
      %reduce_sum3A_1830 = vector.extract %reduce_sum3A_1829[15] : i32 from vector<16xi32>
      %add3A_1831 = arith.addi %scan3A_1818, %reduce_sum3A_1830 : i32
      %reduce_max3A = arith.constant true
      %reduce_max3A_1832 = vector.broadcast %reduce_max3A : i1 to vector<16xi1>
      %reduce_max3A_1833 = arith.constant -2147483648 : i32
      %reduce_max3A_1834 = vector.broadcast %reduce_max3A_1833 : i32 to vector<16xi32>
      %reduce_max3A_1835 = arith.xori %get3A_1822, %reduce_max3A_1834 : vector<16xi32>
      %reduce_max3A_1836 = tpu.scan <max>, %reduce_max3A_1835 masked %reduce_max3A_1832 : vector<16xi32>, vector<16xi1> -> vector<16xi32>
      %reduce_max3A_1837 = arith.xori %reduce_max3A_1836, %reduce_max3A_1834 : vector<16xi32>
      %reduce_max3A_1838 = vector.extract %reduce_max3A_1837[15] : i32 from vector<16xi32>
      %max3A = arith.maxsi %scan3A_1819, %reduce_max3A_1838 : i32
      scf.yield %add3A_1831, %max3A : i32, i32
    }
    %scan3A_1814 = arith.constant 512 : i32
    %gt3A = arith.constant 0 : i32
    %gt3A_1815 = arith.cmpi sgt, %scan3A_1813#0, %gt3A : i32
    %convert_element_type3A = arith.extui %gt3A_1815 : i1 to i32
    %cond3A = arith.constant 0 : i32
    %cond3A_1816 = arith.cmpi ne, %convert_element_type3A, %cond3A : i32
    scf.if %cond3A_1816 {
      %and3A = arith.constant 16383 : i32
      %and3A_1817 = arith.andi %scan3A_1813#1, %and3A : i32
      %broadcast_in_dim3A_1818 = vector.broadcast %and3A_1817 : i32 to vector<16xi32>
      %shift_right_arithmetic3A = arith.constant 14 : i32
      %shift_right_arithmetic3A_1819 = arith.shrsi %scan3A_1813#1, %shift_right_arithmetic3A : i32
      %add3A_1820 = arith.addi %mul3A_2, %shift_right_arithmetic3A_1819 : i32
      %broadcast_in_dim3A_1821 = vector.broadcast %add3A_1820 : i32 to vector<16xi32>
      %scan3A_1822 = arith.constant 0 : i32
      %scan3A_1823 = arith.constant 0 : i32
      %scan3A_1824 = arith.constant 512 : i32
      %scan3A_1825 = arith.addi %scan3A_1823, %scan3A_1824 : i32
      %scan3A_1826 = arith.constant 1 : i32
      %scan3A_1827 = scf.for %scan3A_1868 = %scan3A_1823 to %scan3A_1825 step %scan3A_1826 iter_args(%scan3A_1869 = %scan3A_1822) -> (i32)  : i32 {
        %jit3A_1870 = arith.constant 8 : i32
        %div3A_1871 = arith.divsi %scan3A_1868, %jit3A_1870 : i32
        %sign3A_1872 = arith.constant 0 : i32
        %sign3A_1873 = arith.cmpi sgt, %scan3A_1868, %sign3A_1872 : i32
        %sign3A_1874 = arith.extui %sign3A_1873 : i1 to i32
        %sign3A_1875 = arith.constant 0 : i32
        %sign3A_1876 = arith.cmpi slt, %scan3A_1868, %sign3A_1875 : i32
        %sign3A_1877 = arith.extui %sign3A_1876 : i1 to i32
        %sign3A_1878 = arith.subi %sign3A_1874, %sign3A_1877 : i32
        %sign3A_1879 = arith.constant 0 : i32
        %sign3A_1880 = arith.cmpi sgt, %jit3A_1870, %sign3A_1879 : i32
        %sign3A_1881 = arith.extui %sign3A_1880 : i1 to i32
        %sign3A_1882 = arith.constant 0 : i32
        %sign3A_1883 = arith.cmpi slt, %jit3A_1870, %sign3A_1882 : i32
        %sign3A_1884 = arith.extui %sign3A_1883 : i1 to i32
        %sign3A_1885 = arith.subi %sign3A_1881, %sign3A_1884 : i32
        %ne3A_1886 = arith.cmpi ne, %sign3A_1878, %sign3A_1885 : i32
        %rem3A_1887 = arith.remsi %scan3A_1868, %jit3A_1870 : i32
        %ne3A_1888 = arith.constant 0 : i32
        %ne3A_1889 = arith.cmpi ne, %rem3A_1887, %ne3A_1888 : i32
        %and3A_1890 = arith.andi %ne3A_1886, %ne3A_1889 : i1
        %sub3A_1891 = arith.constant 1 : i32
        %sub3A_1892 = arith.subi %div3A_1871, %sub3A_1891 : i32
        %select_n3A_1893 = arith.select %and3A_1890, %sub3A_1892, %div3A_1871 : i32
        %jit3A_1894 = arith.constant 8 : i32
        %eq3A = arith.constant 0 : i32
        %eq3A_1895 = arith.cmpi eq, %jit3A_1894, %eq3A : i32
        %jit3A_1896 = arith.constant 1 : i32
        %select_n3A_1897 = arith.select %eq3A_1895, %jit3A_1896, %jit3A_1894 : i32
        %rem3A_1898 = arith.remsi %scan3A_1868, %select_n3A_1897 : i32
        %ne3A_1899 = arith.constant 0 : i32
        %ne3A_1900 = arith.cmpi ne, %rem3A_1898, %ne3A_1899 : i32
        %lt3A = arith.constant 0 : i32
        %lt3A_1901 = arith.cmpi slt, %rem3A_1898, %lt3A : i32
        %lt3A_1902 = arith.constant 0 : i32
        %lt3A_1903 = arith.cmpi slt, %select_n3A_1897, %lt3A_1902 : i32
        %ne3A_1904 = arith.xori %lt3A_1901, %lt3A_1903 : i1
        %and3A_1905 = arith.andi %ne3A_1904, %ne3A_1900 : i1
        %add3A_1906 = arith.addi %rem3A_1898, %select_n3A_1897 : i32
        %select_n3A_1907 = arith.select %and3A_1905, %add3A_1906, %rem3A_1898 : i32
        %mul3A_1908 = arith.constant 16 : i32
        %mul3A_1909 = arith.muli %select_n3A_1907, %mul3A_1908 : i32
        %swap3A = arith.constant 0 : i32
        %swap3A_1910 = arith.index_cast %select_n3A_1893 : i32 to index
        %swap3A_1911 = arith.index_cast %swap3A : i32 to index
        %swap3A_1912 = arith.index_cast %mul3A_1909 : i32 to index
        %swap3A_1913 = tpu.vector_load %arg9[%swap3A_1910, %swap3A_1911, %swap3A_1912] {strides = array<i32>} : memref<64x1x128xi32, #tpu.memory_space<vmem>>, vector<16xi32>,
        tpu.vector_store %arg9[%swap3A_1910, %swap3A_1911, %swap3A_1912], %broadcast_in_dim3A_1818 {strides = array<i32>} : memref<64x1x128xi32, #tpu.memory_space<vmem>>, vector<16xi32>,
        %swap3A_1914 = arith.constant 0 : i32
        %swap3A_1915 = arith.index_cast %select_n3A_1893 : i32 to index
        %swap3A_1916 = arith.index_cast %swap3A_1914 : i32 to index
        %swap3A_1917 = arith.index_cast %mul3A_1909 : i32 to index
        %swap3A_1918 = tpu.vector_load %arg10[%swap3A_1915, %swap3A_1916, %swap3A_1917] {strides = array<i32>} : memref<64x1x128xi32, #tpu.memory_space<vmem>>, vector<16xi32>,
        tpu.vector_store %arg10[%swap3A_1915, %swap3A_1916, %swap3A_1917], %broadcast_in_dim3A_1821 {strides = array<i32>} : memref<64x1x128xi32, #tpu.memory_space<vmem>>, vector<16xi32>,
        %scan3A_1919 = arith.constant 0 : i32
        scf.yield %scan3A_1919 : i32
      }
      %scan3A_1828 = arith.constant 512 : i32
      %broadcast_in_dim3A_1829 = arith.constant 0 : i32
      %broadcast_in_dim3A_1830 = vector.broadcast %broadcast_in_dim3A_1829 : i32 to vector<16xi32>
      %scan3A_1831 = arith.constant 0 : i32
      %scan3A_1832 = arith.constant 0 : i32
      %scan3A_1833 = arith.constant 512 : i32
      %scan3A_1834 = arith.addi %scan3A_1832, %scan3A_1833 : i32
      %scan3A_1835 = arith.constant 1 : i32
      %scan3A_1836 = scf.for %scan3A_1868 = %scan3A_1832 to %scan3A_1834 step %scan3A_1835 iter_args(%scan3A_1869 = %scan3A_1831) -> (i32)  : i32 {
        %mul3A_1870 = arith.constant 16 : i32
        %mul3A_1871 = arith.muli %scan3A_1868, %mul3A_1870 : i32
        %get3A = arith.index_cast %mul3A_1871 : i32 to index
        %get3A_1872 = tpu.vector_load %arg7[%get3A] {strides = array<i32>} : memref<8192xi32, #tpu.memory_space<vmem>>, vector<16xi32>,
        %ge3A = arith.constant 0 : i32
        %ge3A_1873 = vector.broadcast %ge3A : i32 to vector<16xi32>
        %ge3A_1874 = arith.cmpi sge, %get3A_1872, %ge3A_1873 : vector<16xi32>
        %jit3A_1875 = arith.constant 1 : i32
        %jit3A_1876 = arith.constant 0 : i32
        %broadcast_in_dim3A_1877 = vector.broadcast %jit3A_1875 : i32 to vector<16xi32>
        %broadcast_in_dim3A_1878 = vector.broadcast %jit3A_1876 : i32 to vector<16xi32>
        %select_n3A_1879 = arith.select %ge3A_1874, %broadcast_in_dim3A_1877, %broadcast_in_dim3A_1878 : vector<16xi1>, vector<16xi32>
        %broadcast_in_dim3A_1880 = arith.constant true
        %broadcast_in_dim3A_1881 = vector.broadcast %broadcast_in_dim3A_1880 : i1 to vector<16xi1>
        %masked_cumsum3A = tpu.scan <sum>, %select_n3A_1879 masked %broadcast_in_dim3A_1881 : vector<16xi32>, vector<16xi1> -> vector<16xi32>
        %add3A_1882 = vector.broadcast %scan3A_1869 : i32 to vector<16xi32>
        %add3A_1883 = arith.addi %add3A_1882, %masked_cumsum3A : vector<16xi32>
        %sub3A_1884 = arith.constant 1 : i32
        %sub3A_1885 = vector.broadcast %sub3A_1884 : i32 to vector<16xi32>
        %sub3A_1886 = arith.subi %add3A_1883, %sub3A_1885 : vector<16xi32>
        %and3A_1887 = arith.constant 16383 : i32
        %and3A_1888 = vector.broadcast %and3A_1887 : i32 to vector<16xi32>
        %and3A_1889 = arith.andi %get3A_1872, %and3A_1888 : vector<16xi32>
        %shift_right_arithmetic3A_1890 = arith.constant 14 : i32
        %shift_right_arithmetic3A_1891 = vector.broadcast %shift_right_arithmetic3A_1890 : i32 to vector<16xi32>
        %shift_right_arithmetic3A_1892 = arith.shrsi %get3A_1872, %shift_right_arithmetic3A_1891 : vector<16xi32>
        %add3A_1893 = vector.broadcast %mul3A_2 : i32 to vector<16xi32>
        %add3A_1894 = arith.addi %add3A_1893, %shift_right_arithmetic3A_1892 : vector<16xi32>
        %shift_right_arithmetic3A_1895 = arith.constant 7 : i32
        %shift_right_arithmetic3A_1896 = vector.broadcast %shift_right_arithmetic3A_1895 : i32 to vector<16xi32>
        %shift_right_arithmetic3A_1897 = arith.shrsi %sub3A_1886, %shift_right_arithmetic3A_1896 : vector<16xi32>
        %and3A_1898 = arith.constant 127 : i32
        %and3A_1899 = vector.broadcast %and3A_1898 : i32 to vector<16xi32>
        %and3A_1900 = arith.andi %sub3A_1886, %and3A_1899 : vector<16xi32>
        tpu.vector_store_idx %arg9[%shift_right_arithmetic3A_1897, %broadcast_in_dim3A_1830, %and3A_1900], %and3A_1889 masked %ge3A_1874 : memref<64x1x128xi32, #tpu.memory_space<vmem>>[vector<16xi32>, vector<16xi32>, vector<16xi32>], vector<16xi32>, vector<16xi1>
        %shift_right_arithmetic3A_1901 = arith.constant 7 : i32
        %shift_right_arithmetic3A_1902 = vector.broadcast %shift_right_arithmetic3A_1901 : i32 to vector<16xi32>
        %shift_right_arithmetic3A_1903 = arith.shrsi %sub3A_1886, %shift_right_arithmetic3A_1902 : vector<16xi32>
        %and3A_1904 = arith.constant 127 : i32
        %and3A_1905 = vector.broadcast %and3A_1904 : i32 to vector<16xi32>
        %and3A_1906 = arith.andi %sub3A_1886, %and3A_1905 : vector<16xi32>
        tpu.vector_store_idx %arg10[%shift_right_arithmetic3A_1903, %broadcast_in_dim3A_1830, %and3A_1906], %add3A_1894 masked %ge3A_1874 : memref<64x1x128xi32, #tpu.memory_space<vmem>>[vector<16xi32>, vector<16xi32>, vector<16xi32>], vector<16xi32>, vector<16xi1>
        %reduce_sum3A = arith.constant true
        %reduce_sum3A_1907 = vector.broadcast %reduce_sum3A : i1 to vector<16xi1>
        %reduce_sum3A_1908 = tpu.scan <sum>, %select_n3A_1879 masked %reduce_sum3A_1907 : vector<16xi32>, vector<16xi1> -> vector<16xi32>
        %reduce_sum3A_1909 = vector.extract %reduce_sum3A_1908[15] : i32 from vector<16xi32>
        %add3A_1910 = arith.addi %scan3A_1869, %reduce_sum3A_1909 : i32
        scf.yield %add3A_1910 : i32
      }
      %scan3A_1837 = arith.constant 512 : i32
      %add3A_1838 = arith.constant 127 : i32
      %add3A_1839 = arith.addi %scan3A_1813#0, %add3A_1838 : i32
      %jit3A = arith.constant 128 : i32
      %div3A = arith.divsi %add3A_1839, %jit3A : i32
      %sign3A = arith.constant 0 : i32
      %sign3A_1840 = arith.cmpi sgt, %add3A_1839, %sign3A : i32
      %sign3A_1841 = arith.extui %sign3A_1840 : i1 to i32
      %sign3A_1842 = arith.constant 0 : i32
      %sign3A_1843 = arith.cmpi slt, %add3A_1839, %sign3A_1842 : i32
      %sign3A_1844 = arith.extui %sign3A_1843 : i1 to i32
      %sign3A_1845 = arith.subi %sign3A_1841, %sign3A_1844 : i32
      %sign3A_1846 = arith.constant 0 : i32
      %sign3A_1847 = arith.cmpi sgt, %jit3A, %sign3A_1846 : i32
      %sign3A_1848 = arith.extui %sign3A_1847 : i1 to i32
      %sign3A_1849 = arith.constant 0 : i32
      %sign3A_1850 = arith.cmpi slt, %jit3A, %sign3A_1849 : i32
      %sign3A_1851 = arith.extui %sign3A_1850 : i1 to i32
      %sign3A_1852 = arith.subi %sign3A_1848, %sign3A_1851 : i32
      %ne3A = arith.cmpi ne, %sign3A_1845, %sign3A_1852 : i32
      %rem3A = arith.remsi %add3A_1839, %jit3A : i32
      %ne3A_1853 = arith.constant 0 : i32
      %ne3A_1854 = arith.cmpi ne, %rem3A, %ne3A_1853 : i32
      %and3A_1855 = arith.andi %ne3A, %ne3A_1854 : i1
      %sub3A = arith.constant 1 : i32
      %sub3A_1856 = arith.subi %div3A, %sub3A : i32
      %select_n3A = arith.select %and3A_1855, %sub3A_1856, %div3A : i32
      %while3A = arith.constant 0 : i32
      %while3A_1857 = arith.constant 0 : i32
      %while3A_1858 = arith.subi %select_n3A, %while3A : i32
      %while3A_1859 = arith.addi %while3A, %while3A_1858 : i32
      %while3A_1860 = arith.constant 1 : i32
      %while3A_1861 = arith.divsi %while3A_1858, %while3A_1860 : i32
      %while3A_1862 = arith.muli %while3A_1861, %while3A_1860 : i32
      %while3A_1863 = arith.addi %while3A, %while3A_1862 : i32
      %while3A_1864 = arith.constant 1 : i32
      %while3A_1865 = scf.for %while3A_1868 = %while3A to %while3A_1863 step %while3A_1864 iter_args(%while3A_1869 = %while3A_1857) -> (i32)  : i32 {
        %dma_start3A_1870 = arith.constant 0 : i32
        %dma_start3A_1871 = arith.constant 0 : i32
        %dma_start3A_1872 = tpu.memref_slice %arg9[%while3A_1868, %dma_start3A_1870, %dma_start3A_1871] : memref<64x1x128xi32, #tpu.memory_space<vmem>> -> memref<1x1x128xi32, #tpu.memory_space<vmem>>
        %dma_start3A_1873 = tpu.memref_squeeze %dma_start3A_1872 : memref<1x1x128xi32, #tpu.memory_space<vmem>> -> memref<128xi32, #tpu.memory_space<vmem>>
        %dma_start3A_1874 = arith.constant 0 : i32
        %dma_start3A_1875 = arith.constant 0 : i32
        %dma_start3A_1876 = tpu.memref_slice %arg3[%dma_start3A_1874, %dma_start3A_1875] : memref<16384x64xf32, #tpu.memory_space<hbm>> -> memref<16384x64xf32, #tpu.memory_space<hbm>>
        tpu.enqueue_indirect_dma source(%dma_start3A_1876 : memref<16384x64xf32, #tpu.memory_space<hbm>>) target(%arg11 : memref<128x64xf32, #tpu.memory_space<vmem>>) offsets(%dma_start3A_1873 : memref<128xi32, #tpu.memory_space<vmem>>) semaphore(%arg13 : memref<!tpu.dma_semaphore, #tpu.memory_space<semaphore_mem>>)
        %dma_wait3A_1877 = arith.constant 0 : i32
        %dma_wait3A_1878 = arith.constant 0 : i32
        %dma_wait3A_1879 = tpu.memref_slice %arg9[%while3A_1868, %dma_wait3A_1877, %dma_wait3A_1878] : memref<64x1x128xi32, #tpu.memory_space<vmem>> -> memref<1x1x128xi32, #tpu.memory_space<vmem>>
        %dma_wait3A_1880 = tpu.memref_squeeze %dma_wait3A_1879 : memref<1x1x128xi32, #tpu.memory_space<vmem>> -> memref<128xi32, #tpu.memory_space<vmem>>
        %dma_wait3A_1881 = arith.constant 0 : i32
        %dma_wait3A_1882 = arith.constant 0 : i32
        %dma_wait3A_1883 = tpu.memref_slice %arg3[%dma_wait3A_1881, %dma_wait3A_1882] : memref<16384x64xf32, #tpu.memory_space<hbm>> -> memref<16384x64xf32, #tpu.memory_space<hbm>>
        tpu.wait_indirect_dma semaphore(%arg13 : memref<!tpu.dma_semaphore, #tpu.memory_space<semaphore_mem>>) src(%dma_wait3A_1883 : memref<16384x64xf32, #tpu.memory_space<hbm>>) dst(%arg11 : memref<128x64xf32, #tpu.memory_space<vmem>>)
        %dma_start3A_1884 = arith.constant 0 : i32
        %dma_start3A_1885 = arith.constant 0 : i32
        %dma_start3A_1886 = tpu.memref_slice %arg10[%while3A_1868, %dma_start3A_1884, %dma_start3A_1885] : memref<64x1x128xi32, #tpu.memory_space<vmem>> -> memref<1x1x128xi32, #tpu.memory_space<vmem>>
        %dma_start3A_1887 = tpu.memref_squeeze %dma_start3A_1886 : memref<1x1x128xi32, #tpu.memory_space<vmem>> -> memref<128xi32, #tpu.memory_space<vmem>>
        %dma_start3A_1888 = arith.constant 0 : i32
        %dma_start3A_1889 = arith.constant 0 : i32
        %dma_start3A_1890 = tpu.memref_slice %arg5[%dma_start3A_1888, %dma_start3A_1889] : memref<262144x64xf32, #tpu.memory_space<hbm>> -> memref<262144x64xf32, #tpu.memory_space<hbm>>
        tpu.enqueue_indirect_dma source(%arg11 : memref<128x64xf32, #tpu.memory_space<vmem>>) target(%dma_start3A_1890 : memref<262144x64xf32, #tpu.memory_space<hbm>>) offsets(%dma_start3A_1887 : memref<128xi32, #tpu.memory_space<vmem>>) semaphore(%arg14 : memref<!tpu.dma_semaphore, #tpu.memory_space<semaphore_mem>>)
        %dma_wait3A_1891 = arith.constant 0 : i32
        %dma_wait3A_1892 = arith.constant 0 : i32
        %dma_wait3A_1893 = tpu.memref_slice %arg10[%while3A_1868, %dma_wait3A_1891, %dma_wait3A_1892] : memref<64x1x128xi32, #tpu.memory_space<vmem>> -> memref<1x1x128xi32, #tpu.memory_space<vmem>>
        %dma_wait3A_1894 = tpu.memref_squeeze %dma_wait3A_1893 : memref<1x1x128xi32, #tpu.memory_space<vmem>> -> memref<128xi32, #tpu.memory_space<vmem>>
        %dma_wait3A_1895 = arith.constant 0 : i32
        %dma_wait3A_1896 = arith.constant 0 : i32
        %dma_wait3A_1897 = tpu.memref_slice %arg5[%dma_wait3A_1895, %dma_wait3A_1896] : memref<262144x64xf32, #tpu.memory_space<hbm>> -> memref<262144x64xf32, #tpu.memory_space<hbm>>
        tpu.wait_indirect_dma semaphore(%arg14 : memref<!tpu.dma_semaphore, #tpu.memory_space<semaphore_mem>>) src(%arg11 : memref<128x64xf32, #tpu.memory_space<vmem>>) dst(%dma_wait3A_1897 : memref<262144x64xf32, #tpu.memory_space<hbm>>)
        %while3A_1898 = arith.constant 0 : i32
        scf.yield %while3A_1898 : i32
      }
      %while3A_1866 = arith.constant 1 : i32
      %while3A_1867 = scf.for %while3A_1868 = %while3A_1863 to %while3A_1859 step %while3A_1866 iter_args(%while3A_1869 = %while3A_1865) -> (i32)  : i32 {
        %dma_start3A_1870 = arith.constant 0 : i32
        %dma_start3A_1871 = arith.constant 0 : i32
        %dma_start3A_1872 = tpu.memref_slice %arg9[%while3A_1868, %dma_start3A_1870, %dma_start3A_1871] : memref<64x1x128xi32, #tpu.memory_space<vmem>> -> memref<1x1x128xi32, #tpu.memory_space<vmem>>
        %dma_start3A_1873 = tpu.memref_squeeze %dma_start3A_1872 : memref<1x1x128xi32, #tpu.memory_space<vmem>> -> memref<128xi32, #tpu.memory_space<vmem>>
        %dma_start3A_1874 = arith.constant 0 : i32
        %dma_start3A_1875 = arith.constant 0 : i32
        %dma_start3A_1876 = tpu.memref_slice %arg3[%dma_start3A_1874, %dma_start3A_1875] : memref<16384x64xf32, #tpu.memory_space<hbm>> -> memref<16384x64xf32, #tpu.memory_space<hbm>>
        tpu.enqueue_indirect_dma source(%dma_start3A_1876 : memref<16384x64xf32, #tpu.memory_space<hbm>>) target(%arg11 : memref<128x64xf32, #tpu.memory_space<vmem>>) offsets(%dma_start3A_1873 : memref<128xi32, #tpu.memory_space<vmem>>) semaphore(%arg13 : memref<!tpu.dma_semaphore, #tpu.memory_space<semaphore_mem>>)
        %dma_wait3A_1877 = arith.constant 0 : i32
        %dma_wait3A_1878 = arith.constant 0 : i32
        %dma_wait3A_1879 = tpu.memref_slice %arg9[%while3A_1868, %dma_wait3A_1877, %dma_wait3A_1878] : memref<64x1x128xi32, #tpu.memory_space<vmem>> -> memref<1x1x128xi32, #tpu.memory_space<vmem>>
        %dma_wait3A_1880 = tpu.memref_squeeze %dma_wait3A_1879 : memref<1x1x128xi32, #tpu.memory_space<vmem>> -> memref<128xi32, #tpu.memory_space<vmem>>
        %dma_wait3A_1881 = arith.constant 0 : i32
        %dma_wait3A_1882 = arith.constant 0 : i32
        %dma_wait3A_1883 = tpu.memref_slice %arg3[%dma_wait3A_1881, %dma_wait3A_1882] : memref<16384x64xf32, #tpu.memory_space<hbm>> -> memref<16384x64xf32, #tpu.memory_space<hbm>>
        tpu.wait_indirect_dma semaphore(%arg13 : memref<!tpu.dma_semaphore, #tpu.memory_space<semaphore_mem>>) src(%dma_wait3A_1883 : memref<16384x64xf32, #tpu.memory_space<hbm>>) dst(%arg11 : memref<128x64xf32, #tpu.memory_space<vmem>>)
        %dma_start3A_1884 = arith.constant 0 : i32
        %dma_start3A_1885 = arith.constant 0 : i32
        %dma_start3A_1886 = tpu.memref_slice %arg10[%while3A_1868, %dma_start3A_1884, %dma_start3A_1885] : memref<64x1x128xi32, #tpu.memory_space<vmem>> -> memref<1x1x128xi32, #tpu.memory_space<vmem>>
        %dma_start3A_1887 = tpu.memref_squeeze %dma_start3A_1886 : memref<1x1x128xi32, #tpu.memory_space<vmem>> -> memref<128xi32, #tpu.memory_space<vmem>>
        %dma_start3A_1888 = arith.constant 0 : i32
        %dma_start3A_1889 = arith.constant 0 : i32
        %dma_start3A_1890 = tpu.memref_slice %arg5[%dma_start3A_1888, %dma_start3A_1889] : memref<262144x64xf32, #tpu.memory_space<hbm>> -> memref<262144x64xf32, #tpu.memory_space<hbm>>
        tpu.enqueue_indirect_dma source(%arg11 : memref<128x64xf32, #tpu.memory_space<vmem>>) target(%dma_start3A_1890 : memref<262144x64xf32, #tpu.memory_space<hbm>>) offsets(%dma_start3A_1887 : memref<128xi32, #tpu.memory_space<vmem>>) semaphore(%arg14 : memref<!tpu.dma_semaphore, #tpu.memory_space<semaphore_mem>>)
        %dma_wait3A_1891 = arith.constant 0 : i32
        %dma_wait3A_1892 = arith.constant 0 : i32
        %dma_wait3A_1893 = tpu.memref_slice %arg10[%while3A_1868, %dma_wait3A_1891, %dma_wait3A_1892] : memref<64x1x128xi32, #tpu.memory_space<vmem>> -> memref<1x1x128xi32, #tpu.memory_space<vmem>>
        %dma_wait3A_1894 = tpu.memref_squeeze %dma_wait3A_1893 : memref<1x1x128xi32, #tpu.memory_space<vmem>> -> memref<128xi32, #tpu.memory_space<vmem>>
        %dma_wait3A_1895 = arith.constant 0 : i32
        %dma_wait3A_1896 = arith.constant 0 : i32
        %dma_wait3A_1897 = tpu.memref_slice %arg5[%dma_wait3A_1895, %dma_wait3A_1896] : memref<262144x64xf32, #tpu.memory_space<hbm>> -> memref<262144x64xf32, #tpu.memory_space<hbm>>
        tpu.wait_indirect_dma semaphore(%arg14 : memref<!tpu.dma_semaphore, #tpu.memory_space<semaphore_mem>>) src(%arg11 : memref<128x64xf32, #tpu.memory_space<vmem>>) dst(%dma_wait3A_1897 : memref<262144x64xf32, #tpu.memory_space<hbm>>)
        %while3A_1898 = arith.constant 0 : i32
        scf.yield %while3A_1898 : i32
      }
    } else {
    }
    return
  }
}

module attributes {stable_mosaic.version = 14 : i64} {
  func.func @_prep_body(%arg0: i32, %arg1: memref<2048x16xf32, #tpu.memory_space<vmem>>, %arg2: memref<2048x16xf32, #tpu.memory_space<vmem>>, %arg3: memref<2048x32xf32, #tpu.memory_space<vmem>>, %arg4: memref<64x128xf32, #tpu.memory_space<vmem>>, %arg5: memref<1x128xf32, #tpu.memory_space<vmem>>, %arg6: memref<2048x16xf32, #tpu.memory_space<vmem>>, %arg7: memref<2048x128xf32, #tpu.memory_space<vmem>>) attributes {dimension_semantics = [#tpu.dimension_semantics<arbitrary>], iteration_bounds = array<i64: 8>, scalar_prefetch = 0 : i64, scratch_operands = 0 : i64, tpu.core_type = #tpu.core_type<tc>, window_params = [{transform_indices = @transform_0, window_bounds = array<i64: 2048, 16>}, {transform_indices = @transform_1, window_bounds = array<i64: 2048, 16>}, {transform_indices = @transform_2, window_bounds = array<i64: 2048, 32>}, {pipeline_mode = #tpu.pipeline_mode<synchronous>, transform_indices = @transform_3, window_bounds = array<i64: 64, 128>}, {pipeline_mode = #tpu.pipeline_mode<synchronous>, transform_indices = @transform_4, window_bounds = array<i64: 1, 128>}, {transform_indices = @transform_5, window_bounds = array<i64: 2048, 16>}, {transform_indices = @transform_6, window_bounds = array<i64: 2048, 128>}]} {
    %get3A = arith.constant 0 : index
    %get3A_0 = arith.constant 0 : index
    %get3A_1 = vector.load %arg1[%get3A, %get3A_0] : memref<2048x16xf32, #tpu.memory_space<vmem>>, vector<2048x16xf32>
    %get3A_2 = arith.constant 0 : index
    %get3A_3 = arith.constant 0 : index
    %get3A_4 = vector.load %arg2[%get3A_2, %get3A_3] : memref<2048x16xf32, #tpu.memory_space<vmem>>, vector<2048x16xf32>
    %get3A_5 = arith.constant 0 : index
    %get3A_6 = arith.constant 0 : index
    %get3A_7 = vector.load %arg3[%get3A_5, %get3A_6] : memref<2048x32xf32, #tpu.memory_space<vmem>>, vector<2048x32xf32>
    %slice3A = vector.extract_strided_slice %get3A_7 {offsets = [0, 0], sizes = [2048, 16], strides = [1, 1]} : vector<2048x32xf32> to vector<2048x16xf32>
    %slice3A_8 = vector.extract_strided_slice %get3A_7 {offsets = [0, 16], sizes = [2048, 16], strides = [1, 1]} : vector<2048x32xf32> to vector<2048x16xf32>
    %sub3A = arith.subf %get3A_1, %slice3A : vector<2048x16xf32>
    %mul3A = arith.constant -5.000000e-01 : f32
    %mul3A_9 = vector.broadcast %mul3A : f32 to vector<2048x16xf32>
    %mul3A_10 = arith.mulf %mul3A_9, %slice3A_8 : vector<2048x16xf32>
    %exp3A = math.exp %mul3A_10 : vector<2048x16xf32>
    %mul3A_11 = arith.mulf %sub3A, %exp3A : vector<2048x16xf32>
    %mul3A_12 = arith.mulf %mul3A_11, %mul3A_11 : vector<2048x16xf32>
    %add3A = arith.addf %mul3A_12, %slice3A_8 : vector<2048x16xf32>
    %add3A_13 = arith.constant 1.83787704 : f32
    %add3A_14 = vector.broadcast %add3A_13 : f32 to vector<2048x16xf32>
    %add3A_15 = arith.addf %add3A, %add3A_14 : vector<2048x16xf32>
    %mul3A_16 = arith.mulf %add3A_15, %get3A_4 : vector<2048x16xf32>
    %mul3A_17 = arith.constant 5.000000e-01 : f32
    %mul3A_18 = vector.broadcast %mul3A_17 : f32 to vector<2048x16xf32>
    %mul3A_19 = arith.mulf %mul3A_18, %mul3A_16 : vector<2048x16xf32>
    %swap3A = arith.constant 0 : index
    %swap3A_20 = arith.constant 0 : index
    %swap3A_21 = vector.load %arg6[%swap3A, %swap3A_20] : memref<2048x16xf32, #tpu.memory_space<vmem>>, vector<2048x16xf32>
    tpu.vector_store %arg6[%swap3A, %swap3A_20], %mul3A_19 {strides = array<i32>} : memref<2048x16xf32, #tpu.memory_space<vmem>>, vector<2048x16xf32>,
    %concatenate3A = tpu.concatenate %get3A_1, %slice3A, %slice3A_8, %mul3A_11 in 1 : vector<2048x16xf32>, vector<2048x16xf32>, vector<2048x16xf32>, vector<2048x16xf32> -> vector<2048x64xf32>
    %get3A_22 = arith.constant 0 : index
    %get3A_23 = arith.constant 0 : index
    %get3A_24 = vector.load %arg4[%get3A_22, %get3A_23] : memref<64x128xf32, #tpu.memory_space<vmem>>, vector<64x128xf32>
    %dot_general3A = arith.constant dense<0.000000e+00> : vector<2048x128xf32>
    %dot_general3A_25 = tpu.matmul %concatenate3A, %get3A_24, %dot_general3A {dimension_numbers = #tpu.dot_dimension_numbers<[1], [0], [0], [1], [0, 0, 1, 1], [], []>, transpose_lhs_hint = false} : vector<2048x64xf32>, vector<64x128xf32>, vector<2048x128xf32> -> vector<2048x128xf32>
    %get3A_26 = arith.constant 0 : index
    %get3A_27 = arith.constant 0 : index
    %get3A_28 = vector.load %arg5[%get3A_26, %get3A_27] : memref<1x128xf32, #tpu.memory_space<vmem>>, vector<1x128xf32>
    %add3A_29 = vector.broadcast %get3A_28 : vector<1x128xf32> to vector<2048x128xf32>
    %add3A_30 = arith.addf %dot_general3A_25, %add3A_29 : vector<2048x128xf32>
    %max3A = arith.constant 0.000000e+00 : f32
    %max3A_31 = vector.broadcast %max3A : f32 to vector<2048x128xf32>
    %max3A_32 = arith.maximumf %add3A_30, %max3A_31 : vector<2048x128xf32>
    %broadcast_in_dim3A = vector.shape_cast %get3A_4 : vector<2048x16xf32> to vector<2048x16x1xf32>
    %broadcast_in_dim3A_33 = vector.shape_cast %broadcast_in_dim3A : vector<2048x16x1xf32> to vector<2048x16x1xf32>
    %broadcast_in_dim3A_34 = vector.broadcast %broadcast_in_dim3A_33 : vector<2048x16x1xf32> to vector<2048x16x8xf32>
    %reshape3A = vector.shape_cast %broadcast_in_dim3A_34 : vector<2048x16x8xf32> to vector<2048x128xf32>
    %mul3A_35 = arith.mulf %max3A_32, %reshape3A : vector<2048x128xf32>
    %swap3A_36 = arith.constant 0 : index
    %swap3A_37 = arith.constant 0 : index
    %swap3A_38 = vector.load %arg7[%swap3A_36, %swap3A_37] : memref<2048x128xf32, #tpu.memory_space<vmem>>, vector<2048x128xf32>
    tpu.vector_store %arg7[%swap3A_36, %swap3A_37], %mul3A_35 {strides = array<i32>} : memref<2048x128xf32, #tpu.memory_space<vmem>>, vector<2048x128xf32>,
    return
  }
  func.func @transform_0(%arg0: i32) -> (i32, i32) {
    %c0_i32 = arith.constant 0 : i32
    %c0_i32_0 = arith.constant 0 : i32
    return %arg0, %c0_i32 : i32, i32
  }
  func.func @transform_1(%arg0: i32) -> (i32, i32) {
    %c0_i32 = arith.constant 0 : i32
    %c0_i32_0 = arith.constant 0 : i32
    return %arg0, %c0_i32 : i32, i32
  }
  func.func @transform_2(%arg0: i32) -> (i32, i32) {
    %c0_i32 = arith.constant 0 : i32
    %c0_i32_0 = arith.constant 0 : i32
    return %arg0, %c0_i32 : i32, i32
  }
  func.func @transform_3(%arg0: i32) -> (i32, i32) {
    %c0_i32 = arith.constant 0 : i32
    %c0_i32_0 = arith.constant 0 : i32
    %c0_i32_1 = arith.constant 0 : i32
    return %c0_i32, %c0_i32_0 : i32, i32
  }
  func.func @transform_4(%arg0: i32) -> (i32, i32) {
    %c0_i32 = arith.constant 0 : i32
    %c0_i32_0 = arith.constant 0 : i32
    %c0_i32_1 = arith.constant 0 : i32
    return %c0_i32, %c0_i32_0 : i32, i32
  }
  func.func @transform_5(%arg0: i32) -> (i32, i32) {
    %c0_i32 = arith.constant 0 : i32
    %c0_i32_0 = arith.constant 0 : i32
    return %arg0, %c0_i32 : i32, i32
  }
  func.func @transform_6(%arg0: i32) -> (i32, i32) {
    %c0_i32 = arith.constant 0 : i32
    %c0_i32_0 = arith.constant 0 : i32
    return %arg0, %c0_i32 : i32, i32
  }
}

module attributes {stable_mosaic.version = 14 : i64} {
  func.func @_gru_body(%arg0: i32, %arg1: memref<2048x128xf32, #tpu.memory_space<vmem>>, %arg2: memref<2048x64xf32, #tpu.memory_space<vmem>>, %arg3: memref<128x192xf32, #tpu.memory_space<vmem>>, %arg4: memref<64x192xf32, #tpu.memory_space<vmem>>, %arg5: memref<1x192xf32, #tpu.memory_space<vmem>>, %arg6: memref<1x192xf32, #tpu.memory_space<vmem>>, %arg7: memref<2048x64xf32, #tpu.memory_space<vmem>>) attributes {dimension_semantics = [#tpu.dimension_semantics<arbitrary>], iteration_bounds = array<i64: 8>, scalar_prefetch = 0 : i64, scratch_operands = 0 : i64, tpu.core_type = #tpu.core_type<tc>, window_params = [{transform_indices = @transform_0, window_bounds = array<i64: 2048, 128>}, {transform_indices = @transform_1, window_bounds = array<i64: 2048, 64>}, {pipeline_mode = #tpu.pipeline_mode<synchronous>, transform_indices = @transform_2, window_bounds = array<i64: 128, 192>}, {pipeline_mode = #tpu.pipeline_mode<synchronous>, transform_indices = @transform_3, window_bounds = array<i64: 64, 192>}, {pipeline_mode = #tpu.pipeline_mode<synchronous>, transform_indices = @transform_4, window_bounds = array<i64: 1, 192>}, {pipeline_mode = #tpu.pipeline_mode<synchronous>, transform_indices = @transform_5, window_bounds = array<i64: 1, 192>}, {transform_indices = @transform_6, window_bounds = array<i64: 2048, 64>}]} {
    %get3A = arith.constant 0 : index
    %get3A_0 = arith.constant 0 : index
    %get3A_1 = vector.load %arg1[%get3A, %get3A_0] : memref<2048x128xf32, #tpu.memory_space<vmem>>, vector<2048x128xf32>
    %get3A_2 = arith.constant 0 : index
    %get3A_3 = arith.constant 0 : index
    %get3A_4 = vector.load %arg2[%get3A_2, %get3A_3] : memref<2048x64xf32, #tpu.memory_space<vmem>>, vector<2048x64xf32>
    %get3A_5 = arith.constant 0 : index
    %get3A_6 = arith.constant 0 : index
    %get3A_7 = vector.load %arg3[%get3A_5, %get3A_6] : memref<128x192xf32, #tpu.memory_space<vmem>>, vector<128x192xf32>
    %dot_general3A = arith.constant dense<0.000000e+00> : vector<2048x192xf32>
    %dot_general3A_8 = tpu.matmul %get3A_1, %get3A_7, %dot_general3A {dimension_numbers = #tpu.dot_dimension_numbers<[1], [0], [0], [1], [0, 0, 1, 1], [], []>, transpose_lhs_hint = false} : vector<2048x128xf32>, vector<128x192xf32>, vector<2048x192xf32> -> vector<2048x192xf32>
    %get3A_9 = arith.constant 0 : index
    %get3A_10 = arith.constant 0 : index
    %get3A_11 = vector.load %arg5[%get3A_9, %get3A_10] : memref<1x192xf32, #tpu.memory_space<vmem>>, vector<1x192xf32>
    %add3A = vector.broadcast %get3A_11 : vector<1x192xf32> to vector<2048x192xf32>
    %add3A_12 = arith.addf %dot_general3A_8, %add3A : vector<2048x192xf32>
    %get3A_13 = arith.constant 0 : index
    %get3A_14 = arith.constant 0 : index
    %get3A_15 = vector.load %arg4[%get3A_13, %get3A_14] : memref<64x192xf32, #tpu.memory_space<vmem>>, vector<64x192xf32>
    %dot_general3A_16 = arith.constant dense<0.000000e+00> : vector<2048x192xf32>
    %dot_general3A_17 = tpu.matmul %get3A_4, %get3A_15, %dot_general3A_16 {dimension_numbers = #tpu.dot_dimension_numbers<[1], [0], [0], [1], [0, 0, 1, 1], [], []>, transpose_lhs_hint = false} : vector<2048x64xf32>, vector<64x192xf32>, vector<2048x192xf32> -> vector<2048x192xf32>
    %get3A_18 = arith.constant 0 : index
    %get3A_19 = arith.constant 0 : index
    %get3A_20 = vector.load %arg6[%get3A_18, %get3A_19] : memref<1x192xf32, #tpu.memory_space<vmem>>, vector<1x192xf32>
    %add3A_21 = vector.broadcast %get3A_20 : vector<1x192xf32> to vector<2048x192xf32>
    %add3A_22 = arith.addf %dot_general3A_17, %add3A_21 : vector<2048x192xf32>
    %slice3A = vector.extract_strided_slice %add3A_12 {offsets = [0, 0], sizes = [2048, 64], strides = [1, 1]} : vector<2048x192xf32> to vector<2048x64xf32>
    %slice3A_23 = vector.extract_strided_slice %add3A_22 {offsets = [0, 0], sizes = [2048, 64], strides = [1, 1]} : vector<2048x192xf32> to vector<2048x64xf32>
    %add3A_24 = arith.addf %slice3A, %slice3A_23 : vector<2048x64xf32>
    %logistic3A = arith.negf %add3A_24 : vector<2048x64xf32>
    %logistic3A_25 = math.exp %logistic3A : vector<2048x64xf32>
    %logistic3A_26 = arith.constant 1.000000e+00 : f32
    %logistic3A_27 = vector.broadcast %logistic3A_26 : f32 to vector<2048x64xf32>
    %logistic3A_28 = arith.addf %logistic3A_27, %logistic3A_25 : vector<2048x64xf32>
    %logistic3A_29 = arith.divf %logistic3A_27, %logistic3A_28 : vector<2048x64xf32>
    %slice3A_30 = vector.extract_strided_slice %add3A_12 {offsets = [0, 64], sizes = [2048, 64], strides = [1, 1]} : vector<2048x192xf32> to vector<2048x64xf32>
    %slice3A_31 = vector.extract_strided_slice %add3A_22 {offsets = [0, 64], sizes = [2048, 64], strides = [1, 1]} : vector<2048x192xf32> to vector<2048x64xf32>
    %add3A_32 = arith.addf %slice3A_30, %slice3A_31 : vector<2048x64xf32>
    %logistic3A_33 = arith.negf %add3A_32 : vector<2048x64xf32>
    %logistic3A_34 = math.exp %logistic3A_33 : vector<2048x64xf32>
    %logistic3A_35 = arith.constant 1.000000e+00 : f32
    %logistic3A_36 = vector.broadcast %logistic3A_35 : f32 to vector<2048x64xf32>
    %logistic3A_37 = arith.addf %logistic3A_36, %logistic3A_34 : vector<2048x64xf32>
    %logistic3A_38 = arith.divf %logistic3A_36, %logistic3A_37 : vector<2048x64xf32>
    %slice3A_39 = vector.extract_strided_slice %add3A_12 {offsets = [0, 128], sizes = [2048, 64], strides = [1, 1]} : vector<2048x192xf32> to vector<2048x64xf32>
    %slice3A_40 = vector.extract_strided_slice %add3A_22 {offsets = [0, 128], sizes = [2048, 64], strides = [1, 1]} : vector<2048x192xf32> to vector<2048x64xf32>
    %mul3A = arith.mulf %logistic3A_38, %slice3A_40 : vector<2048x64xf32>
    %add3A_41 = arith.addf %slice3A_39, %mul3A : vector<2048x64xf32>
    %tanh3A = math.tanh %add3A_41 : vector<2048x64xf32>
    %mul3A_42 = arith.mulf %logistic3A_29, %get3A_4 : vector<2048x64xf32>
    %sub3A = arith.constant 1.000000e+00 : f32
    %sub3A_43 = vector.broadcast %sub3A : f32 to vector<2048x64xf32>
    %sub3A_44 = arith.subf %sub3A_43, %logistic3A_29 : vector<2048x64xf32>
    %mul3A_45 = arith.mulf %sub3A_44, %tanh3A : vector<2048x64xf32>
    %add3A_46 = arith.addf %mul3A_42, %mul3A_45 : vector<2048x64xf32>
    %swap3A = arith.constant 0 : index
    %swap3A_47 = arith.constant 0 : index
    %swap3A_48 = vector.load %arg7[%swap3A, %swap3A_47] : memref<2048x64xf32, #tpu.memory_space<vmem>>, vector<2048x64xf32>
    tpu.vector_store %arg7[%swap3A, %swap3A_47], %add3A_46 {strides = array<i32>} : memref<2048x64xf32, #tpu.memory_space<vmem>>, vector<2048x64xf32>,
    return
  }
  func.func @transform_0(%arg0: i32) -> (i32, i32) {
    %c0_i32 = arith.constant 0 : i32
    %c0_i32_0 = arith.constant 0 : i32
    return %arg0, %c0_i32 : i32, i32
  }
  func.func @transform_1(%arg0: i32) -> (i32, i32) {
    %c0_i32 = arith.constant 0 : i32
    %c0_i32_0 = arith.constant 0 : i32
    return %arg0, %c0_i32 : i32, i32
  }
  func.func @transform_2(%arg0: i32) -> (i32, i32) {
    %c0_i32 = arith.constant 0 : i32
    %c0_i32_0 = arith.constant 0 : i32
    %c0_i32_1 = arith.constant 0 : i32
    return %c0_i32, %c0_i32_0 : i32, i32
  }
  func.func @transform_3(%arg0: i32) -> (i32, i32) {
    %c0_i32 = arith.constant 0 : i32
    %c0_i32_0 = arith.constant 0 : i32
    %c0_i32_1 = arith.constant 0 : i32
    return %c0_i32, %c0_i32_0 : i32, i32
  }
  func.func @transform_4(%arg0: i32) -> (i32, i32) {
    %c0_i32 = arith.constant 0 : i32
    %c0_i32_0 = arith.constant 0 : i32
    %c0_i32_1 = arith.constant 0 : i32
    return %c0_i32, %c0_i32_0 : i32, i32
  }
  func.func @transform_5(%arg0: i32) -> (i32, i32) {
    %c0_i32 = arith.constant 0 : i32
    %c0_i32_0 = arith.constant 0 : i32
    %c0_i32_1 = arith.constant 0 : i32
    return %c0_i32, %c0_i32_0 : i32, i32
  }
  func.func @transform_6(%arg0: i32) -> (i32, i32) {
    %c0_i32 = arith.constant 0 : i32
    %c0_i32_0 = arith.constant 0 : i32
    return %arg0, %c0_i32 : i32, i32
  }
}

</mosaic_0001>

<sc_bundles>
// kernel: kernel.6.cloned.1.call-start
scs
__scs_entry_jumppad:
0x0: {  	(pc) =	sbr.rel $0x88, $3  }
0x1: {  	(tag) =	ssettag $0x0;
	lr =	simm.s32 $0x1  }
0x2: {  	[smem:$0x3F96] =	sst lr;
	_ =	strace $0xD0000000  }
0x3: {  	_ = 	snop  }
0x4: {  	_ = 	snop  }
0x5: {  	_ = 	snop  }
0x6: {  	_ = 	snop  }
0x7: {  	_ = 	snop  }
__scs_overlays_trampoline_lowered:
0x8: {  	[smem:$0x3FA5] =	sst s0  }
0x9: {  	[smem:$0x3FA6] =	sst s1  }
0xa: {  	[smem:$0x3FA7] =	sst s2  }
0xb: {  	[smem:$0x3FA8] =	sst s3  }
0xc: {  	[smem:$0x3FA9] =	sst s4  }
0xd: {  	[smem:$0x3FAA] =	sst s5  }
0xe: {  	[smem:$0x3FAB] =	sst s6  }
0xf: {  	[smem:$0x3FAC] =	sst s7  }
0x10: {  	[smem:$0x3FAD] =	sst s8  }
0x11: {  	[smem:$0x3FAE] =	sst s9;
	s0 =	simm.s32 @!p0 $0x0  }
0x12: {  	s1 =	sld [smem:$0x3F94];
	s0 =	simm.s32 @p0 $0x1  }
0x13: {  	[smem:$0x3FAF] =	sst s0;
	s0 =	simm.s32 @!p1 $0x0  }
0x14: {  	s2 =	sld [smem:$0x3F93];
	s0 =	simm.s32 @p1 $0x1  }
0x15: {  	[smem:$0x3FB0] =	sst s0;
	s0 =	simm.s32 @!p2 $0x0  }
0x16: {  	s3 =	sld [smem:$0x3FDB];
	s0 =	simm.s32 @p2 $0x1  }
0x17: {  	s4 =	simm.s32 $0x1BF5;
	[smem:$0x3FB2] =	sst s0  }
0x18: {  	s0 =	sld [smem:$0x3F95];
	_ =	swait.ge [sflag:s4], $0x0  }
0x19: {  	s7 =	sld [smem:$0x3F96]  }
0x1a: {  	s8 =	sadd.s32 $0xFFFFE003, lr  }
0x1b: {  	s9 =	sadd.s32 $0xFFFFFEF7, lr;
	s5 =	simm.s32 $0xFFFFFFFF;
	p2 =	slt.u32 s8, $0xFFFFF086  }
0x1c: {  	p1 =	slt.u32 s9, $0xF7A;
	s5 =	simm.s32 @!p2 $0x0  }
0x1d: {  	s5 =	simm.s32 @p1 $0x1;
	p0 =	seq.s32 s7, s2  }
0x1e: {  	s7 =	smul.u32 @!p0 $0xF7A, s2;
	p2 =	seq.s32 @!p0 s5, $0x0  }
0x1f: {  	s9 =	smul.u32 $0xF7A, s1;
	s8 =	simm.s32 @!p0 $0x1BF5;
	p2 =	por !p2, p0  }
0x20: {  	[sflag:s8] =	ssyncset.s32 @!p0 $0xFFFFF086;
	s6 =	sadd.s32 @!p0 s3, s7;
	s7 =	simm.s32 @!p0 $0x108  }
0x21: {  	s3 =	sadd.s32 s3, s9;
	s6 =	sadd.s32 @!p0 $0x88, s6;
	s7 =	simm.s32 @p2 $0x1082  }
0x22: {  	[simem:s7], [sflag:s8] =	dma.local @!p0 [hbm:s6], $0xF7A  }
0x23: {  	s9 =	sor.u32 $0xD0000000, s2;
	s6 =	simm.s32 $0x108;
	_ =	swait.ge @!p0 [sflag:s8], $0x0  }
0x24: {  	s3 =	sadd.s32 $0x88, s3;
	s6 =	simm.s32 @!p1 $0x1082;
	[sflag:s4] =	ssyncset.s32 $0xFFFFF086  }
0x25: {  	[simem:s6], [sflag:s4] =	dma.local [hbm:s3], $0xF7A  }
0x26: {  	[smem:$0x3F96] =	sst s1;
	(tag) =	ssettag s2;
	_ =	strace s9  }
0x27: {  	s1 =	sld [smem:$0x3FA6]  }
0x28: {  	s2 =	sld [smem:$0x3FA7]  }
0x29: {  	s4 =	sld [smem:$0x3FA9]  }
0x2a: {  	p0 =	seq.s32 s5, $0x0;
	s5 =	sld [smem:$0x3FAA]  }
0x2b: {  	s6 =	sld [smem:$0x3FAB]  }
0x2c: {  	s7 =	sld [smem:$0x3FAC]  }
0x2d: {  	s3 =	simm.s32 $0x108;
	s8 =	sld [smem:$0x3FAD]  }
0x2e: {  	s3 =	simm.s32 @!p0 $0x1082;
	s9 =	sld [smem:$0x3FAE]  }
0x2f: {  	lr =	sadd.s32 s0, s3;
	s0 =	sld [smem:$0x3FA5]  }
0x30: {  	s3 =	sld [smem:$0x3FA8]  }
0x31: {  	[smem:$0x3FB1] =	sst s10  }
0x32: {  	s10 =	sld [smem:$0x3FAF];
	_ =	sdelay $0x3  }
0x33: {  	p0 =	seq.s32 s10, $0x1;
	s10 =	sld [smem:$0x3FB1];
	_ =	sdelay $0x3  }
0x34: {  	[smem:$0x3FB1] =	sst s10  }
0x35: {  	s10 =	sld [smem:$0x3FB0];
	_ =	sdelay $0x3  }
0x36: {  	p1 =	seq.s32 s10, $0x1;
	s10 =	sld [smem:$0x3FB1];
	_ =	sdelay $0x3  }
0x37: {  	[smem:$0x3FB1] =	sst s10  }
0x38: {  	s10 =	sld [smem:$0x3FB2]  }
0x39: {  	_ = 	snop;
	(pc) =	sbr.ind lr, $3  }
0x3a: {  	_ = 	snop  }
0x3b: {  	_ = 	snop  }
0x3c: {  	p2 =	seq.s32 s10, $0x1;
	s10 =	sld [smem:$0x3FB1]  }
0x3d: {  	_ =	shalt  }
0x3e: {  	_ =	shalt  }
0x3f: {  	_ =	shalt  }
0x40: {  	_ =	shalt  }
0x41: {  	_ =	shalt  }
0x42: {  	_ =	shalt  }
0x43: {  	_ =	shalt  }
0x44: {  	_ =	shalt  }
0x45: {  	_ =	shalt  }
0x46: {  	_ =	shalt  }
0x47: {  	_ =	shalt  }
0x48: {  	_ =	shalt  }
0x49: {  	_ =	shalt  }
0x4a: {  	_ =	shalt  }
0x4b: {  	_ =	shalt  }
0x4c: {  	_ =	shalt  }
0x4d: {  	_ =	shalt  }
0x4e: {  	_ =	shalt  }
0x4f: {  	_ =	shalt  }
0x50: {  	_ =	shalt  }
0x51: {  	_ =	shalt  }
0x52: {  	_ =	shalt  }
0x53: {  	_ =	shalt  }
0x54: {  	_ =	shalt  }
0x55: {  	_ =	shalt  }
0x56: {  	_ =	shalt  }
0x57: {  	_ =	shalt  }
0x58: {  	_ =	shalt  }
0x59: {  	_ =	shalt  }
0x5a: {  	_ =	shalt  }
0x5b: {  	_ =	shalt  }
0x5c: {  	_ =	shalt  }
0x5d: {  	_ =	shalt  }
0x5e: {  	_ =	shalt  }
0x5f: {  	_ =	shalt  }
0x60: {  	_ =	shalt  }
0x61: {  	_ =	shalt  }
0x62: {  	_ =	shalt  }
0x63: {  	_ =	shalt  }
0x64: {  	_ =	shalt  }
0x65: {  	_ =	shalt  }
0x66: {  	_ =	shalt  }
0x67: {  	_ =	shalt  }
0x68: {  	_ =	shalt  }
0x69: {  	_ =	shalt  }
0x6a: {  	_ =	shalt  }
0x6b: {  	_ =	shalt  }
0x6c: {  	_ =	shalt  }
0x6d: {  	_ =	shalt  }
0x6e: {  	_ =	shalt  }
0x6f: {  	_ =	shalt  }
0x70: {  	_ =	shalt  }
0x71: {  	_ =	shalt  }
0x72: {  	_ =	shalt  }
0x73: {  	_ =	shalt  }
0x74: {  	_ =	shalt  }
0x75: {  	_ =	shalt  }
0x76: {  	_ =	shalt  }
0x77: {  	_ =	shalt  }
0x78: {  	_ =	shalt  }
0x79: {  	_ =	shalt  }
0x7a: {  	_ =	shalt  }
0x7b: {  	_ =	shalt  }
0x7c: {  	_ =	shalt  }
0x7d: {  	_ =	shalt  }
0x7e: {  	_ =	shalt  }
0x7f: {  	_ =	shalt  }
0x80: {  	_ =	shalt  }
0x81: {  	_ =	shalt  }
0x82: {  	_ =	shalt  }
0x83: {  	_ =	shalt  }
0x84: {  	_ =	shalt  }
0x85: {  	_ =	shalt  }
0x86: {  	_ =	shalt  }
0x87: {  	_ =	shalt  }
.Lfunc_end0:
.L_simem_size_0:
called_computation.1_lowered:
.L_overlay_start_0:
0x88: {  	s2 =	sld [smem:$0x3FD9]  }
0x89: {  	s3 =	sld [smem:$0x3FFE];
	_ =	sdelay $0x1  }
0x8a: {  	s1 =	srdreg.scid  }
0x8b: {  	s0 =	sand.u32 $0x1, s1  }
0x8c: {  	s14 =	sshll.u32 s0, $0xA;
	s2 =	sadd.s32 s3, s2  }
0x8d: {  	s2 =	sadd.s32 s2, s14  }
0x8e: {  	[smem:$0x3FBD] =	sst s2  }
0x8f: {  	_ = 	snop  }
0x90: {  	s2 =	sld [smem:$0x3FD0];
	_ =	sdelay $0x2  }
0x91: {  	s4 =	simm.s32 $0xA;
	s5 =	simm.s32 $0x10;
	s15 =	sld [smem:$0x3FC5]  }
0x92: {  	[smem:s5], [sflag:s4] =	dma.local [hbm:s2], $0x1  }
0x93: {  	_ =	swait.eq [sflag:s4], $0x1  }
0x94: {  	[sflag:s4] =	ssyncset.done $0x0  }
0x95: {  	[sflag:s4] =	ssyncadd.s32 $0xFFFFFFFF  }
0x96: {  	s16 =	sld [smem:$0x10];
	(tm) =	ssettm $0x1  }
0x97: {  	s17 =	sld [smem:$0x3FFB];
	_ =	sdelay $0x3  }
0x98: {  	_ =	strace s17  }
0x99: {  	s4 =	sld [smem:$0x3FFC];
	_ =	sdelay $0x3  }
0x9a: {  	_ =	strace s4  }
0x9b: {  	s4 =	sld [smem:$0x3FFD];
	_ =	sdelay $0x3  }
0x9c: {  	_ =	strace s4  }
0x9d: {  	_ =	strace $0x8FFFFFFF  }
0x9e: {  	s18 =	sld [smem:$0x3FDB];
	_ =	sdelay $0x1  }
0x9f: {  	s19 =	simm.s32 $_scs_section_size  }
0xa0: {  	s6 =	simm.s32 $_size__tile_overlayer_lowered;
	s7 =	simm.s32 $_tile_overlayer_lowered  }
0xa1: {  	s22 =	simm.s32 $0x1BFF;
	s21 =	sshll.u32 s7, $0x1;
	s4 =	sadd.s32 s19, s18  }
0xa2: {  	s8 =	simm.s32 $0x0;
	s20 =	sshll.u32 s6, $0x1;
	s6 =	sadd.s32 s21, s4  }
0xa3: {  	[timem:s8], [sflag:s22] =	dma.local [hbm:s6], s20  }
0xa4: {  	_ =	swait.ge [sflag:s22], s20  }
0xa5: {  	s5 =	ssub.s32 $0x0, s20;
	[sflag:s22] =	ssyncset.done $0x0  }
0xa6: {  	[sflag:s22] =	ssyncadd.s32 s5;
	_ =	sdelay $0x1  }
0xa7: {  	s23 =	simm.s32 $0x1B8B  }
0xa8: {  	_ =	swait.ge [sflag:s23], $0x1  }
0xa9: {  	[sflag:s23] =	ssyncset.done $0x0  }
0xaa: {  	s25 =	simm.s32 $0x1B8E;
	s24 =	sld [smem:$0x3FFE];
	[sflag:s23] =	ssyncadd.s32 $0xFFFFFFFF  }
0xab: {  	s26 =	simm.s32 $execute0_lowered;
	[smem:$0x3FD2] =	sst s25  }
0xac: {  	s6 =	sshll.u32 s26, $0x1;
	_ =	strace $0x80000046;
	[dreg:$0x1] =	wrdreg $0xFFFFFFFF  }
0xad: {  	s28 =	simm.s32 $_size_execute0_lowered;
	s4 =	sadd.s32 s4, s6;
	[dreg:$0x0] =	wrdreg $0x0  }
0xae: {  	s6 =	sshll.u32 s28, $0x1;
	[dreg:$0x2] =	wrdreg s4  }
0xaf: {  	[dreg:$0x3] =	wrdreg s6  }
0xb0: {  	[dreg:$0x4] =	wrdreg $0xC0  }
0xb1: {  	_ =	task [dreg:s8], $0x5FFFF  }
0xb2: {  	[dreg:$0x1] =	wrdreg $0xFFFFFFFF  }
0xb3: {  	[dreg:$0x0] =	wrdreg $0x60  }
0xb4: {  	[dreg:$0x2] =	wrdreg s16  }
0xb5: {  	[dreg:$0x3] =	wrdreg s24  }
0xb6: {  	[dreg:$0x4] =	wrdreg s15  }
0xb7: {  	[dreg:$0x5] =	wrdreg $0x9  }
0xb8: {  	_ =	task.clear_ibuf [dreg:s8], $0x6FFFF;
	_ =	strace $0x90000046  }
0xb9: {  	s29 =	simm.s32 $0x9;
	_ =	strace $0x80000048  }
0xba: {  	_ =	swait.ge [sflag:s29], $0x1  }
0xbb: {  	[sflag:s29] =	ssyncadd.s32 $0xFFFFFFFF  }
0xbc: {  	_ =	strace $0x90000048  }
0xbd: {  	_ =	sfence  }
0xbe: {  	s30 =	sld [smem:$0x0];
	_ =	sdelay $0x2  }
0xbf: {  	s31 =	sshll.u32 s1, $0xD;
	s1 =	sshrl.u32 s1, $0x2  }
0xc0: {  	s3 =	sand.u32 $0x4000, s31;
	s1 =	sadd.s32 s1, s30  }
0xc1: {  	s0 =	sor.u32 s3, s0;
	s1 =	sshll.u32 s1, $0x11  }
0xc2: {  	s0 =	sor.u32 s1, s0  }
0xc3: {  	s0 =	sadd.s32 $0x8F2B, s0  }
0xc4: {  	[sflag:s0] =	ssyncadd.remote.s32 $0x1  }
0xc5: {  	_ =	sfence.sel $0xFFFF  }
0xc6: {  	[dreg:$0x0] =	wrdreg $0xFFFFFFFF;
	(pc) =	sbr.abs _section_cstart, $3  }
0xc7: {  	[dreg:$0x1] =	wrdreg $0xFFFFFFFF  }
0xc8: {  	_ =	task.clear_ibuf [dreg:s8], $0x2FFFF;
	_ =	strace $0x9FFFFFFF  }
0xc9: {  	(tm) =	ssettm $0x7FFFFFFF  }
tec
execute0_lowered:
.L_overlay_start_1:
0x0: {  	(tag) =	ssettag $0x1  }
0x1: {  	s2 =	rddreg [dreg:$0x0]  }
0x2: {  	s21 =	rddreg [dreg:$0x1]  }
0x3: {  	s1 =	srdreg.scid;
	s0 =	stileid.u32  }
0x4: {  	s4 =	rddreg [dreg:$0x2];
	s20 =	sand.u32 $0x1, s1;
	s5 =	sshll.u32 s0, $0x1  }
0x5: {  	s3 =	simm.s32 $0x0;
	s1 =	rddreg [dreg:$0x3];
	s22 =	sor.u32 s20, s5  }
0x6: {  	[smem:$0x7FF] =	sst s3;
	s5 =	sshll.u32 s22, $0x6  }
0x7: {  	_ =	strace $0x80000047;
	s5 =	sadd.s32 s4, s5;
	s4 =	simm.s32 $0x3  }
0x8: {  	[tilespmem:s3], [sflag:$0x3] =	stream.linear.gather [hbm4b:s5+s3], $0x200, $0x38;
	[tilespmem:$0xC200] =	vst v63  }
0x9: {  	_ =	swait.ge [sflag:s4], $0x200  }
0xa: {  	[sflag:s4] =	ssyncset.done $0x0  }
0xb: {  	s6 =	simm.s32 $0x80;
	s7 =	simm.s32 $0x200;
	[sflag:s4] =	ssyncadd.s32 $0xFFFFFE00  }
0xc: {  	[tilespmem:s7], [sflag:$0x1] =	stream.indirect.gather [hbm4b:s2+s6], $0x40, s3, s6, $0xb8;
	[tilespmem:$0xC200] =	vst v63  }
0xd: {  	s9 =	simm.s32 $0x8200;
	s8 =	sadd.s32 $0x402800, s21  }
0xe: {  	[tilespmem:s9], [sflag:$0x2] =	stream.indirect.gather [hbm4b:s8+s6], $0x20, s3, s6, $0xb8;
	[tilespmem:$0xC200] =	vst v63  }
0xf: {  	s10 =	simm.s32 $0x2200  }
0x10: {  	[tilespmem:s10], [sflag:$0x1] =	stream.indirect.gather [hbm4b:s2+s6], $0x40, s6, s6, $0xb8;
	[tilespmem:$0xC200] =	vst v63  }
0x11: {  	s11 =	simm.s32 $0x9200  }
0x12: {  	[tilespmem:s11], [sflag:$0x2] =	stream.indirect.gather [hbm4b:s8+s6], $0x20, s6, s6, $0xb8;
	[tilespmem:$0xC200] =	vst v63  }
0x13: {  	s12 =	simm.s32 $0x100;
	s13 =	simm.s32 $0x4200  }
0x14: {  	[tilespmem:s13], [sflag:$0x1] =	stream.indirect.gather [hbm4b:s2+s6], $0x40, s12, s6, $0xb8;
	[tilespmem:$0xC200] =	vst v63  }
0x15: {  	s14 =	simm.s32 $0xA200  }
0x16: {  	[tilespmem:s14], [sflag:$0x2] =	stream.indirect.gather [hbm4b:s8+s6], $0x20, s12, s6, $0xb8;
	[tilespmem:$0xC200] =	vst v63  }
0x17: {  	s15 =	simm.s32 $0x180;
	s16 =	simm.s32 $0x6200  }
0x18: {  	[tilespmem:s16], [sflag:$0x1] =	stream.indirect.gather [hbm4b:s2+s6], $0x40, s15, s6, $0xb8;
	[tilespmem:$0xC200] =	vst v63  }
0x19: {  	s17 =	simm.s32 $0xB200;
	s18 =	simm.s32 $0x1  }
0x1a: {  	[tilespmem:s17], [sflag:$0x2] =	stream.indirect.gather [hbm4b:s8+s6], $0x20, s15, s6, $0xb8;
	[tilespmem:$0xC200] =	vst v63  }
0x1b: {  	_ =	swait.ge [sflag:s18], $0x2000  }
0x1c: {  	[sflag:s18] =	ssyncset.done $0x0  }
0x1d: {  	s19 =	simm.s32 $0x2;
	[sflag:s18] =	ssyncadd.s32 $0xFFFFE000  }
0x1e: {  	_ =	swait.ge [sflag:s19], $0x1000  }
0x1f: {  	[sflag:s19] =	ssyncset.done $0x0  }
0x20: {  	[sflag:s19] =	ssyncadd.s32 $0xFFFFF000  }
0x21: {  	_ =	swait.ge [sflag:s18], $0x2000  }
0x22: {  	[sflag:s18] =	ssyncset.done $0x0  }
0x23: {  	[sflag:s18] =	ssyncadd.s32 $0xFFFFE000  }
0x24: {  	_ =	swait.ge [sflag:s19], $0x1000  }
0x25: {  	[sflag:s19] =	ssyncset.done $0x0  }
0x26: {  	[sflag:s19] =	ssyncadd.s32 $0xFFFFF000  }
0x27: {  	_ =	swait.ge [sflag:s18], $0x2000  }
0x28: {  	[sflag:s18] =	ssyncset.done $0x0  }
0x29: {  	[sflag:s18] =	ssyncadd.s32 $0xFFFFE000  }
0x2a: {  	_ =	swait.ge [sflag:s19], $0x1000  }
0x2b: {  	[sflag:s19] =	ssyncset.done $0x0  }
0x2c: {  	[sflag:s19] =	ssyncadd.s32 $0xFFFFF000  }
0x2d: {  	_ =	swait.ge [sflag:s18], $0x2000  }
0x2e: {  	s24 =	ssub.s32 $0x2, s20;
	[sflag:s18] =	ssyncset.done $0x0  }
0x2f: {  	s23 =	sshll.u32 s22, $0xC;
	s22 =	sshll.u32 s22, $0xB;
	[sflag:s18] =	ssyncadd.s32 $0xFFFFE000  }
0x30: {  	s30 =	sshrl.u32 s24, $0x1;
	s23 =	sadd.s32 s23, s21;
	_ =	swait.ge [sflag:s19], $0x1000  }
0x31: {  	s21 =	sadd.s32 s22, s21;
	s31 =	ssub.s32 s24, s30;
	[sflag:s19] =	ssyncset.done $0x0  }
0x32: {  	s20 =	sadd.s32 $0x12800, s23;
	s22 =	smax.u32 s31, $0x1;
	[sflag:s19] =	ssyncadd.s32 $0xFFFFF000  }
0x33: {  	[hbm4b:s20+s3] =	stream.linear.scatter [tilespmem:s7], [sflag:$0x3], $0x8000, $0x38;
	[tilespmem:$0xC200] =	vst v63  }
0x34: {  	p0 =	sne.s32 s22, $0x1;
	_ =	swait.ge [sflag:s4], $0x8000  }
.Ltmp0:
0x35: {  	[sflag:s4] =	ssyncset.done $0x0;
	(pc) =	sbr.rel @!p0 .LBB2_2-.Ltmp0, $4  }
0x36: {  	s21 =	sadd.s32 $0x2800, s21;
	[sflag:s4] =	ssyncadd.s32 $0xFFFF8000  }
0x37: {  	[hbm4b:s21+s3] =	stream.linear.scatter [tilespmem:s9], [sflag:$0x3], $0x4000, $0x38;
	[tilespmem:$0xC200] =	vst v63  }
0x38: {  	_ =	swait.ge [sflag:s4], $0x4000  }
0x39: {  	s22 =	sadd.s32 $0xFFFFFFFF, s22;
	[sflag:s4] =	ssyncset.done $0x0  }
.LBB2_1:
0x3a: {  	p0 =	sne.s32 s22, $0x1;
	s22 =	sadd.s32 $0xFFFFFFFF, s22;
	[sflag:s4] =	ssyncadd.s32 $0xFFFFC000  }
0x3b: {  	[tilespmem:s3], [sflag:$0x3] =	stream.linear.gather [hbm4b:s5+s3], $0x200, $0x38;
	[tilespmem:$0xC200] =	vst v63  }
0x3c: {  	_ =	swait.ge [sflag:s4], $0x200  }
0x3d: {  	[sflag:s4] =	ssyncset.done $0x0  }
0x3e: {  	[sflag:s4] =	ssyncadd.s32 $0xFFFFFE00  }
0x3f: {  	[tilespmem:s7], [sflag:$0x1] =	stream.indirect.gather [hbm4b:s2+s6], $0x40, s3, s6, $0xb8;
	[tilespmem:$0xC200] =	vst v63  }
0x40: {  	_ = 	snop  }
0x41: {  	[tilespmem:s9], [sflag:$0x2] =	stream.indirect.gather [hbm4b:s8+s6], $0x20, s3, s6, $0xb8;
	[tilespmem:$0xC200] =	vst v63  }
0x42: {  	_ = 	snop  }
0x43: {  	[tilespmem:s10], [sflag:$0x1] =	stream.indirect.gather [hbm4b:s2+s6], $0x40, s6, s6, $0xb8;
	[tilespmem:$0xC200] =	vst v63  }
0x44: {  	_ = 	snop  }
0x45: {  	[tilespmem:s11], [sflag:$0x2] =	stream.indirect.gather [hbm4b:s8+s6], $0x20, s6, s6, $0xb8;
	[tilespmem:$0xC200] =	vst v63  }
0x46: {  	_ = 	snop  }
0x47: {  	[tilespmem:s13], [sflag:$0x1] =	stream.indirect.gather [hbm4b:s2+s6], $0x40, s12, s6, $0xb8;
	[tilespmem:$0xC200] =	vst v63  }
0x48: {  	_ = 	snop  }
0x49: {  	[tilespmem:s14], [sflag:$0x2] =	stream.indirect.gather [hbm4b:s8+s6], $0x20, s12, s6, $0xb8;
	[tilespmem:$0xC200] =	vst v63  }
0x4a: {  	_ = 	snop  }
0x4b: {  	[tilespmem:s16], [sflag:$0x1] =	stream.indirect.gather [hbm4b:s2+s6], $0x40, s15, s6, $0xb8;
	[tilespmem:$0xC200] =	vst v63  }
0x4c: {  	_ = 	snop  }
0x4d: {  	[tilespmem:s17], [sflag:$0x2] =	stream.indirect.gather [hbm4b:s8+s6], $0x20, s15, s6, $0xb8;
	[tilespmem:$0xC200] =	vst v63  }
0x4e: {  	_ =	swait.ge [sflag:s18], $0x2000  }
0x4f: {  	[sflag:s18] =	ssyncset.done $0x0  }
0x50: {  	[sflag:s18] =	ssyncadd.s32 $0xFFFFE000  }
0x51: {  	_ =	swait.ge [sflag:s19], $0x1000  }
0x52: {  	[sflag:s19] =	ssyncset.done $0x0  }
0x53: {  	[sflag:s19] =	ssyncadd.s32 $0xFFFFF000  }
0x54: {  	_ =	swait.ge [sflag:s18], $0x2000  }
0x55: {  	[sflag:s18] =	ssyncset.done $0x0  }
0x56: {  	[sflag:s18] =	ssyncadd.s32 $0xFFFFE000  }
0x57: {  	_ =	swait.ge [sflag:s19], $0x1000  }
0x58: {  	[sflag:s19] =	ssyncset.done $0x0  }
0x59: {  	[sflag:s19] =	ssyncadd.s32 $0xFFFFF000  }
0x5a: {  	_ =	swait.ge [sflag:s18], $0x2000  }
0x5b: {  	[sflag:s18] =	ssyncset.done $0x0  }
0x5c: {  	[sflag:s18] =	ssyncadd.s32 $0xFFFFE000  }
0x5d: {  	_ =	swait.ge [sflag:s19], $0x1000  }
0x5e: {  	[sflag:s19] =	ssyncset.done $0x0  }
0x5f: {  	[sflag:s19] =	ssyncadd.s32 $0xFFFFF000  }
0x60: {  	_ =	swait.ge [sflag:s18], $0x2000  }
0x61: {  	[sflag:s18] =	ssyncset.done $0x0  }
0x62: {  	[sflag:s18] =	ssyncadd.s32 $0xFFFFE000  }
0x63: {  	_ =	swait.ge [sflag:s19], $0x1000  }
0x64: {  	[sflag:s19] =	ssyncset.done $0x0  }
0x65: {  	[sflag:s19] =	ssyncadd.s32 $0xFFFFF000  }
0x66: {  	[hbm4b:s20+s3] =	stream.linear.scatter [tilespmem:s7], [sflag:$0x3], $0x8000, $0x38;
	[tilespmem:$0xC200] =	vst v63  }
0x67: {  	_ =	swait.ge [sflag:s4], $0x8000  }
.Ltmp1:
0x68: {  	[sflag:s4] =	ssyncset.done $0x0;
	(pc) =	sbr.rel @p0 .LBB2_1-.Ltmp1, $4  }
0x69: {  	[sflag:s4] =	ssyncadd.s32 $0xFFFF8000  }
0x6a: {  	[hbm4b:s21+s3] =	stream.linear.scatter [tilespmem:s9], [sflag:$0x3], $0x4000, $0x38;
	[tilespmem:$0xC200] =	vst v63  }
0x6b: {  	_ =	swait.ge [sflag:s4], $0x4000  }
0x6c: {  	[sflag:s4] =	ssyncset.done $0x0  }
.LBB2_2:
0x6d: {  	[sflag:s4] =	ssyncadd.s32 $0xFFFFC000  }
0x6e: {  	_ =	sfence.sel $0x180000  }
0x6f: {  	[bflag:$0x0] =	sbarrier.arrive $0xFFFF  }
0x70: {  	p0 =	sne.s32 s0, $0x0;
	_ =	strace $0x90000047  }
0x71: {  	s0 =	sadd.s32 @!p0 $0x100000, s1;
	[bflag:$0x2] =	sbarrier.arrive $0xFFFF  }
0x72: {  	[sflag:s0] =	ssyncadd.tile.s32 @!p0 $0x1;
	_ =	shalt  }
.Lfunc_end2:
_tile_overlayer_lowered:
.L_overlay_start_2:
0x73: {  	(tag) =	ssettag $0x2  }
0x74: {  	s0 =	rddreg [dreg:$0x0];
	s2 =	stileid.u32  }
0x75: {  	s1 =	rddreg [dreg:$0x1];
	p0 =	sne.s32 s2, $0x0  }
0x76: {  	s3 =	rddreg [dreg:$0x2];
	[bflag:$0x3] =	sbarrier.arrive $0xFFFF;
	s2 =	simm.s32 @!p0 $0x1C03  }
0x77: {  	[timem:s3], [sflag:s2] =	dma.local @!p0 [hbm:s0], s1  }
0x78: {  	s0 =	simm.s32 @!p0 $0x3  }
0x79: {  	_ =	swait.ge @!p0 [sflag:s0], s1  }
0x7a: {  	s1 =	ssub.s32 @!p0 $0x0, s1;
	[sflag:s0] =	ssyncset.done @!p0 $0x0  }
0x7b: {  	[sflag:s0] =	ssyncadd.s32 @!p0 s1  }
0x7c: {  	[bflag:$0x3] =	sbarrier.arrive $0xFFFF  }
0x7d: {  	_ =	shalt  }

// kernel: kernel.9.cloned.1.call-start
scs
__scs_entry_jumppad:
0x0: {  	(pc) =	sbr.rel $0x88, $3  }
0x1: {  	(tag) =	ssettag $0x0;
	lr =	simm.s32 $0x1  }
0x2: {  	[smem:$0x3F96] =	sst lr;
	_ =	strace $0xD0000000  }
0x3: {  	_ = 	snop  }
0x4: {  	_ = 	snop  }
0x5: {  	_ = 	snop  }
0x6: {  	_ = 	snop  }
0x7: {  	_ = 	snop  }
__scs_overlays_trampoline_lowered:
0x8: {  	[smem:$0x3FA5] =	sst s0  }
0x9: {  	[smem:$0x3FA6] =	sst s1  }
0xa: {  	[smem:$0x3FA7] =	sst s2  }
0xb: {  	[smem:$0x3FA8] =	sst s3  }
0xc: {  	[smem:$0x3FA9] =	sst s4  }
0xd: {  	[smem:$0x3FAA] =	sst s5  }
0xe: {  	[smem:$0x3FAB] =	sst s6  }
0xf: {  	[smem:$0x3FAC] =	sst s7  }
0x10: {  	[smem:$0x3FAD] =	sst s8  }
0x11: {  	[smem:$0x3FAE] =	sst s9;
	s0 =	simm.s32 @!p0 $0x0  }
0x12: {  	s1 =	sld [smem:$0x3F94];
	s0 =	simm.s32 @p0 $0x1  }
0x13: {  	[smem:$0x3FAF] =	sst s0;
	s0 =	simm.s32 @!p1 $0x0  }
0x14: {  	s2 =	sld [smem:$0x3F93];
	s0 =	simm.s32 @p1 $0x1  }
0x15: {  	[smem:$0x3FB0] =	sst s0;
	s0 =	simm.s32 @!p2 $0x0  }
0x16: {  	s3 =	sld [smem:$0x3FDB];
	s0 =	simm.s32 @p2 $0x1  }
0x17: {  	s4 =	simm.s32 $0x1BF5;
	[smem:$0x3FB2] =	sst s0  }
0x18: {  	s0 =	sld [smem:$0x3F95];
	_ =	swait.ge [sflag:s4], $0x0  }
0x19: {  	s7 =	sld [smem:$0x3F96]  }
0x1a: {  	s8 =	sadd.s32 $0xFFFFE003, lr  }
0x1b: {  	s9 =	sadd.s32 $0xFFFFFEF7, lr;
	s5 =	simm.s32 $0xFFFFFFFF;
	p2 =	slt.u32 s8, $0xFFFFF086  }
0x1c: {  	p1 =	slt.u32 s9, $0xF7A;
	s5 =	simm.s32 @!p2 $0x0  }
0x1d: {  	s5 =	simm.s32 @p1 $0x1;
	p0 =	seq.s32 s7, s2  }
0x1e: {  	s7 =	smul.u32 @!p0 $0xF7A, s2;
	p2 =	seq.s32 @!p0 s5, $0x0  }
0x1f: {  	s9 =	smul.u32 $0xF7A, s1;
	s8 =	simm.s32 @!p0 $0x1BF5;
	p2 =	por !p2, p0  }
0x20: {  	[sflag:s8] =	ssyncset.s32 @!p0 $0xFFFFF086;
	s6 =	sadd.s32 @!p0 s3, s7;
	s7 =	simm.s32 @!p0 $0x108  }
0x21: {  	s3 =	sadd.s32 s3, s9;
	s6 =	sadd.s32 @!p0 $0x88, s6;
	s7 =	simm.s32 @p2 $0x1082  }
0x22: {  	[simem:s7], [sflag:s8] =	dma.local @!p0 [hbm:s6], $0xF7A  }
0x23: {  	s9 =	sor.u32 $0xD0000000, s2;
	s6 =	simm.s32 $0x108;
	_ =	swait.ge @!p0 [sflag:s8], $0x0  }
0x24: {  	s3 =	sadd.s32 $0x88, s3;
	s6 =	simm.s32 @!p1 $0x1082;
	[sflag:s4] =	ssyncset.s32 $0xFFFFF086  }
0x25: {  	[simem:s6], [sflag:s4] =	dma.local [hbm:s3], $0xF7A  }
0x26: {  	[smem:$0x3F96] =	sst s1;
	(tag) =	ssettag s2;
	_ =	strace s9  }
0x27: {  	s1 =	sld [smem:$0x3FA6]  }
0x28: {  	s2 =	sld [smem:$0x3FA7]  }
0x29: {  	s4 =	sld [smem:$0x3FA9]  }
0x2a: {  	p0 =	seq.s32 s5, $0x0;
	s5 =	sld [smem:$0x3FAA]  }
0x2b: {  	s6 =	sld [smem:$0x3FAB]  }
0x2c: {  	s7 =	sld [smem:$0x3FAC]  }
0x2d: {  	s3 =	simm.s32 $0x108;
	s8 =	sld [smem:$0x3FAD]  }
0x2e: {  	s3 =	simm.s32 @!p0 $0x1082;
	s9 =	sld [smem:$0x3FAE]  }
0x2f: {  	lr =	sadd.s32 s0, s3;
	s0 =	sld [smem:$0x3FA5]  }
0x30: {  	s3 =	sld [smem:$0x3FA8]  }
0x31: {  	[smem:$0x3FB1] =	sst s10  }
0x32: {  	s10 =	sld [smem:$0x3FAF];
	_ =	sdelay $0x3  }
0x33: {  	p0 =	seq.s32 s10, $0x1;
	s10 =	sld [smem:$0x3FB1];
	_ =	sdelay $0x3  }
0x34: {  	[smem:$0x3FB1] =	sst s10  }
0x35: {  	s10 =	sld [smem:$0x3FB0];
	_ =	sdelay $0x3  }
0x36: {  	p1 =	seq.s32 s10, $0x1;
	s10 =	sld [smem:$0x3FB1];
	_ =	sdelay $0x3  }
0x37: {  	[smem:$0x3FB1] =	sst s10  }
0x38: {  	s10 =	sld [smem:$0x3FB2]  }
0x39: {  	_ = 	snop;
	(pc) =	sbr.ind lr, $3  }
0x3a: {  	_ = 	snop  }
0x3b: {  	_ = 	snop  }
0x3c: {  	p2 =	seq.s32 s10, $0x1;
	s10 =	sld [smem:$0x3FB1]  }
0x3d: {  	_ =	shalt  }
0x3e: {  	_ =	shalt  }
0x3f: {  	_ =	shalt  }
0x40: {  	_ =	shalt  }
0x41: {  	_ =	shalt  }
0x42: {  	_ =	shalt  }
0x43: {  	_ =	shalt  }
0x44: {  	_ =	shalt  }
0x45: {  	_ =	shalt  }
0x46: {  	_ =	shalt  }
0x47: {  	_ =	shalt  }
0x48: {  	_ =	shalt  }
0x49: {  	_ =	shalt  }
0x4a: {  	_ =	shalt  }
0x4b: {  	_ =	shalt  }
0x4c: {  	_ =	shalt  }
0x4d: {  	_ =	shalt  }
0x4e: {  	_ =	shalt  }
0x4f: {  	_ =	shalt  }
0x50: {  	_ =	shalt  }
0x51: {  	_ =	shalt  }
0x52: {  	_ =	shalt  }
0x53: {  	_ =	shalt  }
0x54: {  	_ =	shalt  }
0x55: {  	_ =	shalt  }
0x56: {  	_ =	shalt  }
0x57: {  	_ =	shalt  }
0x58: {  	_ =	shalt  }
0x59: {  	_ =	shalt  }
0x5a: {  	_ =	shalt  }
0x5b: {  	_ =	shalt  }
0x5c: {  	_ =	shalt  }
0x5d: {  	_ =	shalt  }
0x5e: {  	_ =	shalt  }
0x5f: {  	_ =	shalt  }
0x60: {  	_ =	shalt  }
0x61: {  	_ =	shalt  }
0x62: {  	_ =	shalt  }
0x63: {  	_ =	shalt  }
0x64: {  	_ =	shalt  }
0x65: {  	_ =	shalt  }
0x66: {  	_ =	shalt  }
0x67: {  	_ =	shalt  }
0x68: {  	_ =	shalt  }
0x69: {  	_ =	shalt  }
0x6a: {  	_ =	shalt  }
0x6b: {  	_ =	shalt  }
0x6c: {  	_ =	shalt  }
0x6d: {  	_ =	shalt  }
0x6e: {  	_ =	shalt  }
0x6f: {  	_ =	shalt  }
0x70: {  	_ =	shalt  }
0x71: {  	_ =	shalt  }
0x72: {  	_ =	shalt  }
0x73: {  	_ =	shalt  }
0x74: {  	_ =	shalt  }
0x75: {  	_ =	shalt  }
0x76: {  	_ =	shalt  }
0x77: {  	_ =	shalt  }
0x78: {  	_ =	shalt  }
0x79: {  	_ =	shalt  }
0x7a: {  	_ =	shalt  }
0x7b: {  	_ =	shalt  }
0x7c: {  	_ =	shalt  }
0x7d: {  	_ =	shalt  }
0x7e: {  	_ =	shalt  }
0x7f: {  	_ =	shalt  }
0x80: {  	_ =	shalt  }
0x81: {  	_ =	shalt  }
0x82: {  	_ =	shalt  }
0x83: {  	_ =	shalt  }
0x84: {  	_ =	shalt  }
0x85: {  	_ =	shalt  }
0x86: {  	_ =	shalt  }
0x87: {  	_ =	shalt  }
.Lfunc_end0:
.L_simem_size_0:
called_computation.2_lowered:
.L_overlay_start_0:
0x88: {  	s2 =	sld [smem:$0x3FD9]  }
0x89: {  	s3 =	sld [smem:$0x3FFE];
	_ =	sdelay $0x1  }
0x8a: {  	s1 =	srdreg.scid  }
0x8b: {  	s0 =	sand.u32 $0x1, s1  }
0x8c: {  	s14 =	sshll.u32 s0, $0xA;
	s2 =	sadd.s32 s3, s2  }
0x8d: {  	s2 =	sadd.s32 s2, s14  }
0x8e: {  	[smem:$0x3FBD] =	sst s2  }
0x8f: {  	_ = 	snop  }
0x90: {  	s2 =	sld [smem:$0x3FD0];
	_ =	sdelay $0x2  }
0x91: {  	s4 =	simm.s32 $0xA;
	s5 =	simm.s32 $0x10;
	s15 =	sld [smem:$0x3FC5]  }
0x92: {  	[smem:s5], [sflag:s4] =	dma.local [hbm:s2], $0x1  }
0x93: {  	_ =	swait.eq [sflag:s4], $0x1  }
0x94: {  	[sflag:s4] =	ssyncset.done $0x0  }
0x95: {  	[sflag:s4] =	ssyncadd.s32 $0xFFFFFFFF  }
0x96: {  	s16 =	sld [smem:$0x10];
	(tm) =	ssettm $0x1  }
0x97: {  	s17 =	sld [smem:$0x3FFB];
	_ =	sdelay $0x3  }
0x98: {  	_ =	strace s17  }
0x99: {  	s4 =	sld [smem:$0x3FFC];
	_ =	sdelay $0x3  }
0x9a: {  	_ =	strace s4  }
0x9b: {  	s4 =	sld [smem:$0x3FFD];
	_ =	sdelay $0x3  }
0x9c: {  	_ =	strace s4  }
0x9d: {  	_ =	strace $0x8FFFFFFF  }
0x9e: {  	s18 =	sld [smem:$0x3FDB];
	_ =	sdelay $0x1  }
0x9f: {  	s19 =	simm.s32 $_scs_section_size  }
0xa0: {  	s6 =	simm.s32 $_size__tile_overlayer_lowered;
	s7 =	simm.s32 $_tile_overlayer_lowered  }
0xa1: {  	s22 =	simm.s32 $0x1BFF;
	s21 =	sshll.u32 s7, $0x1;
	s4 =	sadd.s32 s19, s18  }
0xa2: {  	s8 =	simm.s32 $0x0;
	s20 =	sshll.u32 s6, $0x1;
	s6 =	sadd.s32 s21, s4  }
0xa3: {  	[timem:s8], [sflag:s22] =	dma.local [hbm:s6], s20  }
0xa4: {  	_ =	swait.ge [sflag:s22], s20  }
0xa5: {  	s5 =	ssub.s32 $0x0, s20;
	[sflag:s22] =	ssyncset.done $0x0  }
0xa6: {  	[sflag:s22] =	ssyncadd.s32 s5;
	_ =	sdelay $0x1  }
0xa7: {  	s23 =	simm.s32 $0x1B8B  }
0xa8: {  	_ =	swait.ge [sflag:s23], $0x1  }
0xa9: {  	[sflag:s23] =	ssyncset.done $0x0  }
0xaa: {  	s25 =	simm.s32 $0x1B8E;
	s24 =	sld [smem:$0x3FFE];
	[sflag:s23] =	ssyncadd.s32 $0xFFFFFFFF  }
0xab: {  	s26 =	simm.s32 $execute0_lowered;
	[smem:$0x3FD2] =	sst s25  }
0xac: {  	s6 =	sshll.u32 s26, $0x1;
	_ =	strace $0x80000049;
	[dreg:$0x1] =	wrdreg $0xFFFFFFFF  }
0xad: {  	s28 =	simm.s32 $_size_execute0_lowered;
	s4 =	sadd.s32 s4, s6;
	[dreg:$0x0] =	wrdreg $0x0  }
0xae: {  	s6 =	sshll.u32 s28, $0x1;
	[dreg:$0x2] =	wrdreg s4  }
0xaf: {  	[dreg:$0x3] =	wrdreg s6  }
0xb0: {  	[dreg:$0x4] =	wrdreg $0xC0  }
0xb1: {  	_ =	task [dreg:s8], $0x5FFFF  }
0xb2: {  	[dreg:$0x1] =	wrdreg $0xFFFFFFFF  }
0xb3: {  	[dreg:$0x0] =	wrdreg $0x60  }
0xb4: {  	[dreg:$0x2] =	wrdreg s16  }
0xb5: {  	[dreg:$0x3] =	wrdreg s24  }
0xb6: {  	[dreg:$0x4] =	wrdreg s15  }
0xb7: {  	[dreg:$0x5] =	wrdreg $0x9  }
0xb8: {  	_ =	task.clear_ibuf [dreg:s8], $0x6FFFF;
	_ =	strace $0x90000049  }
0xb9: {  	s29 =	simm.s32 $0x9;
	_ =	strace $0x8000004B  }
0xba: {  	_ =	swait.ge [sflag:s29], $0x1  }
0xbb: {  	[sflag:s29] =	ssyncadd.s32 $0xFFFFFFFF  }
0xbc: {  	_ =	strace $0x9000004B  }
0xbd: {  	_ =	sfence  }
0xbe: {  	s30 =	sld [smem:$0x0];
	_ =	sdelay $0x2  }
0xbf: {  	s31 =	sshll.u32 s1, $0xD;
	s1 =	sshrl.u32 s1, $0x2  }
0xc0: {  	s3 =	sand.u32 $0x4000, s31;
	s1 =	sadd.s32 s1, s30  }
0xc1: {  	s0 =	sor.u32 s3, s0;
	s1 =	sshll.u32 s1, $0x11  }
0xc2: {  	s0 =	sor.u32 s1, s0  }
0xc3: {  	s0 =	sadd.s32 $0x8F2B, s0  }
0xc4: {  	[sflag:s0] =	ssyncadd.remote.s32 $0x1  }
0xc5: {  	_ =	sfence.sel $0xFFFF  }
0xc6: {  	[dreg:$0x0] =	wrdreg $0xFFFFFFFF;
	(pc) =	sbr.abs _section_cstart, $3  }
0xc7: {  	[dreg:$0x1] =	wrdreg $0xFFFFFFFF  }
0xc8: {  	_ =	task.clear_ibuf [dreg:s8], $0x2FFFF;
	_ =	strace $0x9FFFFFFF  }
0xc9: {  	(tm) =	ssettm $0x7FFFFFFF  }
tec
execute0_lowered:
.L_overlay_start_1:
0x0: {  	(tag) =	ssettag $0x1  }
0x1: {  	s0 =	rddreg [dreg:$0x0];
	s2 =	srdreg.scid  }
0x2: {  	s1 =	rddreg [dreg:$0x1];
	s4 =	stileid.u32;
	s2 =	sand.u32 $0x1, s2  }
0x3: {  	s3 =	simm.s32 $0x0;
	s5 =	sshll.u32 s4, $0xE;
	s6 =	sshll.u32 s2, $0xD  }
0x4: {  	[smem:$0x7FF] =	sst s3;
	s9 =	sor.u32 s6, s5  }
0x5: {  	s4 =	sadd.s32 $0x2800, s1;
	s7 =	ssub.s32 $0x2, s2;
	s2 =	sshll.u32 s9, $0x3  }
0x6: {  	_ =	strace $0x8000004A;
	s6 =	sadd.s32 $0x72800, s1;
	s25 =	sor.u32 $0x800, s2  }
0x7: {  	[dreg:$0x4] =	wrdreg s9;
	s26 =	sor.u32 $0x1000, s2;
	s8 =	sadd.s32 s0, s25  }
0x8: {  	s12 =	sor.u32 $0x1800, s2;
	s11 =	sadd.s32 s0, s26;
	[dreg:$0x5] =	wrdreg s8  }
0x9: {  	s24 =	sshrl.u32 s7, $0x1;
	s10 =	sadd.s32 s0, s12;
	[dreg:$0x6] =	wrdreg s11  }
0xa: {  	s13 =	sor.u32 $0x2000, s2;
	s5 =	sadd.s32 s6, s25;
	[dreg:$0x7] =	wrdreg s10  }
0xb: {  	s1 =	ssub.s32 s7, s24;
	s14 =	sadd.s32 s0, s13;
	[dreg:$0x8] =	wrdreg s5  }
0xc: {  	s15 =	sor.u32 $0x2800, s2;
	s7 =	sadd.s32 s6, s26;
	[dreg:$0x9] =	wrdreg s14  }
0xd: {  	s17 =	sor.u32 $0x3000, s2;
	s16 =	sadd.s32 s0, s15;
	[dreg:$0xa] =	wrdreg s7  }
0xe: {  	s19 =	sor.u32 $0x3800, s2;
	s18 =	sadd.s32 s0, s17;
	[dreg:$0xb] =	wrdreg s16  }
0xf: {  	s21 =	sor.u32 $0x4000, s2;
	s20 =	sadd.s32 s0, s19;
	[dreg:$0xd] =	wrdreg s18  }
0x10: {  	s22 =	sadd.s32 s0, s21;
	[dreg:$0xf] =	wrdreg s20  }
0x11: {  	s24 =	sor.u32 $0x4800, s2;
	s23 =	sadd.s32 s6, s21;
	[dreg:$0x11] =	wrdreg s22  }
0x12: {  	s26 =	sadd.s32 s0, s24;
	[dreg:$0x14] =	wrdreg s23  }
0x13: {  	s8 =	sadd.s32 s6, s12;
	[dreg:$0x15] =	wrdreg s26  }
0x14: {  	s5 =	sadd.s32 s6, s13;
	[dreg:$0xc] =	wrdreg s8  }
0x15: {  	s25 =	sor.u32 $0x5000, s2;
	s7 =	sadd.s32 s6, s15;
	[dreg:$0xe] =	wrdreg s5  }
0x16: {  	s10 =	sadd.s32 s0, s25;
	[dreg:$0x10] =	wrdreg s7  }
0x17: {  	s11 =	sadd.s32 s6, s25;
	[dreg:$0x17] =	wrdreg s10  }
0x18: {  	s8 =	sadd.s32 s6, s17;
	[dreg:$0x18] =	wrdreg s11  }
0x19: {  	s12 =	sor.u32 $0x5800, s2;
	s5 =	sadd.s32 s6, s19;
	[dreg:$0x12] =	wrdreg s8  }
0x1a: {  	s13 =	sor.u32 $0x6000, s2;
	s14 =	sadd.s32 s0, s12;
	[dreg:$0x13] =	wrdreg s5  }
0x1b: {  	s15 =	sadd.s32 s0, s13;
	[dreg:$0x19] =	wrdreg s14  }
0x1c: {  	s18 =	sor.u32 $0x7000, s2;
	s16 =	sadd.s32 s6, s13;
	[dreg:$0x1b] =	wrdreg s15  }
0x1d: {  	s20 =	sadd.s32 s0, s18;
	[dreg:$0x1c] =	wrdreg s16  }
0x1e: {  	s23 =	sor.u32 $0x8000, s2;
	s21 =	sadd.s32 s6, s18;
	[dreg:$0x1f] =	wrdreg s20  }
0x1f: {  	s28 =	simm.s32 $0xA;
	s25 =	sadd.s32 s0, s23;
	[smem:$0x7D9] =	sst s21  }
0x20: {  	s29 =	simm.s32 $0xB;
	s26 =	sadd.s32 s6, s23;
	[smem:$0x7DC] =	sst s25  }
0x21: {  	s17 =	sor.u32 $0x6800, s2;
	s5 =	sadd.s32 s6, s24;
	[smem:$0x7DD] =	sst s26  }
0x22: {  	s22 =	sor.u32 $0x7800, s2;
	s19 =	sadd.s32 s0, s17;
	[dreg:$0x16] =	wrdreg s5  }
0x23: {  	s7 =	sor.u32 $0x8800, s2;
	s24 =	sadd.s32 s0, s22;
	[dreg:$0x1d] =	wrdreg s19  }
0x24: {  	s10 =	sor.u32 $0x9000, s2;
	s11 =	sadd.s32 s0, s7;
	[smem:$0x7DA] =	sst s24  }
0x25: {  	s30 =	simm.s32 $0x6000;
	s13 =	sadd.s32 s6, s10;
	[smem:$0x7DE] =	sst s11  }
0x26: {  	s31 =	simm.s32 $0x4000;
	s5 =	sadd.s32 s6, s12;
	[smem:$0x7E1] =	sst s13  }
0x27: {  	s14 =	sor.u32 $0x9800, s2;
	s12 =	sadd.s32 s0, s10;
	[dreg:$0x1a] =	wrdreg s5  }
0x28: {  	s15 =	sor.u32 $0xA000, s2;
	s16 =	sadd.s32 s0, s14;
	[smem:$0x7E0] =	sst s12  }
0x29: {  	s20 =	sor.u32 $0xB000, s2;
	s18 =	sadd.s32 s6, s15;
	[smem:$0x7E2] =	sst s16  }
0x2a: {  	s25 =	sor.u32 $0xC000, s2;
	s23 =	sadd.s32 s6, s20;
	[smem:$0x7E5] =	sst s18  }
0x2b: {  	s8 =	simm.s32 $0x2;
	s10 =	sadd.s32 s0, s25;
	[smem:$0x7E9] =	sst s23  }
0x2c: {  	s19 =	sor.u32 $0xA800, s2;
	s11 =	sadd.s32 s6, s25;
	[smem:$0x7EC] =	sst s10  }
0x2d: {  	s24 =	sor.u32 $0xB800, s2;
	s5 =	sadd.s32 s6, s17;
	[smem:$0x7ED] =	sst s11  }
0x2e: {  	s13 =	sor.u32 $0xD000, s2;
	s17 =	sadd.s32 s0, s15;
	[dreg:$0x1e] =	wrdreg s5  }
0x2f: {  	s25 =	sor.u32 $0xF000, s2;
	s21 =	sadd.s32 s0, s19;
	[smem:$0x7E4] =	sst s17  }
0x30: {  	s26 =	sadd.s32 s0, s24;
	s12 =	sor.u32 $0xC800, s2;
	[smem:$0x7E6] =	sst s21  }
0x31: {  	s15 =	sadd.s32 s0, s13;
	s16 =	sadd.s32 s6, s13;
	[smem:$0x7EA] =	sst s26  }
0x32: {  	s18 =	sor.u32 $0xE000, s2;
	s23 =	sadd.s32 s6, s2;
	[smem:$0x7F0] =	sst s15  }
0x33: {  	s10 =	sadd.s32 s0, s25;
	s5 =	sadd.s32 s6, s22;
	[smem:$0x7F1] =	sst s16  }
0x34: {  	s22 =	sadd.s32 s0, s20;
	s17 =	sor.u32 $0xD800, s2;
	[smem:$0x7F7] =	sst s23  }
0x35: {  	s20 =	sadd.s32 s0, s18;
	s21 =	sadd.s32 s6, s18;
	[smem:$0x7F9] =	sst s10  }
0x36: {  	s15 =	smax.u32 s1, $0x1;
	s16 =	simm.s32 $0xC010;
	[smem:$0x7DB] =	sst s5  }
0x37: {  	s18 =	simm.s32 $0x14010;
	s23 =	simm.s32 $0x5;
	[smem:$0x7E8] =	sst s22  }
0x38: {  	s1 =	simm.s32 $0x1;
	s5 =	sadd.s32 s6, s7;
	[smem:$0x7F4] =	sst s20  }
0x39: {  	v0 =	vimm.s32 $0xFFEDCBA9;
	v1 =	vimm.s32 $0x87654321;
	[smem:$0x7F5] =	sst s21;
	s22 =	sadd.s32 s0, s2;
	s20 =	simm.s32 $0x18010  }
0x3a: {  	v0 =	vunpack.c.l.s4.s8 v0;
	v1 =	vunpack.c.l.s4.s8 v1;
	s21 =	simm.s32 $0x4;
	s7 =	simm.s32 $0xA010;
	[smem:$0x7DF] =	sst s5  }
0x3b: {  	s5 =	sadd.s32 s6, s14;
	s14 =	sadd.s32 s0, s12;
	[smem:$0x7F6] =	sst s22  }
0x3c: {  	v2 =	vunpack.c.0.s8.s32 v0;
	v1 =	vunpack.c.0.s8.s32 v1;
	s22 =	simm.s32 $0x7;
	[smem:$0x7E3] =	sst s5;
	s5 =	sadd.s32 s6, s19  }
0x3d: {  	[smem:$0x7EE] =	sst s14;
	s19 =	sadd.s32 s0, s17;
	s14 =	sadd.s32 $0x2000, s9  }
0x3e: {  	v4 =	vcombine.low v1, v2;
	v1 =	vmov s9;
	s9 =	simm.s32 $0x0;
	[smem:$0x7E7] =	sst s5;
	s5 =	sadd.s32 s6, s24  }
0x3f: {  	[smem:$0x7F2] =	sst s19;
	s24 =	sor.u32 $0xE800, s2;
	s2 =	sor.u32 $0xF800, s2  }
0x40: {  	s19 =	simm.s32 $0x3;
	[smem:$0x7EB] =	sst s5;
	s5 =	sadd.s32 s6, s12  }
0x41: {  	s26 =	sadd.s32 s0, s24;
	s0 =	sadd.s32 s0, s2;
	[smem:$0x7EF] =	sst s5  }
0x42: {  	s11 =	sadd.s32 s6, s24;
	s12 =	sadd.s32 s6, s25;
	[smem:$0x7F8] =	sst s26  }
.Ltmp0:
0x43: {  	s13 =	sadd.s32 s6, s2;
	[smem:$0x7FA] =	sst s0;
	(pc) =	sbr.rel .LBB2_1-.Ltmp0, $4  }
0x44: {  	s24 =	simm.s32 $0x8;
	s25 =	simm.s32 $0x6;
	[smem:$0x7FB] =	sst s11  }
0x45: {  	s2 =	simm.s32 $0x8010;
	s5 =	sadd.s32 s6, s17;
	[smem:$0x7FC] =	sst s12  }
0x46: {  	v3 =	vlaneseq.u32;
	vm0 =	vcmask $0x3F3C;
	v5 =	vimm.s32 $0x0;
	[smem:$0x7FD] =	sst s13;
	s17 =	simm.s32 $0x10010;
	s26 =	simm.s32 $0x9  }
0x47: {  	v2 =	vimm.s32 $0xFFFFFFFF;
	v4 =	vand.u32 $0xF, v4;
	v0 =	vmov s14;
	s0 =	simm.s32 $0x6010;
	[smem:$0x7F3] =	sst s5;
	s5 =	simm.s32 $0x80  }
.LBB2_15:
0x48: {  	[sflag:s8] =	ssyncadd.s32 $0xFFFFE000  }
.LBB2_16:
0x49: {  	s9 =	sadd.s32 $0x1, s9  }
0x4a: {  	p0 =	sne.s32 s9, s15  }
.Ltmp1:
0x4b: {  	_ = 	snop;
	(pc) =	sbr.rel @!p0 .LBB2_17-.Ltmp1, $1  }
0x4c: {  	_ =	sdelay $0x3  }
.LBB2_1:
0x4d: {  	s10 =	sld [smem:$0x7F6];
	_ =	sdelay $0x2  }
0x4e: {  	[tilespmem:s16], [sflag:$0x3] =	stream.linear.gather [hbm4b:s10+s3], $0x4000, $0x38;
	[tilespmem:$0x1C010] =	vst v63  }
0x4f: {  	s11 =	rddreg [dreg:$0x5]  }
0x50: {  	[tilespmem:s17], [sflag:$0x4] =	stream.linear.gather [hbm4b:s11+s3], $0x4000, $0x38;
	[tilespmem:$0x1C010] =	vst v63  }
0x51: {  	s12 =	rddreg [dreg:$0x6]  }
0x52: {  	[tilespmem:s18], [sflag:$0x5] =	stream.linear.gather [hbm4b:s12+s3], $0x4000, $0x38;
	[tilespmem:$0x1C010] =	vst v63  }
0x53: {  	_ =	swait.ge [sflag:s19], $0x4000  }
0x54: {  	s13 =	sld [smem:$0x7F7]  }
0x55: {  	[sflag:s19] =	ssyncset.done $0x0  }
0x56: {  	[sflag:s19] =	ssyncadd.s32 $0xFFFFC000  }
0x57: {  	[hbm4b:s13+s3] =	stream.linear.scatter [tilespmem:s16], [sflag:$0x7], $0x4000, $0x38;
	[tilespmem:$0x1C010] =	vst v63  }
0x58: {  	s14 =	rddreg [dreg:$0x7]  }
0x59: {  	[tilespmem:s20], [sflag:$0x6] =	stream.linear.gather [hbm4b:s14+s3], $0x4000, $0x38;
	[tilespmem:$0x1C010] =	vst v63  }
0x5a: {  	_ =	swait.ge [sflag:s21], $0x4000  }
0x5b: {  	[sflag:s21] =	ssyncset.done $0x0  }
0x5c: {  	s11 =	rddreg [dreg:$0x8];
	[sflag:s21] =	ssyncadd.s32 $0xFFFFC000  }
0x5d: {  	[hbm4b:s11+s3] =	stream.linear.scatter [tilespmem:s17], [sflag:$0x8], $0x4000, $0x38;
	[tilespmem:$0x1C010] =	vst v63  }
0x5e: {  	_ =	swait.ge [sflag:s22], $0x4000  }
0x5f: {  	[sflag:s22] =	ssyncset.done $0x0  }
0x60: {  	s12 =	rddreg [dreg:$0x9];
	[sflag:s22] =	ssyncadd.s32 $0xFFFFC000  }
0x61: {  	[tilespmem:s16], [sflag:$0x3] =	stream.linear.gather [hbm4b:s12+s3], $0x4000, $0x38;
	[tilespmem:$0x1C010] =	vst v63  }
0x62: {  	_ =	swait.ge [sflag:s23], $0x4000  }
0x63: {  	[sflag:s23] =	ssyncset.done $0x0  }
0x64: {  	s13 =	rddreg [dreg:$0xa];
	[sflag:s23] =	ssyncadd.s32 $0xFFFFC000  }
0x65: {  	[hbm4b:s13+s3] =	stream.linear.scatter [tilespmem:s18], [sflag:$0x9], $0x4000, $0x38;
	[tilespmem:$0x1C010] =	vst v63  }
0x66: {  	_ =	swait.ge [sflag:s24], $0x4000  }
0x67: {  	[sflag:s24] =	ssyncset.done $0x0  }
0x68: {  	s14 =	rddreg [dreg:$0xb];
	[sflag:s24] =	ssyncadd.s32 $0xFFFFC000  }
0x69: {  	[tilespmem:s17], [sflag:$0x4] =	stream.linear.gather [hbm4b:s14+s3], $0x4000, $0x38;
	[tilespmem:$0x1C010] =	vst v63  }
0x6a: {  	_ =	swait.ge [sflag:s25], $0x4000  }
0x6b: {  	[sflag:s25] =	ssyncset.done $0x0  }
0x6c: {  	s11 =	rddreg [dreg:$0xc];
	[sflag:s25] =	ssyncadd.s32 $0xFFFFC000  }
0x6d: {  	[hbm4b:s11+s3] =	stream.linear.scatter [tilespmem:s20], [sflag:$0xA], $0x4000, $0x38;
	[tilespmem:$0x1C010] =	vst v63  }
0x6e: {  	_ =	swait.ge [sflag:s26], $0x4000  }
0x6f: {  	[sflag:s26] =	ssyncset.done $0x0  }
0x70: {  	s12 =	rddreg [dreg:$0xd];
	[sflag:s26] =	ssyncadd.s32 $0xFFFFC000  }
0x71: {  	[tilespmem:s18], [sflag:$0x5] =	stream.linear.gather [hbm4b:s12+s3], $0x4000, $0x38;
	[tilespmem:$0x1C010] =	vst v63  }
0x72: {  	_ =	swait.ge [sflag:s19], $0x4000  }
0x73: {  	[sflag:s19] =	ssyncset.done $0x0  }
0x74: {  	s13 =	rddreg [dreg:$0xe];
	[sflag:s19] =	ssyncadd.s32 $0xFFFFC000  }
0x75: {  	[hbm4b:s13+s3] =	stream.linear.scatter [tilespmem:s16], [sflag:$0x7], $0x4000, $0x38;
	[tilespmem:$0x1C010] =	vst v63  }
0x76: {  	_ =	swait.ge [sflag:s28], $0x4000  }
0x77: {  	[sflag:s28] =	ssyncset.done $0x0  }
0x78: {  	s14 =	rddreg [dreg:$0xf];
	[sflag:s28] =	ssyncadd.s32 $0xFFFFC000  }
0x79: {  	[tilespmem:s20], [sflag:$0x6] =	stream.linear.gather [hbm4b:s14+s3], $0x4000, $0x38;
	[tilespmem:$0x1C010] =	vst v63  }
0x7a: {  	_ =	swait.ge [sflag:s21], $0x4000  }
0x7b: {  	[sflag:s21] =	ssyncset.done $0x0  }
0x7c: {  	s11 =	rddreg [dreg:$0x10];
	[sflag:s21] =	ssyncadd.s32 $0xFFFFC000  }
0x7d: {  	[hbm4b:s11+s3] =	stream.linear.scatter [tilespmem:s17], [sflag:$0x8], $0x4000, $0x38;
	[tilespmem:$0x1C010] =	vst v63  }
0x7e: {  	_ =	swait.ge [sflag:s22], $0x4000  }
0x7f: {  	[sflag:s22] =	ssyncset.done $0x0  }
0x80: {  	s12 =	rddreg [dreg:$0x11];
	[sflag:s22] =	ssyncadd.s32 $0xFFFFC000  }
0x81: {  	[tilespmem:s16], [sflag:$0x3] =	stream.linear.gather [hbm4b:s12+s3], $0x4000, $0x38;
	[tilespmem:$0x1C010] =	vst v63  }
0x82: {  	_ =	swait.ge [sflag:s23], $0x4000  }
0x83: {  	[sflag:s23] =	ssyncset.done $0x0  }
0x84: {  	s13 =	rddreg [dreg:$0x12];
	[sflag:s23] =	ssyncadd.s32 $0xFFFFC000  }
0x85: {  	[hbm4b:s13+s3] =	stream.linear.scatter [tilespmem:s18], [sflag:$0x9], $0x4000, $0x38;
	[tilespmem:$0x1C010] =	vst v63  }
0x86: {  	_ =	swait.ge [sflag:s24], $0x4000  }
0x87: {  	[sflag:s24] =	ssyncset.done $0x0  }
0x88: {  	s14 =	rddreg [dreg:$0x15];
	[sflag:s24] =	ssyncadd.s32 $0xFFFFC000  }
0x89: {  	[tilespmem:s17], [sflag:$0x4] =	stream.linear.gather [hbm4b:s14+s3], $0x4000, $0x38;
	[tilespmem:$0x1C010] =	vst v63  }
0x8a: {  	_ =	swait.ge [sflag:s25], $0x4000  }
0x8b: {  	[sflag:s25] =	ssyncset.done $0x0  }
0x8c: {  	s11 =	rddreg [dreg:$0x13];
	[sflag:s25] =	ssyncadd.s32 $0xFFFFC000  }
0x8d: {  	[hbm4b:s11+s3] =	stream.linear.scatter [tilespmem:s20], [sflag:$0xA], $0x4000, $0x38;
	[tilespmem:$0x1C010] =	vst v63  }
0x8e: {  	_ =	swait.ge [sflag:s26], $0x4000  }
0x8f: {  	[sflag:s26] =	ssyncset.done $0x0  }
0x90: {  	s12 =	rddreg [dreg:$0x17];
	[sflag:s26] =	ssyncadd.s32 $0xFFFFC000  }
0x91: {  	[tilespmem:s18], [sflag:$0x5] =	stream.linear.gather [hbm4b:s12+s3], $0x4000, $0x38;
	[tilespmem:$0x1C010] =	vst v63  }
0x92: {  	_ =	swait.ge [sflag:s19], $0x4000  }
0x93: {  	[sflag:s19] =	ssyncset.done $0x0  }
0x94: {  	s13 =	rddreg [dreg:$0x14];
	[sflag:s19] =	ssyncadd.s32 $0xFFFFC000  }
0x95: {  	[hbm4b:s13+s3] =	stream.linear.scatter [tilespmem:s16], [sflag:$0x7], $0x4000, $0x38;
	[tilespmem:$0x1C010] =	vst v63  }
0x96: {  	_ =	swait.ge [sflag:s28], $0x4000  }
0x97: {  	[sflag:s28] =	ssyncset.done $0x0  }
0x98: {  	s14 =	rddreg [dreg:$0x19];
	[sflag:s28] =	ssyncadd.s32 $0xFFFFC000  }
0x99: {  	[tilespmem:s20], [sflag:$0x6] =	stream.linear.gather [hbm4b:s14+s3], $0x4000, $0x38;
	[tilespmem:$0x1C010] =	vst v63  }
0x9a: {  	_ =	swait.ge [sflag:s21], $0x4000  }
0x9b: {  	[sflag:s21] =	ssyncset.done $0x0  }
0x9c: {  	s11 =	rddreg [dreg:$0x16];
	[sflag:s21] =	ssyncadd.s32 $0xFFFFC000  }
0x9d: {  	[hbm4b:s11+s3] =	stream.linear.scatter [tilespmem:s17], [sflag:$0x8], $0x4000, $0x38;
	[tilespmem:$0x1C010] =	vst v63  }
0x9e: {  	_ =	swait.ge [sflag:s22], $0x4000  }
0x9f: {  	[sflag:s22] =	ssyncset.done $0x0  }
0xa0: {  	s12 =	rddreg [dreg:$0x1b];
	[sflag:s22] =	ssyncadd.s32 $0xFFFFC000  }
0xa1: {  	[tilespmem:s16], [sflag:$0x3] =	stream.linear.gather [hbm4b:s12+s3], $0x4000, $0x38;
	[tilespmem:$0x1C010] =	vst v63  }
0xa2: {  	_ =	swait.ge [sflag:s23], $0x4000  }
0xa3: {  	[sflag:s23] =	ssyncset.done $0x0  }
0xa4: {  	s13 =	rddreg [dreg:$0x18];
	[sflag:s23] =	ssyncadd.s32 $0xFFFFC000  }
0xa5: {  	[hbm4b:s13+s3] =	stream.linear.scatter [tilespmem:s18], [sflag:$0x9], $0x4000, $0x38;
	[tilespmem:$0x1C010] =	vst v63  }
0xa6: {  	_ =	swait.ge [sflag:s24], $0x4000  }
0xa7: {  	[sflag:s24] =	ssyncset.done $0x0  }
0xa8: {  	s14 =	rddreg [dreg:$0x1d];
	[sflag:s24] =	ssyncadd.s32 $0xFFFFC000  }
0xa9: {  	[tilespmem:s17], [sflag:$0x4] =	stream.linear.gather [hbm4b:s14+s3], $0x4000, $0x38;
	[tilespmem:$0x1C010] =	vst v63  }
0xaa: {  	_ =	swait.ge [sflag:s25], $0x4000  }
0xab: {  	[sflag:s25] =	ssyncset.done $0x0  }
0xac: {  	s11 =	rddreg [dreg:$0x1a];
	[sflag:s25] =	ssyncadd.s32 $0xFFFFC000  }
0xad: {  	[hbm4b:s11+s3] =	stream.linear.scatter [tilespmem:s20], [sflag:$0xA], $0x4000, $0x38;
	[tilespmem:$0x1C010] =	vst v63  }
0xae: {  	_ =	swait.ge [sflag:s26], $0x4000  }
0xaf: {  	[sflag:s26] =	ssyncset.done $0x0  }
0xb0: {  	s12 =	rddreg [dreg:$0x1f];
	[sflag:s26] =	ssyncadd.s32 $0xFFFFC000  }
0xb1: {  	[tilespmem:s18], [sflag:$0x5] =	stream.linear.gather [hbm4b:s12+s3], $0x4000, $0x38;
	[tilespmem:$0x1C010] =	vst v63  }
0xb2: {  	_ =	swait.ge [sflag:s19], $0x4000  }
0xb3: {  	[sflag:s19] =	ssyncset.done $0x0  }
0xb4: {  	s13 =	rddreg [dreg:$0x1c];
	[sflag:s19] =	ssyncadd.s32 $0xFFFFC000  }
0xb5: {  	[hbm4b:s13+s3] =	stream.linear.scatter [tilespmem:s16], [sflag:$0x7], $0x4000, $0x38;
	[tilespmem:$0x1C010] =	vst v63  }
0xb6: {  	_ =	swait.ge [sflag:s28], $0x4000  }
0xb7: {  	s14 =	sld [smem:$0x7DA]  }
0xb8: {  	[sflag:s28] =	ssyncset.done $0x0  }
0xb9: {  	[sflag:s28] =	ssyncadd.s32 $0xFFFFC000  }
0xba: {  	[tilespmem:s20], [sflag:$0x6] =	stream.linear.gather [hbm4b:s14+s3], $0x4000, $0x38;
	[tilespmem:$0x1C010] =	vst v63  }
0xbb: {  	_ =	swait.ge [sflag:s21], $0x4000  }
0xbc: {  	[sflag:s21] =	ssyncset.done $0x0  }
0xbd: {  	s11 =	rddreg [dreg:$0x1e];
	[sflag:s21] =	ssyncadd.s32 $0xFFFFC000  }
0xbe: {  	[hbm4b:s11+s3] =	stream.linear.scatter [tilespmem:s17], [sflag:$0x8], $0x4000, $0x38;
	[tilespmem:$0x1C010] =	vst v63  }
0xbf: {  	_ =	swait.ge [sflag:s22], $0x4000  }
0xc0: {  	s12 =	sld [smem:$0x7DC]  }
0xc1: {  	[sflag:s22] =	ssyncset.done $0x0  }
0xc2: {  	[sflag:s22] =	ssyncadd.s32 $0xFFFFC000  }
0xc3: {  	[tilespmem:s16], [sflag:$0x3] =	stream.linear.gather [hbm4b:s12+s3], $0x4000, $0x38;
	[tilespmem:$0x1C010] =	vst v63  }
0xc4: {  	_ =	swait.ge [sflag:s23], $0x4000  }
0xc5: {  	s13 =	sld [smem:$0x7D9]  }
0xc6: {  	[sflag:s23] =	ssyncset.done $0x0  }
0xc7: {  	[sflag:s23] =	ssyncadd.s32 $0xFFFFC000  }
0xc8: {  	[hbm4b:s13+s3] =	stream.linear.scatter [tilespmem:s18], [sflag:$0x9], $0x4000, $0x38;
	[tilespmem:$0x1C010] =	vst v63  }
0xc9: {  	_ =	swait.ge [sflag:s24], $0x4000  }
0xca: {  	s14 =	sld [smem:$0x7DE]  }
0xcb: {  	[sflag:s24] =	ssyncset.done $0x0  }
0xcc: {  	[sflag:s24] =	ssyncadd.s32 $0xFFFFC000  }
0xcd: {  	[tilespmem:s17], [sflag:$0x4] =	stream.linear.gather [hbm4b:s14+s3], $0x4000, $0x38;
	[tilespmem:$0x1C010] =	vst v63  }
0xce: {  	_ =	swait.ge [sflag:s25], $0x4000  }
0xcf: {  	s11 =	sld [smem:$0x7DB]  }
0xd0: {  	[sflag:s25] =	ssyncset.done $0x0  }
0xd1: {  	[sflag:s25] =	ssyncadd.s32 $0xFFFFC000  }
0xd2: {  	[hbm4b:s11+s3] =	stream.linear.scatter [tilespmem:s20], [sflag:$0xA], $0x4000, $0x38;
	[tilespmem:$0x1C010] =	vst v63  }
0xd3: {  	_ =	swait.ge [sflag:s26], $0x4000  }
0xd4: {  	s12 =	sld [smem:$0x7E0]  }
0xd5: {  	[sflag:s26] =	ssyncset.done $0x0  }
0xd6: {  	[sflag:s26] =	ssyncadd.s32 $0xFFFFC000  }
0xd7: {  	[tilespmem:s18], [sflag:$0x5] =	stream.linear.gather [hbm4b:s12+s3], $0x4000, $0x38;
	[tilespmem:$0x1C010] =	vst v63  }
0xd8: {  	_ =	swait.ge [sflag:s19], $0x4000  }
0xd9: {  	s13 =	sld [smem:$0x7DD]  }
0xda: {  	[sflag:s19] =	ssyncset.done $0x0  }
0xdb: {  	[sflag:s19] =	ssyncadd.s32 $0xFFFFC000  }
0xdc: {  	[hbm4b:s13+s3] =	stream.linear.scatter [tilespmem:s16], [sflag:$0x7], $0x4000, $0x38;
	[tilespmem:$0x1C010] =	vst v63  }
0xdd: {  	_ =	swait.ge [sflag:s28], $0x4000  }
0xde: {  	s14 =	sld [smem:$0x7E2]  }
0xdf: {  	[sflag:s28] =	ssyncset.done $0x0  }
0xe0: {  	[sflag:s28] =	ssyncadd.s32 $0xFFFFC000  }
0xe1: {  	[tilespmem:s20], [sflag:$0x6] =	stream.linear.gather [hbm4b:s14+s3], $0x4000, $0x38;
	[tilespmem:$0x1C010] =	vst v63  }
0xe2: {  	_ =	swait.ge [sflag:s21], $0x4000  }
0xe3: {  	s11 =	sld [smem:$0x7DF]  }
0xe4: {  	[sflag:s21] =	ssyncset.done $0x0  }
0xe5: {  	[sflag:s21] =	ssyncadd.s32 $0xFFFFC000  }
0xe6: {  	[hbm4b:s11+s3] =	stream.linear.scatter [tilespmem:s17], [sflag:$0x8], $0x4000, $0x38;
	[tilespmem:$0x1C010] =	vst v63  }
0xe7: {  	_ =	swait.ge [sflag:s22], $0x4000  }
0xe8: {  	s12 =	sld [smem:$0x7E4]  }
0xe9: {  	[sflag:s22] =	ssyncset.done $0x0  }
0xea: {  	[sflag:s22] =	ssyncadd.s32 $0xFFFFC000  }
0xeb: {  	[tilespmem:s16], [sflag:$0x3] =	stream.linear.gather [hbm4b:s12+s3], $0x4000, $0x38;
	[tilespmem:$0x1C010] =	vst v63  }
0xec: {  	_ =	swait.ge [sflag:s23], $0x4000  }
0xed: {  	s13 =	sld [smem:$0x7E1]  }
0xee: {  	[sflag:s23] =	ssyncset.done $0x0  }
0xef: {  	[sflag:s23] =	ssyncadd.s32 $0xFFFFC000  }
0xf0: {  	[hbm4b:s13+s3] =	stream.linear.scatter [tilespmem:s18], [sflag:$0x9], $0x4000, $0x38;
	[tilespmem:$0x1C010] =	vst v63  }
0xf1: {  	_ =	swait.ge [sflag:s24], $0x4000  }
0xf2: {  	s14 =	sld [smem:$0x7E6]  }
0xf3: {  	[sflag:s24] =	ssyncset.done $0x0  }
0xf4: {  	[sflag:s24] =	ssyncadd.s32 $0xFFFFC000  }
0xf5: {  	[tilespmem:s17], [sflag:$0x4] =	stream.linear.gather [hbm4b:s14+s3], $0x4000, $0x38;
	[tilespmem:$0x1C010] =	vst v63  }
0xf6: {  	_ =	swait.ge [sflag:s25], $0x4000  }
0xf7: {  	s11 =	sld [smem:$0x7E3]  }
0xf8: {  	[sflag:s25] =	ssyncset.done $0x0  }
0xf9: {  	[sflag:s25] =	ssyncadd.s32 $0xFFFFC000  }
0xfa: {  	[hbm4b:s11+s3] =	stream.linear.scatter [tilespmem:s20], [sflag:$0xA], $0x4000, $0x38;
	[tilespmem:$0x1C010] =	vst v63  }
0xfb: {  	_ =	swait.ge [sflag:s26], $0x4000  }
0xfc: {  	s12 =	sld [smem:$0x7E8]  }
0xfd: {  	[sflag:s26] =	ssyncset.done $0x0  }
0xfe: {  	[sflag:s26] =	ssyncadd.s32 $0xFFFFC000  }
0xff: {  	[tilespmem:s18], [sflag:$0x5] =	stream.linear.gather [hbm4b:s12+s3], $0x4000, $0x38;
	[tilespmem:$0x1C010] =	vst v63  }
0x100: {  	_ =	swait.ge [sflag:s19], $0x4000  }
0x101: {  	s13 =	sld [smem:$0x7E5]  }
0x102: {  	[sflag:s19] =	ssyncset.done $0x0  }
0x103: {  	[sflag:s19] =	ssyncadd.s32 $0xFFFFC000  }
0x104: {  	[hbm4b:s13+s3] =	stream.linear.scatter [tilespmem:s16], [sflag:$0x7], $0x4000, $0x38;
	[tilespmem:$0x1C010] =	vst v63  }
0x105: {  	_ =	swait.ge [sflag:s28], $0x4000  }
0x106: {  	s14 =	sld [smem:$0x7EA]  }
0x107: {  	[sflag:s28] =	ssyncset.done $0x0  }
0x108: {  	[sflag:s28] =	ssyncadd.s32 $0xFFFFC000  }
0x109: {  	[tilespmem:s20], [sflag:$0x6] =	stream.linear.gather [hbm4b:s14+s3], $0x4000, $0x38;
	[tilespmem:$0x1C010] =	vst v63  }
0x10a: {  	_ =	swait.ge [sflag:s21], $0x4000  }
0x10b: {  	s11 =	sld [smem:$0x7E7]  }
0x10c: {  	[sflag:s21] =	ssyncset.done $0x0  }
0x10d: {  	[sflag:s21] =	ssyncadd.s32 $0xFFFFC000  }
0x10e: {  	[hbm4b:s11+s3] =	stream.linear.scatter [tilespmem:s17], [sflag:$0x8], $0x4000, $0x38;
	[tilespmem:$0x1C010] =	vst v63  }
0x10f: {  	_ =	swait.ge [sflag:s22], $0x4000  }
0x110: {  	s12 =	sld [smem:$0x7EC]  }
0x111: {  	[sflag:s22] =	ssyncset.done $0x0  }
0x112: {  	[sflag:s22] =	ssyncadd.s32 $0xFFFFC000  }
0x113: {  	[tilespmem:s16], [sflag:$0x3] =	stream.linear.gather [hbm4b:s12+s3], $0x4000, $0x38;
	[tilespmem:$0x1C010] =	vst v63  }
0x114: {  	_ =	swait.ge [sflag:s23], $0x4000  }
0x115: {  	s13 =	sld [smem:$0x7E9]  }
0x116: {  	[sflag:s23] =	ssyncset.done $0x0  }
0x117: {  	[sflag:s23] =	ssyncadd.s32 $0xFFFFC000  }
0x118: {  	[hbm4b:s13+s3] =	stream.linear.scatter [tilespmem:s18], [sflag:$0x9], $0x4000, $0x38;
	[tilespmem:$0x1C010] =	vst v63  }
0x119: {  	_ =	swait.ge [sflag:s24], $0x4000  }
0x11a: {  	s14 =	sld [smem:$0x7EE]  }
0x11b: {  	[sflag:s24] =	ssyncset.done $0x0  }
0x11c: {  	[sflag:s24] =	ssyncadd.s32 $0xFFFFC000  }
0x11d: {  	[tilespmem:s17], [sflag:$0x4] =	stream.linear.gather [hbm4b:s14+s3], $0x4000, $0x38;
	[tilespmem:$0x1C010] =	vst v63  }
0x11e: {  	_ =	swait.ge [sflag:s25], $0x4000  }
0x11f: {  	s11 =	sld [smem:$0x7EB]  }
0x120: {  	[sflag:s25] =	ssyncset.done $0x0  }
0x121: {  	[sflag:s25] =	ssyncadd.s32 $0xFFFFC000  }
0x122: {  	[hbm4b:s11+s3] =	stream.linear.scatter [tilespmem:s20], [sflag:$0xA], $0x4000, $0x38;
	[tilespmem:$0x1C010] =	vst v63  }
0x123: {  	_ =	swait.ge [sflag:s26], $0x4000  }
0x124: {  	s12 =	sld [smem:$0x7F0]  }
0x125: {  	[sflag:s26] =	ssyncset.done $0x0  }
0x126: {  	[sflag:s26] =	ssyncadd.s32 $0xFFFFC000  }
0x127: {  	[tilespmem:s18], [sflag:$0x5] =	stream.linear.gather [hbm4b:s12+s3], $0x4000, $0x38;
	[tilespmem:$0x1C010] =	vst v63  }
0x128: {  	_ =	swait.ge [sflag:s19], $0x4000  }
0x129: {  	s13 =	sld [smem:$0x7ED]  }
0x12a: {  	[sflag:s19] =	ssyncset.done $0x0  }
0x12b: {  	[sflag:s19] =	ssyncadd.s32 $0xFFFFC000  }
0x12c: {  	[hbm4b:s13+s3] =	stream.linear.scatter [tilespmem:s16], [sflag:$0x7], $0x4000, $0x38;
	[tilespmem:$0x1C010] =	vst v63  }
0x12d: {  	_ =	swait.ge [sflag:s28], $0x4000  }
0x12e: {  	s14 =	sld [smem:$0x7F2]  }
0x12f: {  	[sflag:s28] =	ssyncset.done $0x0  }
0x130: {  	[sflag:s28] =	ssyncadd.s32 $0xFFFFC000  }
0x131: {  	[tilespmem:s20], [sflag:$0x6] =	stream.linear.gather [hbm4b:s14+s3], $0x4000, $0x38;
	[tilespmem:$0x1C010] =	vst v63  }
0x132: {  	_ =	swait.ge [sflag:s21], $0x4000  }
0x133: {  	s11 =	sld [smem:$0x7EF]  }
0x134: {  	[sflag:s21] =	ssyncset.done $0x0  }
0x135: {  	[sflag:s21] =	ssyncadd.s32 $0xFFFFC000  }
0x136: {  	[hbm4b:s11+s3] =	stream.linear.scatter [tilespmem:s17], [sflag:$0x8], $0x4000, $0x38;
	[tilespmem:$0x1C010] =	vst v63  }
0x137: {  	_ =	swait.ge [sflag:s22], $0x4000  }
0x138: {  	s12 =	sld [smem:$0x7F4]  }
0x139: {  	[sflag:s22] =	ssyncset.done $0x0  }
0x13a: {  	[sflag:s22] =	ssyncadd.s32 $0xFFFFC000  }
0x13b: {  	[tilespmem:s16], [sflag:$0x3] =	stream.linear.gather [hbm4b:s12+s3], $0x4000, $0x38;
	[tilespmem:$0x1C010] =	vst v63  }
0x13c: {  	_ =	swait.ge [sflag:s23], $0x4000  }
0x13d: {  	s13 =	sld [smem:$0x7F1]  }
0x13e: {  	[sflag:s23] =	ssyncset.done $0x0  }
0x13f: {  	[sflag:s23] =	ssyncadd.s32 $0xFFFFC000  }
0x140: {  	[hbm4b:s13+s3] =	stream.linear.scatter [tilespmem:s18], [sflag:$0x9], $0x4000, $0x38;
	[tilespmem:$0x1C010] =	vst v63  }
0x141: {  	_ =	swait.ge [sflag:s24], $0x4000  }
0x142: {  	s14 =	sld [smem:$0x7F8]  }
0x143: {  	[sflag:s24] =	ssyncset.done $0x0  }
0x144: {  	[sflag:s24] =	ssyncadd.s32 $0xFFFFC000  }
0x145: {  	[tilespmem:s17], [sflag:$0x4] =	stream.linear.gather [hbm4b:s14+s3], $0x4000, $0x38;
	[tilespmem:$0x1C010] =	vst v63  }
0x146: {  	_ =	swait.ge [sflag:s25], $0x4000  }
0x147: {  	s11 =	sld [smem:$0x7F3]  }
0x148: {  	[sflag:s25] =	ssyncset.done $0x0  }
0x149: {  	[sflag:s25] =	ssyncadd.s32 $0xFFFFC000  }
0x14a: {  	[hbm4b:s11+s3] =	stream.linear.scatter [tilespmem:s20], [sflag:$0xA], $0x4000, $0x38;
	[tilespmem:$0x1C010] =	vst v63  }
0x14b: {  	_ =	swait.ge [sflag:s26], $0x4000  }
0x14c: {  	s12 =	sld [smem:$0x7F9]  }
0x14d: {  	[sflag:s26] =	ssyncset.done $0x0  }
0x14e: {  	[sflag:s26] =	ssyncadd.s32 $0xFFFFC000  }
0x14f: {  	[tilespmem:s18], [sflag:$0x5] =	stream.linear.gather [hbm4b:s12+s3], $0x4000, $0x38;
	[tilespmem:$0x1C010] =	vst v63  }
0x150: {  	_ =	swait.ge [sflag:s19], $0x4000  }
0x151: {  	s13 =	sld [smem:$0x7F5]  }
0x152: {  	[sflag:s19] =	ssyncset.done $0x0  }
0x153: {  	[sflag:s19] =	ssyncadd.s32 $0xFFFFC000  }
0x154: {  	[hbm4b:s13+s3] =	stream.linear.scatter [tilespmem:s16], [sflag:$0x7], $0x4000, $0x38;
	[tilespmem:$0x1C010] =	vst v63  }
0x155: {  	_ =	swait.ge [sflag:s28], $0x4000  }
0x156: {  	s14 =	sld [smem:$0x7FA]  }
0x157: {  	[sflag:s28] =	ssyncset.done $0x0  }
0x158: {  	[sflag:s28] =	ssyncadd.s32 $0xFFFFC000  }
0x159: {  	[tilespmem:s20], [sflag:$0x6] =	stream.linear.gather [hbm4b:s14+s3], $0x4000, $0x38;
	[tilespmem:$0x1C010] =	vst v63  }
0x15a: {  	_ =	swait.ge [sflag:s21], $0x4000  }
0x15b: {  	s11 =	sld [smem:$0x7FB]  }
0x15c: {  	[sflag:s21] =	ssyncset.done $0x0  }
0x15d: {  	[sflag:s21] =	ssyncadd.s32 $0xFFFFC000  }
0x15e: {  	[hbm4b:s11+s3] =	stream.linear.scatter [tilespmem:s17], [sflag:$0x8], $0x4000, $0x38;
	[tilespmem:$0x1C010] =	vst v63  }
0x15f: {  	_ =	swait.ge [sflag:s23], $0x4000  }
0x160: {  	s12 =	sld [smem:$0x7FC]  }
0x161: {  	[sflag:s23] =	ssyncset.done $0x0  }
0x162: {  	[sflag:s23] =	ssyncadd.s32 $0xFFFFC000  }
0x163: {  	[hbm4b:s12+s3] =	stream.linear.scatter [tilespmem:s18], [sflag:$0x9], $0x4000, $0x38;
	[tilespmem:$0x1C010] =	vst v63  }
0x164: {  	_ =	swait.ge [sflag:s25], $0x4000  }
0x165: {  	s13 =	sld [smem:$0x7FD]  }
0x166: {  	[sflag:s25] =	ssyncset.done $0x0  }
0x167: {  	[sflag:s25] =	ssyncadd.s32 $0xFFFFC000  }
0x168: {  	[hbm4b:s13+s3] =	stream.linear.scatter [tilespmem:s20], [sflag:$0xA], $0x4000, $0x38;
	[tilespmem:$0x1C010] =	vst v63  }
0x169: {  	_ =	swait.ge [sflag:s22], $0x4000  }
0x16a: {  	[sflag:s22] =	ssyncset.done $0x0  }
0x16b: {  	[sflag:s22] =	ssyncadd.s32 $0xFFFFC000  }
0x16c: {  	_ =	swait.ge [sflag:s24], $0x4000  }
0x16d: {  	[sflag:s24] =	ssyncset.done $0x0  }
0x16e: {  	[sflag:s24] =	ssyncadd.s32 $0xFFFFC000  }
0x16f: {  	_ =	swait.ge [sflag:s26], $0x4000  }
0x170: {  	[sflag:s26] =	ssyncset.done $0x0  }
0x171: {  	[sflag:s26] =	ssyncadd.s32 $0xFFFFC000  }
0x172: {  	_ =	swait.ge [sflag:s28], $0x4000  }
0x173: {  	[sflag:s28] =	ssyncset.done $0x0  }
0x174: {  	[sflag:s28] =	ssyncadd.s32 $0xFFFFC000  }
0x175: {  	s14 =	rddreg [dreg:$0x2]  }
0x176: {  	[tilespmem:s3], [sflag:$0xB] =	stream.linear.gather [hbm4b:s14+s3], $0x4000, $0x38;
	[tilespmem:$0x1C010] =	vst v63  }
0x177: {  	_ =	swait.ge [sflag:s29], $0x4000  }
0x178: {  	[sflag:s29] =	ssyncset.done $0x0  }
0x179: {  	s10 =	simm.s32 $0x40;
	s11 =	simm.s32 $0x0;
	[sflag:s29] =	ssyncadd.s32 $0xFFFFC000  }
.LBB2_2:
0x17a: {  	p0 =	sne.s32 s10, $0x7FC0;
	[tilespmem:s11+$0x4000] =	vst v2;
	s11 =	smov.u32 s10;
	s10 =	sadd.s32 $0x40, s10  }
.Ltmp2:
0x17b: {  	(pc) =	sbr.rel @p0 .LBB2_2-.Ltmp2, $2  }
0x17c: {  	_ =	sdelay $0x2  }
0x17d: {  	s11 =	sshra.s32 s11, $0x2  }
0x17e: {  	[tilespmem:s11+$0x4000] =	vst v2;
	s10 =	simm.s32 $0x0;
	s11 =	simm.s32 $0x0;
	s12 =	simm.s32 $0x0  }
.LBB2_4:
0x17f: {  	v6 =	vld [tilespmem:s11+$0x0];
	_ =	sdelay $0x4  }
0x180: {  	v7 =	vsub.s32 v6, v1  }
0x181: {  	v7 =	vshll.u32 v7, $0xE  }
0x182: {  	vm1 =	vge.s32 v6, v1;
	vm2 =	vlt.s32 v6, v0;
	v6 =	vadd.s32 s12, v7  }
0x183: {  	vm1 =	vmand vm1, vm2;
	v6 =	vadd.s32 v3, v6  }
0x184: {  	v6 =	vnsel vm1, $0xFFFFFFFF, v6  }
0x185: {  	(xrf1) =	vsort.ascd.msk.u32 $0xffff, v6, v6;
	_ =	sdelay $0xd  }
0x186: {  	v6, _, _ =	vpop (xrf1)  }
0x187: {  	[tilespmem:$0x6000] =	vst v6  }
0x188: {  	v7 =	vld.idx.msk [tilespmem:v4+s30+$0x0], $0xffff;
	_ =	sdelay $0x4  }
0x189: {  	v8 =	vshra.s32 v6, $0xE;
	v7 =	vshra.s32 v7, $0xE  }
0x18a: {  	vm1 =	vne.s32 v8, v7  }
0x18b: {  	vm2 =	vgt.s32 v6, $0xFFFFFFFF;
	vm1 =	vmor vm1, vm0  }
0x18c: {  	vm1 =	vmand vm2, vm1;
	vm2 =	vgt.s32 v8, $0x0  }
0x18d: {  	v7 =	vnsel vm2, $0x0, v8;
	_ =	sdelay $0x4  }
0x18e: {  	v8 =	vld.idx.msk [tilespmem:v7+s31+$0x0], vm1;
	_ =	sdelay $0x1  }
0x18f: {  	p0 =	sne.s32 s12, $0x3FF0  }
.Ltmp3:
0x190: {  	_ = 	snop;
	(pc) =	sbr.rel @p0 .LBB2_4-.Ltmp3, $4  }
0x191: {  	_ = 	snop  }
0x192: {  	vm2 =	vgt.s32 v8, v6  }
0x193: {  	v6 =	vsel vm2, v8, v6  }
0x194: {  	s11 =	sadd.s32 $0x10, s11;
	s12 =	sadd.s32 $0x10, s12;
	[tilespmem:v7+s31+$0x0] =	vst.idx.msk vm1, v6  }
0x195: {  	s11 =	simm.s32 $0x0  }
0x196: {  	v6 =	vld [tilespmem:s11+$0x4000]  }
0x197: {  	s12 =	simm.s32 $0x10  }
0x198: {  	s13 =	simm.s32 $0x20;
	v7 =	vld [tilespmem:s12+$0x4000]  }
0x199: {  	v8 =	vld [tilespmem:s13+$0x4000];
	_ =	sdelay $0x1  }
0x19a: {  	vm1 =	vgt.s32 v6, $0xFFFFFFFF;
	v6 =	vxor.u32 $0x80000000, v6  }
0x19b: {  	(xrf0) =	vmax.scan.msk.u32 $0xffff, v6;
	v6 =	vsel vm1, $0x1, v5  }
0x19c: {  	vm1 =	vgt.s32 v7, $0xFFFFFFFF;
	(xrf0) =	vadd.scan.msk.s32 $0xffff, v6;
	v6 =	vxor.u32 $0x80000000, v7  }
0x19d: {  	v7 =	vsel vm1, $0x1, v5;
	vm1 =	vgt.s32 v8, $0xFFFFFFFF;
	(xrf0) =	vmax.scan.msk.u32 $0xffff, v6  }
0x19e: {  	v6 =	vxor.u32 $0x80000000, v8;
	(xrf0) =	vadd.scan.msk.s32 $0xffff, v7;
	v7 =	vsel vm1, $0x1, v5  }
0x19f: {  	(xrf0) =	vmax.scan.msk.u32 $0xffff, v6  }
0x1a0: {  	(xrf0) =	vadd.scan.msk.s32 $0xffff, v7  }
0x1a1: {  	v7, _, _ =	vpop (xrf0)  }
0x1a2: {  	v8, _, _ =	vpop (xrf0);
	(v2sf) =	vpush v7, $0xF  }
0x1a3: {  	v7, _, _ =	vpop (xrf0);
	(v2sf) =	vpush v8, $0xF  }
0x1a4: {  	v8, _, _ =	vpop (xrf0);
	(v2sf) =	vpush v7, $0xF  }
0x1a5: {  	(v2sf) =	vpush v8, $0xF;
	v7, _, _ =	vpop (xrf0)  }
0x1a6: {  	s14 =	simm.s32 $0x30;
	v9, _, _ =	vpop (xrf0);
	(v2sf) =	vpush v7, $0xF  }
0x1a7: {  	v6 =	vld [tilespmem:s14+$0x4000];
	(v2sf) =	vpush v9, $0xF;
	_ =	sdelay $0x4  }
0x1a8: {  	s13 =	simm.s32 $0x40;
	vm1 =	vgt.s32 v6, $0xFFFFFFFF;
	v6 =	vxor.u32 $0x80000000, v6  }
0x1a9: {  	v8 =	vsel vm1, $0x1, v5;
	(xrf0) =	vmax.scan.msk.u32 $0xffff, v6;
	v6 =	vld [tilespmem:s13+$0x4000]  }
0x1aa: {  	(xrf0) =	vadd.scan.msk.s32 $0xffff, v8  }
0x1ab: {  	s11 =	simm.s32 $0xFFFFFFFF;
	s12 =	simm.s32 $0x140  }
.LBB2_6:
0x1ac: {  	s13 =	smov.u32 s11  }
0x1ad: {  	s14 =	sshra.s32 s12, $0x2;
	p0 =	sne.s32 s12, $0x7FC0;
	s11 =	spop (v2sf)  }
.Ltmp4:
0x1ae: {  	s12 =	sadd.s32 $0x40, s12;
	vm1 =	vgt.s32 v6, $0xFFFFFFFF;
	v9 =	vxor.u32 $0x80000000, v6;
	s11 =	sxor.u32 $0x80000000, s11;
	(pc) =	sbr.rel @p0 .LBB2_6-.Ltmp4, $3  }
0x1af: {  	v10 =	vsel vm1, $0x1, v5;
	v6 =	vld [tilespmem:s14+$0x4000];
	(xrf0) =	vmax.scan.msk.u32 $0xffff, v9;
	v7, _, _ =	vpop (xrf0);
	p1 =	sgt.s32 s13, s11;
	s14 =	spop (v2sf)  }
0x1b0: {  	(xrf0) =	vadd.scan.msk.s32 $0xffff, v10;
	v8, _, _ =	vpop (xrf0);
	(v2sf) =	vpush v7, $0xF;
	s10 =	sadd.s32 s10, s14;
	s11 =	smov.u32 @p1 s13;
	_ =	sdelay $0x1  }
0x1b1: {  	(v2sf) =	vpush v8, $0xF  }
0x1b2: {  	_ = 	snop  }
0x1b3: {  	vm1 =	vgt.s32 v6, $0xFFFFFFFF;
	v6 =	vxor.u32 $0x80000000, v6  }
0x1b4: {  	v7 =	vsel vm1, $0x1, v5;
	(xrf0) =	vmax.scan.msk.u32 $0xffff, v6  }
0x1b5: {  	(xrf0) =	vadd.scan.msk.s32 $0xffff, v7;
	_ =	sdelay $0x2  }
0x1b6: {  	v6, _, _ =	vpop (xrf0)  }
0x1b7: {  	v7, _, _ =	vpop (xrf0);
	(v2sf) =	vpush v6, $0xF  }
0x1b8: {  	(v2sf) =	vpush v7, $0xF;
	v6, _, _ =	vpop (xrf0)  }
0x1b9: {  	v7, _, _ =	vpop (xrf0);
	(v2sf) =	vpush v6, $0xF  }
0x1ba: {  	(v2sf) =	vpush v7, $0xF;
	_ =	sdelay $0x5  }
0x1bb: {  	s12 =	spop (v2sf)  }
0x1bc: {  	s13 =	spop (v2sf)  }
0x1bd: {  	s12 =	sxor.u32 $0x80000000, s12;
	s14 =	spop (v2sf)  }
0x1be: {  	s10 =	sadd.s32 s10, s13;
	p0 =	sgt.s32 s11, s12;
	s13 =	spop (v2sf)  }
0x1bf: {  	s12 =	smov.u32 @p0 s11;
	s11 =	sxor.u32 $0x80000000, s14;
	s14 =	spop (v2sf)  }
0x1c0: {  	p0 =	sgt.s32 s12, s11;
	s10 =	sadd.s32 s10, s13;
	s13 =	spop (v2sf)  }
0x1c1: {  	s11 =	smov.u32 @p0 s12;
	s12 =	sxor.u32 $0x80000000, s14;
	s14 =	spop (v2sf)  }
0x1c2: {  	p0 =	sgt.s32 s11, s12;
	s10 =	sadd.s32 s10, s13;
	s13 =	spop (v2sf)  }
0x1c3: {  	s12 =	smov.u32 @p0 s11;
	s11 =	spop (v2sf)  }
0x1c4: {  	s10 =	sadd.s32 s10, s13;
	s13 =	spop (v2sf)  }
0x1c5: {  	s10 =	sadd.s32 s10, s13  }
0x1c6: {  	p1 =	slt.s32 s10, $0x1  }
.Ltmp5:
0x1c7: {  	s14 =	sxor.u32 $0x80000000, s14;
	(pc) =	sbr.rel @p1 .LBB2_16-.Ltmp5, $4  }
0x1c8: {  	p0 =	sgt.s32 s12, s14  }
0x1c9: {  	s14 =	smov.u32 @p0 s12;
	s11 =	sxor.u32 $0x80000000, s11  }
0x1ca: {  	p0 =	sgt.s32 s14, s11  }
0x1cb: {  	s11 =	smov.u32 @p0 s14  }
0x1cc: {  	s12 =	sshra.s32 s11, $0xE;
	s13 =	rddreg [dreg:$0x4]  }
0x1cd: {  	s14 =	sand.u32 $0x3FFF, s11;
	s12 =	sadd.s32 s13, s12  }
0x1ce: {  	s11 =	simm.s32 $0x0;
	v6 =	vmov s14;
	s13 =	simm.s32 $0x0;
	v7 =	vmov s12;
	s12 =	simm.s32 $0x40  }
.LBB2_9:
0x1cf: {  	p0 =	sne.s32 s12, $0x7FC0;
	[tilespmem:s13+$0x6010] =	vst v6;
	s14 =	smov.u32 s12;
	s12 =	sadd.s32 $0x40, s12  }
.Ltmp6:
0x1d0: {  	[tilespmem:s13+$0x8010] =	vst v7;
	(pc) =	sbr.rel @p0 .LBB2_9-.Ltmp6, $2  }
0x1d1: {  	_ =	sdelay $0x2  }
0x1d2: {  	s13 =	sshra.s32 s14, $0x2  }
0x1d3: {  	[tilespmem:s13+$0x6010] =	vst v6  }
0x1d4: {  	[tilespmem:s13+$0x8010] =	vst v7;
	s12 =	simm.s32 $0x0  }
0x1d5: {  	v6 =	vld [tilespmem:s12+$0x4000];
	_ =	sdelay $0x4  }
0x1d6: {  	vm1 =	vgt.s32 v6, $0xFFFFFFFF  }
0x1d7: {  	v7 =	vsel vm1, $0x1, v5  }
0x1d8: {  	(xrf0) =	vadd.scan.msk.s32 $0xffff, v7;
	_ =	sdelay $0x2  }
0x1d9: {  	v7 =	vmov s11  }
0x1da: {  	v7 =	vadd.s32 $0xFFFFFFFF, v7  }
0x1db: {  	v7 =	vbroadcast v7, $0x0  }
0x1dc: {  	v8, _, _ =	vpop (xrf0)  }
0x1dd: {  	v7 =	vadd.s32 v8, v7;
	(v2sf) =	vpush v8, $0xF;
	_ =	sdelay $0x3  }
0x1de: {  	v9 =	vand.u32 $0x3FFF, v6;
	v6 =	vshra.s32 v6, $0xE  }
0x1df: {  	v6 =	vadd.s32 v1, v6;
	[tilespmem:v7+s0+$0x0] =	vst.idx.msk vm1, v9  }
0x1e0: {  	s13 =	simm.s32 $0x10;
	s12 =	simm.s32 $0x80;
	[tilespmem:v7+s2+$0x0] =	vst.idx.msk vm1, v6  }
.LBB2_11:
0x1e1: {  	p0 =	sne.s32 s12, $0x7FC0;
	v6 =	vld [tilespmem:s13+$0x4000];
	_ =	sdelay $0x4  }
0x1e2: {  	vm1 =	vgt.s32 v6, $0xFFFFFFFF;
	v7 =	vand.u32 $0x3FFF, v6;
	v6 =	vshra.s32 v6, $0xE  }
0x1e3: {  	v8 =	vsel vm1, $0x1, v5  }
0x1e4: {  	(xrf0) =	vadd.scan.msk.s32 $0xffff, v8  }
0x1e5: {  	s13 =	spop (v2sf)  }
0x1e6: {  	s11 =	sadd.s32 s11, s13  }
0x1e7: {  	v8 =	vmov s11  }
0x1e8: {  	v8 =	vadd.s32 $0xFFFFFFFF, v8  }
0x1e9: {  	v8 =	vbroadcast v8, $0x0  }
0x1ea: {  	v9, _, _ =	vpop (xrf0)  }
0x1eb: {  	v8 =	vadd.s32 v9, v8;
	(v2sf) =	vpush v9, $0xF;
	_ =	sdelay $0x1  }
.Ltmp7:
0x1ec: {  	(pc) =	sbr.rel @p0 .LBB2_11-.Ltmp7, $3  }
0x1ed: {  	_ =	sdelay $0x1  }
0x1ee: {  	v6 =	vadd.s32 v1, v6;
	[tilespmem:v8+s0+$0x0] =	vst.idx.msk vm1, v7  }
0x1ef: {  	s13 =	sshra.s32 s12, $0x2;
	s12 =	sadd.s32 $0x40, s12;
	[tilespmem:v8+s2+$0x0] =	vst.idx.msk vm1, v6  }
0x1f0: {  	v6 =	vld [tilespmem:s13+$0x4000];
	_ =	sdelay $0x4  }
0x1f1: {  	vm1 =	vgt.s32 v6, $0xFFFFFFFF  }
0x1f2: {  	v7 =	vsel vm1, $0x1, v5  }
0x1f3: {  	(xrf0) =	vadd.scan.msk.s32 $0xffff, v7;
	_ =	sdelay $0x5  }
0x1f4: {  	v7, _, _ =	vpop (xrf0)  }
0x1f5: {  	(v2sf) =	vpush v7, $0xF;
	_ =	sdelay $0x2  }
0x1f6: {  	s10 =	sadd.s32 $0x7F, s10;
	s12 =	spop (v2sf)  }
0x1f7: {  	s13 =	sand.u32 $0x7F, s10;
	s11 =	sadd.s32 s11, s12  }
0x1f8: {  	s14 =	sshra.s32 s10, $0x1F;
	p0 =	slt.s32 s10, $0x0;
	p1 =	sne.s32 s13, $0x0;
	v8 =	vmov s11  }
0x1f9: {  	s13 =	sshrl.u32 s14, $0x19;
	p0 =	por !p0, !p1;
	v8 =	vadd.s32 $0xFFFFFFFF, v8  }
0x1fa: {  	s10 =	sadd.s32 s13, s10;
	p0 =	por !p0, !p0;
	s11 =	simm.s32 $0x1;
	v8 =	vbroadcast v8, $0x0  }
0x1fb: {  	s10 =	sshra.s32 s10, $0x7;
	s11 =	simm.s32 @!p0 $0x0  }
0x1fc: {  	s12 =	ssub.s32 s10, s11;
	v7 =	vadd.s32 v7, v8  }
0x1fd: {  	p0 =	slt.s32 s12, $0x1  }
.Ltmp8:
0x1fe: {  	_ = 	snop;
	(pc) =	sbr.rel @p0 .LBB2_16-.Ltmp8, $4  }
0x1ff: {  	_ = 	snop  }
0x200: {  	v63 =	vand.u32 $0x3FFF, v6;
	v6 =	vshra.s32 v6, $0xE  }
0x201: {  	v6 =	vadd.s32 v1, v6;
	[tilespmem:v7+s0+$0x0] =	vst.idx.msk vm1, v63  }
0x202: {  	[tilespmem:v7+s2+$0x0] =	vst.idx.msk vm1, v6;
	s14 =	spop (v2sf)  }
0x203: {  	s10 =	simm.s32 $0x6010  }
0x204: {  	[tilespmem:s7], [sflag:$0x1] =	stream.indirect.gather [hbm4b:s4+s5], $0x40, s10, s5, $0xb8;
	[tilespmem:$0x1C010] =	vst v63  }
0x205: {  	p0 =	sne.s32 s12, $0x1;
	_ =	swait.ge [sflag:s1], $0x2000  }
.Ltmp9:
0x206: {  	[sflag:s1] =	ssyncset.done $0x0;
	(pc) =	sbr.rel @!p0 .LBB2_15-.Ltmp9, $4  }
0x207: {  	s11 =	simm.s32 $0x8010;
	[sflag:s1] =	ssyncadd.s32 $0xFFFFE000  }
0x208: {  	[hbm4b:s6+s5] =	stream.indirect.scatter [tilespmem:s7], [sflag:$0x2], $0x40, s11, s5, $0xb8;
	[tilespmem:$0x1C010] =	vst v63  }
0x209: {  	_ =	swait.ge [sflag:s8], $0x2000  }
0x20a: {  	s12 =	sadd.s32 $0xFFFFFFFF, s12;
	[sflag:s8] =	ssyncset.done $0x0  }
.LBB2_14:
0x20b: {  	[sflag:s8] =	ssyncadd.s32 $0xFFFFE000;
	s10 =	sadd.s32 $0x80, s10;
	s11 =	sadd.s32 $0x80, s11  }
0x20c: {  	[tilespmem:s7], [sflag:$0x1] =	stream.indirect.gather [hbm4b:s4+s5], $0x40, s10, s5, $0xb8;
	[tilespmem:$0x1C010] =	vst v63  }
0x20d: {  	p0 =	sne.s32 s12, $0x1;
	s12 =	sadd.s32 $0xFFFFFFFF, s12;
	_ =	swait.ge [sflag:s1], $0x2000  }
.Ltmp10:
0x20e: {  	[sflag:s1] =	ssyncset.done $0x0;
	(pc) =	sbr.rel @p0 .LBB2_14-.Ltmp10, $4  }
0x20f: {  	[sflag:s1] =	ssyncadd.s32 $0xFFFFE000  }
0x210: {  	[hbm4b:s6+s5] =	stream.indirect.scatter [tilespmem:s7], [sflag:$0x2], $0x40, s11, s5, $0xb8;
	[tilespmem:$0x1C010] =	vst v63  }
0x211: {  	_ =	swait.ge [sflag:s8], $0x2000  }
0x212: {  	[sflag:s8] =	ssyncset.done $0x0  }
.Ltmp11:
0x213: {  	_ = 	snop;
	(pc) =	sbr.rel .LBB2_15-.Ltmp11, $1  }
0x214: {  	_ =	sdelay $0x3  }
.LBB2_17:
0x215: {  	_ =	sfence.sel $0x180000  }
0x216: {  	[bflag:$0x0] =	sbarrier.arrive $0xFFFF  }
0x217: {  	_ =	strace $0x9000004A  }
0x218: {  	s0 =	stileid.u32;
	[bflag:$0x2] =	sbarrier.arrive $0xFFFF  }
0x219: {  	p0 =	sne.s32 s0, $0x0;
	s0 =	rddreg [dreg:$0x3]  }
0x21a: {  	s0 =	sadd.s32 @!p0 $0x100000, s0  }
0x21b: {  	[sflag:s0] =	ssyncadd.tile.s32 @!p0 $0x1;
	_ =	shalt  }
.Lfunc_end2:
_tile_overlayer_lowered:
.L_overlay_start_2:
0x21c: {  	(tag) =	ssettag $0x2  }
0x21d: {  	s0 =	rddreg [dreg:$0x0];
	s2 =	stileid.u32  }
0x21e: {  	s1 =	rddreg [dreg:$0x1];
	p0 =	sne.s32 s2, $0x0  }
0x21f: {  	s3 =	rddreg [dreg:$0x2];
	[bflag:$0x3] =	sbarrier.arrive $0xFFFF;
	s2 =	simm.s32 @!p0 $0x1C0B  }
0x220: {  	[timem:s3], [sflag:s2] =	dma.local @!p0 [hbm:s0], s1  }
0x221: {  	s0 =	simm.s32 @!p0 $0xB  }
0x222: {  	_ =	swait.ge @!p0 [sflag:s0], s1  }
0x223: {  	s1 =	ssub.s32 @!p0 $0x0, s1;
	[sflag:s0] =	ssyncset.done @!p0 $0x0  }
0x224: {  	[sflag:s0] =	ssyncadd.s32 @!p0 s1  }
0x225: {  	[bflag:$0x3] =	sbarrier.arrive $0xFFFF  }
0x226: {  	_ =	shalt  }

// kernel: sparse-core-data-format-call.cloned.1.call-start
scs
called_computation_lowered:
.L_overlay_start_0:
0x0: {  	s2 =	sld [smem:$0x3FD9]  }
0x1: {  	s3 =	sld [smem:$0x3FFE];
	_ =	sdelay $0x1  }
0x2: {  	s1 =	srdreg.scid  }
0x3: {  	s0 =	sand.u32 $0x1, s1  }
0x4: {  	s15 =	sshll.u32 s0, $0xA;
	s2 =	sadd.s32 s3, s2  }
0x5: {  	s2 =	sadd.s32 s2, s15  }
0x6: {  	[smem:$0x3FBD] =	sst s2  }
0x7: {  	_ = 	snop  }
0x8: {  	s2 =	sld [smem:$0x3FD0];
	_ =	sdelay $0x2  }
0x9: {  	s16 =	simm.s32 $0xA;
	s4 =	simm.s32 $0x10  }
0xa: {  	[smem:s4], [sflag:s16] =	dma.local [hbm:s2], $0x1  }
0xb: {  	_ =	swait.eq [sflag:s16], $0x1  }
0xc: {  	[sflag:s16] =	ssyncset.done $0x0  }
0xd: {  	[sflag:s16] =	ssyncadd.s32 $0xFFFFFFFF  }
0xe: {  	s17 =	sld [smem:$0x10];
	(tm) =	ssettm $0x1  }
0xf: {  	s18 =	sld [smem:$0x3FFB];
	_ =	sdelay $0x3  }
0x10: {  	_ =	strace s18  }
0x11: {  	s3 =	sld [smem:$0x3FFC];
	_ =	sdelay $0x3  }
0x12: {  	_ =	strace s3  }
0x13: {  	s3 =	sld [smem:$0x3FFD];
	_ =	sdelay $0x3  }
0x14: {  	_ =	strace s3  }
0x15: {  	_ =	strace $0x8FFFFFFF  }
0x16: {  	s19 =	sld [smem:$0x3FDB];
	_ =	sdelay $0x1  }
0x17: {  	s20 =	simm.s32 $_scs_section_size  }
0x18: {  	s5 =	simm.s32 $_size__tile_overlayer_lowered;
	s6 =	simm.s32 $_tile_overlayer_lowered  }
0x19: {  	s23 =	simm.s32 $0x1BFF;
	s22 =	sshll.u32 s6, $0x1;
	s3 =	sadd.s32 s20, s19  }
0x1a: {  	s7 =	simm.s32 $0x0;
	s21 =	sshll.u32 s5, $0x1;
	s5 =	sadd.s32 s22, s3  }
0x1b: {  	[timem:s7], [sflag:s23] =	dma.local [hbm:s5], s21  }
0x1c: {  	_ =	swait.ge [sflag:s23], s21  }
0x1d: {  	s4 =	ssub.s32 $0x0, s21;
	[sflag:s23] =	ssyncset.done $0x0  }
0x1e: {  	[sflag:s23] =	ssyncadd.s32 s4;
	_ =	sdelay $0x1  }
0x1f: {  	s24 =	simm.s32 $0x1B8B  }
0x20: {  	_ =	swait.ge [sflag:s24], $0x1  }
0x21: {  	[sflag:s24] =	ssyncset.done $0x0  }
0x22: {  	s26 =	simm.s32 $0x1B8E;
	s25 =	sld [smem:$0x3FFE];
	[sflag:s24] =	ssyncadd.s32 $0xFFFFFFFF  }
0x23: {  	s27 =	simm.s32 $execute0_lowered;
	[smem:$0x3FD2] =	sst s26  }
0x24: {  	s5 =	sshll.u32 s27, $0x1;
	_ =	strace $0x8000004C;
	[dreg:$0x1] =	wrdreg $0xFFFFFFFF  }
0x25: {  	s28 =	simm.s32 $_size_execute0_lowered;
	s3 =	sadd.s32 s3, s5;
	[dreg:$0x0] =	wrdreg $0x0  }
0x26: {  	s5 =	sshll.u32 s28, $0x1;
	[dreg:$0x2] =	wrdreg s3  }
0x27: {  	[dreg:$0x3] =	wrdreg s5  }
0x28: {  	[dreg:$0x4] =	wrdreg $0xC0  }
0x29: {  	_ =	task [dreg:s7], $0x5FFFF  }
0x2a: {  	[dreg:$0x1] =	wrdreg $0xFFFFFFFF  }
0x2b: {  	[dreg:$0x0] =	wrdreg $0x60  }
0x2c: {  	[dreg:$0x2] =	wrdreg s25  }
0x2d: {  	[dreg:$0x3] =	wrdreg s17  }
0x2e: {  	[dreg:$0x4] =	wrdreg $0x9  }
0x2f: {  	_ =	task.clear_ibuf [dreg:s7], $0x5FFFF;
	_ =	strace $0x9000004C  }
0x30: {  	s29 =	simm.s32 $0x9;
	_ =	strace $0x8000004E  }
0x31: {  	_ =	swait.ge [sflag:s29], $0x1  }
0x32: {  	[sflag:s29] =	ssyncadd.s32 $0xFFFFFFFF  }
0x33: {  	_ =	strace $0x9000004E  }
0x34: {  	_ =	sfence  }
0x35: {  	s30 =	sld [smem:$0x0];
	_ =	sdelay $0x2  }
0x36: {  	s31 =	sshll.u32 s1, $0xD;
	s1 =	sshrl.u32 s1, $0x2  }
0x37: {  	s3 =	sand.u32 $0x4000, s31;
	s1 =	sadd.s32 s1, s30  }
0x38: {  	s0 =	sor.u32 s3, s0;
	s1 =	sshll.u32 s1, $0x11  }
0x39: {  	s0 =	sor.u32 s1, s0  }
0x3a: {  	s0 =	sadd.s32 $0x8F2B, s0  }
0x3b: {  	[sflag:s0] =	ssyncadd.remote.s32 $0x1  }
0x3c: {  	_ =	sfence.sel $0xFFFF  }
0x3d: {  	[dreg:$0x0] =	wrdreg $0xFFFFFFFF;
	(pc) =	sbr.abs _section_cstart, $3  }
0x3e: {  	[dreg:$0x1] =	wrdreg $0xFFFFFFFF  }
0x3f: {  	_ =	task.clear_ibuf [dreg:s7], $0x2FFFF;
	_ =	strace $0x9FFFFFFF  }
0x40: {  	(tm) =	ssettm $0x7FFFFFFF  }
0x41: {  	_ =	shalt  }
tec
execute0_lowered:
.L_overlay_start_1:
0x0: {  	(tag) =	ssettag $0x1  }
0x1: {  	s0 =	srdreg.scid  }
0x2: {  	s1 =	sshll.u32 s0, $0x4  }
0x3: {  	s4 =	rddreg [dreg:$0x0];
	s0 =	stileid.u32;
	s1 =	sand.u32 $0x10, s1  }
0x4: {  	s2 =	rddreg [dreg:$0x1];
	s7 =	simm.s32 $0x1;
	s1 =	sor.u32 s0, s1  }
0x5: {  	s8 =	simm.s32 $0x2;
	s11 =	simm.s32 $0x0;
	s3 =	sshll.u32 s1, $0x7  }
0x6: {  	s10 =	simm.s32 $0x0;
	s4 =	sadd.s32 $0x272800, s4;
	s6 =	ssub.s32 $0x40000, s3  }
.Ltmp0:
0x7: {  	s1 =	rddreg [dreg:$0x2];
	s5 =	sand.u32 $0xF80, s6;
	(pc) =	sbr.rel .LBB1_1-.Ltmp0, $4  }
0x8: {  	_ =	strace $0x8000004D;
	s9 =	smov.u32 s3;
	p0 =	sne.s32 s5, $0x0  }
0x9: {  	s6 =	sshrl.u32 s6, $0xC;
	s5 =	simm.s32 $0x1;
	s7 =	simm.s32 @!p0 $0x0  }
0xa: {  	[sflag:s5] =	ssyncpa.u1 $0x0;
	p0 =	por $0x0, $0x0;
	s6 =	sadd.s32 s7, s6  }
0xb: {  	[sflag:s8] =	ssyncpa.u1 $0x0;
	s8 =	simm.s32 $0x200000;
	s7 =	sadd.s32 $0x1, s6  }
.LBB1_4:
0xc: {  	s14 =	sshll.u32 s11, $0x3  }
0xd: {  	s15 =	sand.u32 $0x78, s11;
	s14 =	sand.u32 $0x3FC00, s14  }
0xe: {  	[tilespmem:s13+$0x810 ss:$0x81] =	vst.msk $0xffff, v2;
	s29 =	sand.u32 $0x1F8000, s11;
	s30 =	sand.u32 $0x7, s11;
	s14 =	sor.u32 s15, s14  }
0xf: {  	[tilespmem:s13+$0x1020 ss:$0x81] =	vst.msk $0xffff, v0;
	s11 =	sshll.u32 s30, $0x12;
	s15 =	sadd.s32 s2, s29;
	s14 =	sshrl.u32 s14, $0x3  }
0x10: {  	[tilespmem:s13+$0x0 ss:$0x81] =	vst.msk $0xffff, v1;
	s11 =	sor.u32 $0x400, s11;
	s31 =	sadd.s32 s14, s15  }
0x11: {  	[hbm4b:s31+s11] =	stream.strided.scatter [tilespmem:s12], [sflag:$0x2], $0x2000, s8, s11, $0x20;
	[tilespmem:$0x8080] =	vst v63  }
.LBB1_5:
0x12: {  	s13 =	sadd.s32 $0x1000, s9  }
0x13: {  	p2 =	sgt.s32 s13, $0x3FFFF  }
0x14: {  	s13 =	smov.u32 @p2 s3;
	p2 =	sne.s32 s10, s7  }
.Ltmp1:
0x15: {  	p1 =	slt.u32 s10, $0x2;
	(pc) =	sbr.rel @!p2 .LBB1_6-.Ltmp1, $4  }
0x16: {  	s12 =	simm.s32 @!p1 $0x2  }
0x17: {  	s14 =	sadd.s32 $0x1, s10;
	_ =	swait.ge @!p1 [sflag:s12], $0x2000  }
0x18: {  	s11 =	smov.u32 s9;
	p0 =	por !p0, !p0;
	[sflag:s12] =	ssyncset.done @!p1 $0x0  }
0x19: {  	s10 =	smov.u32 s14;
	s9 =	smov.u32 s13;
	[sflag:s12] =	ssyncadd.s32 @!p1 $0xFFFFE000  }
.LBB1_1:
0x1a: {  	p1 =	sge.u32 s10, s6  }
0x1b: {  	s31 =	sadd.s32 $0xFFFFFFFF, s10;
	s12 =	sxor.u32 @!p1 $0xFFFFFFFF, s10;
	s13 =	sshll.u32 @!p1 s9, $0x4  }
0x1c: {  	s14 =	simm.s32 @!p1 $0x40;
	s12 =	sshll.u32 @!p1 s12, $0xD;
	s13 =	sand.u32 @!p1 $0x3FFFF0, s13  }
0x1d: {  	s15 =	simm.s32 @!p1 $0x80;
	s12 =	sand.u32 @!p1 $0x2000, s12;
	s13 =	sadd.s32 @!p1 s4, s13  }
0x1e: {  	[tilespmem:s12], [sflag:$0x1] =	stream.strided.gather @!p1 [hbm4b:s13+s14], $0x2000, s15, s14, $0x38;
	[tilespmem:$0x8080] =	vst v63  }
0x1f: {  	p1 =	sge.u32 s31, s6  }
.Ltmp2:
0x20: {  	_ = 	snop;
	(pc) =	sbr.rel @p1 .LBB1_5-.Ltmp2, $1  }
0x21: {  	_ =	sdelay $0x3  }
0x22: {  	s12 =	simm.s32 $0x1  }
0x23: {  	_ =	swait.ge [sflag:s5], $0x2000;
	s12 =	simm.s32 @!p0 $0x0  }
0x24: {  	[sflag:s5] =	ssyncset.done $0x0;
	s13 =	sshll.u32 s12, $0xD  }
0x25: {  	[sflag:s5] =	ssyncadd.s32 $0xFFFFE000;
	s16 =	sor.u32 $0x20, s13  }
0x26: {  	s12 =	smul.u32 $0x8100, s12;
	v3 =	vld [tilespmem:s16+$0x10]  }
0x27: {  	s30 =	sand.u32 $0x1, s10;
	v2 =	vld [tilespmem:s16+$0xFFFFFFF0]  }
0x28: {  	s13 =	smul.u32 $0x8100, s30;
	s12 =	sshrl.u32 s12, $0x2;
	v0 =	vld [tilespmem:s16+$0x0]  }
0x29: {  	v1 =	vld [tilespmem:s16+$0xFFFFFFE0];
	s14 =	sor.u32 $0x4000, s12  }
0x2a: {  	s31 =	sshrl.u32 s13, $0x2;
	s13 =	sadd.s32 $0x0, s14  }
0x2b: {  	s15 =	simm.s32 $0x4;
	s16 =	sadd.s32 $0x40, s16;
	s12 =	sor.u32 $0x4000, s31;
	[tilespmem:s13+$0x1830 ss:$0x81] =	vst.msk $0xffff, v3  }
.LBB1_3:
0x2c: {  	v3 =	vld [tilespmem:s16+$0x10];
	p1 =	sne.s32 s15, $0x1FC;
	[tilespmem:s13+$0x810 ss:$0x81] =	vst.msk $0xffff, v2;
	s17 =	smov.u32 s15;
	s15 =	sadd.s32 $0x4, s15  }
.Ltmp3:
0x2d: {  	v2 =	vld [tilespmem:s16+$0xFFFFFFF0];
	[tilespmem:s13+$0x1020 ss:$0x81] =	vst.msk $0xffff, v0;
	(pc) =	sbr.rel @p1 .LBB1_3-.Ltmp3, $4  }
0x2e: {  	v0 =	vld [tilespmem:s16+$0x0];
	[tilespmem:s13+$0x0 ss:$0x81] =	vst.msk $0xffff, v1  }
0x2f: {  	s13 =	sshra.s32 s17, $0x2;
	v1 =	vld [tilespmem:s16+$0xFFFFFFE0]  }
0x30: {  	s13 =	sadd.s32 s13, s14  }
0x31: {  	s16 =	sadd.s32 $0x40, s16;
	[tilespmem:s13+$0x1830 ss:$0x81] =	vst.msk $0xffff, v3  }
.Ltmp4:
0x32: {  	_ = 	snop;
	(pc) =	sbr.rel .LBB1_4-.Ltmp4, $1  }
0x33: {  	_ =	sdelay $0x3  }
.LBB1_6:
0x34: {  	_ =	sfence.sel $0x180000  }
0x35: {  	s2 =	simm.s32 $0x1;
	[bflag:$0x0] =	sbarrier.arrive $0xFFFF  }
0x36: {  	s31 =	simm.s32 $0x2;
	[sflag:s2] =	ssyncpa.u1 $0x1  }
0x37: {  	[sflag:s31] =	ssyncpa.u1 $0x1  }
0x38: {  	p0 =	sne.s32 s0, $0x0;
	_ =	strace $0x9000004D  }
0x39: {  	s0 =	sadd.s32 @!p0 $0x100000, s1;
	[bflag:$0x2] =	sbarrier.arrive $0xFFFF  }
0x3a: {  	[sflag:s0] =	ssyncadd.tile.s32 @!p0 $0x1;
	_ =	shalt  }
.Lfunc_end1:
_tile_overlayer_lowered:
.L_overlay_start_2:
0x3b: {  	(tag) =	ssettag $0x2  }
0x3c: {  	s0 =	rddreg [dreg:$0x0];
	s2 =	stileid.u32  }
0x3d: {  	s1 =	rddreg [dreg:$0x1];
	p0 =	sne.s32 s2, $0x0  }
0x3e: {  	s3 =	rddreg [dreg:$0x2];
	[bflag:$0x3] =	sbarrier.arrive $0xFFFF;
	s2 =	simm.s32 @!p0 $0x1C01  }
0x3f: {  	[timem:s3], [sflag:s2] =	dma.local @!p0 [hbm:s0], s1  }
0x40: {  	s0 =	simm.s32 @!p0 $0x1  }
0x41: {  	_ =	swait.ge @!p0 [sflag:s0], s1  }
0x42: {  	s1 =	ssub.s32 @!p0 $0x0, s1;
	[sflag:s0] =	ssyncset.done @!p0 $0x0  }
0x43: {  	[sflag:s0] =	ssyncadd.s32 @!p0 s1  }
0x44: {  	[bflag:$0x3] =	sbarrier.arrive $0xFFFF  }
0x45: {  	_ =	shalt  }

</sc_bundles>
